<compile_context>
chip_gen: v7x
topology: tpu7x:2x2x1
jax: 0.10.2.dev20260603
libtpu: 0.0.44.dev20260713+nightly
codegen_flags: <defaults>
</compile_context>

<pallas_src>
import jax
import jax.numpy as jnp
from jax import lax
from jax.experimental import pallas as pl
from jax.experimental.pallas import tpu as pltpu
from jax.experimental.pallas import tpu_sc as plsc

_SEQ2 = 514
_B = 2048
_H = 64

_info = plsc.get_sparse_core_info()
_NC, _NS, _L = _info.num_cores, _info.num_subcores, _info.num_lanes
_NW = _NC * _NS
_BT = 128
_NG = _BT // _L
_HH = _H // 2
_NQ = 16
_QI = 256


def _sc_body(stack_hbm, inp_hbm, pos_hbm, op_hbm, out_hbm,
             pos_v, op_v, idx_v, dst_v, out3_v, inp_v, sem_a, sem_b):
    wid = lax.axis_index("s") * _NC + lax.axis_index("c")
    c = wid // 2
    half = wid % 2
    base = pl.multiple_of(c * _BT, _BT)
    ho = half * _HH
    pltpu.sync_copy(pos_hbm.at[pl.ds(base, _BT)], pos_v)
    pltpu.sync_copy(op_hbm.at[pl.ds(base, _BT)], op_v)
    pltpu.sync_copy(inp_hbm.at[pl.ds(ho, _HH), pl.ds(base, _BT)], inp_v)

    lane = lax.iota(jnp.int32, _L)
    op_chunks = [op_v[pl.ds(t * _L, _L)] for t in range(_NG)]
    pos_chunks = [pos_v[pl.ds(t * _L, _L)] for t in range(_NG)]
    w_chunks = [(p + o - 1) * _H + ho
                for p, o in zip(pos_chunks, op_chunks)]
    jvs = [lane + (hloc * _L) for hloc in range(16)]

    for t in range(_NG):
        for hh in range(2):
            q = t * 2 + hh
            for hloc in range(16):
                idx_v[pl.ds((q * 16 + hloc) * _L, _L)] = (
                    w_chunks[t] + (hh * 16 + hloc))

    def issue(q, parity, sem):
        pltpu.async_copy(
            stack_hbm.at[idx_v.at[pl.ds(q * _QI, _QI)], pl.ds(base, _BT)],
            dst_v.at[pl.ds(parity * _QI, _QI)], sem)

    def drain(parity, sem):
        pltpu.make_async_copy(
            stack_hbm.at[pl.ds(0, _QI), pl.ds(0, _BT)],
            dst_v.at[pl.ds(parity * _QI, _QI)], sem).wait()

    issue(0, 0, sem_a)

    def step(q, carry):
        parity = lax.rem(q, 2)
        nxt = q + 1
        nparity = lax.rem(nxt, 2)

        @pl.when(jnp.logical_and(nxt < _NQ, nparity == 0))
        def _():
            issue(nxt, nparity, sem_a)

        @pl.when(jnp.logical_and(nxt < _NQ, nparity == 1))
        def _():
            issue(nxt, nparity, sem_b)

        @pl.when(parity == 0)
        def _():
            drain(parity, sem_a)

        @pl.when(parity == 1)
        def _():
            drain(parity, sem_b)

        t = q // 2
        hh = lax.rem(q, 2)
        tds = t * _L
        sel = op_v[pl.ds(tds, _L)] == 2
        ev = lane + tds
        for hloc in range(16):
            hr = hh * 16 + hloc
            g = plsc.load_gather(dst_v, [jvs[hloc] + parity * _QI, ev])
            new = inp_v[hr, pl.ds(tds, _L)]
            out3_v[hr, pl.ds(tds, _L)] = jnp.where(sel, new, g)
        return carry

    lax.fori_loop(0, _NQ, step, 0)

    pltpu.sync_copy(out3_v, out_hbm.at[pl.ds(ho, _HH), pl.ds(base, _BT)])


_sc_call = pl.kernel(
    _sc_body,
    out_type=jax.ShapeDtypeStruct((_H, _B), jnp.float32),
    mesh=plsc.VectorSubcoreMesh(core_axis_name="c", subcore_axis_name="s"),
    scratch_types=[
        pltpu.VMEM((_BT,), jnp.int32),
        pltpu.VMEM((_BT,), jnp.int32),
        pltpu.VMEM((_NQ * _QI,), jnp.int32),
        pltpu.VMEM((2 * _QI, _BT), jnp.float32),
        pltpu.VMEM((_HH, _BT), jnp.float32),
        pltpu.VMEM((_HH, _BT), jnp.float32),
        pltpu.SemaphoreType.DMA,
        pltpu.SemaphoreType.DMA,
    ],
    compiler_params=pltpu.CompilerParams(needs_layout_passes=False),
)


@jax.jit
def kernel(input, op, hidden_stack, pos):
    stack_v = jnp.transpose(hidden_stack, (0, 2, 1)).reshape(_SEQ2 * _H, _B)
    inp2 = jnp.transpose(input, (1, 0))
    out = _sc_call(stack_v, inp2,
                   pos.astype(jnp.int32), op.astype(jnp.int32))
    return jnp.transpose(out, (1, 0))

# --- scband reference (transcript-rebuilt; emitter-appended) ---
"""Pipeline reference for scband-state-stack-74706661147042 (READ-ONLY COPY).

The authoritative reference and input builder live on the scoring server;
editing this copy changes nothing except your own understanding.
"""

import jax, jax.numpy as jnp
import numpy as np

SEQ_LEN = 512
BATCH = 2048
HIDDEN = 64


def setup_inputs(seed: int = 0) -> dict:
    key = jax.random.key(seed)
    k1, k2, k3, k4, k5 = jax.random.split(key, 5)
    # forward args per input_specs
    x = jax.random.normal(k1, (BATCH, HIDDEN), dtype=jnp.float32)
    # op in the original module is in {-1, 0, 1}; we generate raw values in [0, 3)
    # and subtract 1 inside reference()
    op = jax.random.randint(k2, (BATCH,), 0, 3, dtype=jnp.int64)
    # internal stack state built by build_stack(): (seq_len + 2, batch, hidden)
    hidden_stack = jax.random.normal(k3, (SEQ_LEN + 2, BATCH, HIDDEN), dtype=jnp.float32)
    # row 0 holds the learned/random initial hidden, expanded over batch
    initial_hidden = jax.random.uniform(k4, (HIDDEN,), dtype=jnp.float32)
    hidden_stack = hidden_stack.at[0, :, :].set(jnp.broadcast_to(initial_hidden, (BATCH, HIDDEN)))
    # pos per example in [1, SEQ_LEN - 1] so pos + (op - 1) stays in-range
    pos = 1 + jax.random.randint(k5, (BATCH,), 0, SEQ_LEN - 2, dtype=jnp.int64)
    return {"input": x, "op": op, "hidden_stack": hidden_stack, "pos": pos}


def reference(input, op, hidden_stack, pos):
    batch_size = input.shape[0]
    indexes = jnp.arange(batch_size)
    # self.hidden_stack[(self.pos + 1), indexes, :] = input   (scatter-overwrite)
    stack = hidden_stack.at[pos + 1, indexes, :].set(input)
    # self.pos += op   (op in {-1, 0, 1}; raw op is in [0,3), shift by -1)
    new_pos = pos + (op - 1)
    # hidden_ret = self.hidden_stack[self.pos, indexes, :].clone()   (gather)
    hidden_ret = stack[new_pos, indexes, :]
    return hidden_ret

if __name__ == "__main__":
    import jax
    _d = setup_inputs()
    print(jax.jit(kernel)(*tuple(_d.values())))

</pallas_src>

<mosaic_0001>
#map = affine_map<(d0, d1) -> (0, 0)>
#map1 = affine_map<(d0, d1) -> (0)>
module attributes {stable_mosaic.version = 14 : i64} {
  func.func @_sc_body(%arg0: i32, %arg1: i32, %arg2: memref<32896x2048xf32, #tpu.memory_space<hbm>>, %arg3: memref<64x2048xf32, #tpu.memory_space<hbm>>, %arg4: memref<2048xi32, #tpu.memory_space<hbm>>, %arg5: memref<2048xi32, #tpu.memory_space<hbm>>, %arg6: memref<64x2048xf32, #tpu.memory_space<hbm>>, %arg7: memref<128xi32, #tpu.memory_space<vmem>>, %arg8: memref<128xi32, #tpu.memory_space<vmem>>, %arg9: memref<4096xi32, #tpu.memory_space<vmem>>, %arg10: memref<512x128xf32, #tpu.memory_space<vmem>>, %arg11: memref<32x128xf32, #tpu.memory_space<vmem>>, %arg12: memref<32x128xf32, #tpu.memory_space<vmem>>, %arg13: memref<!tpu.dma_semaphore, #tpu.memory_space<semaphore_mem>>, %arg14: memref<!tpu.dma_semaphore, #tpu.memory_space<semaphore_mem>>) attributes {dimension_semantics = [#tpu.dimension_semantics<core_parallel>, #tpu.dimension_semantics<subcore_parallel>], iteration_bounds = array<i64: 2, 16>, scalar_prefetch = 0 : i64, scratch_operands = 8 : i64, tpu.core_type = #tpu.core_type<sc_vector_subcore>, window_params = [{transform_indices = #map}, {transform_indices = #map}, {transform_indices = #map1}, {transform_indices = #map1}, {transform_indices = #map}]} {
    %mul3A = arith.constant 2 : i32
    %mul3A_0 = arith.muli %arg1, %mul3A : i32
    %add3A = arith.addi %mul3A_0, %arg0 : i32
    %jit3A = arith.constant 2 : i32
    %div3A = arith.divsi %add3A, %jit3A : i32
    %sign3A = arith.constant 0 : i32
    %sign3A_1 = arith.cmpi sgt, %add3A, %sign3A : i32
    %sign3A_2 = arith.extui %sign3A_1 : i1 to i32
    %sign3A_3 = arith.constant 0 : i32
    %sign3A_4 = arith.cmpi slt, %add3A, %sign3A_3 : i32
    %sign3A_5 = arith.extui %sign3A_4 : i1 to i32
    %sign3A_6 = arith.subi %sign3A_2, %sign3A_5 : i32
    %sign3A_7 = arith.constant 0 : i32
    %sign3A_8 = arith.cmpi sgt, %jit3A, %sign3A_7 : i32
    %sign3A_9 = arith.extui %sign3A_8 : i1 to i32
    %sign3A_10 = arith.constant 0 : i32
    %sign3A_11 = arith.cmpi slt, %jit3A, %sign3A_10 : i32
    %sign3A_12 = arith.extui %sign3A_11 : i1 to i32
    %sign3A_13 = arith.subi %sign3A_9, %sign3A_12 : i32
    %ne3A = arith.cmpi ne, %sign3A_6, %sign3A_13 : i32
    %rem3A = arith.remsi %add3A, %jit3A : i32
    %ne3A_14 = arith.constant 0 : i32
    %ne3A_15 = arith.cmpi ne, %rem3A, %ne3A_14 : i32
    %and3A = arith.andi %ne3A, %ne3A_15 : i1
    %sub3A = arith.constant 1 : i32
    %sub3A_16 = arith.subi %div3A, %sub3A : i32
    %select_n3A = arith.select %and3A, %sub3A_16, %div3A : i32
    %jit3A_17 = arith.constant 2 : i32
    %eq3A = arith.constant 0 : i32
    %eq3A_18 = arith.cmpi eq, %jit3A_17, %eq3A : i32
    %jit3A_19 = arith.constant 1 : i32
    %select_n3A_20 = arith.select %eq3A_18, %jit3A_19, %jit3A_17 : i32
    %rem3A_21 = arith.remsi %add3A, %select_n3A_20 : i32
    %ne3A_22 = arith.constant 0 : i32
    %ne3A_23 = arith.cmpi ne, %rem3A_21, %ne3A_22 : i32
    %lt3A = arith.constant 0 : i32
    %lt3A_24 = arith.cmpi slt, %rem3A_21, %lt3A : i32
    %lt3A_25 = arith.constant 0 : i32
    %lt3A_26 = arith.cmpi slt, %select_n3A_20, %lt3A_25 : i32
    %ne3A_27 = arith.xori %lt3A_24, %lt3A_26 : i1
    %and3A_28 = arith.andi %ne3A_27, %ne3A_23 : i1
    %add3A_29 = arith.addi %rem3A_21, %select_n3A_20 : i32
    %select_n3A_30 = arith.select %and3A_28, %add3A_29, %rem3A_21 : i32
    %mul3A_31 = arith.constant 128 : i32
    %mul3A_32 = arith.muli %select_n3A, %mul3A_31 : i32
    %multiple_of3A = tpu.assume_multiple %mul3A_32, 128 : i32
    %mul3A_33 = arith.constant 32 : i32
    %mul3A_34 = arith.muli %select_n3A_30, %mul3A_33 : i32
    "tpu.region"() ({
      %run_scoped3A = tpu.sem_alloc : memref<!tpu.dma_semaphore, #tpu.memory_space<semaphore_mem>>
      %dma_start3A_1476 = tpu.memref_slice %arg4[%multiple_of3A] : memref<2048xi32, #tpu.memory_space<hbm>> -> memref<128xi32, #tpu.memory_space<hbm>>
      %dma_start3A_1477 = tpu.memref_slice %arg4[%multiple_of3A] : memref<2048xi32, #tpu.memory_space<hbm>> -> memref<128xi32, #tpu.memory_space<hbm>>
      tpu.enqueue_dma source(%dma_start3A_1477 : memref<128xi32, #tpu.memory_space<hbm>>) target(%arg7 : memref<128xi32, #tpu.memory_space<vmem>>) target_semaphore(%run_scoped3A : memref<!tpu.dma_semaphore, #tpu.memory_space<semaphore_mem>>)
      %dma_wait3A = tpu.memref_slice %arg4[%multiple_of3A] : memref<2048xi32, #tpu.memory_space<hbm>> -> memref<128xi32, #tpu.memory_space<hbm>>
      %dma_wait3A_1478 = tpu.memref_slice %arg4[%multiple_of3A] : memref<2048xi32, #tpu.memory_space<hbm>> -> memref<128xi32, #tpu.memory_space<hbm>>
      tpu.wait_dma2 semaphore(%run_scoped3A : memref<!tpu.dma_semaphore, #tpu.memory_space<semaphore_mem>>) src(%dma_wait3A_1478 : memref<128xi32, #tpu.memory_space<hbm>>) dst(%arg7 : memref<128xi32, #tpu.memory_space<vmem>>)
      tpu.yield
    }) : () -> ()
    "tpu.region"() ({
      %run_scoped3A = tpu.sem_alloc : memref<!tpu.dma_semaphore, #tpu.memory_space<semaphore_mem>>
      %dma_start3A_1476 = tpu.memref_slice %arg5[%multiple_of3A] : memref<2048xi32, #tpu.memory_space<hbm>> -> memref<128xi32, #tpu.memory_space<hbm>>
      %dma_start3A_1477 = tpu.memref_slice %arg5[%multiple_of3A] : memref<2048xi32, #tpu.memory_space<hbm>> -> memref<128xi32, #tpu.memory_space<hbm>>
      tpu.enqueue_dma source(%dma_start3A_1477 : memref<128xi32, #tpu.memory_space<hbm>>) target(%arg8 : memref<128xi32, #tpu.memory_space<vmem>>) target_semaphore(%run_scoped3A : memref<!tpu.dma_semaphore, #tpu.memory_space<semaphore_mem>>)
      %dma_wait3A = tpu.memref_slice %arg5[%multiple_of3A] : memref<2048xi32, #tpu.memory_space<hbm>> -> memref<128xi32, #tpu.memory_space<hbm>>
      %dma_wait3A_1478 = tpu.memref_slice %arg5[%multiple_of3A] : memref<2048xi32, #tpu.memory_space<hbm>> -> memref<128xi32, #tpu.memory_space<hbm>>
      tpu.wait_dma2 semaphore(%run_scoped3A : memref<!tpu.dma_semaphore, #tpu.memory_space<semaphore_mem>>) src(%dma_wait3A_1478 : memref<128xi32, #tpu.memory_space<hbm>>) dst(%arg8 : memref<128xi32, #tpu.memory_space<vmem>>)
      tpu.yield
    }) : () -> ()
    "tpu.region"() ({
      %run_scoped3A = tpu.sem_alloc : memref<!tpu.dma_semaphore, #tpu.memory_space<semaphore_mem>>
      %dma_start3A_1476 = tpu.memref_slice %arg3[%mul3A_34, %multiple_of3A] : memref<64x2048xf32, #tpu.memory_space<hbm>> -> memref<32x128xf32, #tpu.memory_space<hbm>>
      %dma_start3A_1477 = tpu.memref_slice %arg3[%mul3A_34, %multiple_of3A] : memref<64x2048xf32, #tpu.memory_space<hbm>> -> memref<32x128xf32, #tpu.memory_space<hbm>>
      tpu.enqueue_dma source(%dma_start3A_1477 : memref<32x128xf32, #tpu.memory_space<hbm>>) target(%arg12 : memref<32x128xf32, #tpu.memory_space<vmem>>) target_semaphore(%run_scoped3A : memref<!tpu.dma_semaphore, #tpu.memory_space<semaphore_mem>>)
      %dma_wait3A = tpu.memref_slice %arg3[%mul3A_34, %multiple_of3A] : memref<64x2048xf32, #tpu.memory_space<hbm>> -> memref<32x128xf32, #tpu.memory_space<hbm>>
      %dma_wait3A_1478 = tpu.memref_slice %arg3[%mul3A_34, %multiple_of3A] : memref<64x2048xf32, #tpu.memory_space<hbm>> -> memref<32x128xf32, #tpu.memory_space<hbm>>
      tpu.wait_dma2 semaphore(%run_scoped3A : memref<!tpu.dma_semaphore, #tpu.memory_space<semaphore_mem>>) src(%dma_wait3A_1478 : memref<32x128xf32, #tpu.memory_space<hbm>>) dst(%arg12 : memref<32x128xf32, #tpu.memory_space<vmem>>)
      tpu.yield
    }) : () -> ()
    %iota3A = tpu.iota {dimensions = array<i32: 0>} : vector<16xi32>
    %get3A = arith.constant 0 : index
    %get3A_35 = tpu.vector_load %arg8[%get3A] {strides = array<i32>} : memref<128xi32, #tpu.memory_space<vmem>>, vector<16xi32>,
    %get3A_36 = arith.constant 16 : index
    %get3A_37 = tpu.vector_load %arg8[%get3A_36] {strides = array<i32>} : memref<128xi32, #tpu.memory_space<vmem>>, vector<16xi32>,
    %get3A_38 = arith.constant 32 : index
    %get3A_39 = tpu.vector_load %arg8[%get3A_38] {strides = array<i32>} : memref<128xi32, #tpu.memory_space<vmem>>, vector<16xi32>,
    %get3A_40 = arith.constant 48 : index
    %get3A_41 = tpu.vector_load %arg8[%get3A_40] {strides = array<i32>} : memref<128xi32, #tpu.memory_space<vmem>>, vector<16xi32>,
    %get3A_42 = arith.constant 64 : index
    %get3A_43 = tpu.vector_load %arg8[%get3A_42] {strides = array<i32>} : memref<128xi32, #tpu.memory_space<vmem>>, vector<16xi32>,
    %get3A_44 = arith.constant 80 : index
    %get3A_45 = tpu.vector_load %arg8[%get3A_44] {strides = array<i32>} : memref<128xi32, #tpu.memory_space<vmem>>, vector<16xi32>,
    %get3A_46 = arith.constant 96 : index
    %get3A_47 = tpu.vector_load %arg8[%get3A_46] {strides = array<i32>} : memref<128xi32, #tpu.memory_space<vmem>>, vector<16xi32>,
    %get3A_48 = arith.constant 112 : index
    %get3A_49 = tpu.vector_load %arg8[%get3A_48] {strides = array<i32>} : memref<128xi32, #tpu.memory_space<vmem>>, vector<16xi32>,
    %get3A_50 = arith.constant 0 : index
    %get3A_51 = tpu.vector_load %arg7[%get3A_50] {strides = array<i32>} : memref<128xi32, #tpu.memory_space<vmem>>, vector<16xi32>,
    %get3A_52 = arith.constant 16 : index
    %get3A_53 = tpu.vector_load %arg7[%get3A_52] {strides = array<i32>} : memref<128xi32, #tpu.memory_space<vmem>>, vector<16xi32>,
    %get3A_54 = arith.constant 32 : index
    %get3A_55 = tpu.vector_load %arg7[%get3A_54] {strides = array<i32>} : memref<128xi32, #tpu.memory_space<vmem>>, vector<16xi32>,
    %get3A_56 = arith.constant 48 : index
    %get3A_57 = tpu.vector_load %arg7[%get3A_56] {strides = array<i32>} : memref<128xi32, #tpu.memory_space<vmem>>, vector<16xi32>,
    %get3A_58 = arith.constant 64 : index
    %get3A_59 = tpu.vector_load %arg7[%get3A_58] {strides = array<i32>} : memref<128xi32, #tpu.memory_space<vmem>>, vector<16xi32>,
    %get3A_60 = arith.constant 80 : index
    %get3A_61 = tpu.vector_load %arg7[%get3A_60] {strides = array<i32>} : memref<128xi32, #tpu.memory_space<vmem>>, vector<16xi32>,
    %get3A_62 = arith.constant 96 : index
    %get3A_63 = tpu.vector_load %arg7[%get3A_62] {strides = array<i32>} : memref<128xi32, #tpu.memory_space<vmem>>, vector<16xi32>,
    %get3A_64 = arith.constant 112 : index
    %get3A_65 = tpu.vector_load %arg7[%get3A_64] {strides = array<i32>} : memref<128xi32, #tpu.memory_space<vmem>>, vector<16xi32>,
    %add3A_66 = arith.addi %get3A_51, %get3A_35 : vector<16xi32>
    %sub3A_67 = arith.constant 1 : i32
    %sub3A_68 = vector.broadcast %sub3A_67 : i32 to vector<16xi32>
    %sub3A_69 = arith.subi %add3A_66, %sub3A_68 : vector<16xi32>
    %mul3A_70 = arith.constant 64 : i32
    %mul3A_71 = vector.broadcast %mul3A_70 : i32 to vector<16xi32>
    %mul3A_72 = arith.muli %sub3A_69, %mul3A_71 : vector<16xi32>
    %add3A_73 = vector.broadcast %mul3A_34 : i32 to vector<16xi32>
    %add3A_74 = arith.addi %mul3A_72, %add3A_73 : vector<16xi32>
    %add3A_75 = arith.addi %get3A_53, %get3A_37 : vector<16xi32>
    %sub3A_76 = arith.constant 1 : i32
    %sub3A_77 = vector.broadcast %sub3A_76 : i32 to vector<16xi32>
    %sub3A_78 = arith.subi %add3A_75, %sub3A_77 : vector<16xi32>
    %mul3A_79 = arith.constant 64 : i32
    %mul3A_80 = vector.broadcast %mul3A_79 : i32 to vector<16xi32>
    %mul3A_81 = arith.muli %sub3A_78, %mul3A_80 : vector<16xi32>
    %add3A_82 = vector.broadcast %mul3A_34 : i32 to vector<16xi32>
    %add3A_83 = arith.addi %mul3A_81, %add3A_82 : vector<16xi32>
    %add3A_84 = arith.addi %get3A_55, %get3A_39 : vector<16xi32>
    %sub3A_85 = arith.constant 1 : i32
    %sub3A_86 = vector.broadcast %sub3A_85 : i32 to vector<16xi32>
    %sub3A_87 = arith.subi %add3A_84, %sub3A_86 : vector<16xi32>
    %mul3A_88 = arith.constant 64 : i32
    %mul3A_89 = vector.broadcast %mul3A_88 : i32 to vector<16xi32>
    %mul3A_90 = arith.muli %sub3A_87, %mul3A_89 : vector<16xi32>
    %add3A_91 = vector.broadcast %mul3A_34 : i32 to vector<16xi32>
    %add3A_92 = arith.addi %mul3A_90, %add3A_91 : vector<16xi32>
    %add3A_93 = arith.addi %get3A_57, %get3A_41 : vector<16xi32>
    %sub3A_94 = arith.constant 1 : i32
    %sub3A_95 = vector.broadcast %sub3A_94 : i32 to vector<16xi32>
    %sub3A_96 = arith.subi %add3A_93, %sub3A_95 : vector<16xi32>
    %mul3A_97 = arith.constant 64 : i32
    %mul3A_98 = vector.broadcast %mul3A_97 : i32 to vector<16xi32>
    %mul3A_99 = arith.muli %sub3A_96, %mul3A_98 : vector<16xi32>
    %add3A_100 = vector.broadcast %mul3A_34 : i32 to vector<16xi32>
    %add3A_101 = arith.addi %mul3A_99, %add3A_100 : vector<16xi32>
    %add3A_102 = arith.addi %get3A_59, %get3A_43 : vector<16xi32>
    %sub3A_103 = arith.constant 1 : i32
    %sub3A_104 = vector.broadcast %sub3A_103 : i32 to vector<16xi32>
    %sub3A_105 = arith.subi %add3A_102, %sub3A_104 : vector<16xi32>
    %mul3A_106 = arith.constant 64 : i32
    %mul3A_107 = vector.broadcast %mul3A_106 : i32 to vector<16xi32>
    %mul3A_108 = arith.muli %sub3A_105, %mul3A_107 : vector<16xi32>
    %add3A_109 = vector.broadcast %mul3A_34 : i32 to vector<16xi32>
    %add3A_110 = arith.addi %mul3A_108, %add3A_109 : vector<16xi32>
    %add3A_111 = arith.addi %get3A_61, %get3A_45 : vector<16xi32>
    %sub3A_112 = arith.constant 1 : i32
    %sub3A_113 = vector.broadcast %sub3A_112 : i32 to vector<16xi32>
    %sub3A_114 = arith.subi %add3A_111, %sub3A_113 : vector<16xi32>
    %mul3A_115 = arith.constant 64 : i32
    %mul3A_116 = vector.broadcast %mul3A_115 : i32 to vector<16xi32>
    %mul3A_117 = arith.muli %sub3A_114, %mul3A_116 : vector<16xi32>
    %add3A_118 = vector.broadcast %mul3A_34 : i32 to vector<16xi32>
    %add3A_119 = arith.addi %mul3A_117, %add3A_118 : vector<16xi32>
    %add3A_120 = arith.addi %get3A_63, %get3A_47 : vector<16xi32>
    %sub3A_121 = arith.constant 1 : i32
    %sub3A_122 = vector.broadcast %sub3A_121 : i32 to vector<16xi32>
    %sub3A_123 = arith.subi %add3A_120, %sub3A_122 : vector<16xi32>
    %mul3A_124 = arith.constant 64 : i32
    %mul3A_125 = vector.broadcast %mul3A_124 : i32 to vector<16xi32>
    %mul3A_126 = arith.muli %sub3A_123, %mul3A_125 : vector<16xi32>
    %add3A_127 = vector.broadcast %mul3A_34 : i32 to vector<16xi32>
    %add3A_128 = arith.addi %mul3A_126, %add3A_127 : vector<16xi32>
    %add3A_129 = arith.addi %get3A_65, %get3A_49 : vector<16xi32>
    %sub3A_130 = arith.constant 1 : i32
    %sub3A_131 = vector.broadcast %sub3A_130 : i32 to vector<16xi32>
    %sub3A_132 = arith.subi %add3A_129, %sub3A_131 : vector<16xi32>
    %mul3A_133 = arith.constant 64 : i32
    %mul3A_134 = vector.broadcast %mul3A_133 : i32 to vector<16xi32>
    %mul3A_135 = arith.muli %sub3A_132, %mul3A_134 : vector<16xi32>
    %add3A_136 = vector.broadcast %mul3A_34 : i32 to vector<16xi32>
    %add3A_137 = arith.addi %mul3A_135, %add3A_136 : vector<16xi32>
    %add3A_138 = arith.constant 0 : i32
    %add3A_139 = vector.broadcast %add3A_138 : i32 to vector<16xi32>
    %add3A_140 = arith.addi %iota3A, %add3A_139 : vector<16xi32>
    %add3A_141 = arith.constant 16 : i32
    %add3A_142 = vector.broadcast %add3A_141 : i32 to vector<16xi32>
    %add3A_143 = arith.addi %iota3A, %add3A_142 : vector<16xi32>
    %add3A_144 = arith.constant 32 : i32
    %add3A_145 = vector.broadcast %add3A_144 : i32 to vector<16xi32>
    %add3A_146 = arith.addi %iota3A, %add3A_145 : vector<16xi32>
    %add3A_147 = arith.constant 48 : i32
    %add3A_148 = vector.broadcast %add3A_147 : i32 to vector<16xi32>
    %add3A_149 = arith.addi %iota3A, %add3A_148 : vector<16xi32>
    %add3A_150 = arith.constant 64 : i32
    %add3A_151 = vector.broadcast %add3A_150 : i32 to vector<16xi32>
    %add3A_152 = arith.addi %iota3A, %add3A_151 : vector<16xi32>
    %add3A_153 = arith.constant 80 : i32
    %add3A_154 = vector.broadcast %add3A_153 : i32 to vector<16xi32>
    %add3A_155 = arith.addi %iota3A, %add3A_154 : vector<16xi32>
    %add3A_156 = arith.constant 96 : i32
    %add3A_157 = vector.broadcast %add3A_156 : i32 to vector<16xi32>
    %add3A_158 = arith.addi %iota3A, %add3A_157 : vector<16xi32>
    %add3A_159 = arith.constant 112 : i32
    %add3A_160 = vector.broadcast %add3A_159 : i32 to vector<16xi32>
    %add3A_161 = arith.addi %iota3A, %add3A_160 : vector<16xi32>
    %add3A_162 = arith.constant 128 : i32
    %add3A_163 = vector.broadcast %add3A_162 : i32 to vector<16xi32>
    %add3A_164 = arith.addi %iota3A, %add3A_163 : vector<16xi32>
    %add3A_165 = arith.constant 144 : i32
    %add3A_166 = vector.broadcast %add3A_165 : i32 to vector<16xi32>
    %add3A_167 = arith.addi %iota3A, %add3A_166 : vector<16xi32>
    %add3A_168 = arith.constant 160 : i32
    %add3A_169 = vector.broadcast %add3A_168 : i32 to vector<16xi32>
    %add3A_170 = arith.addi %iota3A, %add3A_169 : vector<16xi32>
    %add3A_171 = arith.constant 176 : i32
    %add3A_172 = vector.broadcast %add3A_171 : i32 to vector<16xi32>
    %add3A_173 = arith.addi %iota3A, %add3A_172 : vector<16xi32>
    %add3A_174 = arith.constant 192 : i32
    %add3A_175 = vector.broadcast %add3A_174 : i32 to vector<16xi32>
    %add3A_176 = arith.addi %iota3A, %add3A_175 : vector<16xi32>
    %add3A_177 = arith.constant 208 : i32
    %add3A_178 = vector.broadcast %add3A_177 : i32 to vector<16xi32>
    %add3A_179 = arith.addi %iota3A, %add3A_178 : vector<16xi32>
    %add3A_180 = arith.constant 224 : i32
    %add3A_181 = vector.broadcast %add3A_180 : i32 to vector<16xi32>
    %add3A_182 = arith.addi %iota3A, %add3A_181 : vector<16xi32>
    %add3A_183 = arith.constant 240 : i32
    %add3A_184 = vector.broadcast %add3A_183 : i32 to vector<16xi32>
    %add3A_185 = arith.addi %iota3A, %add3A_184 : vector<16xi32>
    %add3A_186 = arith.constant 0 : i32
    %add3A_187 = vector.broadcast %add3A_186 : i32 to vector<16xi32>
    %add3A_188 = arith.addi %add3A_74, %add3A_187 : vector<16xi32>
    %swap3A = arith.constant 0 : index
    %swap3A_189 = tpu.vector_load %arg9[%swap3A] {strides = array<i32>} : memref<4096xi32, #tpu.memory_space<vmem>>, vector<16xi32>,
    tpu.vector_store %arg9[%swap3A], %add3A_188 {strides = array<i32>} : memref<4096xi32, #tpu.memory_space<vmem>>, vector<16xi32>,
    %add3A_190 = arith.constant 1 : i32
    %add3A_191 = vector.broadcast %add3A_190 : i32 to vector<16xi32>
    %add3A_192 = arith.addi %add3A_74, %add3A_191 : vector<16xi32>
    %swap3A_193 = arith.constant 16 : index
    %swap3A_194 = tpu.vector_load %arg9[%swap3A_193] {strides = array<i32>} : memref<4096xi32, #tpu.memory_space<vmem>>, vector<16xi32>,
    tpu.vector_store %arg9[%swap3A_193], %add3A_192 {strides = array<i32>} : memref<4096xi32, #tpu.memory_space<vmem>>, vector<16xi32>,
    %add3A_195 = arith.constant 2 : i32
    %add3A_196 = vector.broadcast %add3A_195 : i32 to vector<16xi32>
    %add3A_197 = arith.addi %add3A_74, %add3A_196 : vector<16xi32>
    %swap3A_198 = arith.constant 32 : index
    %swap3A_199 = tpu.vector_load %arg9[%swap3A_198] {strides = array<i32>} : memref<4096xi32, #tpu.memory_space<vmem>>, vector<16xi32>,
    tpu.vector_store %arg9[%swap3A_198], %add3A_197 {strides = array<i32>} : memref<4096xi32, #tpu.memory_space<vmem>>, vector<16xi32>,
    %add3A_200 = arith.constant 3 : i32
    %add3A_201 = vector.broadcast %add3A_200 : i32 to vector<16xi32>
    %add3A_202 = arith.addi %add3A_74, %add3A_201 : vector<16xi32>
    %swap3A_203 = arith.constant 48 : index
    %swap3A_204 = tpu.vector_load %arg9[%swap3A_203] {strides = array<i32>} : memref<4096xi32, #tpu.memory_space<vmem>>, vector<16xi32>,
    tpu.vector_store %arg9[%swap3A_203], %add3A_202 {strides = array<i32>} : memref<4096xi32, #tpu.memory_space<vmem>>, vector<16xi32>,
    %add3A_205 = arith.constant 4 : i32
    %add3A_206 = vector.broadcast %add3A_205 : i32 to vector<16xi32>
    %add3A_207 = arith.addi %add3A_74, %add3A_206 : vector<16xi32>
    %swap3A_208 = arith.constant 64 : index
    %swap3A_209 = tpu.vector_load %arg9[%swap3A_208] {strides = array<i32>} : memref<4096xi32, #tpu.memory_space<vmem>>, vector<16xi32>,
    tpu.vector_store %arg9[%swap3A_208], %add3A_207 {strides = array<i32>} : memref<4096xi32, #tpu.memory_space<vmem>>, vector<16xi32>,
    %add3A_210 = arith.constant 5 : i32
    %add3A_211 = vector.broadcast %add3A_210 : i32 to vector<16xi32>
    %add3A_212 = arith.addi %add3A_74, %add3A_211 : vector<16xi32>
    %swap3A_213 = arith.constant 80 : index
    %swap3A_214 = tpu.vector_load %arg9[%swap3A_213] {strides = array<i32>} : memref<4096xi32, #tpu.memory_space<vmem>>, vector<16xi32>,
    tpu.vector_store %arg9[%swap3A_213], %add3A_212 {strides = array<i32>} : memref<4096xi32, #tpu.memory_space<vmem>>, vector<16xi32>,
    %add3A_215 = arith.constant 6 : i32
    %add3A_216 = vector.broadcast %add3A_215 : i32 to vector<16xi32>
    %add3A_217 = arith.addi %add3A_74, %add3A_216 : vector<16xi32>
    %swap3A_218 = arith.constant 96 : index
    %swap3A_219 = tpu.vector_load %arg9[%swap3A_218] {strides = array<i32>} : memref<4096xi32, #tpu.memory_space<vmem>>, vector<16xi32>,
    tpu.vector_store %arg9[%swap3A_218], %add3A_217 {strides = array<i32>} : memref<4096xi32, #tpu.memory_space<vmem>>, vector<16xi32>,
    %add3A_220 = arith.constant 7 : i32
    %add3A_221 = vector.broadcast %add3A_220 : i32 to vector<16xi32>
    %add3A_222 = arith.addi %add3A_74, %add3A_221 : vector<16xi32>
    %swap3A_223 = arith.constant 112 : index
    %swap3A_224 = tpu.vector_load %arg9[%swap3A_223] {strides = array<i32>} : memref<4096xi32, #tpu.memory_space<vmem>>, vector<16xi32>,
    tpu.vector_store %arg9[%swap3A_223], %add3A_222 {strides = array<i32>} : memref<4096xi32, #tpu.memory_space<vmem>>, vector<16xi32>,
    %add3A_225 = arith.constant 8 : i32
    %add3A_226 = vector.broadcast %add3A_225 : i32 to vector<16xi32>
    %add3A_227 = arith.addi %add3A_74, %add3A_226 : vector<16xi32>
    %swap3A_228 = arith.constant 128 : index
    %swap3A_229 = tpu.vector_load %arg9[%swap3A_228] {strides = array<i32>} : memref<4096xi32, #tpu.memory_space<vmem>>, vector<16xi32>,
    tpu.vector_store %arg9[%swap3A_228], %add3A_227 {strides = array<i32>} : memref<4096xi32, #tpu.memory_space<vmem>>, vector<16xi32>,
    %add3A_230 = arith.constant 9 : i32
    %add3A_231 = vector.broadcast %add3A_230 : i32 to vector<16xi32>
    %add3A_232 = arith.addi %add3A_74, %add3A_231 : vector<16xi32>
    %swap3A_233 = arith.constant 144 : index
    %swap3A_234 = tpu.vector_load %arg9[%swap3A_233] {strides = array<i32>} : memref<4096xi32, #tpu.memory_space<vmem>>, vector<16xi32>,
    tpu.vector_store %arg9[%swap3A_233], %add3A_232 {strides = array<i32>} : memref<4096xi32, #tpu.memory_space<vmem>>, vector<16xi32>,
    %add3A_235 = arith.constant 10 : i32
    %add3A_236 = vector.broadcast %add3A_235 : i32 to vector<16xi32>
    %add3A_237 = arith.addi %add3A_74, %add3A_236 : vector<16xi32>
    %swap3A_238 = arith.constant 160 : index
    %swap3A_239 = tpu.vector_load %arg9[%swap3A_238] {strides = array<i32>} : memref<4096xi32, #tpu.memory_space<vmem>>, vector<16xi32>,
    tpu.vector_store %arg9[%swap3A_238], %add3A_237 {strides = array<i32>} : memref<4096xi32, #tpu.memory_space<vmem>>, vector<16xi32>,
    %add3A_240 = arith.constant 11 : i32
    %add3A_241 = vector.broadcast %add3A_240 : i32 to vector<16xi32>
    %add3A_242 = arith.addi %add3A_74, %add3A_241 : vector<16xi32>
    %swap3A_243 = arith.constant 176 : index
    %swap3A_244 = tpu.vector_load %arg9[%swap3A_243] {strides = array<i32>} : memref<4096xi32, #tpu.memory_space<vmem>>, vector<16xi32>,
    tpu.vector_store %arg9[%swap3A_243], %add3A_242 {strides = array<i32>} : memref<4096xi32, #tpu.memory_space<vmem>>, vector<16xi32>,
    %add3A_245 = arith.constant 12 : i32
    %add3A_246 = vector.broadcast %add3A_245 : i32 to vector<16xi32>
    %add3A_247 = arith.addi %add3A_74, %add3A_246 : vector<16xi32>
    %swap3A_248 = arith.constant 192 : index
    %swap3A_249 = tpu.vector_load %arg9[%swap3A_248] {strides = array<i32>} : memref<4096xi32, #tpu.memory_space<vmem>>, vector<16xi32>,
    tpu.vector_store %arg9[%swap3A_248], %add3A_247 {strides = array<i32>} : memref<4096xi32, #tpu.memory_space<vmem>>, vector<16xi32>,
    %add3A_250 = arith.constant 13 : i32
    %add3A_251 = vector.broadcast %add3A_250 : i32 to vector<16xi32>
    %add3A_252 = arith.addi %add3A_74, %add3A_251 : vector<16xi32>
    %swap3A_253 = arith.constant 208 : index
    %swap3A_254 = tpu.vector_load %arg9[%swap3A_253] {strides = array<i32>} : memref<4096xi32, #tpu.memory_space<vmem>>, vector<16xi32>,
    tpu.vector_store %arg9[%swap3A_253], %add3A_252 {strides = array<i32>} : memref<4096xi32, #tpu.memory_space<vmem>>, vector<16xi32>,
    %add3A_255 = arith.constant 14 : i32
    %add3A_256 = vector.broadcast %add3A_255 : i32 to vector<16xi32>
    %add3A_257 = arith.addi %add3A_74, %add3A_256 : vector<16xi32>
    %swap3A_258 = arith.constant 224 : index
    %swap3A_259 = tpu.vector_load %arg9[%swap3A_258] {strides = array<i32>} : memref<4096xi32, #tpu.memory_space<vmem>>, vector<16xi32>,
    tpu.vector_store %arg9[%swap3A_258], %add3A_257 {strides = array<i32>} : memref<4096xi32, #tpu.memory_space<vmem>>, vector<16xi32>,
    %add3A_260 = arith.constant 15 : i32
    %add3A_261 = vector.broadcast %add3A_260 : i32 to vector<16xi32>
    %add3A_262 = arith.addi %add3A_74, %add3A_261 : vector<16xi32>
    %swap3A_263 = arith.constant 240 : index
    %swap3A_264 = tpu.vector_load %arg9[%swap3A_263] {strides = array<i32>} : memref<4096xi32, #tpu.memory_space<vmem>>, vector<16xi32>,
    tpu.vector_store %arg9[%swap3A_263], %add3A_262 {strides = array<i32>} : memref<4096xi32, #tpu.memory_space<vmem>>, vector<16xi32>,
    %add3A_265 = arith.constant 16 : i32
    %add3A_266 = vector.broadcast %add3A_265 : i32 to vector<16xi32>
    %add3A_267 = arith.addi %add3A_74, %add3A_266 : vector<16xi32>
    %swap3A_268 = arith.constant 256 : index
    %swap3A_269 = tpu.vector_load %arg9[%swap3A_268] {strides = array<i32>} : memref<4096xi32, #tpu.memory_space<vmem>>, vector<16xi32>,
    tpu.vector_store %arg9[%swap3A_268], %add3A_267 {strides = array<i32>} : memref<4096xi32, #tpu.memory_space<vmem>>, vector<16xi32>,
    %add3A_270 = arith.constant 17 : i32
    %add3A_271 = vector.broadcast %add3A_270 : i32 to vector<16xi32>
    %add3A_272 = arith.addi %add3A_74, %add3A_271 : vector<16xi32>
    %swap3A_273 = arith.constant 272 : index
    %swap3A_274 = tpu.vector_load %arg9[%swap3A_273] {strides = array<i32>} : memref<4096xi32, #tpu.memory_space<vmem>>, vector<16xi32>,
    tpu.vector_store %arg9[%swap3A_273], %add3A_272 {strides = array<i32>} : memref<4096xi32, #tpu.memory_space<vmem>>, vector<16xi32>,
    %add3A_275 = arith.constant 18 : i32
    %add3A_276 = vector.broadcast %add3A_275 : i32 to vector<16xi32>
    %add3A_277 = arith.addi %add3A_74, %add3A_276 : vector<16xi32>
    %swap3A_278 = arith.constant 288 : index
    %swap3A_279 = tpu.vector_load %arg9[%swap3A_278] {strides = array<i32>} : memref<4096xi32, #tpu.memory_space<vmem>>, vector<16xi32>,
    tpu.vector_store %arg9[%swap3A_278], %add3A_277 {strides = array<i32>} : memref<4096xi32, #tpu.memory_space<vmem>>, vector<16xi32>,
    %add3A_280 = arith.constant 19 : i32
    %add3A_281 = vector.broadcast %add3A_280 : i32 to vector<16xi32>
    %add3A_282 = arith.addi %add3A_74, %add3A_281 : vector<16xi32>
    %swap3A_283 = arith.constant 304 : index
    %swap3A_284 = tpu.vector_load %arg9[%swap3A_283] {strides = array<i32>} : memref<4096xi32, #tpu.memory_space<vmem>>, vector<16xi32>,
    tpu.vector_store %arg9[%swap3A_283], %add3A_282 {strides = array<i32>} : memref<4096xi32, #tpu.memory_space<vmem>>, vector<16xi32>,
    %add3A_285 = arith.constant 20 : i32
    %add3A_286 = vector.broadcast %add3A_285 : i32 to vector<16xi32>
    %add3A_287 = arith.addi %add3A_74, %add3A_286 : vector<16xi32>
    %swap3A_288 = arith.constant 320 : index
    %swap3A_289 = tpu.vector_load %arg9[%swap3A_288] {strides = array<i32>} : memref<4096xi32, #tpu.memory_space<vmem>>, vector<16xi32>,
    tpu.vector_store %arg9[%swap3A_288], %add3A_287 {strides = array<i32>} : memref<4096xi32, #tpu.memory_space<vmem>>, vector<16xi32>,
    %add3A_290 = arith.constant 21 : i32
    %add3A_291 = vector.broadcast %add3A_290 : i32 to vector<16xi32>
    %add3A_292 = arith.addi %add3A_74, %add3A_291 : vector<16xi32>
    %swap3A_293 = arith.constant 336 : index
    %swap3A_294 = tpu.vector_load %arg9[%swap3A_293] {strides = array<i32>} : memref<4096xi32, #tpu.memory_space<vmem>>, vector<16xi32>,
    tpu.vector_store %arg9[%swap3A_293], %add3A_292 {strides = array<i32>} : memref<4096xi32, #tpu.memory_space<vmem>>, vector<16xi32>,
    %add3A_295 = arith.constant 22 : i32
    %add3A_296 = vector.broadcast %add3A_295 : i32 to vector<16xi32>
    %add3A_297 = arith.addi %add3A_74, %add3A_296 : vector<16xi32>
    %swap3A_298 = arith.constant 352 : index
    %swap3A_299 = tpu.vector_load %arg9[%swap3A_298] {strides = array<i32>} : memref<4096xi32, #tpu.memory_space<vmem>>, vector<16xi32>,
    tpu.vector_store %arg9[%swap3A_298], %add3A_297 {strides = array<i32>} : memref<4096xi32, #tpu.memory_space<vmem>>, vector<16xi32>,
    %add3A_300 = arith.constant 23 : i32
    %add3A_301 = vector.broadcast %add3A_300 : i32 to vector<16xi32>
    %add3A_302 = arith.addi %add3A_74, %add3A_301 : vector<16xi32>
    %swap3A_303 = arith.constant 368 : index
    %swap3A_304 = tpu.vector_load %arg9[%swap3A_303] {strides = array<i32>} : memref<4096xi32, #tpu.memory_space<vmem>>, vector<16xi32>,
    tpu.vector_store %arg9[%swap3A_303], %add3A_302 {strides = array<i32>} : memref<4096xi32, #tpu.memory_space<vmem>>, vector<16xi32>,
    %add3A_305 = arith.constant 24 : i32
    %add3A_306 = vector.broadcast %add3A_305 : i32 to vector<16xi32>
    %add3A_307 = arith.addi %add3A_74, %add3A_306 : vector<16xi32>
    %swap3A_308 = arith.constant 384 : index
    %swap3A_309 = tpu.vector_load %arg9[%swap3A_308] {strides = array<i32>} : memref<4096xi32, #tpu.memory_space<vmem>>, vector<16xi32>,
    tpu.vector_store %arg9[%swap3A_308], %add3A_307 {strides = array<i32>} : memref<4096xi32, #tpu.memory_space<vmem>>, vector<16xi32>,
    %add3A_310 = arith.constant 25 : i32
    %add3A_311 = vector.broadcast %add3A_310 : i32 to vector<16xi32>
    %add3A_312 = arith.addi %add3A_74, %add3A_311 : vector<16xi32>
    %swap3A_313 = arith.constant 400 : index
    %swap3A_314 = tpu.vector_load %arg9[%swap3A_313] {strides = array<i32>} : memref<4096xi32, #tpu.memory_space<vmem>>, vector<16xi32>,
    tpu.vector_store %arg9[%swap3A_313], %add3A_312 {strides = array<i32>} : memref<4096xi32, #tpu.memory_space<vmem>>, vector<16xi32>,
    %add3A_315 = arith.constant 26 : i32
    %add3A_316 = vector.broadcast %add3A_315 : i32 to vector<16xi32>
    %add3A_317 = arith.addi %add3A_74, %add3A_316 : vector<16xi32>
    %swap3A_318 = arith.constant 416 : index
    %swap3A_319 = tpu.vector_load %arg9[%swap3A_318] {strides = array<i32>} : memref<4096xi32, #tpu.memory_space<vmem>>, vector<16xi32>,
    tpu.vector_store %arg9[%swap3A_318], %add3A_317 {strides = array<i32>} : memref<4096xi32, #tpu.memory_space<vmem>>, vector<16xi32>,
    %add3A_320 = arith.constant 27 : i32
    %add3A_321 = vector.broadcast %add3A_320 : i32 to vector<16xi32>
    %add3A_322 = arith.addi %add3A_74, %add3A_321 : vector<16xi32>
    %swap3A_323 = arith.constant 432 : index
    %swap3A_324 = tpu.vector_load %arg9[%swap3A_323] {strides = array<i32>} : memref<4096xi32, #tpu.memory_space<vmem>>, vector<16xi32>,
    tpu.vector_store %arg9[%swap3A_323], %add3A_322 {strides = array<i32>} : memref<4096xi32, #tpu.memory_space<vmem>>, vector<16xi32>,
    %add3A_325 = arith.constant 28 : i32
    %add3A_326 = vector.broadcast %add3A_325 : i32 to vector<16xi32>
    %add3A_327 = arith.addi %add3A_74, %add3A_326 : vector<16xi32>
    %swap3A_328 = arith.constant 448 : index
    %swap3A_329 = tpu.vector_load %arg9[%swap3A_328] {strides = array<i32>} : memref<4096xi32, #tpu.memory_space<vmem>>, vector<16xi32>,
    tpu.vector_store %arg9[%swap3A_328], %add3A_327 {strides = array<i32>} : memref<4096xi32, #tpu.memory_space<vmem>>, vector<16xi32>,
    %add3A_330 = arith.constant 29 : i32
    %add3A_331 = vector.broadcast %add3A_330 : i32 to vector<16xi32>
    %add3A_332 = arith.addi %add3A_74, %add3A_331 : vector<16xi32>
    %swap3A_333 = arith.constant 464 : index
    %swap3A_334 = tpu.vector_load %arg9[%swap3A_333] {strides = array<i32>} : memref<4096xi32, #tpu.memory_space<vmem>>, vector<16xi32>,
    tpu.vector_store %arg9[%swap3A_333], %add3A_332 {strides = array<i32>} : memref<4096xi32, #tpu.memory_space<vmem>>, vector<16xi32>,
    %add3A_335 = arith.constant 30 : i32
    %add3A_336 = vector.broadcast %add3A_335 : i32 to vector<16xi32>
    %add3A_337 = arith.addi %add3A_74, %add3A_336 : vector<16xi32>
    %swap3A_338 = arith.constant 480 : index
    %swap3A_339 = tpu.vector_load %arg9[%swap3A_338] {strides = array<i32>} : memref<4096xi32, #tpu.memory_space<vmem>>, vector<16xi32>,
    tpu.vector_store %arg9[%swap3A_338], %add3A_337 {strides = array<i32>} : memref<4096xi32, #tpu.memory_space<vmem>>, vector<16xi32>,
    %add3A_340 = arith.constant 31 : i32
    %add3A_341 = vector.broadcast %add3A_340 : i32 to vector<16xi32>
    %add3A_342 = arith.addi %add3A_74, %add3A_341 : vector<16xi32>
    %swap3A_343 = arith.constant 496 : index
    %swap3A_344 = tpu.vector_load %arg9[%swap3A_343] {strides = array<i32>} : memref<4096xi32, #tpu.memory_space<vmem>>, vector<16xi32>,
    tpu.vector_store %arg9[%swap3A_343], %add3A_342 {strides = array<i32>} : memref<4096xi32, #tpu.memory_space<vmem>>, vector<16xi32>,
    %add3A_345 = arith.constant 0 : i32
    %add3A_346 = vector.broadcast %add3A_345 : i32 to vector<16xi32>
    %add3A_347 = arith.addi %add3A_83, %add3A_346 : vector<16xi32>
    %swap3A_348 = arith.constant 512 : index
    %swap3A_349 = tpu.vector_load %arg9[%swap3A_348] {strides = array<i32>} : memref<4096xi32, #tpu.memory_space<vmem>>, vector<16xi32>,
    tpu.vector_store %arg9[%swap3A_348], %add3A_347 {strides = array<i32>} : memref<4096xi32, #tpu.memory_space<vmem>>, vector<16xi32>,
    %add3A_350 = arith.constant 1 : i32
    %add3A_351 = vector.broadcast %add3A_350 : i32 to vector<16xi32>
    %add3A_352 = arith.addi %add3A_83, %add3A_351 : vector<16xi32>
    %swap3A_353 = arith.constant 528 : index
    %swap3A_354 = tpu.vector_load %arg9[%swap3A_353] {strides = array<i32>} : memref<4096xi32, #tpu.memory_space<vmem>>, vector<16xi32>,
    tpu.vector_store %arg9[%swap3A_353], %add3A_352 {strides = array<i32>} : memref<4096xi32, #tpu.memory_space<vmem>>, vector<16xi32>,
    %add3A_355 = arith.constant 2 : i32
    %add3A_356 = vector.broadcast %add3A_355 : i32 to vector<16xi32>
    %add3A_357 = arith.addi %add3A_83, %add3A_356 : vector<16xi32>
    %swap3A_358 = arith.constant 544 : index
    %swap3A_359 = tpu.vector_load %arg9[%swap3A_358] {strides = array<i32>} : memref<4096xi32, #tpu.memory_space<vmem>>, vector<16xi32>,
    tpu.vector_store %arg9[%swap3A_358], %add3A_357 {strides = array<i32>} : memref<4096xi32, #tpu.memory_space<vmem>>, vector<16xi32>,
    %add3A_360 = arith.constant 3 : i32
    %add3A_361 = vector.broadcast %add3A_360 : i32 to vector<16xi32>
    %add3A_362 = arith.addi %add3A_83, %add3A_361 : vector<16xi32>
    %swap3A_363 = arith.constant 560 : index
    %swap3A_364 = tpu.vector_load %arg9[%swap3A_363] {strides = array<i32>} : memref<4096xi32, #tpu.memory_space<vmem>>, vector<16xi32>,
    tpu.vector_store %arg9[%swap3A_363], %add3A_362 {strides = array<i32>} : memref<4096xi32, #tpu.memory_space<vmem>>, vector<16xi32>,
    %add3A_365 = arith.constant 4 : i32
    %add3A_366 = vector.broadcast %add3A_365 : i32 to vector<16xi32>
    %add3A_367 = arith.addi %add3A_83, %add3A_366 : vector<16xi32>
    %swap3A_368 = arith.constant 576 : index
    %swap3A_369 = tpu.vector_load %arg9[%swap3A_368] {strides = array<i32>} : memref<4096xi32, #tpu.memory_space<vmem>>, vector<16xi32>,
    tpu.vector_store %arg9[%swap3A_368], %add3A_367 {strides = array<i32>} : memref<4096xi32, #tpu.memory_space<vmem>>, vector<16xi32>,
    %add3A_370 = arith.constant 5 : i32
    %add3A_371 = vector.broadcast %add3A_370 : i32 to vector<16xi32>
    %add3A_372 = arith.addi %add3A_83, %add3A_371 : vector<16xi32>
    %swap3A_373 = arith.constant 592 : index
    %swap3A_374 = tpu.vector_load %arg9[%swap3A_373] {strides = array<i32>} : memref<4096xi32, #tpu.memory_space<vmem>>, vector<16xi32>,
    tpu.vector_store %arg9[%swap3A_373], %add3A_372 {strides = array<i32>} : memref<4096xi32, #tpu.memory_space<vmem>>, vector<16xi32>,
    %add3A_375 = arith.constant 6 : i32
    %add3A_376 = vector.broadcast %add3A_375 : i32 to vector<16xi32>
    %add3A_377 = arith.addi %add3A_83, %add3A_376 : vector<16xi32>
    %swap3A_378 = arith.constant 608 : index
    %swap3A_379 = tpu.vector_load %arg9[%swap3A_378] {strides = array<i32>} : memref<4096xi32, #tpu.memory_space<vmem>>, vector<16xi32>,
    tpu.vector_store %arg9[%swap3A_378], %add3A_377 {strides = array<i32>} : memref<4096xi32, #tpu.memory_space<vmem>>, vector<16xi32>,
    %add3A_380 = arith.constant 7 : i32
    %add3A_381 = vector.broadcast %add3A_380 : i32 to vector<16xi32>
    %add3A_382 = arith.addi %add3A_83, %add3A_381 : vector<16xi32>
    %swap3A_383 = arith.constant 624 : index
    %swap3A_384 = tpu.vector_load %arg9[%swap3A_383] {strides = array<i32>} : memref<4096xi32, #tpu.memory_space<vmem>>, vector<16xi32>,
    tpu.vector_store %arg9[%swap3A_383], %add3A_382 {strides = array<i32>} : memref<4096xi32, #tpu.memory_space<vmem>>, vector<16xi32>,
    %add3A_385 = arith.constant 8 : i32
    %add3A_386 = vector.broadcast %add3A_385 : i32 to vector<16xi32>
    %add3A_387 = arith.addi %add3A_83, %add3A_386 : vector<16xi32>
    %swap3A_388 = arith.constant 640 : index
    %swap3A_389 = tpu.vector_load %arg9[%swap3A_388] {strides = array<i32>} : memref<4096xi32, #tpu.memory_space<vmem>>, vector<16xi32>,
    tpu.vector_store %arg9[%swap3A_388], %add3A_387 {strides = array<i32>} : memref<4096xi32, #tpu.memory_space<vmem>>, vector<16xi32>,
    %add3A_390 = arith.constant 9 : i32
    %add3A_391 = vector.broadcast %add3A_390 : i32 to vector<16xi32>
    %add3A_392 = arith.addi %add3A_83, %add3A_391 : vector<16xi32>
    %swap3A_393 = arith.constant 656 : index
    %swap3A_394 = tpu.vector_load %arg9[%swap3A_393] {strides = array<i32>} : memref<4096xi32, #tpu.memory_space<vmem>>, vector<16xi32>,
    tpu.vector_store %arg9[%swap3A_393], %add3A_392 {strides = array<i32>} : memref<4096xi32, #tpu.memory_space<vmem>>, vector<16xi32>,
    %add3A_395 = arith.constant 10 : i32
    %add3A_396 = vector.broadcast %add3A_395 : i32 to vector<16xi32>
    %add3A_397 = arith.addi %add3A_83, %add3A_396 : vector<16xi32>
    %swap3A_398 = arith.constant 672 : index
    %swap3A_399 = tpu.vector_load %arg9[%swap3A_398] {strides = array<i32>} : memref<4096xi32, #tpu.memory_space<vmem>>, vector<16xi32>,
    tpu.vector_store %arg9[%swap3A_398], %add3A_397 {strides = array<i32>} : memref<4096xi32, #tpu.memory_space<vmem>>, vector<16xi32>,
    %add3A_400 = arith.constant 11 : i32
    %add3A_401 = vector.broadcast %add3A_400 : i32 to vector<16xi32>
    %add3A_402 = arith.addi %add3A_83, %add3A_401 : vector<16xi32>
    %swap3A_403 = arith.constant 688 : index
    %swap3A_404 = tpu.vector_load %arg9[%swap3A_403] {strides = array<i32>} : memref<4096xi32, #tpu.memory_space<vmem>>, vector<16xi32>,
    tpu.vector_store %arg9[%swap3A_403], %add3A_402 {strides = array<i32>} : memref<4096xi32, #tpu.memory_space<vmem>>, vector<16xi32>,
    %add3A_405 = arith.constant 12 : i32
    %add3A_406 = vector.broadcast %add3A_405 : i32 to vector<16xi32>
    %add3A_407 = arith.addi %add3A_83, %add3A_406 : vector<16xi32>
    %swap3A_408 = arith.constant 704 : index
    %swap3A_409 = tpu.vector_load %arg9[%swap3A_408] {strides = array<i32>} : memref<4096xi32, #tpu.memory_space<vmem>>, vector<16xi32>,
    tpu.vector_store %arg9[%swap3A_408], %add3A_407 {strides = array<i32>} : memref<4096xi32, #tpu.memory_space<vmem>>, vector<16xi32>,
    %add3A_410 = arith.constant 13 : i32
    %add3A_411 = vector.broadcast %add3A_410 : i32 to vector<16xi32>
    %add3A_412 = arith.addi %add3A_83, %add3A_411 : vector<16xi32>
    %swap3A_413 = arith.constant 720 : index
    %swap3A_414 = tpu.vector_load %arg9[%swap3A_413] {strides = array<i32>} : memref<4096xi32, #tpu.memory_space<vmem>>, vector<16xi32>,
    tpu.vector_store %arg9[%swap3A_413], %add3A_412 {strides = array<i32>} : memref<4096xi32, #tpu.memory_space<vmem>>, vector<16xi32>,
    %add3A_415 = arith.constant 14 : i32
    %add3A_416 = vector.broadcast %add3A_415 : i32 to vector<16xi32>
    %add3A_417 = arith.addi %add3A_83, %add3A_416 : vector<16xi32>
    %swap3A_418 = arith.constant 736 : index
    %swap3A_419 = tpu.vector_load %arg9[%swap3A_418] {strides = array<i32>} : memref<4096xi32, #tpu.memory_space<vmem>>, vector<16xi32>,
    tpu.vector_store %arg9[%swap3A_418], %add3A_417 {strides = array<i32>} : memref<4096xi32, #tpu.memory_space<vmem>>, vector<16xi32>,
    %add3A_420 = arith.constant 15 : i32
    %add3A_421 = vector.broadcast %add3A_420 : i32 to vector<16xi32>
    %add3A_422 = arith.addi %add3A_83, %add3A_421 : vector<16xi32>
    %swap3A_423 = arith.constant 752 : index
    %swap3A_424 = tpu.vector_load %arg9[%swap3A_423] {strides = array<i32>} : memref<4096xi32, #tpu.memory_space<vmem>>, vector<16xi32>,
    tpu.vector_store %arg9[%swap3A_423], %add3A_422 {strides = array<i32>} : memref<4096xi32, #tpu.memory_space<vmem>>, vector<16xi32>,
    %add3A_425 = arith.constant 16 : i32
    %add3A_426 = vector.broadcast %add3A_425 : i32 to vector<16xi32>
    %add3A_427 = arith.addi %add3A_83, %add3A_426 : vector<16xi32>
    %swap3A_428 = arith.constant 768 : index
    %swap3A_429 = tpu.vector_load %arg9[%swap3A_428] {strides = array<i32>} : memref<4096xi32, #tpu.memory_space<vmem>>, vector<16xi32>,
    tpu.vector_store %arg9[%swap3A_428], %add3A_427 {strides = array<i32>} : memref<4096xi32, #tpu.memory_space<vmem>>, vector<16xi32>,
    %add3A_430 = arith.constant 17 : i32
    %add3A_431 = vector.broadcast %add3A_430 : i32 to vector<16xi32>
    %add3A_432 = arith.addi %add3A_83, %add3A_431 : vector<16xi32>
    %swap3A_433 = arith.constant 784 : index
    %swap3A_434 = tpu.vector_load %arg9[%swap3A_433] {strides = array<i32>} : memref<4096xi32, #tpu.memory_space<vmem>>, vector<16xi32>,
    tpu.vector_store %arg9[%swap3A_433], %add3A_432 {strides = array<i32>} : memref<4096xi32, #tpu.memory_space<vmem>>, vector<16xi32>,
    %add3A_435 = arith.constant 18 : i32
    %add3A_436 = vector.broadcast %add3A_435 : i32 to vector<16xi32>
    %add3A_437 = arith.addi %add3A_83, %add3A_436 : vector<16xi32>
    %swap3A_438 = arith.constant 800 : index
    %swap3A_439 = tpu.vector_load %arg9[%swap3A_438] {strides = array<i32>} : memref<4096xi32, #tpu.memory_space<vmem>>, vector<16xi32>,
    tpu.vector_store %arg9[%swap3A_438], %add3A_437 {strides = array<i32>} : memref<4096xi32, #tpu.memory_space<vmem>>, vector<16xi32>,
    %add3A_440 = arith.constant 19 : i32
    %add3A_441 = vector.broadcast %add3A_440 : i32 to vector<16xi32>
    %add3A_442 = arith.addi %add3A_83, %add3A_441 : vector<16xi32>
    %swap3A_443 = arith.constant 816 : index
    %swap3A_444 = tpu.vector_load %arg9[%swap3A_443] {strides = array<i32>} : memref<4096xi32, #tpu.memory_space<vmem>>, vector<16xi32>,
    tpu.vector_store %arg9[%swap3A_443], %add3A_442 {strides = array<i32>} : memref<4096xi32, #tpu.memory_space<vmem>>, vector<16xi32>,
    %add3A_445 = arith.constant 20 : i32
    %add3A_446 = vector.broadcast %add3A_445 : i32 to vector<16xi32>
    %add3A_447 = arith.addi %add3A_83, %add3A_446 : vector<16xi32>
    %swap3A_448 = arith.constant 832 : index
    %swap3A_449 = tpu.vector_load %arg9[%swap3A_448] {strides = array<i32>} : memref<4096xi32, #tpu.memory_space<vmem>>, vector<16xi32>,
    tpu.vector_store %arg9[%swap3A_448], %add3A_447 {strides = array<i32>} : memref<4096xi32, #tpu.memory_space<vmem>>, vector<16xi32>,
    %add3A_450 = arith.constant 21 : i32
    %add3A_451 = vector.broadcast %add3A_450 : i32 to vector<16xi32>
    %add3A_452 = arith.addi %add3A_83, %add3A_451 : vector<16xi32>
    %swap3A_453 = arith.constant 848 : index
    %swap3A_454 = tpu.vector_load %arg9[%swap3A_453] {strides = array<i32>} : memref<4096xi32, #tpu.memory_space<vmem>>, vector<16xi32>,
    tpu.vector_store %arg9[%swap3A_453], %add3A_452 {strides = array<i32>} : memref<4096xi32, #tpu.memory_space<vmem>>, vector<16xi32>,
    %add3A_455 = arith.constant 22 : i32
    %add3A_456 = vector.broadcast %add3A_455 : i32 to vector<16xi32>
    %add3A_457 = arith.addi %add3A_83, %add3A_456 : vector<16xi32>
    %swap3A_458 = arith.constant 864 : index
    %swap3A_459 = tpu.vector_load %arg9[%swap3A_458] {strides = array<i32>} : memref<4096xi32, #tpu.memory_space<vmem>>, vector<16xi32>,
    tpu.vector_store %arg9[%swap3A_458], %add3A_457 {strides = array<i32>} : memref<4096xi32, #tpu.memory_space<vmem>>, vector<16xi32>,
    %add3A_460 = arith.constant 23 : i32
    %add3A_461 = vector.broadcast %add3A_460 : i32 to vector<16xi32>
    %add3A_462 = arith.addi %add3A_83, %add3A_461 : vector<16xi32>
    %swap3A_463 = arith.constant 880 : index
    %swap3A_464 = tpu.vector_load %arg9[%swap3A_463] {strides = array<i32>} : memref<4096xi32, #tpu.memory_space<vmem>>, vector<16xi32>,
    tpu.vector_store %arg9[%swap3A_463], %add3A_462 {strides = array<i32>} : memref<4096xi32, #tpu.memory_space<vmem>>, vector<16xi32>,
    %add3A_465 = arith.constant 24 : i32
    %add3A_466 = vector.broadcast %add3A_465 : i32 to vector<16xi32>
    %add3A_467 = arith.addi %add3A_83, %add3A_466 : vector<16xi32>
    %swap3A_468 = arith.constant 896 : index
    %swap3A_469 = tpu.vector_load %arg9[%swap3A_468] {strides = array<i32>} : memref<4096xi32, #tpu.memory_space<vmem>>, vector<16xi32>,
    tpu.vector_store %arg9[%swap3A_468], %add3A_467 {strides = array<i32>} : memref<4096xi32, #tpu.memory_space<vmem>>, vector<16xi32>,
    %add3A_470 = arith.constant 25 : i32
    %add3A_471 = vector.broadcast %add3A_470 : i32 to vector<16xi32>
    %add3A_472 = arith.addi %add3A_83, %add3A_471 : vector<16xi32>
    %swap3A_473 = arith.constant 912 : index
    %swap3A_474 = tpu.vector_load %arg9[%swap3A_473] {strides = array<i32>} : memref<4096xi32, #tpu.memory_space<vmem>>, vector<16xi32>,
    tpu.vector_store %arg9[%swap3A_473], %add3A_472 {strides = array<i32>} : memref<4096xi32, #tpu.memory_space<vmem>>, vector<16xi32>,
    %add3A_475 = arith.constant 26 : i32
    %add3A_476 = vector.broadcast %add3A_475 : i32 to vector<16xi32>
    %add3A_477 = arith.addi %add3A_83, %add3A_476 : vector<16xi32>
    %swap3A_478 = arith.constant 928 : index
    %swap3A_479 = tpu.vector_load %arg9[%swap3A_478] {strides = array<i32>} : memref<4096xi32, #tpu.memory_space<vmem>>, vector<16xi32>,
    tpu.vector_store %arg9[%swap3A_478], %add3A_477 {strides = array<i32>} : memref<4096xi32, #tpu.memory_space<vmem>>, vector<16xi32>,
    %add3A_480 = arith.constant 27 : i32
    %add3A_481 = vector.broadcast %add3A_480 : i32 to vector<16xi32>
    %add3A_482 = arith.addi %add3A_83, %add3A_481 : vector<16xi32>
    %swap3A_483 = arith.constant 944 : index
    %swap3A_484 = tpu.vector_load %arg9[%swap3A_483] {strides = array<i32>} : memref<4096xi32, #tpu.memory_space<vmem>>, vector<16xi32>,
    tpu.vector_store %arg9[%swap3A_483], %add3A_482 {strides = array<i32>} : memref<4096xi32, #tpu.memory_space<vmem>>, vector<16xi32>,
    %add3A_485 = arith.constant 28 : i32
    %add3A_486 = vector.broadcast %add3A_485 : i32 to vector<16xi32>
    %add3A_487 = arith.addi %add3A_83, %add3A_486 : vector<16xi32>
    %swap3A_488 = arith.constant 960 : index
    %swap3A_489 = tpu.vector_load %arg9[%swap3A_488] {strides = array<i32>} : memref<4096xi32, #tpu.memory_space<vmem>>, vector<16xi32>,
    tpu.vector_store %arg9[%swap3A_488], %add3A_487 {strides = array<i32>} : memref<4096xi32, #tpu.memory_space<vmem>>, vector<16xi32>,
    %add3A_490 = arith.constant 29 : i32
    %add3A_491 = vector.broadcast %add3A_490 : i32 to vector<16xi32>
    %add3A_492 = arith.addi %add3A_83, %add3A_491 : vector<16xi32>
    %swap3A_493 = arith.constant 976 : index
    %swap3A_494 = tpu.vector_load %arg9[%swap3A_493] {strides = array<i32>} : memref<4096xi32, #tpu.memory_space<vmem>>, vector<16xi32>,
    tpu.vector_store %arg9[%swap3A_493], %add3A_492 {strides = array<i32>} : memref<4096xi32, #tpu.memory_space<vmem>>, vector<16xi32>,
    %add3A_495 = arith.constant 30 : i32
    %add3A_496 = vector.broadcast %add3A_495 : i32 to vector<16xi32>
    %add3A_497 = arith.addi %add3A_83, %add3A_496 : vector<16xi32>
    %swap3A_498 = arith.constant 992 : index
    %swap3A_499 = tpu.vector_load %arg9[%swap3A_498] {strides = array<i32>} : memref<4096xi32, #tpu.memory_space<vmem>>, vector<16xi32>,
    tpu.vector_store %arg9[%swap3A_498], %add3A_497 {strides = array<i32>} : memref<4096xi32, #tpu.memory_space<vmem>>, vector<16xi32>,
    %add3A_500 = arith.constant 31 : i32
    %add3A_501 = vector.broadcast %add3A_500 : i32 to vector<16xi32>
    %add3A_502 = arith.addi %add3A_83, %add3A_501 : vector<16xi32>
    %swap3A_503 = arith.constant 1008 : index
    %swap3A_504 = tpu.vector_load %arg9[%swap3A_503] {strides = array<i32>} : memref<4096xi32, #tpu.memory_space<vmem>>, vector<16xi32>,
    tpu.vector_store %arg9[%swap3A_503], %add3A_502 {strides = array<i32>} : memref<4096xi32, #tpu.memory_space<vmem>>, vector<16xi32>,
    %add3A_505 = arith.constant 0 : i32
    %add3A_506 = vector.broadcast %add3A_505 : i32 to vector<16xi32>
    %add3A_507 = arith.addi %add3A_92, %add3A_506 : vector<16xi32>
    %swap3A_508 = arith.constant 1024 : index
    %swap3A_509 = tpu.vector_load %arg9[%swap3A_508] {strides = array<i32>} : memref<4096xi32, #tpu.memory_space<vmem>>, vector<16xi32>,
    tpu.vector_store %arg9[%swap3A_508], %add3A_507 {strides = array<i32>} : memref<4096xi32, #tpu.memory_space<vmem>>, vector<16xi32>,
    %add3A_510 = arith.constant 1 : i32
    %add3A_511 = vector.broadcast %add3A_510 : i32 to vector<16xi32>
    %add3A_512 = arith.addi %add3A_92, %add3A_511 : vector<16xi32>
    %swap3A_513 = arith.constant 1040 : index
    %swap3A_514 = tpu.vector_load %arg9[%swap3A_513] {strides = array<i32>} : memref<4096xi32, #tpu.memory_space<vmem>>, vector<16xi32>,
    tpu.vector_store %arg9[%swap3A_513], %add3A_512 {strides = array<i32>} : memref<4096xi32, #tpu.memory_space<vmem>>, vector<16xi32>,
    %add3A_515 = arith.constant 2 : i32
    %add3A_516 = vector.broadcast %add3A_515 : i32 to vector<16xi32>
    %add3A_517 = arith.addi %add3A_92, %add3A_516 : vector<16xi32>
    %swap3A_518 = arith.constant 1056 : index
    %swap3A_519 = tpu.vector_load %arg9[%swap3A_518] {strides = array<i32>} : memref<4096xi32, #tpu.memory_space<vmem>>, vector<16xi32>,
    tpu.vector_store %arg9[%swap3A_518], %add3A_517 {strides = array<i32>} : memref<4096xi32, #tpu.memory_space<vmem>>, vector<16xi32>,
    %add3A_520 = arith.constant 3 : i32
    %add3A_521 = vector.broadcast %add3A_520 : i32 to vector<16xi32>
    %add3A_522 = arith.addi %add3A_92, %add3A_521 : vector<16xi32>
    %swap3A_523 = arith.constant 1072 : index
    %swap3A_524 = tpu.vector_load %arg9[%swap3A_523] {strides = array<i32>} : memref<4096xi32, #tpu.memory_space<vmem>>, vector<16xi32>,
    tpu.vector_store %arg9[%swap3A_523], %add3A_522 {strides = array<i32>} : memref<4096xi32, #tpu.memory_space<vmem>>, vector<16xi32>,
    %add3A_525 = arith.constant 4 : i32
    %add3A_526 = vector.broadcast %add3A_525 : i32 to vector<16xi32>
    %add3A_527 = arith.addi %add3A_92, %add3A_526 : vector<16xi32>
    %swap3A_528 = arith.constant 1088 : index
    %swap3A_529 = tpu.vector_load %arg9[%swap3A_528] {strides = array<i32>} : memref<4096xi32, #tpu.memory_space<vmem>>, vector<16xi32>,
    tpu.vector_store %arg9[%swap3A_528], %add3A_527 {strides = array<i32>} : memref<4096xi32, #tpu.memory_space<vmem>>, vector<16xi32>,
    %add3A_530 = arith.constant 5 : i32
    %add3A_531 = vector.broadcast %add3A_530 : i32 to vector<16xi32>
    %add3A_532 = arith.addi %add3A_92, %add3A_531 : vector<16xi32>
    %swap3A_533 = arith.constant 1104 : index
    %swap3A_534 = tpu.vector_load %arg9[%swap3A_533] {strides = array<i32>} : memref<4096xi32, #tpu.memory_space<vmem>>, vector<16xi32>,
    tpu.vector_store %arg9[%swap3A_533], %add3A_532 {strides = array<i32>} : memref<4096xi32, #tpu.memory_space<vmem>>, vector<16xi32>,
    %add3A_535 = arith.constant 6 : i32
    %add3A_536 = vector.broadcast %add3A_535 : i32 to vector<16xi32>
    %add3A_537 = arith.addi %add3A_92, %add3A_536 : vector<16xi32>
    %swap3A_538 = arith.constant 1120 : index
    %swap3A_539 = tpu.vector_load %arg9[%swap3A_538] {strides = array<i32>} : memref<4096xi32, #tpu.memory_space<vmem>>, vector<16xi32>,
    tpu.vector_store %arg9[%swap3A_538], %add3A_537 {strides = array<i32>} : memref<4096xi32, #tpu.memory_space<vmem>>, vector<16xi32>,
    %add3A_540 = arith.constant 7 : i32
    %add3A_541 = vector.broadcast %add3A_540 : i32 to vector<16xi32>
    %add3A_542 = arith.addi %add3A_92, %add3A_541 : vector<16xi32>
    %swap3A_543 = arith.constant 1136 : index
    %swap3A_544 = tpu.vector_load %arg9[%swap3A_543] {strides = array<i32>} : memref<4096xi32, #tpu.memory_space<vmem>>, vector<16xi32>,
    tpu.vector_store %arg9[%swap3A_543], %add3A_542 {strides = array<i32>} : memref<4096xi32, #tpu.memory_space<vmem>>, vector<16xi32>,
    %add3A_545 = arith.constant 8 : i32
    %add3A_546 = vector.broadcast %add3A_545 : i32 to vector<16xi32>
    %add3A_547 = arith.addi %add3A_92, %add3A_546 : vector<16xi32>
    %swap3A_548 = arith.constant 1152 : index
    %swap3A_549 = tpu.vector_load %arg9[%swap3A_548] {strides = array<i32>} : memref<4096xi32, #tpu.memory_space<vmem>>, vector<16xi32>,
    tpu.vector_store %arg9[%swap3A_548], %add3A_547 {strides = array<i32>} : memref<4096xi32, #tpu.memory_space<vmem>>, vector<16xi32>,
    %add3A_550 = arith.constant 9 : i32
    %add3A_551 = vector.broadcast %add3A_550 : i32 to vector<16xi32>
    %add3A_552 = arith.addi %add3A_92, %add3A_551 : vector<16xi32>
    %swap3A_553 = arith.constant 1168 : index
    %swap3A_554 = tpu.vector_load %arg9[%swap3A_553] {strides = array<i32>} : memref<4096xi32, #tpu.memory_space<vmem>>, vector<16xi32>,
    tpu.vector_store %arg9[%swap3A_553], %add3A_552 {strides = array<i32>} : memref<4096xi32, #tpu.memory_space<vmem>>, vector<16xi32>,
    %add3A_555 = arith.constant 10 : i32
    %add3A_556 = vector.broadcast %add3A_555 : i32 to vector<16xi32>
    %add3A_557 = arith.addi %add3A_92, %add3A_556 : vector<16xi32>
    %swap3A_558 = arith.constant 1184 : index
    %swap3A_559 = tpu.vector_load %arg9[%swap3A_558] {strides = array<i32>} : memref<4096xi32, #tpu.memory_space<vmem>>, vector<16xi32>,
    tpu.vector_store %arg9[%swap3A_558], %add3A_557 {strides = array<i32>} : memref<4096xi32, #tpu.memory_space<vmem>>, vector<16xi32>,
    %add3A_560 = arith.constant 11 : i32
    %add3A_561 = vector.broadcast %add3A_560 : i32 to vector<16xi32>
    %add3A_562 = arith.addi %add3A_92, %add3A_561 : vector<16xi32>
    %swap3A_563 = arith.constant 1200 : index
    %swap3A_564 = tpu.vector_load %arg9[%swap3A_563] {strides = array<i32>} : memref<4096xi32, #tpu.memory_space<vmem>>, vector<16xi32>,
    tpu.vector_store %arg9[%swap3A_563], %add3A_562 {strides = array<i32>} : memref<4096xi32, #tpu.memory_space<vmem>>, vector<16xi32>,
    %add3A_565 = arith.constant 12 : i32
    %add3A_566 = vector.broadcast %add3A_565 : i32 to vector<16xi32>
    %add3A_567 = arith.addi %add3A_92, %add3A_566 : vector<16xi32>
    %swap3A_568 = arith.constant 1216 : index
    %swap3A_569 = tpu.vector_load %arg9[%swap3A_568] {strides = array<i32>} : memref<4096xi32, #tpu.memory_space<vmem>>, vector<16xi32>,
    tpu.vector_store %arg9[%swap3A_568], %add3A_567 {strides = array<i32>} : memref<4096xi32, #tpu.memory_space<vmem>>, vector<16xi32>,
    %add3A_570 = arith.constant 13 : i32
    %add3A_571 = vector.broadcast %add3A_570 : i32 to vector<16xi32>
    %add3A_572 = arith.addi %add3A_92, %add3A_571 : vector<16xi32>
    %swap3A_573 = arith.constant 1232 : index
    %swap3A_574 = tpu.vector_load %arg9[%swap3A_573] {strides = array<i32>} : memref<4096xi32, #tpu.memory_space<vmem>>, vector<16xi32>,
    tpu.vector_store %arg9[%swap3A_573], %add3A_572 {strides = array<i32>} : memref<4096xi32, #tpu.memory_space<vmem>>, vector<16xi32>,
    %add3A_575 = arith.constant 14 : i32
    %add3A_576 = vector.broadcast %add3A_575 : i32 to vector<16xi32>
    %add3A_577 = arith.addi %add3A_92, %add3A_576 : vector<16xi32>
    %swap3A_578 = arith.constant 1248 : index
    %swap3A_579 = tpu.vector_load %arg9[%swap3A_578] {strides = array<i32>} : memref<4096xi32, #tpu.memory_space<vmem>>, vector<16xi32>,
    tpu.vector_store %arg9[%swap3A_578], %add3A_577 {strides = array<i32>} : memref<4096xi32, #tpu.memory_space<vmem>>, vector<16xi32>,
    %add3A_580 = arith.constant 15 : i32
    %add3A_581 = vector.broadcast %add3A_580 : i32 to vector<16xi32>
    %add3A_582 = arith.addi %add3A_92, %add3A_581 : vector<16xi32>
    %swap3A_583 = arith.constant 1264 : index
    %swap3A_584 = tpu.vector_load %arg9[%swap3A_583] {strides = array<i32>} : memref<4096xi32, #tpu.memory_space<vmem>>, vector<16xi32>,
    tpu.vector_store %arg9[%swap3A_583], %add3A_582 {strides = array<i32>} : memref<4096xi32, #tpu.memory_space<vmem>>, vector<16xi32>,
    %add3A_585 = arith.constant 16 : i32
    %add3A_586 = vector.broadcast %add3A_585 : i32 to vector<16xi32>
    %add3A_587 = arith.addi %add3A_92, %add3A_586 : vector<16xi32>
    %swap3A_588 = arith.constant 1280 : index
    %swap3A_589 = tpu.vector_load %arg9[%swap3A_588] {strides = array<i32>} : memref<4096xi32, #tpu.memory_space<vmem>>, vector<16xi32>,
    tpu.vector_store %arg9[%swap3A_588], %add3A_587 {strides = array<i32>} : memref<4096xi32, #tpu.memory_space<vmem>>, vector<16xi32>,
    %add3A_590 = arith.constant 17 : i32
    %add3A_591 = vector.broadcast %add3A_590 : i32 to vector<16xi32>
    %add3A_592 = arith.addi %add3A_92, %add3A_591 : vector<16xi32>
    %swap3A_593 = arith.constant 1296 : index
    %swap3A_594 = tpu.vector_load %arg9[%swap3A_593] {strides = array<i32>} : memref<4096xi32, #tpu.memory_space<vmem>>, vector<16xi32>,
    tpu.vector_store %arg9[%swap3A_593], %add3A_592 {strides = array<i32>} : memref<4096xi32, #tpu.memory_space<vmem>>, vector<16xi32>,
    %add3A_595 = arith.constant 18 : i32
    %add3A_596 = vector.broadcast %add3A_595 : i32 to vector<16xi32>
    %add3A_597 = arith.addi %add3A_92, %add3A_596 : vector<16xi32>
    %swap3A_598 = arith.constant 1312 : index
    %swap3A_599 = tpu.vector_load %arg9[%swap3A_598] {strides = array<i32>} : memref<4096xi32, #tpu.memory_space<vmem>>, vector<16xi32>,
    tpu.vector_store %arg9[%swap3A_598], %add3A_597 {strides = array<i32>} : memref<4096xi32, #tpu.memory_space<vmem>>, vector<16xi32>,
    %add3A_600 = arith.constant 19 : i32
    %add3A_601 = vector.broadcast %add3A_600 : i32 to vector<16xi32>
    %add3A_602 = arith.addi %add3A_92, %add3A_601 : vector<16xi32>
    %swap3A_603 = arith.constant 1328 : index
    %swap3A_604 = tpu.vector_load %arg9[%swap3A_603] {strides = array<i32>} : memref<4096xi32, #tpu.memory_space<vmem>>, vector<16xi32>,
    tpu.vector_store %arg9[%swap3A_603], %add3A_602 {strides = array<i32>} : memref<4096xi32, #tpu.memory_space<vmem>>, vector<16xi32>,
    %add3A_605 = arith.constant 20 : i32
    %add3A_606 = vector.broadcast %add3A_605 : i32 to vector<16xi32>
    %add3A_607 = arith.addi %add3A_92, %add3A_606 : vector<16xi32>
    %swap3A_608 = arith.constant 1344 : index
    %swap3A_609 = tpu.vector_load %arg9[%swap3A_608] {strides = array<i32>} : memref<4096xi32, #tpu.memory_space<vmem>>, vector<16xi32>,
    tpu.vector_store %arg9[%swap3A_608], %add3A_607 {strides = array<i32>} : memref<4096xi32, #tpu.memory_space<vmem>>, vector<16xi32>,
    %add3A_610 = arith.constant 21 : i32
    %add3A_611 = vector.broadcast %add3A_610 : i32 to vector<16xi32>
    %add3A_612 = arith.addi %add3A_92, %add3A_611 : vector<16xi32>
    %swap3A_613 = arith.constant 1360 : index
    %swap3A_614 = tpu.vector_load %arg9[%swap3A_613] {strides = array<i32>} : memref<4096xi32, #tpu.memory_space<vmem>>, vector<16xi32>,
    tpu.vector_store %arg9[%swap3A_613], %add3A_612 {strides = array<i32>} : memref<4096xi32, #tpu.memory_space<vmem>>, vector<16xi32>,
    %add3A_615 = arith.constant 22 : i32
    %add3A_616 = vector.broadcast %add3A_615 : i32 to vector<16xi32>
    %add3A_617 = arith.addi %add3A_92, %add3A_616 : vector<16xi32>
    %swap3A_618 = arith.constant 1376 : index
    %swap3A_619 = tpu.vector_load %arg9[%swap3A_618] {strides = array<i32>} : memref<4096xi32, #tpu.memory_space<vmem>>, vector<16xi32>,
    tpu.vector_store %arg9[%swap3A_618], %add3A_617 {strides = array<i32>} : memref<4096xi32, #tpu.memory_space<vmem>>, vector<16xi32>,
    %add3A_620 = arith.constant 23 : i32
    %add3A_621 = vector.broadcast %add3A_620 : i32 to vector<16xi32>
    %add3A_622 = arith.addi %add3A_92, %add3A_621 : vector<16xi32>
    %swap3A_623 = arith.constant 1392 : index
    %swap3A_624 = tpu.vector_load %arg9[%swap3A_623] {strides = array<i32>} : memref<4096xi32, #tpu.memory_space<vmem>>, vector<16xi32>,
    tpu.vector_store %arg9[%swap3A_623], %add3A_622 {strides = array<i32>} : memref<4096xi32, #tpu.memory_space<vmem>>, vector<16xi32>,
    %add3A_625 = arith.constant 24 : i32
    %add3A_626 = vector.broadcast %add3A_625 : i32 to vector<16xi32>
    %add3A_627 = arith.addi %add3A_92, %add3A_626 : vector<16xi32>
    %swap3A_628 = arith.constant 1408 : index
    %swap3A_629 = tpu.vector_load %arg9[%swap3A_628] {strides = array<i32>} : memref<4096xi32, #tpu.memory_space<vmem>>, vector<16xi32>,
    tpu.vector_store %arg9[%swap3A_628], %add3A_627 {strides = array<i32>} : memref<4096xi32, #tpu.memory_space<vmem>>, vector<16xi32>,
    %add3A_630 = arith.constant 25 : i32
    %add3A_631 = vector.broadcast %add3A_630 : i32 to vector<16xi32>
    %add3A_632 = arith.addi %add3A_92, %add3A_631 : vector<16xi32>
    %swap3A_633 = arith.constant 1424 : index
    %swap3A_634 = tpu.vector_load %arg9[%swap3A_633] {strides = array<i32>} : memref<4096xi32, #tpu.memory_space<vmem>>, vector<16xi32>,
    tpu.vector_store %arg9[%swap3A_633], %add3A_632 {strides = array<i32>} : memref<4096xi32, #tpu.memory_space<vmem>>, vector<16xi32>,
    %add3A_635 = arith.constant 26 : i32
    %add3A_636 = vector.broadcast %add3A_635 : i32 to vector<16xi32>
    %add3A_637 = arith.addi %add3A_92, %add3A_636 : vector<16xi32>
    %swap3A_638 = arith.constant 1440 : index
    %swap3A_639 = tpu.vector_load %arg9[%swap3A_638] {strides = array<i32>} : memref<4096xi32, #tpu.memory_space<vmem>>, vector<16xi32>,
    tpu.vector_store %arg9[%swap3A_638], %add3A_637 {strides = array<i32>} : memref<4096xi32, #tpu.memory_space<vmem>>, vector<16xi32>,
    %add3A_640 = arith.constant 27 : i32
    %add3A_641 = vector.broadcast %add3A_640 : i32 to vector<16xi32>
    %add3A_642 = arith.addi %add3A_92, %add3A_641 : vector<16xi32>
    %swap3A_643 = arith.constant 1456 : index
    %swap3A_644 = tpu.vector_load %arg9[%swap3A_643] {strides = array<i32>} : memref<4096xi32, #tpu.memory_space<vmem>>, vector<16xi32>,
    tpu.vector_store %arg9[%swap3A_643], %add3A_642 {strides = array<i32>} : memref<4096xi32, #tpu.memory_space<vmem>>, vector<16xi32>,
    %add3A_645 = arith.constant 28 : i32
    %add3A_646 = vector.broadcast %add3A_645 : i32 to vector<16xi32>
    %add3A_647 = arith.addi %add3A_92, %add3A_646 : vector<16xi32>
    %swap3A_648 = arith.constant 1472 : index
    %swap3A_649 = tpu.vector_load %arg9[%swap3A_648] {strides = array<i32>} : memref<4096xi32, #tpu.memory_space<vmem>>, vector<16xi32>,
    tpu.vector_store %arg9[%swap3A_648], %add3A_647 {strides = array<i32>} : memref<4096xi32, #tpu.memory_space<vmem>>, vector<16xi32>,
    %add3A_650 = arith.constant 29 : i32
    %add3A_651 = vector.broadcast %add3A_650 : i32 to vector<16xi32>
    %add3A_652 = arith.addi %add3A_92, %add3A_651 : vector<16xi32>
    %swap3A_653 = arith.constant 1488 : index
    %swap3A_654 = tpu.vector_load %arg9[%swap3A_653] {strides = array<i32>} : memref<4096xi32, #tpu.memory_space<vmem>>, vector<16xi32>,
    tpu.vector_store %arg9[%swap3A_653], %add3A_652 {strides = array<i32>} : memref<4096xi32, #tpu.memory_space<vmem>>, vector<16xi32>,
    %add3A_655 = arith.constant 30 : i32
    %add3A_656 = vector.broadcast %add3A_655 : i32 to vector<16xi32>
    %add3A_657 = arith.addi %add3A_92, %add3A_656 : vector<16xi32>
    %swap3A_658 = arith.constant 1504 : index
    %swap3A_659 = tpu.vector_load %arg9[%swap3A_658] {strides = array<i32>} : memref<4096xi32, #tpu.memory_space<vmem>>, vector<16xi32>,
    tpu.vector_store %arg9[%swap3A_658], %add3A_657 {strides = array<i32>} : memref<4096xi32, #tpu.memory_space<vmem>>, vector<16xi32>,
    %add3A_660 = arith.constant 31 : i32
    %add3A_661 = vector.broadcast %add3A_660 : i32 to vector<16xi32>
    %add3A_662 = arith.addi %add3A_92, %add3A_661 : vector<16xi32>
    %swap3A_663 = arith.constant 1520 : index
    %swap3A_664 = tpu.vector_load %arg9[%swap3A_663] {strides = array<i32>} : memref<4096xi32, #tpu.memory_space<vmem>>, vector<16xi32>,
    tpu.vector_store %arg9[%swap3A_663], %add3A_662 {strides = array<i32>} : memref<4096xi32, #tpu.memory_space<vmem>>, vector<16xi32>,
    %add3A_665 = arith.constant 0 : i32
    %add3A_666 = vector.broadcast %add3A_665 : i32 to vector<16xi32>
    %add3A_667 = arith.addi %add3A_101, %add3A_666 : vector<16xi32>
    %swap3A_668 = arith.constant 1536 : index
    %swap3A_669 = tpu.vector_load %arg9[%swap3A_668] {strides = array<i32>} : memref<4096xi32, #tpu.memory_space<vmem>>, vector<16xi32>,
    tpu.vector_store %arg9[%swap3A_668], %add3A_667 {strides = array<i32>} : memref<4096xi32, #tpu.memory_space<vmem>>, vector<16xi32>,
    %add3A_670 = arith.constant 1 : i32
    %add3A_671 = vector.broadcast %add3A_670 : i32 to vector<16xi32>
    %add3A_672 = arith.addi %add3A_101, %add3A_671 : vector<16xi32>
    %swap3A_673 = arith.constant 1552 : index
    %swap3A_674 = tpu.vector_load %arg9[%swap3A_673] {strides = array<i32>} : memref<4096xi32, #tpu.memory_space<vmem>>, vector<16xi32>,
    tpu.vector_store %arg9[%swap3A_673], %add3A_672 {strides = array<i32>} : memref<4096xi32, #tpu.memory_space<vmem>>, vector<16xi32>,
    %add3A_675 = arith.constant 2 : i32
    %add3A_676 = vector.broadcast %add3A_675 : i32 to vector<16xi32>
    %add3A_677 = arith.addi %add3A_101, %add3A_676 : vector<16xi32>
    %swap3A_678 = arith.constant 1568 : index
    %swap3A_679 = tpu.vector_load %arg9[%swap3A_678] {strides = array<i32>} : memref<4096xi32, #tpu.memory_space<vmem>>, vector<16xi32>,
    tpu.vector_store %arg9[%swap3A_678], %add3A_677 {strides = array<i32>} : memref<4096xi32, #tpu.memory_space<vmem>>, vector<16xi32>,
    %add3A_680 = arith.constant 3 : i32
    %add3A_681 = vector.broadcast %add3A_680 : i32 to vector<16xi32>
    %add3A_682 = arith.addi %add3A_101, %add3A_681 : vector<16xi32>
    %swap3A_683 = arith.constant 1584 : index
    %swap3A_684 = tpu.vector_load %arg9[%swap3A_683] {strides = array<i32>} : memref<4096xi32, #tpu.memory_space<vmem>>, vector<16xi32>,
    tpu.vector_store %arg9[%swap3A_683], %add3A_682 {strides = array<i32>} : memref<4096xi32, #tpu.memory_space<vmem>>, vector<16xi32>,
    %add3A_685 = arith.constant 4 : i32
    %add3A_686 = vector.broadcast %add3A_685 : i32 to vector<16xi32>
    %add3A_687 = arith.addi %add3A_101, %add3A_686 : vector<16xi32>
    %swap3A_688 = arith.constant 1600 : index
    %swap3A_689 = tpu.vector_load %arg9[%swap3A_688] {strides = array<i32>} : memref<4096xi32, #tpu.memory_space<vmem>>, vector<16xi32>,
    tpu.vector_store %arg9[%swap3A_688], %add3A_687 {strides = array<i32>} : memref<4096xi32, #tpu.memory_space<vmem>>, vector<16xi32>,
    %add3A_690 = arith.constant 5 : i32
    %add3A_691 = vector.broadcast %add3A_690 : i32 to vector<16xi32>
    %add3A_692 = arith.addi %add3A_101, %add3A_691 : vector<16xi32>
    %swap3A_693 = arith.constant 1616 : index
    %swap3A_694 = tpu.vector_load %arg9[%swap3A_693] {strides = array<i32>} : memref<4096xi32, #tpu.memory_space<vmem>>, vector<16xi32>,
    tpu.vector_store %arg9[%swap3A_693], %add3A_692 {strides = array<i32>} : memref<4096xi32, #tpu.memory_space<vmem>>, vector<16xi32>,
    %add3A_695 = arith.constant 6 : i32
    %add3A_696 = vector.broadcast %add3A_695 : i32 to vector<16xi32>
    %add3A_697 = arith.addi %add3A_101, %add3A_696 : vector<16xi32>
    %swap3A_698 = arith.constant 1632 : index
    %swap3A_699 = tpu.vector_load %arg9[%swap3A_698] {strides = array<i32>} : memref<4096xi32, #tpu.memory_space<vmem>>, vector<16xi32>,
    tpu.vector_store %arg9[%swap3A_698], %add3A_697 {strides = array<i32>} : memref<4096xi32, #tpu.memory_space<vmem>>, vector<16xi32>,
    %add3A_700 = arith.constant 7 : i32
    %add3A_701 = vector.broadcast %add3A_700 : i32 to vector<16xi32>
    %add3A_702 = arith.addi %add3A_101, %add3A_701 : vector<16xi32>
    %swap3A_703 = arith.constant 1648 : index
    %swap3A_704 = tpu.vector_load %arg9[%swap3A_703] {strides = array<i32>} : memref<4096xi32, #tpu.memory_space<vmem>>, vector<16xi32>,
    tpu.vector_store %arg9[%swap3A_703], %add3A_702 {strides = array<i32>} : memref<4096xi32, #tpu.memory_space<vmem>>, vector<16xi32>,
    %add3A_705 = arith.constant 8 : i32
    %add3A_706 = vector.broadcast %add3A_705 : i32 to vector<16xi32>
    %add3A_707 = arith.addi %add3A_101, %add3A_706 : vector<16xi32>
    %swap3A_708 = arith.constant 1664 : index
    %swap3A_709 = tpu.vector_load %arg9[%swap3A_708] {strides = array<i32>} : memref<4096xi32, #tpu.memory_space<vmem>>, vector<16xi32>,
    tpu.vector_store %arg9[%swap3A_708], %add3A_707 {strides = array<i32>} : memref<4096xi32, #tpu.memory_space<vmem>>, vector<16xi32>,
    %add3A_710 = arith.constant 9 : i32
    %add3A_711 = vector.broadcast %add3A_710 : i32 to vector<16xi32>
    %add3A_712 = arith.addi %add3A_101, %add3A_711 : vector<16xi32>
    %swap3A_713 = arith.constant 1680 : index
    %swap3A_714 = tpu.vector_load %arg9[%swap3A_713] {strides = array<i32>} : memref<4096xi32, #tpu.memory_space<vmem>>, vector<16xi32>,
    tpu.vector_store %arg9[%swap3A_713], %add3A_712 {strides = array<i32>} : memref<4096xi32, #tpu.memory_space<vmem>>, vector<16xi32>,
    %add3A_715 = arith.constant 10 : i32
    %add3A_716 = vector.broadcast %add3A_715 : i32 to vector<16xi32>
    %add3A_717 = arith.addi %add3A_101, %add3A_716 : vector<16xi32>
    %swap3A_718 = arith.constant 1696 : index
    %swap3A_719 = tpu.vector_load %arg9[%swap3A_718] {strides = array<i32>} : memref<4096xi32, #tpu.memory_space<vmem>>, vector<16xi32>,
    tpu.vector_store %arg9[%swap3A_718], %add3A_717 {strides = array<i32>} : memref<4096xi32, #tpu.memory_space<vmem>>, vector<16xi32>,
    %add3A_720 = arith.constant 11 : i32
    %add3A_721 = vector.broadcast %add3A_720 : i32 to vector<16xi32>
    %add3A_722 = arith.addi %add3A_101, %add3A_721 : vector<16xi32>
    %swap3A_723 = arith.constant 1712 : index
    %swap3A_724 = tpu.vector_load %arg9[%swap3A_723] {strides = array<i32>} : memref<4096xi32, #tpu.memory_space<vmem>>, vector<16xi32>,
    tpu.vector_store %arg9[%swap3A_723], %add3A_722 {strides = array<i32>} : memref<4096xi32, #tpu.memory_space<vmem>>, vector<16xi32>,
    %add3A_725 = arith.constant 12 : i32
    %add3A_726 = vector.broadcast %add3A_725 : i32 to vector<16xi32>
    %add3A_727 = arith.addi %add3A_101, %add3A_726 : vector<16xi32>
    %swap3A_728 = arith.constant 1728 : index
    %swap3A_729 = tpu.vector_load %arg9[%swap3A_728] {strides = array<i32>} : memref<4096xi32, #tpu.memory_space<vmem>>, vector<16xi32>,
    tpu.vector_store %arg9[%swap3A_728], %add3A_727 {strides = array<i32>} : memref<4096xi32, #tpu.memory_space<vmem>>, vector<16xi32>,
    %add3A_730 = arith.constant 13 : i32
    %add3A_731 = vector.broadcast %add3A_730 : i32 to vector<16xi32>
    %add3A_732 = arith.addi %add3A_101, %add3A_731 : vector<16xi32>
    %swap3A_733 = arith.constant 1744 : index
    %swap3A_734 = tpu.vector_load %arg9[%swap3A_733] {strides = array<i32>} : memref<4096xi32, #tpu.memory_space<vmem>>, vector<16xi32>,
    tpu.vector_store %arg9[%swap3A_733], %add3A_732 {strides = array<i32>} : memref<4096xi32, #tpu.memory_space<vmem>>, vector<16xi32>,
    %add3A_735 = arith.constant 14 : i32
    %add3A_736 = vector.broadcast %add3A_735 : i32 to vector<16xi32>
    %add3A_737 = arith.addi %add3A_101, %add3A_736 : vector<16xi32>
    %swap3A_738 = arith.constant 1760 : index
    %swap3A_739 = tpu.vector_load %arg9[%swap3A_738] {strides = array<i32>} : memref<4096xi32, #tpu.memory_space<vmem>>, vector<16xi32>,
    tpu.vector_store %arg9[%swap3A_738], %add3A_737 {strides = array<i32>} : memref<4096xi32, #tpu.memory_space<vmem>>, vector<16xi32>,
    %add3A_740 = arith.constant 15 : i32
    %add3A_741 = vector.broadcast %add3A_740 : i32 to vector<16xi32>
    %add3A_742 = arith.addi %add3A_101, %add3A_741 : vector<16xi32>
    %swap3A_743 = arith.constant 1776 : index
    %swap3A_744 = tpu.vector_load %arg9[%swap3A_743] {strides = array<i32>} : memref<4096xi32, #tpu.memory_space<vmem>>, vector<16xi32>,
    tpu.vector_store %arg9[%swap3A_743], %add3A_742 {strides = array<i32>} : memref<4096xi32, #tpu.memory_space<vmem>>, vector<16xi32>,
    %add3A_745 = arith.constant 16 : i32
    %add3A_746 = vector.broadcast %add3A_745 : i32 to vector<16xi32>
    %add3A_747 = arith.addi %add3A_101, %add3A_746 : vector<16xi32>
    %swap3A_748 = arith.constant 1792 : index
    %swap3A_749 = tpu.vector_load %arg9[%swap3A_748] {strides = array<i32>} : memref<4096xi32, #tpu.memory_space<vmem>>, vector<16xi32>,
    tpu.vector_store %arg9[%swap3A_748], %add3A_747 {strides = array<i32>} : memref<4096xi32, #tpu.memory_space<vmem>>, vector<16xi32>,
    %add3A_750 = arith.constant 17 : i32
    %add3A_751 = vector.broadcast %add3A_750 : i32 to vector<16xi32>
    %add3A_752 = arith.addi %add3A_101, %add3A_751 : vector<16xi32>
    %swap3A_753 = arith.constant 1808 : index
    %swap3A_754 = tpu.vector_load %arg9[%swap3A_753] {strides = array<i32>} : memref<4096xi32, #tpu.memory_space<vmem>>, vector<16xi32>,
    tpu.vector_store %arg9[%swap3A_753], %add3A_752 {strides = array<i32>} : memref<4096xi32, #tpu.memory_space<vmem>>, vector<16xi32>,
    %add3A_755 = arith.constant 18 : i32
    %add3A_756 = vector.broadcast %add3A_755 : i32 to vector<16xi32>
    %add3A_757 = arith.addi %add3A_101, %add3A_756 : vector<16xi32>
    %swap3A_758 = arith.constant 1824 : index
    %swap3A_759 = tpu.vector_load %arg9[%swap3A_758] {strides = array<i32>} : memref<4096xi32, #tpu.memory_space<vmem>>, vector<16xi32>,
    tpu.vector_store %arg9[%swap3A_758], %add3A_757 {strides = array<i32>} : memref<4096xi32, #tpu.memory_space<vmem>>, vector<16xi32>,
    %add3A_760 = arith.constant 19 : i32
    %add3A_761 = vector.broadcast %add3A_760 : i32 to vector<16xi32>
    %add3A_762 = arith.addi %add3A_101, %add3A_761 : vector<16xi32>
    %swap3A_763 = arith.constant 1840 : index
    %swap3A_764 = tpu.vector_load %arg9[%swap3A_763] {strides = array<i32>} : memref<4096xi32, #tpu.memory_space<vmem>>, vector<16xi32>,
    tpu.vector_store %arg9[%swap3A_763], %add3A_762 {strides = array<i32>} : memref<4096xi32, #tpu.memory_space<vmem>>, vector<16xi32>,
    %add3A_765 = arith.constant 20 : i32
    %add3A_766 = vector.broadcast %add3A_765 : i32 to vector<16xi32>
    %add3A_767 = arith.addi %add3A_101, %add3A_766 : vector<16xi32>
    %swap3A_768 = arith.constant 1856 : index
    %swap3A_769 = tpu.vector_load %arg9[%swap3A_768] {strides = array<i32>} : memref<4096xi32, #tpu.memory_space<vmem>>, vector<16xi32>,
    tpu.vector_store %arg9[%swap3A_768], %add3A_767 {strides = array<i32>} : memref<4096xi32, #tpu.memory_space<vmem>>, vector<16xi32>,
    %add3A_770 = arith.constant 21 : i32
    %add3A_771 = vector.broadcast %add3A_770 : i32 to vector<16xi32>
    %add3A_772 = arith.addi %add3A_101, %add3A_771 : vector<16xi32>
    %swap3A_773 = arith.constant 1872 : index
    %swap3A_774 = tpu.vector_load %arg9[%swap3A_773] {strides = array<i32>} : memref<4096xi32, #tpu.memory_space<vmem>>, vector<16xi32>,
    tpu.vector_store %arg9[%swap3A_773], %add3A_772 {strides = array<i32>} : memref<4096xi32, #tpu.memory_space<vmem>>, vector<16xi32>,
    %add3A_775 = arith.constant 22 : i32
    %add3A_776 = vector.broadcast %add3A_775 : i32 to vector<16xi32>
    %add3A_777 = arith.addi %add3A_101, %add3A_776 : vector<16xi32>
    %swap3A_778 = arith.constant 1888 : index
    %swap3A_779 = tpu.vector_load %arg9[%swap3A_778] {strides = array<i32>} : memref<4096xi32, #tpu.memory_space<vmem>>, vector<16xi32>,
    tpu.vector_store %arg9[%swap3A_778], %add3A_777 {strides = array<i32>} : memref<4096xi32, #tpu.memory_space<vmem>>, vector<16xi32>,
    %add3A_780 = arith.constant 23 : i32
    %add3A_781 = vector.broadcast %add3A_780 : i32 to vector<16xi32>
    %add3A_782 = arith.addi %add3A_101, %add3A_781 : vector<16xi32>
    %swap3A_783 = arith.constant 1904 : index
    %swap3A_784 = tpu.vector_load %arg9[%swap3A_783] {strides = array<i32>} : memref<4096xi32, #tpu.memory_space<vmem>>, vector<16xi32>,
    tpu.vector_store %arg9[%swap3A_783], %add3A_782 {strides = array<i32>} : memref<4096xi32, #tpu.memory_space<vmem>>, vector<16xi32>,
    %add3A_785 = arith.constant 24 : i32
    %add3A_786 = vector.broadcast %add3A_785 : i32 to vector<16xi32>
    %add3A_787 = arith.addi %add3A_101, %add3A_786 : vector<16xi32>
    %swap3A_788 = arith.constant 1920 : index
    %swap3A_789 = tpu.vector_load %arg9[%swap3A_788] {strides = array<i32>} : memref<4096xi32, #tpu.memory_space<vmem>>, vector<16xi32>,
    tpu.vector_store %arg9[%swap3A_788], %add3A_787 {strides = array<i32>} : memref<4096xi32, #tpu.memory_space<vmem>>, vector<16xi32>,
    %add3A_790 = arith.constant 25 : i32
    %add3A_791 = vector.broadcast %add3A_790 : i32 to vector<16xi32>
    %add3A_792 = arith.addi %add3A_101, %add3A_791 : vector<16xi32>
    %swap3A_793 = arith.constant 1936 : index
    %swap3A_794 = tpu.vector_load %arg9[%swap3A_793] {strides = array<i32>} : memref<4096xi32, #tpu.memory_space<vmem>>, vector<16xi32>,
    tpu.vector_store %arg9[%swap3A_793], %add3A_792 {strides = array<i32>} : memref<4096xi32, #tpu.memory_space<vmem>>, vector<16xi32>,
    %add3A_795 = arith.constant 26 : i32
    %add3A_796 = vector.broadcast %add3A_795 : i32 to vector<16xi32>
    %add3A_797 = arith.addi %add3A_101, %add3A_796 : vector<16xi32>
    %swap3A_798 = arith.constant 1952 : index
    %swap3A_799 = tpu.vector_load %arg9[%swap3A_798] {strides = array<i32>} : memref<4096xi32, #tpu.memory_space<vmem>>, vector<16xi32>,
    tpu.vector_store %arg9[%swap3A_798], %add3A_797 {strides = array<i32>} : memref<4096xi32, #tpu.memory_space<vmem>>, vector<16xi32>,
    %add3A_800 = arith.constant 27 : i32
    %add3A_801 = vector.broadcast %add3A_800 : i32 to vector<16xi32>
    %add3A_802 = arith.addi %add3A_101, %add3A_801 : vector<16xi32>
    %swap3A_803 = arith.constant 1968 : index
    %swap3A_804 = tpu.vector_load %arg9[%swap3A_803] {strides = array<i32>} : memref<4096xi32, #tpu.memory_space<vmem>>, vector<16xi32>,
    tpu.vector_store %arg9[%swap3A_803], %add3A_802 {strides = array<i32>} : memref<4096xi32, #tpu.memory_space<vmem>>, vector<16xi32>,
    %add3A_805 = arith.constant 28 : i32
    %add3A_806 = vector.broadcast %add3A_805 : i32 to vector<16xi32>
    %add3A_807 = arith.addi %add3A_101, %add3A_806 : vector<16xi32>
    %swap3A_808 = arith.constant 1984 : index
    %swap3A_809 = tpu.vector_load %arg9[%swap3A_808] {strides = array<i32>} : memref<4096xi32, #tpu.memory_space<vmem>>, vector<16xi32>,
    tpu.vector_store %arg9[%swap3A_808], %add3A_807 {strides = array<i32>} : memref<4096xi32, #tpu.memory_space<vmem>>, vector<16xi32>,
    %add3A_810 = arith.constant 29 : i32
    %add3A_811 = vector.broadcast %add3A_810 : i32 to vector<16xi32>
    %add3A_812 = arith.addi %add3A_101, %add3A_811 : vector<16xi32>
    %swap3A_813 = arith.constant 2000 : index
    %swap3A_814 = tpu.vector_load %arg9[%swap3A_813] {strides = array<i32>} : memref<4096xi32, #tpu.memory_space<vmem>>, vector<16xi32>,
    tpu.vector_store %arg9[%swap3A_813], %add3A_812 {strides = array<i32>} : memref<4096xi32, #tpu.memory_space<vmem>>, vector<16xi32>,
    %add3A_815 = arith.constant 30 : i32
    %add3A_816 = vector.broadcast %add3A_815 : i32 to vector<16xi32>
    %add3A_817 = arith.addi %add3A_101, %add3A_816 : vector<16xi32>
    %swap3A_818 = arith.constant 2016 : index
    %swap3A_819 = tpu.vector_load %arg9[%swap3A_818] {strides = array<i32>} : memref<4096xi32, #tpu.memory_space<vmem>>, vector<16xi32>,
    tpu.vector_store %arg9[%swap3A_818], %add3A_817 {strides = array<i32>} : memref<4096xi32, #tpu.memory_space<vmem>>, vector<16xi32>,
    %add3A_820 = arith.constant 31 : i32
    %add3A_821 = vector.broadcast %add3A_820 : i32 to vector<16xi32>
    %add3A_822 = arith.addi %add3A_101, %add3A_821 : vector<16xi32>
    %swap3A_823 = arith.constant 2032 : index
    %swap3A_824 = tpu.vector_load %arg9[%swap3A_823] {strides = array<i32>} : memref<4096xi32, #tpu.memory_space<vmem>>, vector<16xi32>,
    tpu.vector_store %arg9[%swap3A_823], %add3A_822 {strides = array<i32>} : memref<4096xi32, #tpu.memory_space<vmem>>, vector<16xi32>,
    %add3A_825 = arith.constant 0 : i32
    %add3A_826 = vector.broadcast %add3A_825 : i32 to vector<16xi32>
    %add3A_827 = arith.addi %add3A_110, %add3A_826 : vector<16xi32>
    %swap3A_828 = arith.constant 2048 : index
    %swap3A_829 = tpu.vector_load %arg9[%swap3A_828] {strides = array<i32>} : memref<4096xi32, #tpu.memory_space<vmem>>, vector<16xi32>,
    tpu.vector_store %arg9[%swap3A_828], %add3A_827 {strides = array<i32>} : memref<4096xi32, #tpu.memory_space<vmem>>, vector<16xi32>,
    %add3A_830 = arith.constant 1 : i32
    %add3A_831 = vector.broadcast %add3A_830 : i32 to vector<16xi32>
    %add3A_832 = arith.addi %add3A_110, %add3A_831 : vector<16xi32>
    %swap3A_833 = arith.constant 2064 : index
    %swap3A_834 = tpu.vector_load %arg9[%swap3A_833] {strides = array<i32>} : memref<4096xi32, #tpu.memory_space<vmem>>, vector<16xi32>,
    tpu.vector_store %arg9[%swap3A_833], %add3A_832 {strides = array<i32>} : memref<4096xi32, #tpu.memory_space<vmem>>, vector<16xi32>,
    %add3A_835 = arith.constant 2 : i32
    %add3A_836 = vector.broadcast %add3A_835 : i32 to vector<16xi32>
    %add3A_837 = arith.addi %add3A_110, %add3A_836 : vector<16xi32>
    %swap3A_838 = arith.constant 2080 : index
    %swap3A_839 = tpu.vector_load %arg9[%swap3A_838] {strides = array<i32>} : memref<4096xi32, #tpu.memory_space<vmem>>, vector<16xi32>,
    tpu.vector_store %arg9[%swap3A_838], %add3A_837 {strides = array<i32>} : memref<4096xi32, #tpu.memory_space<vmem>>, vector<16xi32>,
    %add3A_840 = arith.constant 3 : i32
    %add3A_841 = vector.broadcast %add3A_840 : i32 to vector<16xi32>
    %add3A_842 = arith.addi %add3A_110, %add3A_841 : vector<16xi32>
    %swap3A_843 = arith.constant 2096 : index
    %swap3A_844 = tpu.vector_load %arg9[%swap3A_843] {strides = array<i32>} : memref<4096xi32, #tpu.memory_space<vmem>>, vector<16xi32>,
    tpu.vector_store %arg9[%swap3A_843], %add3A_842 {strides = array<i32>} : memref<4096xi32, #tpu.memory_space<vmem>>, vector<16xi32>,
    %add3A_845 = arith.constant 4 : i32
    %add3A_846 = vector.broadcast %add3A_845 : i32 to vector<16xi32>
    %add3A_847 = arith.addi %add3A_110, %add3A_846 : vector<16xi32>
    %swap3A_848 = arith.constant 2112 : index
    %swap3A_849 = tpu.vector_load %arg9[%swap3A_848] {strides = array<i32>} : memref<4096xi32, #tpu.memory_space<vmem>>, vector<16xi32>,
    tpu.vector_store %arg9[%swap3A_848], %add3A_847 {strides = array<i32>} : memref<4096xi32, #tpu.memory_space<vmem>>, vector<16xi32>,
    %add3A_850 = arith.constant 5 : i32
    %add3A_851 = vector.broadcast %add3A_850 : i32 to vector<16xi32>
    %add3A_852 = arith.addi %add3A_110, %add3A_851 : vector<16xi32>
    %swap3A_853 = arith.constant 2128 : index
    %swap3A_854 = tpu.vector_load %arg9[%swap3A_853] {strides = array<i32>} : memref<4096xi32, #tpu.memory_space<vmem>>, vector<16xi32>,
    tpu.vector_store %arg9[%swap3A_853], %add3A_852 {strides = array<i32>} : memref<4096xi32, #tpu.memory_space<vmem>>, vector<16xi32>,
    %add3A_855 = arith.constant 6 : i32
    %add3A_856 = vector.broadcast %add3A_855 : i32 to vector<16xi32>
    %add3A_857 = arith.addi %add3A_110, %add3A_856 : vector<16xi32>
    %swap3A_858 = arith.constant 2144 : index
    %swap3A_859 = tpu.vector_load %arg9[%swap3A_858] {strides = array<i32>} : memref<4096xi32, #tpu.memory_space<vmem>>, vector<16xi32>,
    tpu.vector_store %arg9[%swap3A_858], %add3A_857 {strides = array<i32>} : memref<4096xi32, #tpu.memory_space<vmem>>, vector<16xi32>,
    %add3A_860 = arith.constant 7 : i32
    %add3A_861 = vector.broadcast %add3A_860 : i32 to vector<16xi32>
    %add3A_862 = arith.addi %add3A_110, %add3A_861 : vector<16xi32>
    %swap3A_863 = arith.constant 2160 : index
    %swap3A_864 = tpu.vector_load %arg9[%swap3A_863] {strides = array<i32>} : memref<4096xi32, #tpu.memory_space<vmem>>, vector<16xi32>,
    tpu.vector_store %arg9[%swap3A_863], %add3A_862 {strides = array<i32>} : memref<4096xi32, #tpu.memory_space<vmem>>, vector<16xi32>,
    %add3A_865 = arith.constant 8 : i32
    %add3A_866 = vector.broadcast %add3A_865 : i32 to vector<16xi32>
    %add3A_867 = arith.addi %add3A_110, %add3A_866 : vector<16xi32>
    %swap3A_868 = arith.constant 2176 : index
    %swap3A_869 = tpu.vector_load %arg9[%swap3A_868] {strides = array<i32>} : memref<4096xi32, #tpu.memory_space<vmem>>, vector<16xi32>,
    tpu.vector_store %arg9[%swap3A_868], %add3A_867 {strides = array<i32>} : memref<4096xi32, #tpu.memory_space<vmem>>, vector<16xi32>,
    %add3A_870 = arith.constant 9 : i32
    %add3A_871 = vector.broadcast %add3A_870 : i32 to vector<16xi32>
    %add3A_872 = arith.addi %add3A_110, %add3A_871 : vector<16xi32>
    %swap3A_873 = arith.constant 2192 : index
    %swap3A_874 = tpu.vector_load %arg9[%swap3A_873] {strides = array<i32>} : memref<4096xi32, #tpu.memory_space<vmem>>, vector<16xi32>,
    tpu.vector_store %arg9[%swap3A_873], %add3A_872 {strides = array<i32>} : memref<4096xi32, #tpu.memory_space<vmem>>, vector<16xi32>,
    %add3A_875 = arith.constant 10 : i32
    %add3A_876 = vector.broadcast %add3A_875 : i32 to vector<16xi32>
    %add3A_877 = arith.addi %add3A_110, %add3A_876 : vector<16xi32>
    %swap3A_878 = arith.constant 2208 : index
    %swap3A_879 = tpu.vector_load %arg9[%swap3A_878] {strides = array<i32>} : memref<4096xi32, #tpu.memory_space<vmem>>, vector<16xi32>,
    tpu.vector_store %arg9[%swap3A_878], %add3A_877 {strides = array<i32>} : memref<4096xi32, #tpu.memory_space<vmem>>, vector<16xi32>,
    %add3A_880 = arith.constant 11 : i32
    %add3A_881 = vector.broadcast %add3A_880 : i32 to vector<16xi32>
    %add3A_882 = arith.addi %add3A_110, %add3A_881 : vector<16xi32>
    %swap3A_883 = arith.constant 2224 : index
    %swap3A_884 = tpu.vector_load %arg9[%swap3A_883] {strides = array<i32>} : memref<4096xi32, #tpu.memory_space<vmem>>, vector<16xi32>,
    tpu.vector_store %arg9[%swap3A_883], %add3A_882 {strides = array<i32>} : memref<4096xi32, #tpu.memory_space<vmem>>, vector<16xi32>,
    %add3A_885 = arith.constant 12 : i32
    %add3A_886 = vector.broadcast %add3A_885 : i32 to vector<16xi32>
    %add3A_887 = arith.addi %add3A_110, %add3A_886 : vector<16xi32>
    %swap3A_888 = arith.constant 2240 : index
    %swap3A_889 = tpu.vector_load %arg9[%swap3A_888] {strides = array<i32>} : memref<4096xi32, #tpu.memory_space<vmem>>, vector<16xi32>,
    tpu.vector_store %arg9[%swap3A_888], %add3A_887 {strides = array<i32>} : memref<4096xi32, #tpu.memory_space<vmem>>, vector<16xi32>,
    %add3A_890 = arith.constant 13 : i32
    %add3A_891 = vector.broadcast %add3A_890 : i32 to vector<16xi32>
    %add3A_892 = arith.addi %add3A_110, %add3A_891 : vector<16xi32>
    %swap3A_893 = arith.constant 2256 : index
    %swap3A_894 = tpu.vector_load %arg9[%swap3A_893] {strides = array<i32>} : memref<4096xi32, #tpu.memory_space<vmem>>, vector<16xi32>,
    tpu.vector_store %arg9[%swap3A_893], %add3A_892 {strides = array<i32>} : memref<4096xi32, #tpu.memory_space<vmem>>, vector<16xi32>,
    %add3A_895 = arith.constant 14 : i32
    %add3A_896 = vector.broadcast %add3A_895 : i32 to vector<16xi32>
    %add3A_897 = arith.addi %add3A_110, %add3A_896 : vector<16xi32>
    %swap3A_898 = arith.constant 2272 : index
    %swap3A_899 = tpu.vector_load %arg9[%swap3A_898] {strides = array<i32>} : memref<4096xi32, #tpu.memory_space<vmem>>, vector<16xi32>,
    tpu.vector_store %arg9[%swap3A_898], %add3A_897 {strides = array<i32>} : memref<4096xi32, #tpu.memory_space<vmem>>, vector<16xi32>,
    %add3A_900 = arith.constant 15 : i32
    %add3A_901 = vector.broadcast %add3A_900 : i32 to vector<16xi32>
    %add3A_902 = arith.addi %add3A_110, %add3A_901 : vector<16xi32>
    %swap3A_903 = arith.constant 2288 : index
    %swap3A_904 = tpu.vector_load %arg9[%swap3A_903] {strides = array<i32>} : memref<4096xi32, #tpu.memory_space<vmem>>, vector<16xi32>,
    tpu.vector_store %arg9[%swap3A_903], %add3A_902 {strides = array<i32>} : memref<4096xi32, #tpu.memory_space<vmem>>, vector<16xi32>,
    %add3A_905 = arith.constant 16 : i32
    %add3A_906 = vector.broadcast %add3A_905 : i32 to vector<16xi32>
    %add3A_907 = arith.addi %add3A_110, %add3A_906 : vector<16xi32>
    %swap3A_908 = arith.constant 2304 : index
    %swap3A_909 = tpu.vector_load %arg9[%swap3A_908] {strides = array<i32>} : memref<4096xi32, #tpu.memory_space<vmem>>, vector<16xi32>,
    tpu.vector_store %arg9[%swap3A_908], %add3A_907 {strides = array<i32>} : memref<4096xi32, #tpu.memory_space<vmem>>, vector<16xi32>,
    %add3A_910 = arith.constant 17 : i32
    %add3A_911 = vector.broadcast %add3A_910 : i32 to vector<16xi32>
    %add3A_912 = arith.addi %add3A_110, %add3A_911 : vector<16xi32>
    %swap3A_913 = arith.constant 2320 : index
    %swap3A_914 = tpu.vector_load %arg9[%swap3A_913] {strides = array<i32>} : memref<4096xi32, #tpu.memory_space<vmem>>, vector<16xi32>,
    tpu.vector_store %arg9[%swap3A_913], %add3A_912 {strides = array<i32>} : memref<4096xi32, #tpu.memory_space<vmem>>, vector<16xi32>,
    %add3A_915 = arith.constant 18 : i32
    %add3A_916 = vector.broadcast %add3A_915 : i32 to vector<16xi32>
    %add3A_917 = arith.addi %add3A_110, %add3A_916 : vector<16xi32>
    %swap3A_918 = arith.constant 2336 : index
    %swap3A_919 = tpu.vector_load %arg9[%swap3A_918] {strides = array<i32>} : memref<4096xi32, #tpu.memory_space<vmem>>, vector<16xi32>,
    tpu.vector_store %arg9[%swap3A_918], %add3A_917 {strides = array<i32>} : memref<4096xi32, #tpu.memory_space<vmem>>, vector<16xi32>,
    %add3A_920 = arith.constant 19 : i32
    %add3A_921 = vector.broadcast %add3A_920 : i32 to vector<16xi32>
    %add3A_922 = arith.addi %add3A_110, %add3A_921 : vector<16xi32>
    %swap3A_923 = arith.constant 2352 : index
    %swap3A_924 = tpu.vector_load %arg9[%swap3A_923] {strides = array<i32>} : memref<4096xi32, #tpu.memory_space<vmem>>, vector<16xi32>,
    tpu.vector_store %arg9[%swap3A_923], %add3A_922 {strides = array<i32>} : memref<4096xi32, #tpu.memory_space<vmem>>, vector<16xi32>,
    %add3A_925 = arith.constant 20 : i32
    %add3A_926 = vector.broadcast %add3A_925 : i32 to vector<16xi32>
    %add3A_927 = arith.addi %add3A_110, %add3A_926 : vector<16xi32>
    %swap3A_928 = arith.constant 2368 : index
    %swap3A_929 = tpu.vector_load %arg9[%swap3A_928] {strides = array<i32>} : memref<4096xi32, #tpu.memory_space<vmem>>, vector<16xi32>,
    tpu.vector_store %arg9[%swap3A_928], %add3A_927 {strides = array<i32>} : memref<4096xi32, #tpu.memory_space<vmem>>, vector<16xi32>,
    %add3A_930 = arith.constant 21 : i32
    %add3A_931 = vector.broadcast %add3A_930 : i32 to vector<16xi32>
    %add3A_932 = arith.addi %add3A_110, %add3A_931 : vector<16xi32>
    %swap3A_933 = arith.constant 2384 : index
    %swap3A_934 = tpu.vector_load %arg9[%swap3A_933] {strides = array<i32>} : memref<4096xi32, #tpu.memory_space<vmem>>, vector<16xi32>,
    tpu.vector_store %arg9[%swap3A_933], %add3A_932 {strides = array<i32>} : memref<4096xi32, #tpu.memory_space<vmem>>, vector<16xi32>,
    %add3A_935 = arith.constant 22 : i32
    %add3A_936 = vector.broadcast %add3A_935 : i32 to vector<16xi32>
    %add3A_937 = arith.addi %add3A_110, %add3A_936 : vector<16xi32>
    %swap3A_938 = arith.constant 2400 : index
    %swap3A_939 = tpu.vector_load %arg9[%swap3A_938] {strides = array<i32>} : memref<4096xi32, #tpu.memory_space<vmem>>, vector<16xi32>,
    tpu.vector_store %arg9[%swap3A_938], %add3A_937 {strides = array<i32>} : memref<4096xi32, #tpu.memory_space<vmem>>, vector<16xi32>,
    %add3A_940 = arith.constant 23 : i32
    %add3A_941 = vector.broadcast %add3A_940 : i32 to vector<16xi32>
    %add3A_942 = arith.addi %add3A_110, %add3A_941 : vector<16xi32>
    %swap3A_943 = arith.constant 2416 : index
    %swap3A_944 = tpu.vector_load %arg9[%swap3A_943] {strides = array<i32>} : memref<4096xi32, #tpu.memory_space<vmem>>, vector<16xi32>,
    tpu.vector_store %arg9[%swap3A_943], %add3A_942 {strides = array<i32>} : memref<4096xi32, #tpu.memory_space<vmem>>, vector<16xi32>,
    %add3A_945 = arith.constant 24 : i32
    %add3A_946 = vector.broadcast %add3A_945 : i32 to vector<16xi32>
    %add3A_947 = arith.addi %add3A_110, %add3A_946 : vector<16xi32>
    %swap3A_948 = arith.constant 2432 : index
    %swap3A_949 = tpu.vector_load %arg9[%swap3A_948] {strides = array<i32>} : memref<4096xi32, #tpu.memory_space<vmem>>, vector<16xi32>,
    tpu.vector_store %arg9[%swap3A_948], %add3A_947 {strides = array<i32>} : memref<4096xi32, #tpu.memory_space<vmem>>, vector<16xi32>,
    %add3A_950 = arith.constant 25 : i32
    %add3A_951 = vector.broadcast %add3A_950 : i32 to vector<16xi32>
    %add3A_952 = arith.addi %add3A_110, %add3A_951 : vector<16xi32>
    %swap3A_953 = arith.constant 2448 : index
    %swap3A_954 = tpu.vector_load %arg9[%swap3A_953] {strides = array<i32>} : memref<4096xi32, #tpu.memory_space<vmem>>, vector<16xi32>,
    tpu.vector_store %arg9[%swap3A_953], %add3A_952 {strides = array<i32>} : memref<4096xi32, #tpu.memory_space<vmem>>, vector<16xi32>,
    %add3A_955 = arith.constant 26 : i32
    %add3A_956 = vector.broadcast %add3A_955 : i32 to vector<16xi32>
    %add3A_957 = arith.addi %add3A_110, %add3A_956 : vector<16xi32>
    %swap3A_958 = arith.constant 2464 : index
    %swap3A_959 = tpu.vector_load %arg9[%swap3A_958] {strides = array<i32>} : memref<4096xi32, #tpu.memory_space<vmem>>, vector<16xi32>,
    tpu.vector_store %arg9[%swap3A_958], %add3A_957 {strides = array<i32>} : memref<4096xi32, #tpu.memory_space<vmem>>, vector<16xi32>,
    %add3A_960 = arith.constant 27 : i32
    %add3A_961 = vector.broadcast %add3A_960 : i32 to vector<16xi32>
    %add3A_962 = arith.addi %add3A_110, %add3A_961 : vector<16xi32>
    %swap3A_963 = arith.constant 2480 : index
    %swap3A_964 = tpu.vector_load %arg9[%swap3A_963] {strides = array<i32>} : memref<4096xi32, #tpu.memory_space<vmem>>, vector<16xi32>,
    tpu.vector_store %arg9[%swap3A_963], %add3A_962 {strides = array<i32>} : memref<4096xi32, #tpu.memory_space<vmem>>, vector<16xi32>,
    %add3A_965 = arith.constant 28 : i32
    %add3A_966 = vector.broadcast %add3A_965 : i32 to vector<16xi32>
    %add3A_967 = arith.addi %add3A_110, %add3A_966 : vector<16xi32>
    %swap3A_968 = arith.constant 2496 : index
    %swap3A_969 = tpu.vector_load %arg9[%swap3A_968] {strides = array<i32>} : memref<4096xi32, #tpu.memory_space<vmem>>, vector<16xi32>,
    tpu.vector_store %arg9[%swap3A_968], %add3A_967 {strides = array<i32>} : memref<4096xi32, #tpu.memory_space<vmem>>, vector<16xi32>,
    %add3A_970 = arith.constant 29 : i32
    %add3A_971 = vector.broadcast %add3A_970 : i32 to vector<16xi32>
    %add3A_972 = arith.addi %add3A_110, %add3A_971 : vector<16xi32>
    %swap3A_973 = arith.constant 2512 : index
    %swap3A_974 = tpu.vector_load %arg9[%swap3A_973] {strides = array<i32>} : memref<4096xi32, #tpu.memory_space<vmem>>, vector<16xi32>,
    tpu.vector_store %arg9[%swap3A_973], %add3A_972 {strides = array<i32>} : memref<4096xi32, #tpu.memory_space<vmem>>, vector<16xi32>,
    %add3A_975 = arith.constant 30 : i32
    %add3A_976 = vector.broadcast %add3A_975 : i32 to vector<16xi32>
    %add3A_977 = arith.addi %add3A_110, %add3A_976 : vector<16xi32>
    %swap3A_978 = arith.constant 2528 : index
    %swap3A_979 = tpu.vector_load %arg9[%swap3A_978] {strides = array<i32>} : memref<4096xi32, #tpu.memory_space<vmem>>, vector<16xi32>,
    tpu.vector_store %arg9[%swap3A_978], %add3A_977 {strides = array<i32>} : memref<4096xi32, #tpu.memory_space<vmem>>, vector<16xi32>,
    %add3A_980 = arith.constant 31 : i32
    %add3A_981 = vector.broadcast %add3A_980 : i32 to vector<16xi32>
    %add3A_982 = arith.addi %add3A_110, %add3A_981 : vector<16xi32>
    %swap3A_983 = arith.constant 2544 : index
    %swap3A_984 = tpu.vector_load %arg9[%swap3A_983] {strides = array<i32>} : memref<4096xi32, #tpu.memory_space<vmem>>, vector<16xi32>,
    tpu.vector_store %arg9[%swap3A_983], %add3A_982 {strides = array<i32>} : memref<4096xi32, #tpu.memory_space<vmem>>, vector<16xi32>,
    %add3A_985 = arith.constant 0 : i32
    %add3A_986 = vector.broadcast %add3A_985 : i32 to vector<16xi32>
    %add3A_987 = arith.addi %add3A_119, %add3A_986 : vector<16xi32>
    %swap3A_988 = arith.constant 2560 : index
    %swap3A_989 = tpu.vector_load %arg9[%swap3A_988] {strides = array<i32>} : memref<4096xi32, #tpu.memory_space<vmem>>, vector<16xi32>,
    tpu.vector_store %arg9[%swap3A_988], %add3A_987 {strides = array<i32>} : memref<4096xi32, #tpu.memory_space<vmem>>, vector<16xi32>,
    %add3A_990 = arith.constant 1 : i32
    %add3A_991 = vector.broadcast %add3A_990 : i32 to vector<16xi32>
    %add3A_992 = arith.addi %add3A_119, %add3A_991 : vector<16xi32>
    %swap3A_993 = arith.constant 2576 : index
    %swap3A_994 = tpu.vector_load %arg9[%swap3A_993] {strides = array<i32>} : memref<4096xi32, #tpu.memory_space<vmem>>, vector<16xi32>,
    tpu.vector_store %arg9[%swap3A_993], %add3A_992 {strides = array<i32>} : memref<4096xi32, #tpu.memory_space<vmem>>, vector<16xi32>,
    %add3A_995 = arith.constant 2 : i32
    %add3A_996 = vector.broadcast %add3A_995 : i32 to vector<16xi32>
    %add3A_997 = arith.addi %add3A_119, %add3A_996 : vector<16xi32>
    %swap3A_998 = arith.constant 2592 : index
    %swap3A_999 = tpu.vector_load %arg9[%swap3A_998] {strides = array<i32>} : memref<4096xi32, #tpu.memory_space<vmem>>, vector<16xi32>,
    tpu.vector_store %arg9[%swap3A_998], %add3A_997 {strides = array<i32>} : memref<4096xi32, #tpu.memory_space<vmem>>, vector<16xi32>,
    %add3A_1000 = arith.constant 3 : i32
    %add3A_1001 = vector.broadcast %add3A_1000 : i32 to vector<16xi32>
    %add3A_1002 = arith.addi %add3A_119, %add3A_1001 : vector<16xi32>
    %swap3A_1003 = arith.constant 2608 : index
    %swap3A_1004 = tpu.vector_load %arg9[%swap3A_1003] {strides = array<i32>} : memref<4096xi32, #tpu.memory_space<vmem>>, vector<16xi32>,
    tpu.vector_store %arg9[%swap3A_1003], %add3A_1002 {strides = array<i32>} : memref<4096xi32, #tpu.memory_space<vmem>>, vector<16xi32>,
    %add3A_1005 = arith.constant 4 : i32
    %add3A_1006 = vector.broadcast %add3A_1005 : i32 to vector<16xi32>
    %add3A_1007 = arith.addi %add3A_119, %add3A_1006 : vector<16xi32>
    %swap3A_1008 = arith.constant 2624 : index
    %swap3A_1009 = tpu.vector_load %arg9[%swap3A_1008] {strides = array<i32>} : memref<4096xi32, #tpu.memory_space<vmem>>, vector<16xi32>,
    tpu.vector_store %arg9[%swap3A_1008], %add3A_1007 {strides = array<i32>} : memref<4096xi32, #tpu.memory_space<vmem>>, vector<16xi32>,
    %add3A_1010 = arith.constant 5 : i32
    %add3A_1011 = vector.broadcast %add3A_1010 : i32 to vector<16xi32>
    %add3A_1012 = arith.addi %add3A_119, %add3A_1011 : vector<16xi32>
    %swap3A_1013 = arith.constant 2640 : index
    %swap3A_1014 = tpu.vector_load %arg9[%swap3A_1013] {strides = array<i32>} : memref<4096xi32, #tpu.memory_space<vmem>>, vector<16xi32>,
    tpu.vector_store %arg9[%swap3A_1013], %add3A_1012 {strides = array<i32>} : memref<4096xi32, #tpu.memory_space<vmem>>, vector<16xi32>,
    %add3A_1015 = arith.constant 6 : i32
    %add3A_1016 = vector.broadcast %add3A_1015 : i32 to vector<16xi32>
    %add3A_1017 = arith.addi %add3A_119, %add3A_1016 : vector<16xi32>
    %swap3A_1018 = arith.constant 2656 : index
    %swap3A_1019 = tpu.vector_load %arg9[%swap3A_1018] {strides = array<i32>} : memref<4096xi32, #tpu.memory_space<vmem>>, vector<16xi32>,
    tpu.vector_store %arg9[%swap3A_1018], %add3A_1017 {strides = array<i32>} : memref<4096xi32, #tpu.memory_space<vmem>>, vector<16xi32>,
    %add3A_1020 = arith.constant 7 : i32
    %add3A_1021 = vector.broadcast %add3A_1020 : i32 to vector<16xi32>
    %add3A_1022 = arith.addi %add3A_119, %add3A_1021 : vector<16xi32>
    %swap3A_1023 = arith.constant 2672 : index
    %swap3A_1024 = tpu.vector_load %arg9[%swap3A_1023] {strides = array<i32>} : memref<4096xi32, #tpu.memory_space<vmem>>, vector<16xi32>,
    tpu.vector_store %arg9[%swap3A_1023], %add3A_1022 {strides = array<i32>} : memref<4096xi32, #tpu.memory_space<vmem>>, vector<16xi32>,
    %add3A_1025 = arith.constant 8 : i32
    %add3A_1026 = vector.broadcast %add3A_1025 : i32 to vector<16xi32>
    %add3A_1027 = arith.addi %add3A_119, %add3A_1026 : vector<16xi32>
    %swap3A_1028 = arith.constant 2688 : index
    %swap3A_1029 = tpu.vector_load %arg9[%swap3A_1028] {strides = array<i32>} : memref<4096xi32, #tpu.memory_space<vmem>>, vector<16xi32>,
    tpu.vector_store %arg9[%swap3A_1028], %add3A_1027 {strides = array<i32>} : memref<4096xi32, #tpu.memory_space<vmem>>, vector<16xi32>,
    %add3A_1030 = arith.constant 9 : i32
    %add3A_1031 = vector.broadcast %add3A_1030 : i32 to vector<16xi32>
    %add3A_1032 = arith.addi %add3A_119, %add3A_1031 : vector<16xi32>
    %swap3A_1033 = arith.constant 2704 : index
    %swap3A_1034 = tpu.vector_load %arg9[%swap3A_1033] {strides = array<i32>} : memref<4096xi32, #tpu.memory_space<vmem>>, vector<16xi32>,
    tpu.vector_store %arg9[%swap3A_1033], %add3A_1032 {strides = array<i32>} : memref<4096xi32, #tpu.memory_space<vmem>>, vector<16xi32>,
    %add3A_1035 = arith.constant 10 : i32
    %add3A_1036 = vector.broadcast %add3A_1035 : i32 to vector<16xi32>
    %add3A_1037 = arith.addi %add3A_119, %add3A_1036 : vector<16xi32>
    %swap3A_1038 = arith.constant 2720 : index
    %swap3A_1039 = tpu.vector_load %arg9[%swap3A_1038] {strides = array<i32>} : memref<4096xi32, #tpu.memory_space<vmem>>, vector<16xi32>,
    tpu.vector_store %arg9[%swap3A_1038], %add3A_1037 {strides = array<i32>} : memref<4096xi32, #tpu.memory_space<vmem>>, vector<16xi32>,
    %add3A_1040 = arith.constant 11 : i32
    %add3A_1041 = vector.broadcast %add3A_1040 : i32 to vector<16xi32>
    %add3A_1042 = arith.addi %add3A_119, %add3A_1041 : vector<16xi32>
    %swap3A_1043 = arith.constant 2736 : index
    %swap3A_1044 = tpu.vector_load %arg9[%swap3A_1043] {strides = array<i32>} : memref<4096xi32, #tpu.memory_space<vmem>>, vector<16xi32>,
    tpu.vector_store %arg9[%swap3A_1043], %add3A_1042 {strides = array<i32>} : memref<4096xi32, #tpu.memory_space<vmem>>, vector<16xi32>,
    %add3A_1045 = arith.constant 12 : i32
    %add3A_1046 = vector.broadcast %add3A_1045 : i32 to vector<16xi32>
    %add3A_1047 = arith.addi %add3A_119, %add3A_1046 : vector<16xi32>
    %swap3A_1048 = arith.constant 2752 : index
    %swap3A_1049 = tpu.vector_load %arg9[%swap3A_1048] {strides = array<i32>} : memref<4096xi32, #tpu.memory_space<vmem>>, vector<16xi32>,
    tpu.vector_store %arg9[%swap3A_1048], %add3A_1047 {strides = array<i32>} : memref<4096xi32, #tpu.memory_space<vmem>>, vector<16xi32>,
    %add3A_1050 = arith.constant 13 : i32
    %add3A_1051 = vector.broadcast %add3A_1050 : i32 to vector<16xi32>
    %add3A_1052 = arith.addi %add3A_119, %add3A_1051 : vector<16xi32>
    %swap3A_1053 = arith.constant 2768 : index
    %swap3A_1054 = tpu.vector_load %arg9[%swap3A_1053] {strides = array<i32>} : memref<4096xi32, #tpu.memory_space<vmem>>, vector<16xi32>,
    tpu.vector_store %arg9[%swap3A_1053], %add3A_1052 {strides = array<i32>} : memref<4096xi32, #tpu.memory_space<vmem>>, vector<16xi32>,
    %add3A_1055 = arith.constant 14 : i32
    %add3A_1056 = vector.broadcast %add3A_1055 : i32 to vector<16xi32>
    %add3A_1057 = arith.addi %add3A_119, %add3A_1056 : vector<16xi32>
    %swap3A_1058 = arith.constant 2784 : index
    %swap3A_1059 = tpu.vector_load %arg9[%swap3A_1058] {strides = array<i32>} : memref<4096xi32, #tpu.memory_space<vmem>>, vector<16xi32>,
    tpu.vector_store %arg9[%swap3A_1058], %add3A_1057 {strides = array<i32>} : memref<4096xi32, #tpu.memory_space<vmem>>, vector<16xi32>,
    %add3A_1060 = arith.constant 15 : i32
    %add3A_1061 = vector.broadcast %add3A_1060 : i32 to vector<16xi32>
    %add3A_1062 = arith.addi %add3A_119, %add3A_1061 : vector<16xi32>
    %swap3A_1063 = arith.constant 2800 : index
    %swap3A_1064 = tpu.vector_load %arg9[%swap3A_1063] {strides = array<i32>} : memref<4096xi32, #tpu.memory_space<vmem>>, vector<16xi32>,
    tpu.vector_store %arg9[%swap3A_1063], %add3A_1062 {strides = array<i32>} : memref<4096xi32, #tpu.memory_space<vmem>>, vector<16xi32>,
    %add3A_1065 = arith.constant 16 : i32
    %add3A_1066 = vector.broadcast %add3A_1065 : i32 to vector<16xi32>
    %add3A_1067 = arith.addi %add3A_119, %add3A_1066 : vector<16xi32>
    %swap3A_1068 = arith.constant 2816 : index
    %swap3A_1069 = tpu.vector_load %arg9[%swap3A_1068] {strides = array<i32>} : memref<4096xi32, #tpu.memory_space<vmem>>, vector<16xi32>,
    tpu.vector_store %arg9[%swap3A_1068], %add3A_1067 {strides = array<i32>} : memref<4096xi32, #tpu.memory_space<vmem>>, vector<16xi32>,
    %add3A_1070 = arith.constant 17 : i32
    %add3A_1071 = vector.broadcast %add3A_1070 : i32 to vector<16xi32>
    %add3A_1072 = arith.addi %add3A_119, %add3A_1071 : vector<16xi32>
    %swap3A_1073 = arith.constant 2832 : index
    %swap3A_1074 = tpu.vector_load %arg9[%swap3A_1073] {strides = array<i32>} : memref<4096xi32, #tpu.memory_space<vmem>>, vector<16xi32>,
    tpu.vector_store %arg9[%swap3A_1073], %add3A_1072 {strides = array<i32>} : memref<4096xi32, #tpu.memory_space<vmem>>, vector<16xi32>,
    %add3A_1075 = arith.constant 18 : i32
    %add3A_1076 = vector.broadcast %add3A_1075 : i32 to vector<16xi32>
    %add3A_1077 = arith.addi %add3A_119, %add3A_1076 : vector<16xi32>
    %swap3A_1078 = arith.constant 2848 : index
    %swap3A_1079 = tpu.vector_load %arg9[%swap3A_1078] {strides = array<i32>} : memref<4096xi32, #tpu.memory_space<vmem>>, vector<16xi32>,
    tpu.vector_store %arg9[%swap3A_1078], %add3A_1077 {strides = array<i32>} : memref<4096xi32, #tpu.memory_space<vmem>>, vector<16xi32>,
    %add3A_1080 = arith.constant 19 : i32
    %add3A_1081 = vector.broadcast %add3A_1080 : i32 to vector<16xi32>
    %add3A_1082 = arith.addi %add3A_119, %add3A_1081 : vector<16xi32>
    %swap3A_1083 = arith.constant 2864 : index
    %swap3A_1084 = tpu.vector_load %arg9[%swap3A_1083] {strides = array<i32>} : memref<4096xi32, #tpu.memory_space<vmem>>, vector<16xi32>,
    tpu.vector_store %arg9[%swap3A_1083], %add3A_1082 {strides = array<i32>} : memref<4096xi32, #tpu.memory_space<vmem>>, vector<16xi32>,
    %add3A_1085 = arith.constant 20 : i32
    %add3A_1086 = vector.broadcast %add3A_1085 : i32 to vector<16xi32>
    %add3A_1087 = arith.addi %add3A_119, %add3A_1086 : vector<16xi32>
    %swap3A_1088 = arith.constant 2880 : index
    %swap3A_1089 = tpu.vector_load %arg9[%swap3A_1088] {strides = array<i32>} : memref<4096xi32, #tpu.memory_space<vmem>>, vector<16xi32>,
    tpu.vector_store %arg9[%swap3A_1088], %add3A_1087 {strides = array<i32>} : memref<4096xi32, #tpu.memory_space<vmem>>, vector<16xi32>,
    %add3A_1090 = arith.constant 21 : i32
    %add3A_1091 = vector.broadcast %add3A_1090 : i32 to vector<16xi32>
    %add3A_1092 = arith.addi %add3A_119, %add3A_1091 : vector<16xi32>
    %swap3A_1093 = arith.constant 2896 : index
    %swap3A_1094 = tpu.vector_load %arg9[%swap3A_1093] {strides = array<i32>} : memref<4096xi32, #tpu.memory_space<vmem>>, vector<16xi32>,
    tpu.vector_store %arg9[%swap3A_1093], %add3A_1092 {strides = array<i32>} : memref<4096xi32, #tpu.memory_space<vmem>>, vector<16xi32>,
    %add3A_1095 = arith.constant 22 : i32
    %add3A_1096 = vector.broadcast %add3A_1095 : i32 to vector<16xi32>
    %add3A_1097 = arith.addi %add3A_119, %add3A_1096 : vector<16xi32>
    %swap3A_1098 = arith.constant 2912 : index
    %swap3A_1099 = tpu.vector_load %arg9[%swap3A_1098] {strides = array<i32>} : memref<4096xi32, #tpu.memory_space<vmem>>, vector<16xi32>,
    tpu.vector_store %arg9[%swap3A_1098], %add3A_1097 {strides = array<i32>} : memref<4096xi32, #tpu.memory_space<vmem>>, vector<16xi32>,
    %add3A_1100 = arith.constant 23 : i32
    %add3A_1101 = vector.broadcast %add3A_1100 : i32 to vector<16xi32>
    %add3A_1102 = arith.addi %add3A_119, %add3A_1101 : vector<16xi32>
    %swap3A_1103 = arith.constant 2928 : index
    %swap3A_1104 = tpu.vector_load %arg9[%swap3A_1103] {strides = array<i32>} : memref<4096xi32, #tpu.memory_space<vmem>>, vector<16xi32>,
    tpu.vector_store %arg9[%swap3A_1103], %add3A_1102 {strides = array<i32>} : memref<4096xi32, #tpu.memory_space<vmem>>, vector<16xi32>,
    %add3A_1105 = arith.constant 24 : i32
    %add3A_1106 = vector.broadcast %add3A_1105 : i32 to vector<16xi32>
    %add3A_1107 = arith.addi %add3A_119, %add3A_1106 : vector<16xi32>
    %swap3A_1108 = arith.constant 2944 : index
    %swap3A_1109 = tpu.vector_load %arg9[%swap3A_1108] {strides = array<i32>} : memref<4096xi32, #tpu.memory_space<vmem>>, vector<16xi32>,
    tpu.vector_store %arg9[%swap3A_1108], %add3A_1107 {strides = array<i32>} : memref<4096xi32, #tpu.memory_space<vmem>>, vector<16xi32>,
    %add3A_1110 = arith.constant 25 : i32
    %add3A_1111 = vector.broadcast %add3A_1110 : i32 to vector<16xi32>
    %add3A_1112 = arith.addi %add3A_119, %add3A_1111 : vector<16xi32>
    %swap3A_1113 = arith.constant 2960 : index
    %swap3A_1114 = tpu.vector_load %arg9[%swap3A_1113] {strides = array<i32>} : memref<4096xi32, #tpu.memory_space<vmem>>, vector<16xi32>,
    tpu.vector_store %arg9[%swap3A_1113], %add3A_1112 {strides = array<i32>} : memref<4096xi32, #tpu.memory_space<vmem>>, vector<16xi32>,
    %add3A_1115 = arith.constant 26 : i32
    %add3A_1116 = vector.broadcast %add3A_1115 : i32 to vector<16xi32>
    %add3A_1117 = arith.addi %add3A_119, %add3A_1116 : vector<16xi32>
    %swap3A_1118 = arith.constant 2976 : index
    %swap3A_1119 = tpu.vector_load %arg9[%swap3A_1118] {strides = array<i32>} : memref<4096xi32, #tpu.memory_space<vmem>>, vector<16xi32>,
    tpu.vector_store %arg9[%swap3A_1118], %add3A_1117 {strides = array<i32>} : memref<4096xi32, #tpu.memory_space<vmem>>, vector<16xi32>,
    %add3A_1120 = arith.constant 27 : i32
    %add3A_1121 = vector.broadcast %add3A_1120 : i32 to vector<16xi32>
    %add3A_1122 = arith.addi %add3A_119, %add3A_1121 : vector<16xi32>
    %swap3A_1123 = arith.constant 2992 : index
    %swap3A_1124 = tpu.vector_load %arg9[%swap3A_1123] {strides = array<i32>} : memref<4096xi32, #tpu.memory_space<vmem>>, vector<16xi32>,
    tpu.vector_store %arg9[%swap3A_1123], %add3A_1122 {strides = array<i32>} : memref<4096xi32, #tpu.memory_space<vmem>>, vector<16xi32>,
    %add3A_1125 = arith.constant 28 : i32
    %add3A_1126 = vector.broadcast %add3A_1125 : i32 to vector<16xi32>
    %add3A_1127 = arith.addi %add3A_119, %add3A_1126 : vector<16xi32>
    %swap3A_1128 = arith.constant 3008 : index
    %swap3A_1129 = tpu.vector_load %arg9[%swap3A_1128] {strides = array<i32>} : memref<4096xi32, #tpu.memory_space<vmem>>, vector<16xi32>,
    tpu.vector_store %arg9[%swap3A_1128], %add3A_1127 {strides = array<i32>} : memref<4096xi32, #tpu.memory_space<vmem>>, vector<16xi32>,
    %add3A_1130 = arith.constant 29 : i32
    %add3A_1131 = vector.broadcast %add3A_1130 : i32 to vector<16xi32>
    %add3A_1132 = arith.addi %add3A_119, %add3A_1131 : vector<16xi32>
    %swap3A_1133 = arith.constant 3024 : index
    %swap3A_1134 = tpu.vector_load %arg9[%swap3A_1133] {strides = array<i32>} : memref<4096xi32, #tpu.memory_space<vmem>>, vector<16xi32>,
    tpu.vector_store %arg9[%swap3A_1133], %add3A_1132 {strides = array<i32>} : memref<4096xi32, #tpu.memory_space<vmem>>, vector<16xi32>,
    %add3A_1135 = arith.constant 30 : i32
    %add3A_1136 = vector.broadcast %add3A_1135 : i32 to vector<16xi32>
    %add3A_1137 = arith.addi %add3A_119, %add3A_1136 : vector<16xi32>
    %swap3A_1138 = arith.constant 3040 : index
    %swap3A_1139 = tpu.vector_load %arg9[%swap3A_1138] {strides = array<i32>} : memref<4096xi32, #tpu.memory_space<vmem>>, vector<16xi32>,
    tpu.vector_store %arg9[%swap3A_1138], %add3A_1137 {strides = array<i32>} : memref<4096xi32, #tpu.memory_space<vmem>>, vector<16xi32>,
    %add3A_1140 = arith.constant 31 : i32
    %add3A_1141 = vector.broadcast %add3A_1140 : i32 to vector<16xi32>
    %add3A_1142 = arith.addi %add3A_119, %add3A_1141 : vector<16xi32>
    %swap3A_1143 = arith.constant 3056 : index
    %swap3A_1144 = tpu.vector_load %arg9[%swap3A_1143] {strides = array<i32>} : memref<4096xi32, #tpu.memory_space<vmem>>, vector<16xi32>,
    tpu.vector_store %arg9[%swap3A_1143], %add3A_1142 {strides = array<i32>} : memref<4096xi32, #tpu.memory_space<vmem>>, vector<16xi32>,
    %add3A_1145 = arith.constant 0 : i32
    %add3A_1146 = vector.broadcast %add3A_1145 : i32 to vector<16xi32>
    %add3A_1147 = arith.addi %add3A_128, %add3A_1146 : vector<16xi32>
    %swap3A_1148 = arith.constant 3072 : index
    %swap3A_1149 = tpu.vector_load %arg9[%swap3A_1148] {strides = array<i32>} : memref<4096xi32, #tpu.memory_space<vmem>>, vector<16xi32>,
    tpu.vector_store %arg9[%swap3A_1148], %add3A_1147 {strides = array<i32>} : memref<4096xi32, #tpu.memory_space<vmem>>, vector<16xi32>,
    %add3A_1150 = arith.constant 1 : i32
    %add3A_1151 = vector.broadcast %add3A_1150 : i32 to vector<16xi32>
    %add3A_1152 = arith.addi %add3A_128, %add3A_1151 : vector<16xi32>
    %swap3A_1153 = arith.constant 3088 : index
    %swap3A_1154 = tpu.vector_load %arg9[%swap3A_1153] {strides = array<i32>} : memref<4096xi32, #tpu.memory_space<vmem>>, vector<16xi32>,
    tpu.vector_store %arg9[%swap3A_1153], %add3A_1152 {strides = array<i32>} : memref<4096xi32, #tpu.memory_space<vmem>>, vector<16xi32>,
    %add3A_1155 = arith.constant 2 : i32
    %add3A_1156 = vector.broadcast %add3A_1155 : i32 to vector<16xi32>
    %add3A_1157 = arith.addi %add3A_128, %add3A_1156 : vector<16xi32>
    %swap3A_1158 = arith.constant 3104 : index
    %swap3A_1159 = tpu.vector_load %arg9[%swap3A_1158] {strides = array<i32>} : memref<4096xi32, #tpu.memory_space<vmem>>, vector<16xi32>,
    tpu.vector_store %arg9[%swap3A_1158], %add3A_1157 {strides = array<i32>} : memref<4096xi32, #tpu.memory_space<vmem>>, vector<16xi32>,
    %add3A_1160 = arith.constant 3 : i32
    %add3A_1161 = vector.broadcast %add3A_1160 : i32 to vector<16xi32>
    %add3A_1162 = arith.addi %add3A_128, %add3A_1161 : vector<16xi32>
    %swap3A_1163 = arith.constant 3120 : index
    %swap3A_1164 = tpu.vector_load %arg9[%swap3A_1163] {strides = array<i32>} : memref<4096xi32, #tpu.memory_space<vmem>>, vector<16xi32>,
    tpu.vector_store %arg9[%swap3A_1163], %add3A_1162 {strides = array<i32>} : memref<4096xi32, #tpu.memory_space<vmem>>, vector<16xi32>,
    %add3A_1165 = arith.constant 4 : i32
    %add3A_1166 = vector.broadcast %add3A_1165 : i32 to vector<16xi32>
    %add3A_1167 = arith.addi %add3A_128, %add3A_1166 : vector<16xi32>
    %swap3A_1168 = arith.constant 3136 : index
    %swap3A_1169 = tpu.vector_load %arg9[%swap3A_1168] {strides = array<i32>} : memref<4096xi32, #tpu.memory_space<vmem>>, vector<16xi32>,
    tpu.vector_store %arg9[%swap3A_1168], %add3A_1167 {strides = array<i32>} : memref<4096xi32, #tpu.memory_space<vmem>>, vector<16xi32>,
    %add3A_1170 = arith.constant 5 : i32
    %add3A_1171 = vector.broadcast %add3A_1170 : i32 to vector<16xi32>
    %add3A_1172 = arith.addi %add3A_128, %add3A_1171 : vector<16xi32>
    %swap3A_1173 = arith.constant 3152 : index
    %swap3A_1174 = tpu.vector_load %arg9[%swap3A_1173] {strides = array<i32>} : memref<4096xi32, #tpu.memory_space<vmem>>, vector<16xi32>,
    tpu.vector_store %arg9[%swap3A_1173], %add3A_1172 {strides = array<i32>} : memref<4096xi32, #tpu.memory_space<vmem>>, vector<16xi32>,
    %add3A_1175 = arith.constant 6 : i32
    %add3A_1176 = vector.broadcast %add3A_1175 : i32 to vector<16xi32>
    %add3A_1177 = arith.addi %add3A_128, %add3A_1176 : vector<16xi32>
    %swap3A_1178 = arith.constant 3168 : index
    %swap3A_1179 = tpu.vector_load %arg9[%swap3A_1178] {strides = array<i32>} : memref<4096xi32, #tpu.memory_space<vmem>>, vector<16xi32>,
    tpu.vector_store %arg9[%swap3A_1178], %add3A_1177 {strides = array<i32>} : memref<4096xi32, #tpu.memory_space<vmem>>, vector<16xi32>,
    %add3A_1180 = arith.constant 7 : i32
    %add3A_1181 = vector.broadcast %add3A_1180 : i32 to vector<16xi32>
    %add3A_1182 = arith.addi %add3A_128, %add3A_1181 : vector<16xi32>
    %swap3A_1183 = arith.constant 3184 : index
    %swap3A_1184 = tpu.vector_load %arg9[%swap3A_1183] {strides = array<i32>} : memref<4096xi32, #tpu.memory_space<vmem>>, vector<16xi32>,
    tpu.vector_store %arg9[%swap3A_1183], %add3A_1182 {strides = array<i32>} : memref<4096xi32, #tpu.memory_space<vmem>>, vector<16xi32>,
    %add3A_1185 = arith.constant 8 : i32
    %add3A_1186 = vector.broadcast %add3A_1185 : i32 to vector<16xi32>
    %add3A_1187 = arith.addi %add3A_128, %add3A_1186 : vector<16xi32>
    %swap3A_1188 = arith.constant 3200 : index
    %swap3A_1189 = tpu.vector_load %arg9[%swap3A_1188] {strides = array<i32>} : memref<4096xi32, #tpu.memory_space<vmem>>, vector<16xi32>,
    tpu.vector_store %arg9[%swap3A_1188], %add3A_1187 {strides = array<i32>} : memref<4096xi32, #tpu.memory_space<vmem>>, vector<16xi32>,
    %add3A_1190 = arith.constant 9 : i32
    %add3A_1191 = vector.broadcast %add3A_1190 : i32 to vector<16xi32>
    %add3A_1192 = arith.addi %add3A_128, %add3A_1191 : vector<16xi32>
    %swap3A_1193 = arith.constant 3216 : index
    %swap3A_1194 = tpu.vector_load %arg9[%swap3A_1193] {strides = array<i32>} : memref<4096xi32, #tpu.memory_space<vmem>>, vector<16xi32>,
    tpu.vector_store %arg9[%swap3A_1193], %add3A_1192 {strides = array<i32>} : memref<4096xi32, #tpu.memory_space<vmem>>, vector<16xi32>,
    %add3A_1195 = arith.constant 10 : i32
    %add3A_1196 = vector.broadcast %add3A_1195 : i32 to vector<16xi32>
    %add3A_1197 = arith.addi %add3A_128, %add3A_1196 : vector<16xi32>
    %swap3A_1198 = arith.constant 3232 : index
    %swap3A_1199 = tpu.vector_load %arg9[%swap3A_1198] {strides = array<i32>} : memref<4096xi32, #tpu.memory_space<vmem>>, vector<16xi32>,
    tpu.vector_store %arg9[%swap3A_1198], %add3A_1197 {strides = array<i32>} : memref<4096xi32, #tpu.memory_space<vmem>>, vector<16xi32>,
    %add3A_1200 = arith.constant 11 : i32
    %add3A_1201 = vector.broadcast %add3A_1200 : i32 to vector<16xi32>
    %add3A_1202 = arith.addi %add3A_128, %add3A_1201 : vector<16xi32>
    %swap3A_1203 = arith.constant 3248 : index
    %swap3A_1204 = tpu.vector_load %arg9[%swap3A_1203] {strides = array<i32>} : memref<4096xi32, #tpu.memory_space<vmem>>, vector<16xi32>,
    tpu.vector_store %arg9[%swap3A_1203], %add3A_1202 {strides = array<i32>} : memref<4096xi32, #tpu.memory_space<vmem>>, vector<16xi32>,
    %add3A_1205 = arith.constant 12 : i32
    %add3A_1206 = vector.broadcast %add3A_1205 : i32 to vector<16xi32>
    %add3A_1207 = arith.addi %add3A_128, %add3A_1206 : vector<16xi32>
    %swap3A_1208 = arith.constant 3264 : index
    %swap3A_1209 = tpu.vector_load %arg9[%swap3A_1208] {strides = array<i32>} : memref<4096xi32, #tpu.memory_space<vmem>>, vector<16xi32>,
    tpu.vector_store %arg9[%swap3A_1208], %add3A_1207 {strides = array<i32>} : memref<4096xi32, #tpu.memory_space<vmem>>, vector<16xi32>,
    %add3A_1210 = arith.constant 13 : i32
    %add3A_1211 = vector.broadcast %add3A_1210 : i32 to vector<16xi32>
    %add3A_1212 = arith.addi %add3A_128, %add3A_1211 : vector<16xi32>
    %swap3A_1213 = arith.constant 3280 : index
    %swap3A_1214 = tpu.vector_load %arg9[%swap3A_1213] {strides = array<i32>} : memref<4096xi32, #tpu.memory_space<vmem>>, vector<16xi32>,
    tpu.vector_store %arg9[%swap3A_1213], %add3A_1212 {strides = array<i32>} : memref<4096xi32, #tpu.memory_space<vmem>>, vector<16xi32>,
    %add3A_1215 = arith.constant 14 : i32
    %add3A_1216 = vector.broadcast %add3A_1215 : i32 to vector<16xi32>
    %add3A_1217 = arith.addi %add3A_128, %add3A_1216 : vector<16xi32>
    %swap3A_1218 = arith.constant 3296 : index
    %swap3A_1219 = tpu.vector_load %arg9[%swap3A_1218] {strides = array<i32>} : memref<4096xi32, #tpu.memory_space<vmem>>, vector<16xi32>,
    tpu.vector_store %arg9[%swap3A_1218], %add3A_1217 {strides = array<i32>} : memref<4096xi32, #tpu.memory_space<vmem>>, vector<16xi32>,
    %add3A_1220 = arith.constant 15 : i32
    %add3A_1221 = vector.broadcast %add3A_1220 : i32 to vector<16xi32>
    %add3A_1222 = arith.addi %add3A_128, %add3A_1221 : vector<16xi32>
    %swap3A_1223 = arith.constant 3312 : index
    %swap3A_1224 = tpu.vector_load %arg9[%swap3A_1223] {strides = array<i32>} : memref<4096xi32, #tpu.memory_space<vmem>>, vector<16xi32>,
    tpu.vector_store %arg9[%swap3A_1223], %add3A_1222 {strides = array<i32>} : memref<4096xi32, #tpu.memory_space<vmem>>, vector<16xi32>,
    %add3A_1225 = arith.constant 16 : i32
    %add3A_1226 = vector.broadcast %add3A_1225 : i32 to vector<16xi32>
    %add3A_1227 = arith.addi %add3A_128, %add3A_1226 : vector<16xi32>
    %swap3A_1228 = arith.constant 3328 : index
    %swap3A_1229 = tpu.vector_load %arg9[%swap3A_1228] {strides = array<i32>} : memref<4096xi32, #tpu.memory_space<vmem>>, vector<16xi32>,
    tpu.vector_store %arg9[%swap3A_1228], %add3A_1227 {strides = array<i32>} : memref<4096xi32, #tpu.memory_space<vmem>>, vector<16xi32>,
    %add3A_1230 = arith.constant 17 : i32
    %add3A_1231 = vector.broadcast %add3A_1230 : i32 to vector<16xi32>
    %add3A_1232 = arith.addi %add3A_128, %add3A_1231 : vector<16xi32>
    %swap3A_1233 = arith.constant 3344 : index
    %swap3A_1234 = tpu.vector_load %arg9[%swap3A_1233] {strides = array<i32>} : memref<4096xi32, #tpu.memory_space<vmem>>, vector<16xi32>,
    tpu.vector_store %arg9[%swap3A_1233], %add3A_1232 {strides = array<i32>} : memref<4096xi32, #tpu.memory_space<vmem>>, vector<16xi32>,
    %add3A_1235 = arith.constant 18 : i32
    %add3A_1236 = vector.broadcast %add3A_1235 : i32 to vector<16xi32>
    %add3A_1237 = arith.addi %add3A_128, %add3A_1236 : vector<16xi32>
    %swap3A_1238 = arith.constant 3360 : index
    %swap3A_1239 = tpu.vector_load %arg9[%swap3A_1238] {strides = array<i32>} : memref<4096xi32, #tpu.memory_space<vmem>>, vector<16xi32>,
    tpu.vector_store %arg9[%swap3A_1238], %add3A_1237 {strides = array<i32>} : memref<4096xi32, #tpu.memory_space<vmem>>, vector<16xi32>,
    %add3A_1240 = arith.constant 19 : i32
    %add3A_1241 = vector.broadcast %add3A_1240 : i32 to vector<16xi32>
    %add3A_1242 = arith.addi %add3A_128, %add3A_1241 : vector<16xi32>
    %swap3A_1243 = arith.constant 3376 : index
    %swap3A_1244 = tpu.vector_load %arg9[%swap3A_1243] {strides = array<i32>} : memref<4096xi32, #tpu.memory_space<vmem>>, vector<16xi32>,
    tpu.vector_store %arg9[%swap3A_1243], %add3A_1242 {strides = array<i32>} : memref<4096xi32, #tpu.memory_space<vmem>>, vector<16xi32>,
    %add3A_1245 = arith.constant 20 : i32
    %add3A_1246 = vector.broadcast %add3A_1245 : i32 to vector<16xi32>
    %add3A_1247 = arith.addi %add3A_128, %add3A_1246 : vector<16xi32>
    %swap3A_1248 = arith.constant 3392 : index
    %swap3A_1249 = tpu.vector_load %arg9[%swap3A_1248] {strides = array<i32>} : memref<4096xi32, #tpu.memory_space<vmem>>, vector<16xi32>,
    tpu.vector_store %arg9[%swap3A_1248], %add3A_1247 {strides = array<i32>} : memref<4096xi32, #tpu.memory_space<vmem>>, vector<16xi32>,
    %add3A_1250 = arith.constant 21 : i32
    %add3A_1251 = vector.broadcast %add3A_1250 : i32 to vector<16xi32>
    %add3A_1252 = arith.addi %add3A_128, %add3A_1251 : vector<16xi32>
    %swap3A_1253 = arith.constant 3408 : index
    %swap3A_1254 = tpu.vector_load %arg9[%swap3A_1253] {strides = array<i32>} : memref<4096xi32, #tpu.memory_space<vmem>>, vector<16xi32>,
    tpu.vector_store %arg9[%swap3A_1253], %add3A_1252 {strides = array<i32>} : memref<4096xi32, #tpu.memory_space<vmem>>, vector<16xi32>,
    %add3A_1255 = arith.constant 22 : i32
    %add3A_1256 = vector.broadcast %add3A_1255 : i32 to vector<16xi32>
    %add3A_1257 = arith.addi %add3A_128, %add3A_1256 : vector<16xi32>
    %swap3A_1258 = arith.constant 3424 : index
    %swap3A_1259 = tpu.vector_load %arg9[%swap3A_1258] {strides = array<i32>} : memref<4096xi32, #tpu.memory_space<vmem>>, vector<16xi32>,
    tpu.vector_store %arg9[%swap3A_1258], %add3A_1257 {strides = array<i32>} : memref<4096xi32, #tpu.memory_space<vmem>>, vector<16xi32>,
    %add3A_1260 = arith.constant 23 : i32
    %add3A_1261 = vector.broadcast %add3A_1260 : i32 to vector<16xi32>
    %add3A_1262 = arith.addi %add3A_128, %add3A_1261 : vector<16xi32>
    %swap3A_1263 = arith.constant 3440 : index
    %swap3A_1264 = tpu.vector_load %arg9[%swap3A_1263] {strides = array<i32>} : memref<4096xi32, #tpu.memory_space<vmem>>, vector<16xi32>,
    tpu.vector_store %arg9[%swap3A_1263], %add3A_1262 {strides = array<i32>} : memref<4096xi32, #tpu.memory_space<vmem>>, vector<16xi32>,
    %add3A_1265 = arith.constant 24 : i32
    %add3A_1266 = vector.broadcast %add3A_1265 : i32 to vector<16xi32>
    %add3A_1267 = arith.addi %add3A_128, %add3A_1266 : vector<16xi32>
    %swap3A_1268 = arith.constant 3456 : index
    %swap3A_1269 = tpu.vector_load %arg9[%swap3A_1268] {strides = array<i32>} : memref<4096xi32, #tpu.memory_space<vmem>>, vector<16xi32>,
    tpu.vector_store %arg9[%swap3A_1268], %add3A_1267 {strides = array<i32>} : memref<4096xi32, #tpu.memory_space<vmem>>, vector<16xi32>,
    %add3A_1270 = arith.constant 25 : i32
    %add3A_1271 = vector.broadcast %add3A_1270 : i32 to vector<16xi32>
    %add3A_1272 = arith.addi %add3A_128, %add3A_1271 : vector<16xi32>
    %swap3A_1273 = arith.constant 3472 : index
    %swap3A_1274 = tpu.vector_load %arg9[%swap3A_1273] {strides = array<i32>} : memref<4096xi32, #tpu.memory_space<vmem>>, vector<16xi32>,
    tpu.vector_store %arg9[%swap3A_1273], %add3A_1272 {strides = array<i32>} : memref<4096xi32, #tpu.memory_space<vmem>>, vector<16xi32>,
    %add3A_1275 = arith.constant 26 : i32
    %add3A_1276 = vector.broadcast %add3A_1275 : i32 to vector<16xi32>
    %add3A_1277 = arith.addi %add3A_128, %add3A_1276 : vector<16xi32>
    %swap3A_1278 = arith.constant 3488 : index
    %swap3A_1279 = tpu.vector_load %arg9[%swap3A_1278] {strides = array<i32>} : memref<4096xi32, #tpu.memory_space<vmem>>, vector<16xi32>,
    tpu.vector_store %arg9[%swap3A_1278], %add3A_1277 {strides = array<i32>} : memref<4096xi32, #tpu.memory_space<vmem>>, vector<16xi32>,
    %add3A_1280 = arith.constant 27 : i32
    %add3A_1281 = vector.broadcast %add3A_1280 : i32 to vector<16xi32>
    %add3A_1282 = arith.addi %add3A_128, %add3A_1281 : vector<16xi32>
    %swap3A_1283 = arith.constant 3504 : index
    %swap3A_1284 = tpu.vector_load %arg9[%swap3A_1283] {strides = array<i32>} : memref<4096xi32, #tpu.memory_space<vmem>>, vector<16xi32>,
    tpu.vector_store %arg9[%swap3A_1283], %add3A_1282 {strides = array<i32>} : memref<4096xi32, #tpu.memory_space<vmem>>, vector<16xi32>,
    %add3A_1285 = arith.constant 28 : i32
    %add3A_1286 = vector.broadcast %add3A_1285 : i32 to vector<16xi32>
    %add3A_1287 = arith.addi %add3A_128, %add3A_1286 : vector<16xi32>
    %swap3A_1288 = arith.constant 3520 : index
    %swap3A_1289 = tpu.vector_load %arg9[%swap3A_1288] {strides = array<i32>} : memref<4096xi32, #tpu.memory_space<vmem>>, vector<16xi32>,
    tpu.vector_store %arg9[%swap3A_1288], %add3A_1287 {strides = array<i32>} : memref<4096xi32, #tpu.memory_space<vmem>>, vector<16xi32>,
    %add3A_1290 = arith.constant 29 : i32
    %add3A_1291 = vector.broadcast %add3A_1290 : i32 to vector<16xi32>
    %add3A_1292 = arith.addi %add3A_128, %add3A_1291 : vector<16xi32>
    %swap3A_1293 = arith.constant 3536 : index
    %swap3A_1294 = tpu.vector_load %arg9[%swap3A_1293] {strides = array<i32>} : memref<4096xi32, #tpu.memory_space<vmem>>, vector<16xi32>,
    tpu.vector_store %arg9[%swap3A_1293], %add3A_1292 {strides = array<i32>} : memref<4096xi32, #tpu.memory_space<vmem>>, vector<16xi32>,
    %add3A_1295 = arith.constant 30 : i32
    %add3A_1296 = vector.broadcast %add3A_1295 : i32 to vector<16xi32>
    %add3A_1297 = arith.addi %add3A_128, %add3A_1296 : vector<16xi32>
    %swap3A_1298 = arith.constant 3552 : index
    %swap3A_1299 = tpu.vector_load %arg9[%swap3A_1298] {strides = array<i32>} : memref<4096xi32, #tpu.memory_space<vmem>>, vector<16xi32>,
    tpu.vector_store %arg9[%swap3A_1298], %add3A_1297 {strides = array<i32>} : memref<4096xi32, #tpu.memory_space<vmem>>, vector<16xi32>,
    %add3A_1300 = arith.constant 31 : i32
    %add3A_1301 = vector.broadcast %add3A_1300 : i32 to vector<16xi32>
    %add3A_1302 = arith.addi %add3A_128, %add3A_1301 : vector<16xi32>
    %swap3A_1303 = arith.constant 3568 : index
    %swap3A_1304 = tpu.vector_load %arg9[%swap3A_1303] {strides = array<i32>} : memref<4096xi32, #tpu.memory_space<vmem>>, vector<16xi32>,
    tpu.vector_store %arg9[%swap3A_1303], %add3A_1302 {strides = array<i32>} : memref<4096xi32, #tpu.memory_space<vmem>>, vector<16xi32>,
    %add3A_1305 = arith.constant 0 : i32
    %add3A_1306 = vector.broadcast %add3A_1305 : i32 to vector<16xi32>
    %add3A_1307 = arith.addi %add3A_137, %add3A_1306 : vector<16xi32>
    %swap3A_1308 = arith.constant 3584 : index
    %swap3A_1309 = tpu.vector_load %arg9[%swap3A_1308] {strides = array<i32>} : memref<4096xi32, #tpu.memory_space<vmem>>, vector<16xi32>,
    tpu.vector_store %arg9[%swap3A_1308], %add3A_1307 {strides = array<i32>} : memref<4096xi32, #tpu.memory_space<vmem>>, vector<16xi32>,
    %add3A_1310 = arith.constant 1 : i32
    %add3A_1311 = vector.broadcast %add3A_1310 : i32 to vector<16xi32>
    %add3A_1312 = arith.addi %add3A_137, %add3A_1311 : vector<16xi32>
    %swap3A_1313 = arith.constant 3600 : index
    %swap3A_1314 = tpu.vector_load %arg9[%swap3A_1313] {strides = array<i32>} : memref<4096xi32, #tpu.memory_space<vmem>>, vector<16xi32>,
    tpu.vector_store %arg9[%swap3A_1313], %add3A_1312 {strides = array<i32>} : memref<4096xi32, #tpu.memory_space<vmem>>, vector<16xi32>,
    %add3A_1315 = arith.constant 2 : i32
    %add3A_1316 = vector.broadcast %add3A_1315 : i32 to vector<16xi32>
    %add3A_1317 = arith.addi %add3A_137, %add3A_1316 : vector<16xi32>
    %swap3A_1318 = arith.constant 3616 : index
    %swap3A_1319 = tpu.vector_load %arg9[%swap3A_1318] {strides = array<i32>} : memref<4096xi32, #tpu.memory_space<vmem>>, vector<16xi32>,
    tpu.vector_store %arg9[%swap3A_1318], %add3A_1317 {strides = array<i32>} : memref<4096xi32, #tpu.memory_space<vmem>>, vector<16xi32>,
    %add3A_1320 = arith.constant 3 : i32
    %add3A_1321 = vector.broadcast %add3A_1320 : i32 to vector<16xi32>
    %add3A_1322 = arith.addi %add3A_137, %add3A_1321 : vector<16xi32>
    %swap3A_1323 = arith.constant 3632 : index
    %swap3A_1324 = tpu.vector_load %arg9[%swap3A_1323] {strides = array<i32>} : memref<4096xi32, #tpu.memory_space<vmem>>, vector<16xi32>,
    tpu.vector_store %arg9[%swap3A_1323], %add3A_1322 {strides = array<i32>} : memref<4096xi32, #tpu.memory_space<vmem>>, vector<16xi32>,
    %add3A_1325 = arith.constant 4 : i32
    %add3A_1326 = vector.broadcast %add3A_1325 : i32 to vector<16xi32>
    %add3A_1327 = arith.addi %add3A_137, %add3A_1326 : vector<16xi32>
    %swap3A_1328 = arith.constant 3648 : index
    %swap3A_1329 = tpu.vector_load %arg9[%swap3A_1328] {strides = array<i32>} : memref<4096xi32, #tpu.memory_space<vmem>>, vector<16xi32>,
    tpu.vector_store %arg9[%swap3A_1328], %add3A_1327 {strides = array<i32>} : memref<4096xi32, #tpu.memory_space<vmem>>, vector<16xi32>,
    %add3A_1330 = arith.constant 5 : i32
    %add3A_1331 = vector.broadcast %add3A_1330 : i32 to vector<16xi32>
    %add3A_1332 = arith.addi %add3A_137, %add3A_1331 : vector<16xi32>
    %swap3A_1333 = arith.constant 3664 : index
    %swap3A_1334 = tpu.vector_load %arg9[%swap3A_1333] {strides = array<i32>} : memref<4096xi32, #tpu.memory_space<vmem>>, vector<16xi32>,
    tpu.vector_store %arg9[%swap3A_1333], %add3A_1332 {strides = array<i32>} : memref<4096xi32, #tpu.memory_space<vmem>>, vector<16xi32>,
    %add3A_1335 = arith.constant 6 : i32
    %add3A_1336 = vector.broadcast %add3A_1335 : i32 to vector<16xi32>
    %add3A_1337 = arith.addi %add3A_137, %add3A_1336 : vector<16xi32>
    %swap3A_1338 = arith.constant 3680 : index
    %swap3A_1339 = tpu.vector_load %arg9[%swap3A_1338] {strides = array<i32>} : memref<4096xi32, #tpu.memory_space<vmem>>, vector<16xi32>,
    tpu.vector_store %arg9[%swap3A_1338], %add3A_1337 {strides = array<i32>} : memref<4096xi32, #tpu.memory_space<vmem>>, vector<16xi32>,
    %add3A_1340 = arith.constant 7 : i32
    %add3A_1341 = vector.broadcast %add3A_1340 : i32 to vector<16xi32>
    %add3A_1342 = arith.addi %add3A_137, %add3A_1341 : vector<16xi32>
    %swap3A_1343 = arith.constant 3696 : index
    %swap3A_1344 = tpu.vector_load %arg9[%swap3A_1343] {strides = array<i32>} : memref<4096xi32, #tpu.memory_space<vmem>>, vector<16xi32>,
    tpu.vector_store %arg9[%swap3A_1343], %add3A_1342 {strides = array<i32>} : memref<4096xi32, #tpu.memory_space<vmem>>, vector<16xi32>,
    %add3A_1345 = arith.constant 8 : i32
    %add3A_1346 = vector.broadcast %add3A_1345 : i32 to vector<16xi32>
    %add3A_1347 = arith.addi %add3A_137, %add3A_1346 : vector<16xi32>
    %swap3A_1348 = arith.constant 3712 : index
    %swap3A_1349 = tpu.vector_load %arg9[%swap3A_1348] {strides = array<i32>} : memref<4096xi32, #tpu.memory_space<vmem>>, vector<16xi32>,
    tpu.vector_store %arg9[%swap3A_1348], %add3A_1347 {strides = array<i32>} : memref<4096xi32, #tpu.memory_space<vmem>>, vector<16xi32>,
    %add3A_1350 = arith.constant 9 : i32
    %add3A_1351 = vector.broadcast %add3A_1350 : i32 to vector<16xi32>
    %add3A_1352 = arith.addi %add3A_137, %add3A_1351 : vector<16xi32>
    %swap3A_1353 = arith.constant 3728 : index
    %swap3A_1354 = tpu.vector_load %arg9[%swap3A_1353] {strides = array<i32>} : memref<4096xi32, #tpu.memory_space<vmem>>, vector<16xi32>,
    tpu.vector_store %arg9[%swap3A_1353], %add3A_1352 {strides = array<i32>} : memref<4096xi32, #tpu.memory_space<vmem>>, vector<16xi32>,
    %add3A_1355 = arith.constant 10 : i32
    %add3A_1356 = vector.broadcast %add3A_1355 : i32 to vector<16xi32>
    %add3A_1357 = arith.addi %add3A_137, %add3A_1356 : vector<16xi32>
    %swap3A_1358 = arith.constant 3744 : index
    %swap3A_1359 = tpu.vector_load %arg9[%swap3A_1358] {strides = array<i32>} : memref<4096xi32, #tpu.memory_space<vmem>>, vector<16xi32>,
    tpu.vector_store %arg9[%swap3A_1358], %add3A_1357 {strides = array<i32>} : memref<4096xi32, #tpu.memory_space<vmem>>, vector<16xi32>,
    %add3A_1360 = arith.constant 11 : i32
    %add3A_1361 = vector.broadcast %add3A_1360 : i32 to vector<16xi32>
    %add3A_1362 = arith.addi %add3A_137, %add3A_1361 : vector<16xi32>
    %swap3A_1363 = arith.constant 3760 : index
    %swap3A_1364 = tpu.vector_load %arg9[%swap3A_1363] {strides = array<i32>} : memref<4096xi32, #tpu.memory_space<vmem>>, vector<16xi32>,
    tpu.vector_store %arg9[%swap3A_1363], %add3A_1362 {strides = array<i32>} : memref<4096xi32, #tpu.memory_space<vmem>>, vector<16xi32>,
    %add3A_1365 = arith.constant 12 : i32
    %add3A_1366 = vector.broadcast %add3A_1365 : i32 to vector<16xi32>
    %add3A_1367 = arith.addi %add3A_137, %add3A_1366 : vector<16xi32>
    %swap3A_1368 = arith.constant 3776 : index
    %swap3A_1369 = tpu.vector_load %arg9[%swap3A_1368] {strides = array<i32>} : memref<4096xi32, #tpu.memory_space<vmem>>, vector<16xi32>,
    tpu.vector_store %arg9[%swap3A_1368], %add3A_1367 {strides = array<i32>} : memref<4096xi32, #tpu.memory_space<vmem>>, vector<16xi32>,
    %add3A_1370 = arith.constant 13 : i32
    %add3A_1371 = vector.broadcast %add3A_1370 : i32 to vector<16xi32>
    %add3A_1372 = arith.addi %add3A_137, %add3A_1371 : vector<16xi32>
    %swap3A_1373 = arith.constant 3792 : index
    %swap3A_1374 = tpu.vector_load %arg9[%swap3A_1373] {strides = array<i32>} : memref<4096xi32, #tpu.memory_space<vmem>>, vector<16xi32>,
    tpu.vector_store %arg9[%swap3A_1373], %add3A_1372 {strides = array<i32>} : memref<4096xi32, #tpu.memory_space<vmem>>, vector<16xi32>,
    %add3A_1375 = arith.constant 14 : i32
    %add3A_1376 = vector.broadcast %add3A_1375 : i32 to vector<16xi32>
    %add3A_1377 = arith.addi %add3A_137, %add3A_1376 : vector<16xi32>
    %swap3A_1378 = arith.constant 3808 : index
    %swap3A_1379 = tpu.vector_load %arg9[%swap3A_1378] {strides = array<i32>} : memref<4096xi32, #tpu.memory_space<vmem>>, vector<16xi32>,
    tpu.vector_store %arg9[%swap3A_1378], %add3A_1377 {strides = array<i32>} : memref<4096xi32, #tpu.memory_space<vmem>>, vector<16xi32>,
    %add3A_1380 = arith.constant 15 : i32
    %add3A_1381 = vector.broadcast %add3A_1380 : i32 to vector<16xi32>
    %add3A_1382 = arith.addi %add3A_137, %add3A_1381 : vector<16xi32>
    %swap3A_1383 = arith.constant 3824 : index
    %swap3A_1384 = tpu.vector_load %arg9[%swap3A_1383] {strides = array<i32>} : memref<4096xi32, #tpu.memory_space<vmem>>, vector<16xi32>,
    tpu.vector_store %arg9[%swap3A_1383], %add3A_1382 {strides = array<i32>} : memref<4096xi32, #tpu.memory_space<vmem>>, vector<16xi32>,
    %add3A_1385 = arith.constant 16 : i32
    %add3A_1386 = vector.broadcast %add3A_1385 : i32 to vector<16xi32>
    %add3A_1387 = arith.addi %add3A_137, %add3A_1386 : vector<16xi32>
    %swap3A_1388 = arith.constant 3840 : index
    %swap3A_1389 = tpu.vector_load %arg9[%swap3A_1388] {strides = array<i32>} : memref<4096xi32, #tpu.memory_space<vmem>>, vector<16xi32>,
    tpu.vector_store %arg9[%swap3A_1388], %add3A_1387 {strides = array<i32>} : memref<4096xi32, #tpu.memory_space<vmem>>, vector<16xi32>,
    %add3A_1390 = arith.constant 17 : i32
    %add3A_1391 = vector.broadcast %add3A_1390 : i32 to vector<16xi32>
    %add3A_1392 = arith.addi %add3A_137, %add3A_1391 : vector<16xi32>
    %swap3A_1393 = arith.constant 3856 : index
    %swap3A_1394 = tpu.vector_load %arg9[%swap3A_1393] {strides = array<i32>} : memref<4096xi32, #tpu.memory_space<vmem>>, vector<16xi32>,
    tpu.vector_store %arg9[%swap3A_1393], %add3A_1392 {strides = array<i32>} : memref<4096xi32, #tpu.memory_space<vmem>>, vector<16xi32>,
    %add3A_1395 = arith.constant 18 : i32
    %add3A_1396 = vector.broadcast %add3A_1395 : i32 to vector<16xi32>
    %add3A_1397 = arith.addi %add3A_137, %add3A_1396 : vector<16xi32>
    %swap3A_1398 = arith.constant 3872 : index
    %swap3A_1399 = tpu.vector_load %arg9[%swap3A_1398] {strides = array<i32>} : memref<4096xi32, #tpu.memory_space<vmem>>, vector<16xi32>,
    tpu.vector_store %arg9[%swap3A_1398], %add3A_1397 {strides = array<i32>} : memref<4096xi32, #tpu.memory_space<vmem>>, vector<16xi32>,
    %add3A_1400 = arith.constant 19 : i32
    %add3A_1401 = vector.broadcast %add3A_1400 : i32 to vector<16xi32>
    %add3A_1402 = arith.addi %add3A_137, %add3A_1401 : vector<16xi32>
    %swap3A_1403 = arith.constant 3888 : index
    %swap3A_1404 = tpu.vector_load %arg9[%swap3A_1403] {strides = array<i32>} : memref<4096xi32, #tpu.memory_space<vmem>>, vector<16xi32>,
    tpu.vector_store %arg9[%swap3A_1403], %add3A_1402 {strides = array<i32>} : memref<4096xi32, #tpu.memory_space<vmem>>, vector<16xi32>,
    %add3A_1405 = arith.constant 20 : i32
    %add3A_1406 = vector.broadcast %add3A_1405 : i32 to vector<16xi32>
    %add3A_1407 = arith.addi %add3A_137, %add3A_1406 : vector<16xi32>
    %swap3A_1408 = arith.constant 3904 : index
    %swap3A_1409 = tpu.vector_load %arg9[%swap3A_1408] {strides = array<i32>} : memref<4096xi32, #tpu.memory_space<vmem>>, vector<16xi32>,
    tpu.vector_store %arg9[%swap3A_1408], %add3A_1407 {strides = array<i32>} : memref<4096xi32, #tpu.memory_space<vmem>>, vector<16xi32>,
    %add3A_1410 = arith.constant 21 : i32
    %add3A_1411 = vector.broadcast %add3A_1410 : i32 to vector<16xi32>
    %add3A_1412 = arith.addi %add3A_137, %add3A_1411 : vector<16xi32>
    %swap3A_1413 = arith.constant 3920 : index
    %swap3A_1414 = tpu.vector_load %arg9[%swap3A_1413] {strides = array<i32>} : memref<4096xi32, #tpu.memory_space<vmem>>, vector<16xi32>,
    tpu.vector_store %arg9[%swap3A_1413], %add3A_1412 {strides = array<i32>} : memref<4096xi32, #tpu.memory_space<vmem>>, vector<16xi32>,
    %add3A_1415 = arith.constant 22 : i32
    %add3A_1416 = vector.broadcast %add3A_1415 : i32 to vector<16xi32>
    %add3A_1417 = arith.addi %add3A_137, %add3A_1416 : vector<16xi32>
    %swap3A_1418 = arith.constant 3936 : index
    %swap3A_1419 = tpu.vector_load %arg9[%swap3A_1418] {strides = array<i32>} : memref<4096xi32, #tpu.memory_space<vmem>>, vector<16xi32>,
    tpu.vector_store %arg9[%swap3A_1418], %add3A_1417 {strides = array<i32>} : memref<4096xi32, #tpu.memory_space<vmem>>, vector<16xi32>,
    %add3A_1420 = arith.constant 23 : i32
    %add3A_1421 = vector.broadcast %add3A_1420 : i32 to vector<16xi32>
    %add3A_1422 = arith.addi %add3A_137, %add3A_1421 : vector<16xi32>
    %swap3A_1423 = arith.constant 3952 : index
    %swap3A_1424 = tpu.vector_load %arg9[%swap3A_1423] {strides = array<i32>} : memref<4096xi32, #tpu.memory_space<vmem>>, vector<16xi32>,
    tpu.vector_store %arg9[%swap3A_1423], %add3A_1422 {strides = array<i32>} : memref<4096xi32, #tpu.memory_space<vmem>>, vector<16xi32>,
    %add3A_1425 = arith.constant 24 : i32
    %add3A_1426 = vector.broadcast %add3A_1425 : i32 to vector<16xi32>
    %add3A_1427 = arith.addi %add3A_137, %add3A_1426 : vector<16xi32>
    %swap3A_1428 = arith.constant 3968 : index
    %swap3A_1429 = tpu.vector_load %arg9[%swap3A_1428] {strides = array<i32>} : memref<4096xi32, #tpu.memory_space<vmem>>, vector<16xi32>,
    tpu.vector_store %arg9[%swap3A_1428], %add3A_1427 {strides = array<i32>} : memref<4096xi32, #tpu.memory_space<vmem>>, vector<16xi32>,
    %add3A_1430 = arith.constant 25 : i32
    %add3A_1431 = vector.broadcast %add3A_1430 : i32 to vector<16xi32>
    %add3A_1432 = arith.addi %add3A_137, %add3A_1431 : vector<16xi32>
    %swap3A_1433 = arith.constant 3984 : index
    %swap3A_1434 = tpu.vector_load %arg9[%swap3A_1433] {strides = array<i32>} : memref<4096xi32, #tpu.memory_space<vmem>>, vector<16xi32>,
    tpu.vector_store %arg9[%swap3A_1433], %add3A_1432 {strides = array<i32>} : memref<4096xi32, #tpu.memory_space<vmem>>, vector<16xi32>,
    %add3A_1435 = arith.constant 26 : i32
    %add3A_1436 = vector.broadcast %add3A_1435 : i32 to vector<16xi32>
    %add3A_1437 = arith.addi %add3A_137, %add3A_1436 : vector<16xi32>
    %swap3A_1438 = arith.constant 4000 : index
    %swap3A_1439 = tpu.vector_load %arg9[%swap3A_1438] {strides = array<i32>} : memref<4096xi32, #tpu.memory_space<vmem>>, vector<16xi32>,
    tpu.vector_store %arg9[%swap3A_1438], %add3A_1437 {strides = array<i32>} : memref<4096xi32, #tpu.memory_space<vmem>>, vector<16xi32>,
    %add3A_1440 = arith.constant 27 : i32
    %add3A_1441 = vector.broadcast %add3A_1440 : i32 to vector<16xi32>
    %add3A_1442 = arith.addi %add3A_137, %add3A_1441 : vector<16xi32>
    %swap3A_1443 = arith.constant 4016 : index
    %swap3A_1444 = tpu.vector_load %arg9[%swap3A_1443] {strides = array<i32>} : memref<4096xi32, #tpu.memory_space<vmem>>, vector<16xi32>,
    tpu.vector_store %arg9[%swap3A_1443], %add3A_1442 {strides = array<i32>} : memref<4096xi32, #tpu.memory_space<vmem>>, vector<16xi32>,
    %add3A_1445 = arith.constant 28 : i32
    %add3A_1446 = vector.broadcast %add3A_1445 : i32 to vector<16xi32>
    %add3A_1447 = arith.addi %add3A_137, %add3A_1446 : vector<16xi32>
    %swap3A_1448 = arith.constant 4032 : index
    %swap3A_1449 = tpu.vector_load %arg9[%swap3A_1448] {strides = array<i32>} : memref<4096xi32, #tpu.memory_space<vmem>>, vector<16xi32>,
    tpu.vector_store %arg9[%swap3A_1448], %add3A_1447 {strides = array<i32>} : memref<4096xi32, #tpu.memory_space<vmem>>, vector<16xi32>,
    %add3A_1450 = arith.constant 29 : i32
    %add3A_1451 = vector.broadcast %add3A_1450 : i32 to vector<16xi32>
    %add3A_1452 = arith.addi %add3A_137, %add3A_1451 : vector<16xi32>
    %swap3A_1453 = arith.constant 4048 : index
    %swap3A_1454 = tpu.vector_load %arg9[%swap3A_1453] {strides = array<i32>} : memref<4096xi32, #tpu.memory_space<vmem>>, vector<16xi32>,
    tpu.vector_store %arg9[%swap3A_1453], %add3A_1452 {strides = array<i32>} : memref<4096xi32, #tpu.memory_space<vmem>>, vector<16xi32>,
    %add3A_1455 = arith.constant 30 : i32
    %add3A_1456 = vector.broadcast %add3A_1455 : i32 to vector<16xi32>
    %add3A_1457 = arith.addi %add3A_137, %add3A_1456 : vector<16xi32>
    %swap3A_1458 = arith.constant 4064 : index
    %swap3A_1459 = tpu.vector_load %arg9[%swap3A_1458] {strides = array<i32>} : memref<4096xi32, #tpu.memory_space<vmem>>, vector<16xi32>,
    tpu.vector_store %arg9[%swap3A_1458], %add3A_1457 {strides = array<i32>} : memref<4096xi32, #tpu.memory_space<vmem>>, vector<16xi32>,
    %add3A_1460 = arith.constant 31 : i32
    %add3A_1461 = vector.broadcast %add3A_1460 : i32 to vector<16xi32>
    %add3A_1462 = arith.addi %add3A_137, %add3A_1461 : vector<16xi32>
    %swap3A_1463 = arith.constant 4080 : index
    %swap3A_1464 = tpu.vector_load %arg9[%swap3A_1463] {strides = array<i32>} : memref<4096xi32, #tpu.memory_space<vmem>>, vector<16xi32>,
    tpu.vector_store %arg9[%swap3A_1463], %add3A_1462 {strides = array<i32>} : memref<4096xi32, #tpu.memory_space<vmem>>, vector<16xi32>,
    %dma_start3A = arith.constant 0 : i32
    %dma_start3A_1465 = arith.constant 0 : i32
    %dma_start3A_1466 = tpu.memref_slice %arg10[%dma_start3A, %dma_start3A_1465] : memref<512x128xf32, #tpu.memory_space<vmem>> -> memref<256x128xf32, #tpu.memory_space<vmem>>
    %dma_start3A_1467 = arith.constant 0 : i32
    %dma_start3A_1468 = tpu.memref_slice %arg9[%dma_start3A_1467] : memref<4096xi32, #tpu.memory_space<vmem>> -> memref<256xi32, #tpu.memory_space<vmem>>
    %dma_start3A_1469 = arith.constant 0 : i32
    %dma_start3A_1470 = tpu.memref_slice %arg2[%dma_start3A_1469, %multiple_of3A] : memref<32896x2048xf32, #tpu.memory_space<hbm>> -> memref<32896x128xf32, #tpu.memory_space<hbm>>
    tpu.enqueue_indirect_dma source(%dma_start3A_1470 : memref<32896x128xf32, #tpu.memory_space<hbm>>) target(%dma_start3A_1466 : memref<256x128xf32, #tpu.memory_space<vmem>>) offsets(%dma_start3A_1468 : memref<256xi32, #tpu.memory_space<vmem>>) semaphore(%arg13 : memref<!tpu.dma_semaphore, #tpu.memory_space<semaphore_mem>>)
    %scan3A = arith.constant 0 : i32
    %scan3A_1471 = arith.constant 0 : i32
    %scan3A_1472 = arith.constant 16 : i32
    %scan3A_1473 = arith.addi %scan3A_1471, %scan3A_1472 : i32
    %scan3A_1474 = arith.constant 1 : i32
    scf.for %scan3A_1476 = %scan3A_1471 to %scan3A_1473 step %scan3A_1474  : i32 {
      %rem3A_1477 = arith.constant 2 : i32
      %rem3A_1478 = arith.remsi %scan3A_1476, %rem3A_1477 : i32
      %add3A_1479 = arith.constant 1 : i32
      %add3A_1480 = arith.addi %scan3A_1476, %add3A_1479 : i32
      %rem3A_1481 = arith.constant 2 : i32
      %rem3A_1482 = arith.remsi %add3A_1480, %rem3A_1481 : i32
      %lt3A_1483 = arith.constant 16 : i32
      %lt3A_1484 = arith.cmpi slt, %add3A_1480, %lt3A_1483 : i32
      %eq3A_1485 = arith.constant 0 : i32
      %eq3A_1486 = arith.cmpi eq, %rem3A_1482, %eq3A_1485 : i32
      %and3A_1487 = arith.andi %lt3A_1484, %eq3A_1486 : i1
      %convert_element_type3A = arith.extui %and3A_1487 : i1 to i32
      %cond3A = arith.constant 0 : i32
      %cond3A_1488 = arith.cmpi ne, %convert_element_type3A, %cond3A : i32
      scf.if %cond3A_1488 {
        %mul3A_1797 = arith.constant 256 : i32
        %mul3A_1798 = arith.muli %add3A_1480, %mul3A_1797 : i32
        %mul3A_1799 = arith.constant 256 : i32
        %mul3A_1800 = arith.muli %rem3A_1482, %mul3A_1799 : i32
        %dma_start3A_1801 = arith.constant 0 : i32
        %dma_start3A_1802 = tpu.memref_slice %arg10[%mul3A_1800, %dma_start3A_1801] : memref<512x128xf32, #tpu.memory_space<vmem>> -> memref<256x128xf32, #tpu.memory_space<vmem>>
        %dma_start3A_1803 = tpu.memref_slice %arg9[%mul3A_1798] : memref<4096xi32, #tpu.memory_space<vmem>> -> memref<256xi32, #tpu.memory_space<vmem>>
        %dma_start3A_1804 = arith.constant 0 : i32
        %dma_start3A_1805 = tpu.memref_slice %arg2[%dma_start3A_1804, %multiple_of3A] : memref<32896x2048xf32, #tpu.memory_space<hbm>> -> memref<32896x128xf32, #tpu.memory_space<hbm>>
        tpu.enqueue_indirect_dma source(%dma_start3A_1805 : memref<32896x128xf32, #tpu.memory_space<hbm>>) target(%dma_start3A_1802 : memref<256x128xf32, #tpu.memory_space<vmem>>) offsets(%dma_start3A_1803 : memref<256xi32, #tpu.memory_space<vmem>>) semaphore(%arg13 : memref<!tpu.dma_semaphore, #tpu.memory_space<semaphore_mem>>)
      } else {
      }
      %lt3A_1489 = arith.constant 16 : i32
      %lt3A_1490 = arith.cmpi slt, %add3A_1480, %lt3A_1489 : i32
      %eq3A_1491 = arith.constant 1 : i32
      %eq3A_1492 = arith.cmpi eq, %rem3A_1482, %eq3A_1491 : i32
      %and3A_1493 = arith.andi %lt3A_1490, %eq3A_1492 : i1
      %convert_element_type3A_1494 = arith.extui %and3A_1493 : i1 to i32
      %cond3A_1495 = arith.constant 0 : i32
      %cond3A_1496 = arith.cmpi ne, %convert_element_type3A_1494, %cond3A_1495 : i32
      scf.if %cond3A_1496 {
        %mul3A_1797 = arith.constant 256 : i32
        %mul3A_1798 = arith.muli %add3A_1480, %mul3A_1797 : i32
        %mul3A_1799 = arith.constant 256 : i32
        %mul3A_1800 = arith.muli %rem3A_1482, %mul3A_1799 : i32
        %dma_start3A_1801 = arith.constant 0 : i32
        %dma_start3A_1802 = tpu.memref_slice %arg10[%mul3A_1800, %dma_start3A_1801] : memref<512x128xf32, #tpu.memory_space<vmem>> -> memref<256x128xf32, #tpu.memory_space<vmem>>
        %dma_start3A_1803 = tpu.memref_slice %arg9[%mul3A_1798] : memref<4096xi32, #tpu.memory_space<vmem>> -> memref<256xi32, #tpu.memory_space<vmem>>
        %dma_start3A_1804 = arith.constant 0 : i32
        %dma_start3A_1805 = tpu.memref_slice %arg2[%dma_start3A_1804, %multiple_of3A] : memref<32896x2048xf32, #tpu.memory_space<hbm>> -> memref<32896x128xf32, #tpu.memory_space<hbm>>
        tpu.enqueue_indirect_dma source(%dma_start3A_1805 : memref<32896x128xf32, #tpu.memory_space<hbm>>) target(%dma_start3A_1802 : memref<256x128xf32, #tpu.memory_space<vmem>>) offsets(%dma_start3A_1803 : memref<256xi32, #tpu.memory_space<vmem>>) semaphore(%arg14 : memref<!tpu.dma_semaphore, #tpu.memory_space<semaphore_mem>>)
      } else {
      }
      %eq3A_1497 = arith.constant 0 : i32
      %eq3A_1498 = arith.cmpi eq, %rem3A_1478, %eq3A_1497 : i32
      %convert_element_type3A_1499 = arith.extui %eq3A_1498 : i1 to i32
      %cond3A_1500 = arith.constant 0 : i32
      %cond3A_1501 = arith.cmpi ne, %convert_element_type3A_1499, %cond3A_1500 : i32
      scf.if %cond3A_1501 {
        %mul3A_1797 = arith.constant 256 : i32
        %mul3A_1798 = arith.muli %rem3A_1478, %mul3A_1797 : i32
        %dma_wait3A = arith.constant 0 : i32
        %dma_wait3A_1799 = tpu.memref_slice %arg10[%mul3A_1798, %dma_wait3A] : memref<512x128xf32, #tpu.memory_space<vmem>> -> memref<256x128xf32, #tpu.memory_space<vmem>>
        %dma_wait3A_1800 = arith.constant 0 : i32
        %dma_wait3A_1801 = arith.constant 0 : i32
        %dma_wait3A_1802 = tpu.memref_slice %arg2[%dma_wait3A_1800, %dma_wait3A_1801] : memref<32896x2048xf32, #tpu.memory_space<hbm>> -> memref<256x128xf32, #tpu.memory_space<hbm>>
        %dma_wait3A_1803 = arith.constant 0 : i32
        %dma_wait3A_1804 = tpu.memref_slice %arg10[%mul3A_1798, %dma_wait3A_1803] : memref<512x128xf32, #tpu.memory_space<vmem>> -> memref<256x128xf32, #tpu.memory_space<vmem>>
        %dma_wait3A_1805 = arith.constant 0 : i32
        %dma_wait3A_1806 = arith.constant 0 : i32
        %dma_wait3A_1807 = tpu.memref_slice %arg2[%dma_wait3A_1805, %dma_wait3A_1806] : memref<32896x2048xf32, #tpu.memory_space<hbm>> -> memref<256x128xf32, #tpu.memory_space<hbm>>
        tpu.wait_dma2 semaphore(%arg13 : memref<!tpu.dma_semaphore, #tpu.memory_space<semaphore_mem>>) src(%dma_wait3A_1807 : memref<256x128xf32, #tpu.memory_space<hbm>>) dst(%dma_wait3A_1804 : memref<256x128xf32, #tpu.memory_space<vmem>>)
      } else {
      }
      %eq3A_1502 = arith.constant 1 : i32
      %eq3A_1503 = arith.cmpi eq, %rem3A_1478, %eq3A_1502 : i32
      %convert_element_type3A_1504 = arith.extui %eq3A_1503 : i1 to i32
      %cond3A_1505 = arith.constant 0 : i32
      %cond3A_1506 = arith.cmpi ne, %convert_element_type3A_1504, %cond3A_1505 : i32
      scf.if %cond3A_1506 {
        %mul3A_1797 = arith.constant 256 : i32
        %mul3A_1798 = arith.muli %rem3A_1478, %mul3A_1797 : i32
        %dma_wait3A = arith.constant 0 : i32
        %dma_wait3A_1799 = tpu.memref_slice %arg10[%mul3A_1798, %dma_wait3A] : memref<512x128xf32, #tpu.memory_space<vmem>> -> memref<256x128xf32, #tpu.memory_space<vmem>>
        %dma_wait3A_1800 = arith.constant 0 : i32
        %dma_wait3A_1801 = arith.constant 0 : i32
        %dma_wait3A_1802 = tpu.memref_slice %arg2[%dma_wait3A_1800, %dma_wait3A_1801] : memref<32896x2048xf32, #tpu.memory_space<hbm>> -> memref<256x128xf32, #tpu.memory_space<hbm>>
        %dma_wait3A_1803 = arith.constant 0 : i32
        %dma_wait3A_1804 = tpu.memref_slice %arg10[%mul3A_1798, %dma_wait3A_1803] : memref<512x128xf32, #tpu.memory_space<vmem>> -> memref<256x128xf32, #tpu.memory_space<vmem>>
        %dma_wait3A_1805 = arith.constant 0 : i32
        %dma_wait3A_1806 = arith.constant 0 : i32
        %dma_wait3A_1807 = tpu.memref_slice %arg2[%dma_wait3A_1805, %dma_wait3A_1806] : memref<32896x2048xf32, #tpu.memory_space<hbm>> -> memref<256x128xf32, #tpu.memory_space<hbm>>
        tpu.wait_dma2 semaphore(%arg14 : memref<!tpu.dma_semaphore, #tpu.memory_space<semaphore_mem>>) src(%dma_wait3A_1807 : memref<256x128xf32, #tpu.memory_space<hbm>>) dst(%dma_wait3A_1804 : memref<256x128xf32, #tpu.memory_space<vmem>>)
      } else {
      }
      %jit3A_1507 = arith.constant 2 : i32
      %div3A_1508 = arith.divsi %scan3A_1476, %jit3A_1507 : i32
      %sign3A_1509 = arith.constant 0 : i32
      %sign3A_1510 = arith.cmpi sgt, %scan3A_1476, %sign3A_1509 : i32
      %sign3A_1511 = arith.extui %sign3A_1510 : i1 to i32
      %sign3A_1512 = arith.constant 0 : i32
      %sign3A_1513 = arith.cmpi slt, %scan3A_1476, %sign3A_1512 : i32
      %sign3A_1514 = arith.extui %sign3A_1513 : i1 to i32
      %sign3A_1515 = arith.subi %sign3A_1511, %sign3A_1514 : i32
      %sign3A_1516 = arith.constant 0 : i32
      %sign3A_1517 = arith.cmpi sgt, %jit3A_1507, %sign3A_1516 : i32
      %sign3A_1518 = arith.extui %sign3A_1517 : i1 to i32
      %sign3A_1519 = arith.constant 0 : i32
      %sign3A_1520 = arith.cmpi slt, %jit3A_1507, %sign3A_1519 : i32
      %sign3A_1521 = arith.extui %sign3A_1520 : i1 to i32
      %sign3A_1522 = arith.subi %sign3A_1518, %sign3A_1521 : i32
      %ne3A_1523 = arith.cmpi ne, %sign3A_1515, %sign3A_1522 : i32
      %rem3A_1524 = arith.remsi %scan3A_1476, %jit3A_1507 : i32
      %ne3A_1525 = arith.constant 0 : i32
      %ne3A_1526 = arith.cmpi ne, %rem3A_1524, %ne3A_1525 : i32
      %and3A_1527 = arith.andi %ne3A_1523, %ne3A_1526 : i1
      %sub3A_1528 = arith.constant 1 : i32
      %sub3A_1529 = arith.subi %div3A_1508, %sub3A_1528 : i32
      %select_n3A_1530 = arith.select %and3A_1527, %sub3A_1529, %div3A_1508 : i32
      %rem3A_1531 = arith.constant 2 : i32
      %rem3A_1532 = arith.remsi %scan3A_1476, %rem3A_1531 : i32
      %mul3A_1533 = arith.constant 16 : i32
      %mul3A_1534 = arith.muli %select_n3A_1530, %mul3A_1533 : i32
      %get3A_1535 = arith.index_cast %mul3A_1534 : i32 to index
      %get3A_1536 = tpu.vector_load %arg8[%get3A_1535] {strides = array<i32>} : memref<128xi32, #tpu.memory_space<vmem>>, vector<16xi32>,
      %eq3A_1537 = arith.constant 2 : i32
      %eq3A_1538 = vector.broadcast %eq3A_1537 : i32 to vector<16xi32>
      %eq3A_1539 = arith.cmpi eq, %get3A_1536, %eq3A_1538 : vector<16xi32>
      %add3A_1540 = vector.broadcast %mul3A_1534 : i32 to vector<16xi32>
      %add3A_1541 = arith.addi %iota3A, %add3A_1540 : vector<16xi32>
      %mul3A_1542 = arith.constant 16 : i32
      %mul3A_1543 = arith.muli %rem3A_1532, %mul3A_1542 : i32
      %add3A_1544 = arith.constant 0 : i32
      %add3A_1545 = arith.addi %mul3A_1543, %add3A_1544 : i32
      %mul3A_1546 = arith.constant 256 : i32
      %mul3A_1547 = arith.muli %rem3A_1478, %mul3A_1546 : i32
      %add3A_1548 = vector.broadcast %mul3A_1547 : i32 to vector<16xi32>
      %add3A_1549 = arith.addi %add3A_140, %add3A_1548 : vector<16xi32>
      %gather3A = tpu.vector_load_idx %arg10[%add3A_1549, %add3A_1541] : memref<512x128xf32, #tpu.memory_space<vmem>>[vector<16xi32>, vector<16xi32>], vector<16xf32>,
      %get3A_1550 = arith.index_cast %add3A_1545 : i32 to index
      %get3A_1551 = arith.index_cast %mul3A_1534 : i32 to index
      %get3A_1552 = tpu.vector_load %arg12[%get3A_1550, %get3A_1551] {strides = array<i32>} : memref<32x128xf32, #tpu.memory_space<vmem>>, vector<16xf32>,
      %select_n3A_1553 = arith.select %eq3A_1539, %get3A_1552, %gather3A : vector<16xi1>, vector<16xf32>
      %swap3A_1554 = arith.index_cast %add3A_1545 : i32 to index
      %swap3A_1555 = arith.index_cast %mul3A_1534 : i32 to index
      %swap3A_1556 = tpu.vector_load %arg11[%swap3A_1554, %swap3A_1555] {strides = array<i32>} : memref<32x128xf32, #tpu.memory_space<vmem>>, vector<16xf32>,
      tpu.vector_store %arg11[%swap3A_1554, %swap3A_1555], %select_n3A_1553 {strides = array<i32>} : memref<32x128xf32, #tpu.memory_space<vmem>>, vector<16xf32>,
      %mul3A_1557 = arith.constant 16 : i32
      %mul3A_1558 = arith.muli %rem3A_1532, %mul3A_1557 : i32
      %add3A_1559 = arith.constant 1 : i32
      %add3A_1560 = arith.addi %mul3A_1558, %add3A_1559 : i32
      %mul3A_1561 = arith.constant 256 : i32
      %mul3A_1562 = arith.muli %rem3A_1478, %mul3A_1561 : i32
      %add3A_1563 = vector.broadcast %mul3A_1562 : i32 to vector<16xi32>
      %add3A_1564 = arith.addi %add3A_143, %add3A_1563 : vector<16xi32>
      %gather3A_1565 = tpu.vector_load_idx %arg10[%add3A_1564, %add3A_1541] : memref<512x128xf32, #tpu.memory_space<vmem>>[vector<16xi32>, vector<16xi32>], vector<16xf32>,
      %get3A_1566 = arith.index_cast %add3A_1560 : i32 to index
      %get3A_1567 = arith.index_cast %mul3A_1534 : i32 to index
      %get3A_1568 = tpu.vector_load %arg12[%get3A_1566, %get3A_1567] {strides = array<i32>} : memref<32x128xf32, #tpu.memory_space<vmem>>, vector<16xf32>,
      %select_n3A_1569 = arith.select %eq3A_1539, %get3A_1568, %gather3A_1565 : vector<16xi1>, vector<16xf32>
      %swap3A_1570 = arith.index_cast %add3A_1560 : i32 to index
      %swap3A_1571 = arith.index_cast %mul3A_1534 : i32 to index
      %swap3A_1572 = tpu.vector_load %arg11[%swap3A_1570, %swap3A_1571] {strides = array<i32>} : memref<32x128xf32, #tpu.memory_space<vmem>>, vector<16xf32>,
      tpu.vector_store %arg11[%swap3A_1570, %swap3A_1571], %select_n3A_1569 {strides = array<i32>} : memref<32x128xf32, #tpu.memory_space<vmem>>, vector<16xf32>,
      %mul3A_1573 = arith.constant 16 : i32
      %mul3A_1574 = arith.muli %rem3A_1532, %mul3A_1573 : i32
      %add3A_1575 = arith.constant 2 : i32
      %add3A_1576 = arith.addi %mul3A_1574, %add3A_1575 : i32
      %mul3A_1577 = arith.constant 256 : i32
      %mul3A_1578 = arith.muli %rem3A_1478, %mul3A_1577 : i32
      %add3A_1579 = vector.broadcast %mul3A_1578 : i32 to vector<16xi32>
      %add3A_1580 = arith.addi %add3A_146, %add3A_1579 : vector<16xi32>
      %gather3A_1581 = tpu.vector_load_idx %arg10[%add3A_1580, %add3A_1541] : memref<512x128xf32, #tpu.memory_space<vmem>>[vector<16xi32>, vector<16xi32>], vector<16xf32>,
      %get3A_1582 = arith.index_cast %add3A_1576 : i32 to index
      %get3A_1583 = arith.index_cast %mul3A_1534 : i32 to index
      %get3A_1584 = tpu.vector_load %arg12[%get3A_1582, %get3A_1583] {strides = array<i32>} : memref<32x128xf32, #tpu.memory_space<vmem>>, vector<16xf32>,
      %select_n3A_1585 = arith.select %eq3A_1539, %get3A_1584, %gather3A_1581 : vector<16xi1>, vector<16xf32>
      %swap3A_1586 = arith.index_cast %add3A_1576 : i32 to index
      %swap3A_1587 = arith.index_cast %mul3A_1534 : i32 to index
      %swap3A_1588 = tpu.vector_load %arg11[%swap3A_1586, %swap3A_1587] {strides = array<i32>} : memref<32x128xf32, #tpu.memory_space<vmem>>, vector<16xf32>,
      tpu.vector_store %arg11[%swap3A_1586, %swap3A_1587], %select_n3A_1585 {strides = array<i32>} : memref<32x128xf32, #tpu.memory_space<vmem>>, vector<16xf32>,
      %mul3A_1589 = arith.constant 16 : i32
      %mul3A_1590 = arith.muli %rem3A_1532, %mul3A_1589 : i32
      %add3A_1591 = arith.constant 3 : i32
      %add3A_1592 = arith.addi %mul3A_1590, %add3A_1591 : i32
      %mul3A_1593 = arith.constant 256 : i32
      %mul3A_1594 = arith.muli %rem3A_1478, %mul3A_1593 : i32
      %add3A_1595 = vector.broadcast %mul3A_1594 : i32 to vector<16xi32>
      %add3A_1596 = arith.addi %add3A_149, %add3A_1595 : vector<16xi32>
      %gather3A_1597 = tpu.vector_load_idx %arg10[%add3A_1596, %add3A_1541] : memref<512x128xf32, #tpu.memory_space<vmem>>[vector<16xi32>, vector<16xi32>], vector<16xf32>,
      %get3A_1598 = arith.index_cast %add3A_1592 : i32 to index
      %get3A_1599 = arith.index_cast %mul3A_1534 : i32 to index
      %get3A_1600 = tpu.vector_load %arg12[%get3A_1598, %get3A_1599] {strides = array<i32>} : memref<32x128xf32, #tpu.memory_space<vmem>>, vector<16xf32>,
      %select_n3A_1601 = arith.select %eq3A_1539, %get3A_1600, %gather3A_1597 : vector<16xi1>, vector<16xf32>
      %swap3A_1602 = arith.index_cast %add3A_1592 : i32 to index
      %swap3A_1603 = arith.index_cast %mul3A_1534 : i32 to index
      %swap3A_1604 = tpu.vector_load %arg11[%swap3A_1602, %swap3A_1603] {strides = array<i32>} : memref<32x128xf32, #tpu.memory_space<vmem>>, vector<16xf32>,
      tpu.vector_store %arg11[%swap3A_1602, %swap3A_1603], %select_n3A_1601 {strides = array<i32>} : memref<32x128xf32, #tpu.memory_space<vmem>>, vector<16xf32>,
      %mul3A_1605 = arith.constant 16 : i32
      %mul3A_1606 = arith.muli %rem3A_1532, %mul3A_1605 : i32
      %add3A_1607 = arith.constant 4 : i32
      %add3A_1608 = arith.addi %mul3A_1606, %add3A_1607 : i32
      %mul3A_1609 = arith.constant 256 : i32
      %mul3A_1610 = arith.muli %rem3A_1478, %mul3A_1609 : i32
      %add3A_1611 = vector.broadcast %mul3A_1610 : i32 to vector<16xi32>
      %add3A_1612 = arith.addi %add3A_152, %add3A_1611 : vector<16xi32>
      %gather3A_1613 = tpu.vector_load_idx %arg10[%add3A_1612, %add3A_1541] : memref<512x128xf32, #tpu.memory_space<vmem>>[vector<16xi32>, vector<16xi32>], vector<16xf32>,
      %get3A_1614 = arith.index_cast %add3A_1608 : i32 to index
      %get3A_1615 = arith.index_cast %mul3A_1534 : i32 to index
      %get3A_1616 = tpu.vector_load %arg12[%get3A_1614, %get3A_1615] {strides = array<i32>} : memref<32x128xf32, #tpu.memory_space<vmem>>, vector<16xf32>,
      %select_n3A_1617 = arith.select %eq3A_1539, %get3A_1616, %gather3A_1613 : vector<16xi1>, vector<16xf32>
      %swap3A_1618 = arith.index_cast %add3A_1608 : i32 to index
      %swap3A_1619 = arith.index_cast %mul3A_1534 : i32 to index
      %swap3A_1620 = tpu.vector_load %arg11[%swap3A_1618, %swap3A_1619] {strides = array<i32>} : memref<32x128xf32, #tpu.memory_space<vmem>>, vector<16xf32>,
      tpu.vector_store %arg11[%swap3A_1618, %swap3A_1619], %select_n3A_1617 {strides = array<i32>} : memref<32x128xf32, #tpu.memory_space<vmem>>, vector<16xf32>,
      %mul3A_1621 = arith.constant 16 : i32
      %mul3A_1622 = arith.muli %rem3A_1532, %mul3A_1621 : i32
      %add3A_1623 = arith.constant 5 : i32
      %add3A_1624 = arith.addi %mul3A_1622, %add3A_1623 : i32
      %mul3A_1625 = arith.constant 256 : i32
      %mul3A_1626 = arith.muli %rem3A_1478, %mul3A_1625 : i32
      %add3A_1627 = vector.broadcast %mul3A_1626 : i32 to vector<16xi32>
      %add3A_1628 = arith.addi %add3A_155, %add3A_1627 : vector<16xi32>
      %gather3A_1629 = tpu.vector_load_idx %arg10[%add3A_1628, %add3A_1541] : memref<512x128xf32, #tpu.memory_space<vmem>>[vector<16xi32>, vector<16xi32>], vector<16xf32>,
      %get3A_1630 = arith.index_cast %add3A_1624 : i32 to index
      %get3A_1631 = arith.index_cast %mul3A_1534 : i32 to index
      %get3A_1632 = tpu.vector_load %arg12[%get3A_1630, %get3A_1631] {strides = array<i32>} : memref<32x128xf32, #tpu.memory_space<vmem>>, vector<16xf32>,
      %select_n3A_1633 = arith.select %eq3A_1539, %get3A_1632, %gather3A_1629 : vector<16xi1>, vector<16xf32>
      %swap3A_1634 = arith.index_cast %add3A_1624 : i32 to index
      %swap3A_1635 = arith.index_cast %mul3A_1534 : i32 to index
      %swap3A_1636 = tpu.vector_load %arg11[%swap3A_1634, %swap3A_1635] {strides = array<i32>} : memref<32x128xf32, #tpu.memory_space<vmem>>, vector<16xf32>,
      tpu.vector_store %arg11[%swap3A_1634, %swap3A_1635], %select_n3A_1633 {strides = array<i32>} : memref<32x128xf32, #tpu.memory_space<vmem>>, vector<16xf32>,
      %mul3A_1637 = arith.constant 16 : i32
      %mul3A_1638 = arith.muli %rem3A_1532, %mul3A_1637 : i32
      %add3A_1639 = arith.constant 6 : i32
      %add3A_1640 = arith.addi %mul3A_1638, %add3A_1639 : i32
      %mul3A_1641 = arith.constant 256 : i32
      %mul3A_1642 = arith.muli %rem3A_1478, %mul3A_1641 : i32
      %add3A_1643 = vector.broadcast %mul3A_1642 : i32 to vector<16xi32>
      %add3A_1644 = arith.addi %add3A_158, %add3A_1643 : vector<16xi32>
      %gather3A_1645 = tpu.vector_load_idx %arg10[%add3A_1644, %add3A_1541] : memref<512x128xf32, #tpu.memory_space<vmem>>[vector<16xi32>, vector<16xi32>], vector<16xf32>,
      %get3A_1646 = arith.index_cast %add3A_1640 : i32 to index
      %get3A_1647 = arith.index_cast %mul3A_1534 : i32 to index
      %get3A_1648 = tpu.vector_load %arg12[%get3A_1646, %get3A_1647] {strides = array<i32>} : memref<32x128xf32, #tpu.memory_space<vmem>>, vector<16xf32>,
      %select_n3A_1649 = arith.select %eq3A_1539, %get3A_1648, %gather3A_1645 : vector<16xi1>, vector<16xf32>
      %swap3A_1650 = arith.index_cast %add3A_1640 : i32 to index
      %swap3A_1651 = arith.index_cast %mul3A_1534 : i32 to index
      %swap3A_1652 = tpu.vector_load %arg11[%swap3A_1650, %swap3A_1651] {strides = array<i32>} : memref<32x128xf32, #tpu.memory_space<vmem>>, vector<16xf32>,
      tpu.vector_store %arg11[%swap3A_1650, %swap3A_1651], %select_n3A_1649 {strides = array<i32>} : memref<32x128xf32, #tpu.memory_space<vmem>>, vector<16xf32>,
      %mul3A_1653 = arith.constant 16 : i32
      %mul3A_1654 = arith.muli %rem3A_1532, %mul3A_1653 : i32
      %add3A_1655 = arith.constant 7 : i32
      %add3A_1656 = arith.addi %mul3A_1654, %add3A_1655 : i32
      %mul3A_1657 = arith.constant 256 : i32
      %mul3A_1658 = arith.muli %rem3A_1478, %mul3A_1657 : i32
      %add3A_1659 = vector.broadcast %mul3A_1658 : i32 to vector<16xi32>
      %add3A_1660 = arith.addi %add3A_161, %add3A_1659 : vector<16xi32>
      %gather3A_1661 = tpu.vector_load_idx %arg10[%add3A_1660, %add3A_1541] : memref<512x128xf32, #tpu.memory_space<vmem>>[vector<16xi32>, vector<16xi32>], vector<16xf32>,
      %get3A_1662 = arith.index_cast %add3A_1656 : i32 to index
      %get3A_1663 = arith.index_cast %mul3A_1534 : i32 to index
      %get3A_1664 = tpu.vector_load %arg12[%get3A_1662, %get3A_1663] {strides = array<i32>} : memref<32x128xf32, #tpu.memory_space<vmem>>, vector<16xf32>,
      %select_n3A_1665 = arith.select %eq3A_1539, %get3A_1664, %gather3A_1661 : vector<16xi1>, vector<16xf32>
      %swap3A_1666 = arith.index_cast %add3A_1656 : i32 to index
      %swap3A_1667 = arith.index_cast %mul3A_1534 : i32 to index
      %swap3A_1668 = tpu.vector_load %arg11[%swap3A_1666, %swap3A_1667] {strides = array<i32>} : memref<32x128xf32, #tpu.memory_space<vmem>>, vector<16xf32>,
      tpu.vector_store %arg11[%swap3A_1666, %swap3A_1667], %select_n3A_1665 {strides = array<i32>} : memref<32x128xf32, #tpu.memory_space<vmem>>, vector<16xf32>,
      %mul3A_1669 = arith.constant 16 : i32
      %mul3A_1670 = arith.muli %rem3A_1532, %mul3A_1669 : i32
      %add3A_1671 = arith.constant 8 : i32
      %add3A_1672 = arith.addi %mul3A_1670, %add3A_1671 : i32
      %mul3A_1673 = arith.constant 256 : i32
      %mul3A_1674 = arith.muli %rem3A_1478, %mul3A_1673 : i32
      %add3A_1675 = vector.broadcast %mul3A_1674 : i32 to vector<16xi32>
      %add3A_1676 = arith.addi %add3A_164, %add3A_1675 : vector<16xi32>
      %gather3A_1677 = tpu.vector_load_idx %arg10[%add3A_1676, %add3A_1541] : memref<512x128xf32, #tpu.memory_space<vmem>>[vector<16xi32>, vector<16xi32>], vector<16xf32>,
      %get3A_1678 = arith.index_cast %add3A_1672 : i32 to index
      %get3A_1679 = arith.index_cast %mul3A_1534 : i32 to index
      %get3A_1680 = tpu.vector_load %arg12[%get3A_1678, %get3A_1679] {strides = array<i32>} : memref<32x128xf32, #tpu.memory_space<vmem>>, vector<16xf32>,
      %select_n3A_1681 = arith.select %eq3A_1539, %get3A_1680, %gather3A_1677 : vector<16xi1>, vector<16xf32>
      %swap3A_1682 = arith.index_cast %add3A_1672 : i32 to index
      %swap3A_1683 = arith.index_cast %mul3A_1534 : i32 to index
      %swap3A_1684 = tpu.vector_load %arg11[%swap3A_1682, %swap3A_1683] {strides = array<i32>} : memref<32x128xf32, #tpu.memory_space<vmem>>, vector<16xf32>,
      tpu.vector_store %arg11[%swap3A_1682, %swap3A_1683], %select_n3A_1681 {strides = array<i32>} : memref<32x128xf32, #tpu.memory_space<vmem>>, vector<16xf32>,
      %mul3A_1685 = arith.constant 16 : i32
      %mul3A_1686 = arith.muli %rem3A_1532, %mul3A_1685 : i32
      %add3A_1687 = arith.constant 9 : i32
      %add3A_1688 = arith.addi %mul3A_1686, %add3A_1687 : i32
      %mul3A_1689 = arith.constant 256 : i32
      %mul3A_1690 = arith.muli %rem3A_1478, %mul3A_1689 : i32
      %add3A_1691 = vector.broadcast %mul3A_1690 : i32 to vector<16xi32>
      %add3A_1692 = arith.addi %add3A_167, %add3A_1691 : vector<16xi32>
      %gather3A_1693 = tpu.vector_load_idx %arg10[%add3A_1692, %add3A_1541] : memref<512x128xf32, #tpu.memory_space<vmem>>[vector<16xi32>, vector<16xi32>], vector<16xf32>,
      %get3A_1694 = arith.index_cast %add3A_1688 : i32 to index
      %get3A_1695 = arith.index_cast %mul3A_1534 : i32 to index
      %get3A_1696 = tpu.vector_load %arg12[%get3A_1694, %get3A_1695] {strides = array<i32>} : memref<32x128xf32, #tpu.memory_space<vmem>>, vector<16xf32>,
      %select_n3A_1697 = arith.select %eq3A_1539, %get3A_1696, %gather3A_1693 : vector<16xi1>, vector<16xf32>
      %swap3A_1698 = arith.index_cast %add3A_1688 : i32 to index
      %swap3A_1699 = arith.index_cast %mul3A_1534 : i32 to index
      %swap3A_1700 = tpu.vector_load %arg11[%swap3A_1698, %swap3A_1699] {strides = array<i32>} : memref<32x128xf32, #tpu.memory_space<vmem>>, vector<16xf32>,
      tpu.vector_store %arg11[%swap3A_1698, %swap3A_1699], %select_n3A_1697 {strides = array<i32>} : memref<32x128xf32, #tpu.memory_space<vmem>>, vector<16xf32>,
      %mul3A_1701 = arith.constant 16 : i32
      %mul3A_1702 = arith.muli %rem3A_1532, %mul3A_1701 : i32
      %add3A_1703 = arith.constant 10 : i32
      %add3A_1704 = arith.addi %mul3A_1702, %add3A_1703 : i32
      %mul3A_1705 = arith.constant 256 : i32
      %mul3A_1706 = arith.muli %rem3A_1478, %mul3A_1705 : i32
      %add3A_1707 = vector.broadcast %mul3A_1706 : i32 to vector<16xi32>
      %add3A_1708 = arith.addi %add3A_170, %add3A_1707 : vector<16xi32>
      %gather3A_1709 = tpu.vector_load_idx %arg10[%add3A_1708, %add3A_1541] : memref<512x128xf32, #tpu.memory_space<vmem>>[vector<16xi32>, vector<16xi32>], vector<16xf32>,
      %get3A_1710 = arith.index_cast %add3A_1704 : i32 to index
      %get3A_1711 = arith.index_cast %mul3A_1534 : i32 to index
      %get3A_1712 = tpu.vector_load %arg12[%get3A_1710, %get3A_1711] {strides = array<i32>} : memref<32x128xf32, #tpu.memory_space<vmem>>, vector<16xf32>,
      %select_n3A_1713 = arith.select %eq3A_1539, %get3A_1712, %gather3A_1709 : vector<16xi1>, vector<16xf32>
      %swap3A_1714 = arith.index_cast %add3A_1704 : i32 to index
      %swap3A_1715 = arith.index_cast %mul3A_1534 : i32 to index
      %swap3A_1716 = tpu.vector_load %arg11[%swap3A_1714, %swap3A_1715] {strides = array<i32>} : memref<32x128xf32, #tpu.memory_space<vmem>>, vector<16xf32>,
      tpu.vector_store %arg11[%swap3A_1714, %swap3A_1715], %select_n3A_1713 {strides = array<i32>} : memref<32x128xf32, #tpu.memory_space<vmem>>, vector<16xf32>,
      %mul3A_1717 = arith.constant 16 : i32
      %mul3A_1718 = arith.muli %rem3A_1532, %mul3A_1717 : i32
      %add3A_1719 = arith.constant 11 : i32
      %add3A_1720 = arith.addi %mul3A_1718, %add3A_1719 : i32
      %mul3A_1721 = arith.constant 256 : i32
      %mul3A_1722 = arith.muli %rem3A_1478, %mul3A_1721 : i32
      %add3A_1723 = vector.broadcast %mul3A_1722 : i32 to vector<16xi32>
      %add3A_1724 = arith.addi %add3A_173, %add3A_1723 : vector<16xi32>
      %gather3A_1725 = tpu.vector_load_idx %arg10[%add3A_1724, %add3A_1541] : memref<512x128xf32, #tpu.memory_space<vmem>>[vector<16xi32>, vector<16xi32>], vector<16xf32>,
      %get3A_1726 = arith.index_cast %add3A_1720 : i32 to index
      %get3A_1727 = arith.index_cast %mul3A_1534 : i32 to index
      %get3A_1728 = tpu.vector_load %arg12[%get3A_1726, %get3A_1727] {strides = array<i32>} : memref<32x128xf32, #tpu.memory_space<vmem>>, vector<16xf32>,
      %select_n3A_1729 = arith.select %eq3A_1539, %get3A_1728, %gather3A_1725 : vector<16xi1>, vector<16xf32>
      %swap3A_1730 = arith.index_cast %add3A_1720 : i32 to index
      %swap3A_1731 = arith.index_cast %mul3A_1534 : i32 to index
      %swap3A_1732 = tpu.vector_load %arg11[%swap3A_1730, %swap3A_1731] {strides = array<i32>} : memref<32x128xf32, #tpu.memory_space<vmem>>, vector<16xf32>,
      tpu.vector_store %arg11[%swap3A_1730, %swap3A_1731], %select_n3A_1729 {strides = array<i32>} : memref<32x128xf32, #tpu.memory_space<vmem>>, vector<16xf32>,
      %mul3A_1733 = arith.constant 16 : i32
      %mul3A_1734 = arith.muli %rem3A_1532, %mul3A_1733 : i32
      %add3A_1735 = arith.constant 12 : i32
      %add3A_1736 = arith.addi %mul3A_1734, %add3A_1735 : i32
      %mul3A_1737 = arith.constant 256 : i32
      %mul3A_1738 = arith.muli %rem3A_1478, %mul3A_1737 : i32
      %add3A_1739 = vector.broadcast %mul3A_1738 : i32 to vector<16xi32>
      %add3A_1740 = arith.addi %add3A_176, %add3A_1739 : vector<16xi32>
      %gather3A_1741 = tpu.vector_load_idx %arg10[%add3A_1740, %add3A_1541] : memref<512x128xf32, #tpu.memory_space<vmem>>[vector<16xi32>, vector<16xi32>], vector<16xf32>,
      %get3A_1742 = arith.index_cast %add3A_1736 : i32 to index
      %get3A_1743 = arith.index_cast %mul3A_1534 : i32 to index
      %get3A_1744 = tpu.vector_load %arg12[%get3A_1742, %get3A_1743] {strides = array<i32>} : memref<32x128xf32, #tpu.memory_space<vmem>>, vector<16xf32>,
      %select_n3A_1745 = arith.select %eq3A_1539, %get3A_1744, %gather3A_1741 : vector<16xi1>, vector<16xf32>
      %swap3A_1746 = arith.index_cast %add3A_1736 : i32 to index
      %swap3A_1747 = arith.index_cast %mul3A_1534 : i32 to index
      %swap3A_1748 = tpu.vector_load %arg11[%swap3A_1746, %swap3A_1747] {strides = array<i32>} : memref<32x128xf32, #tpu.memory_space<vmem>>, vector<16xf32>,
      tpu.vector_store %arg11[%swap3A_1746, %swap3A_1747], %select_n3A_1745 {strides = array<i32>} : memref<32x128xf32, #tpu.memory_space<vmem>>, vector<16xf32>,
      %mul3A_1749 = arith.constant 16 : i32
      %mul3A_1750 = arith.muli %rem3A_1532, %mul3A_1749 : i32
      %add3A_1751 = arith.constant 13 : i32
      %add3A_1752 = arith.addi %mul3A_1750, %add3A_1751 : i32
      %mul3A_1753 = arith.constant 256 : i32
      %mul3A_1754 = arith.muli %rem3A_1478, %mul3A_1753 : i32
      %add3A_1755 = vector.broadcast %mul3A_1754 : i32 to vector<16xi32>
      %add3A_1756 = arith.addi %add3A_179, %add3A_1755 : vector<16xi32>
      %gather3A_1757 = tpu.vector_load_idx %arg10[%add3A_1756, %add3A_1541] : memref<512x128xf32, #tpu.memory_space<vmem>>[vector<16xi32>, vector<16xi32>], vector<16xf32>,
      %get3A_1758 = arith.index_cast %add3A_1752 : i32 to index
      %get3A_1759 = arith.index_cast %mul3A_1534 : i32 to index
      %get3A_1760 = tpu.vector_load %arg12[%get3A_1758, %get3A_1759] {strides = array<i32>} : memref<32x128xf32, #tpu.memory_space<vmem>>, vector<16xf32>,
      %select_n3A_1761 = arith.select %eq3A_1539, %get3A_1760, %gather3A_1757 : vector<16xi1>, vector<16xf32>
      %swap3A_1762 = arith.index_cast %add3A_1752 : i32 to index
      %swap3A_1763 = arith.index_cast %mul3A_1534 : i32 to index
      %swap3A_1764 = tpu.vector_load %arg11[%swap3A_1762, %swap3A_1763] {strides = array<i32>} : memref<32x128xf32, #tpu.memory_space<vmem>>, vector<16xf32>,
      tpu.vector_store %arg11[%swap3A_1762, %swap3A_1763], %select_n3A_1761 {strides = array<i32>} : memref<32x128xf32, #tpu.memory_space<vmem>>, vector<16xf32>,
      %mul3A_1765 = arith.constant 16 : i32
      %mul3A_1766 = arith.muli %rem3A_1532, %mul3A_1765 : i32
      %add3A_1767 = arith.constant 14 : i32
      %add3A_1768 = arith.addi %mul3A_1766, %add3A_1767 : i32
      %mul3A_1769 = arith.constant 256 : i32
      %mul3A_1770 = arith.muli %rem3A_1478, %mul3A_1769 : i32
      %add3A_1771 = vector.broadcast %mul3A_1770 : i32 to vector<16xi32>
      %add3A_1772 = arith.addi %add3A_182, %add3A_1771 : vector<16xi32>
      %gather3A_1773 = tpu.vector_load_idx %arg10[%add3A_1772, %add3A_1541] : memref<512x128xf32, #tpu.memory_space<vmem>>[vector<16xi32>, vector<16xi32>], vector<16xf32>,
      %get3A_1774 = arith.index_cast %add3A_1768 : i32 to index
      %get3A_1775 = arith.index_cast %mul3A_1534 : i32 to index
      %get3A_1776 = tpu.vector_load %arg12[%get3A_1774, %get3A_1775] {strides = array<i32>} : memref<32x128xf32, #tpu.memory_space<vmem>>, vector<16xf32>,
      %select_n3A_1777 = arith.select %eq3A_1539, %get3A_1776, %gather3A_1773 : vector<16xi1>, vector<16xf32>
      %swap3A_1778 = arith.index_cast %add3A_1768 : i32 to index
      %swap3A_1779 = arith.index_cast %mul3A_1534 : i32 to index
      %swap3A_1780 = tpu.vector_load %arg11[%swap3A_1778, %swap3A_1779] {strides = array<i32>} : memref<32x128xf32, #tpu.memory_space<vmem>>, vector<16xf32>,
      tpu.vector_store %arg11[%swap3A_1778, %swap3A_1779], %select_n3A_1777 {strides = array<i32>} : memref<32x128xf32, #tpu.memory_space<vmem>>, vector<16xf32>,
      %mul3A_1781 = arith.constant 16 : i32
      %mul3A_1782 = arith.muli %rem3A_1532, %mul3A_1781 : i32
      %add3A_1783 = arith.constant 15 : i32
      %add3A_1784 = arith.addi %mul3A_1782, %add3A_1783 : i32
      %mul3A_1785 = arith.constant 256 : i32
      %mul3A_1786 = arith.muli %rem3A_1478, %mul3A_1785 : i32
      %add3A_1787 = vector.broadcast %mul3A_1786 : i32 to vector<16xi32>
      %add3A_1788 = arith.addi %add3A_185, %add3A_1787 : vector<16xi32>
      %gather3A_1789 = tpu.vector_load_idx %arg10[%add3A_1788, %add3A_1541] : memref<512x128xf32, #tpu.memory_space<vmem>>[vector<16xi32>, vector<16xi32>], vector<16xf32>,
      %get3A_1790 = arith.index_cast %add3A_1784 : i32 to index
      %get3A_1791 = arith.index_cast %mul3A_1534 : i32 to index
      %get3A_1792 = tpu.vector_load %arg12[%get3A_1790, %get3A_1791] {strides = array<i32>} : memref<32x128xf32, #tpu.memory_space<vmem>>, vector<16xf32>,
      %select_n3A_1793 = arith.select %eq3A_1539, %get3A_1792, %gather3A_1789 : vector<16xi1>, vector<16xf32>
      %swap3A_1794 = arith.index_cast %add3A_1784 : i32 to index
      %swap3A_1795 = arith.index_cast %mul3A_1534 : i32 to index
      %swap3A_1796 = tpu.vector_load %arg11[%swap3A_1794, %swap3A_1795] {strides = array<i32>} : memref<32x128xf32, #tpu.memory_space<vmem>>, vector<16xf32>,
      tpu.vector_store %arg11[%swap3A_1794, %swap3A_1795], %select_n3A_1793 {strides = array<i32>} : memref<32x128xf32, #tpu.memory_space<vmem>>, vector<16xf32>,
    }
    %scan3A_1475 = arith.constant 16 : i32
    "tpu.region"() ({
      %run_scoped3A = tpu.sem_alloc : memref<!tpu.dma_semaphore, #tpu.memory_space<semaphore_mem>>
      %dma_start3A_1476 = tpu.memref_slice %arg6[%mul3A_34, %multiple_of3A] : memref<64x2048xf32, #tpu.memory_space<hbm>> -> memref<32x128xf32, #tpu.memory_space<hbm>>
      %dma_start3A_1477 = tpu.memref_slice %arg6[%mul3A_34, %multiple_of3A] : memref<64x2048xf32, #tpu.memory_space<hbm>> -> memref<32x128xf32, #tpu.memory_space<hbm>>
      tpu.enqueue_dma source(%arg11 : memref<32x128xf32, #tpu.memory_space<vmem>>) target(%dma_start3A_1477 : memref<32x128xf32, #tpu.memory_space<hbm>>) target_semaphore(%run_scoped3A : memref<!tpu.dma_semaphore, #tpu.memory_space<semaphore_mem>>)
      %dma_wait3A = tpu.memref_slice %arg6[%mul3A_34, %multiple_of3A] : memref<64x2048xf32, #tpu.memory_space<hbm>> -> memref<32x128xf32, #tpu.memory_space<hbm>>
      %dma_wait3A_1478 = tpu.memref_slice %arg6[%mul3A_34, %multiple_of3A] : memref<64x2048xf32, #tpu.memory_space<hbm>> -> memref<32x128xf32, #tpu.memory_space<hbm>>
      tpu.wait_dma2 semaphore(%run_scoped3A : memref<!tpu.dma_semaphore, #tpu.memory_space<semaphore_mem>>) src(%arg11 : memref<32x128xf32, #tpu.memory_space<vmem>>) dst(%dma_wait3A_1478 : memref<32x128xf32, #tpu.memory_space<hbm>>)
      tpu.yield
    }) : () -> ()
    return
  }
}

</mosaic_0001>

<sc_bundles>
// kernel: kernel.3.cloned.1.call-start
scs
__scs_entry_jumppad:
0x0: {  	(pc) =	sbr.rel $0x88, $3  }
0x1: {  	(tag) =	ssettag $0x0;
	lr =	simm.s32 $0x1  }
0x2: {  	[smem:$0x3F9D] =	sst lr;
	_ =	strace $0xD0000000  }
0x3: {  	_ = 	snop  }
0x4: {  	_ = 	snop  }
0x5: {  	_ = 	snop  }
0x6: {  	_ = 	snop  }
0x7: {  	_ = 	snop  }
__scs_overlays_trampoline_lowered:
0x8: {  	[smem:$0x3FAC] =	sst s0  }
0x9: {  	[smem:$0x3FAD] =	sst s1  }
0xa: {  	[smem:$0x3FAE] =	sst s2  }
0xb: {  	[smem:$0x3FAF] =	sst s3  }
0xc: {  	[smem:$0x3FB0] =	sst s4  }
0xd: {  	[smem:$0x3FB1] =	sst s5  }
0xe: {  	[smem:$0x3FB2] =	sst s6  }
0xf: {  	[smem:$0x3FB3] =	sst s7  }
0x10: {  	[smem:$0x3FB4] =	sst s8  }
0x11: {  	[smem:$0x3FB5] =	sst s9;
	s0 =	simm.s32 @!p0 $0x0  }
0x12: {  	s1 =	sld [smem:$0x3F9B];
	s0 =	simm.s32 @p0 $0x1  }
0x13: {  	[smem:$0x3FB6] =	sst s0;
	s0 =	simm.s32 @!p1 $0x0  }
0x14: {  	s2 =	sld [smem:$0x3F9A];
	s0 =	simm.s32 @p1 $0x1  }
0x15: {  	[smem:$0x3FB7] =	sst s0;
	s0 =	simm.s32 @!p2 $0x0  }
0x16: {  	s3 =	sld [smem:$0x3FDB];
	s0 =	simm.s32 @p2 $0x1  }
0x17: {  	s4 =	simm.s32 $0x1BF5;
	[smem:$0x3FB9] =	sst s0  }
0x18: {  	s0 =	sld [smem:$0x3F9C];
	_ =	swait.ge [sflag:s4], $0x0  }
0x19: {  	s7 =	sld [smem:$0x3F9D]  }
0x1a: {  	s8 =	sadd.s32 $0xFFFFE003, lr  }
0x1b: {  	s9 =	sadd.s32 $0xFFFFFEF7, lr;
	s5 =	simm.s32 $0xFFFFFFFF;
	p2 =	slt.u32 s8, $0xFFFFF086  }
0x1c: {  	p1 =	slt.u32 s9, $0xF7A;
	s5 =	simm.s32 @!p2 $0x0  }
0x1d: {  	s5 =	simm.s32 @p1 $0x1;
	p0 =	seq.s32 s7, s2  }
0x1e: {  	s7 =	smul.u32 @!p0 $0xF7A, s2;
	p2 =	seq.s32 @!p0 s5, $0x0  }
0x1f: {  	s9 =	smul.u32 $0xF7A, s1;
	s8 =	simm.s32 @!p0 $0x1BF5;
	p2 =	por !p2, p0  }
0x20: {  	[sflag:s8] =	ssyncset.s32 @!p0 $0xFFFFF086;
	s6 =	sadd.s32 @!p0 s3, s7;
	s7 =	simm.s32 @!p0 $0x108  }
0x21: {  	s3 =	sadd.s32 s3, s9;
	s6 =	sadd.s32 @!p0 $0x88, s6;
	s7 =	simm.s32 @p2 $0x1082  }
0x22: {  	[simem:s7], [sflag:s8] =	dma.local @!p0 [hbm:s6], $0xF7A  }
0x23: {  	s9 =	sor.u32 $0xD0000000, s2;
	s6 =	simm.s32 $0x108;
	_ =	swait.ge @!p0 [sflag:s8], $0x0  }
0x24: {  	s3 =	sadd.s32 $0x88, s3;
	s6 =	simm.s32 @!p1 $0x1082;
	[sflag:s4] =	ssyncset.s32 $0xFFFFF086  }
0x25: {  	[simem:s6], [sflag:s4] =	dma.local [hbm:s3], $0xF7A  }
0x26: {  	[smem:$0x3F9D] =	sst s1;
	(tag) =	ssettag s2;
	_ =	strace s9  }
0x27: {  	s1 =	sld [smem:$0x3FAD]  }
0x28: {  	s2 =	sld [smem:$0x3FAE]  }
0x29: {  	s4 =	sld [smem:$0x3FB0]  }
0x2a: {  	p0 =	seq.s32 s5, $0x0;
	s5 =	sld [smem:$0x3FB1]  }
0x2b: {  	s6 =	sld [smem:$0x3FB2]  }
0x2c: {  	s7 =	sld [smem:$0x3FB3]  }
0x2d: {  	s3 =	simm.s32 $0x108;
	s8 =	sld [smem:$0x3FB4]  }
0x2e: {  	s3 =	simm.s32 @!p0 $0x1082;
	s9 =	sld [smem:$0x3FB5]  }
0x2f: {  	lr =	sadd.s32 s0, s3;
	s0 =	sld [smem:$0x3FAC]  }
0x30: {  	s3 =	sld [smem:$0x3FAF]  }
0x31: {  	[smem:$0x3FB8] =	sst s10  }
0x32: {  	s10 =	sld [smem:$0x3FB6];
	_ =	sdelay $0x3  }
0x33: {  	p0 =	seq.s32 s10, $0x1;
	s10 =	sld [smem:$0x3FB8];
	_ =	sdelay $0x3  }
0x34: {  	[smem:$0x3FB8] =	sst s10  }
0x35: {  	s10 =	sld [smem:$0x3FB7];
	_ =	sdelay $0x3  }
0x36: {  	p1 =	seq.s32 s10, $0x1;
	s10 =	sld [smem:$0x3FB8];
	_ =	sdelay $0x3  }
0x37: {  	[smem:$0x3FB8] =	sst s10  }
0x38: {  	s10 =	sld [smem:$0x3FB9]  }
0x39: {  	_ = 	snop;
	(pc) =	sbr.ind lr, $3  }
0x3a: {  	_ = 	snop  }
0x3b: {  	_ = 	snop  }
0x3c: {  	p2 =	seq.s32 s10, $0x1;
	s10 =	sld [smem:$0x3FB8]  }
0x3d: {  	_ =	shalt  }
0x3e: {  	_ =	shalt  }
0x3f: {  	_ =	shalt  }
0x40: {  	_ =	shalt  }
0x41: {  	_ =	shalt  }
0x42: {  	_ =	shalt  }
0x43: {  	_ =	shalt  }
0x44: {  	_ =	shalt  }
0x45: {  	_ =	shalt  }
0x46: {  	_ =	shalt  }
0x47: {  	_ =	shalt  }
0x48: {  	_ =	shalt  }
0x49: {  	_ =	shalt  }
0x4a: {  	_ =	shalt  }
0x4b: {  	_ =	shalt  }
0x4c: {  	_ =	shalt  }
0x4d: {  	_ =	shalt  }
0x4e: {  	_ =	shalt  }
0x4f: {  	_ =	shalt  }
0x50: {  	_ =	shalt  }
0x51: {  	_ =	shalt  }
0x52: {  	_ =	shalt  }
0x53: {  	_ =	shalt  }
0x54: {  	_ =	shalt  }
0x55: {  	_ =	shalt  }
0x56: {  	_ =	shalt  }
0x57: {  	_ =	shalt  }
0x58: {  	_ =	shalt  }
0x59: {  	_ =	shalt  }
0x5a: {  	_ =	shalt  }
0x5b: {  	_ =	shalt  }
0x5c: {  	_ =	shalt  }
0x5d: {  	_ =	shalt  }
0x5e: {  	_ =	shalt  }
0x5f: {  	_ =	shalt  }
0x60: {  	_ =	shalt  }
0x61: {  	_ =	shalt  }
0x62: {  	_ =	shalt  }
0x63: {  	_ =	shalt  }
0x64: {  	_ =	shalt  }
0x65: {  	_ =	shalt  }
0x66: {  	_ =	shalt  }
0x67: {  	_ =	shalt  }
0x68: {  	_ =	shalt  }
0x69: {  	_ =	shalt  }
0x6a: {  	_ =	shalt  }
0x6b: {  	_ =	shalt  }
0x6c: {  	_ =	shalt  }
0x6d: {  	_ =	shalt  }
0x6e: {  	_ =	shalt  }
0x6f: {  	_ =	shalt  }
0x70: {  	_ =	shalt  }
0x71: {  	_ =	shalt  }
0x72: {  	_ =	shalt  }
0x73: {  	_ =	shalt  }
0x74: {  	_ =	shalt  }
0x75: {  	_ =	shalt  }
0x76: {  	_ =	shalt  }
0x77: {  	_ =	shalt  }
0x78: {  	_ =	shalt  }
0x79: {  	_ =	shalt  }
0x7a: {  	_ =	shalt  }
0x7b: {  	_ =	shalt  }
0x7c: {  	_ =	shalt  }
0x7d: {  	_ =	shalt  }
0x7e: {  	_ =	shalt  }
0x7f: {  	_ =	shalt  }
0x80: {  	_ =	shalt  }
0x81: {  	_ =	shalt  }
0x82: {  	_ =	shalt  }
0x83: {  	_ =	shalt  }
0x84: {  	_ =	shalt  }
0x85: {  	_ =	shalt  }
0x86: {  	_ =	shalt  }
0x87: {  	_ =	shalt  }
.Lfunc_end0:
.L_simem_size_0:
called_computation_lowered:
.L_overlay_start_0:
0x88: {  	s2 =	sld [smem:$0x3FD9]  }
0x89: {  	s3 =	sld [smem:$0x3FFE];
	_ =	sdelay $0x1  }
0x8a: {  	s1 =	srdreg.scid  }
0x8b: {  	s0 =	sand.u32 $0x1, s1  }
0x8c: {  	s18 =	sshll.u32 s0, $0xA;
	s2 =	sadd.s32 s3, s2  }
0x8d: {  	s2 =	sadd.s32 s2, s18  }
0x8e: {  	[smem:$0x3FC4] =	sst s2  }
0x8f: {  	_ = 	snop  }
0x90: {  	s2 =	sld [smem:$0x3FC9]  }
0x91: {  	s19 =	sld [smem:$0x3FC8]  }
0x92: {  	s4 =	sld [smem:$0x3FC7]  }
0x93: {  	s5 =	sld [smem:$0x3FC6]  }
0x94: {  	s6 =	sld [smem:$0x3FD0];
	(tm) =	ssettm $0x1  }
0x95: {  	s7 =	sld [smem:$0x3FFB];
	_ =	sdelay $0x3  }
0x96: {  	_ =	strace s7  }
0x97: {  	s7 =	sld [smem:$0x3FFC];
	_ =	sdelay $0x3  }
0x98: {  	_ =	strace s7  }
0x99: {  	s7 =	sld [smem:$0x3FFD];
	_ =	sdelay $0x3  }
0x9a: {  	_ =	strace s7  }
0x9b: {  	_ =	strace $0x8FFFFFFF  }
0x9c: {  	s20 =	sld [smem:$0x3FDB];
	_ =	sdelay $0x1  }
0x9d: {  	s8 =	simm.s32 $_scs_section_size  }
0x9e: {  	s9 =	simm.s32 $_size__tile_overlayer_lowered;
	s10 =	simm.s32 $_tile_overlayer_lowered  }
0x9f: {  	s23 =	simm.s32 $0x1BFF;
	s22 =	sshll.u32 s10, $0x1;
	s7 =	sadd.s32 s8, s20  }
0xa0: {  	s11 =	simm.s32 $0x0;
	s21 =	sshll.u32 s9, $0x1;
	s9 =	sadd.s32 s22, s7  }
0xa1: {  	[timem:s11], [sflag:s23] =	dma.local [hbm:s9], s21  }
0xa2: {  	_ =	swait.ge [sflag:s23], s21  }
0xa3: {  	s8 =	ssub.s32 $0x0, s21;
	[sflag:s23] =	ssyncset.done $0x0  }
0xa4: {  	[sflag:s23] =	ssyncadd.s32 s8;
	_ =	sdelay $0x1  }
0xa5: {  	s24 =	simm.s32 $0x1B8B  }
0xa6: {  	_ =	swait.ge [sflag:s24], $0x1  }
0xa7: {  	[sflag:s24] =	ssyncset.done $0x0  }
0xa8: {  	s25 =	simm.s32 $0x1B8E;
	[sflag:s24] =	ssyncadd.s32 $0xFFFFFFFF  }
0xa9: {  	s26 =	simm.s32 $execute0_lowered;
	[smem:$0x3FD2] =	sst s25  }
0xaa: {  	s8 =	sshll.u32 s26, $0x1;
	_ =	strace $0x80000046;
	[dreg:$0x1] =	wrdreg $0xFFFFFFFF  }
0xab: {  	s28 =	simm.s32 $_size_execute0_lowered;
	s7 =	sadd.s32 s7, s8;
	[dreg:$0x0] =	wrdreg $0x0  }
0xac: {  	s8 =	sshll.u32 s28, $0x1;
	[dreg:$0x2] =	wrdreg s7  }
0xad: {  	[dreg:$0x3] =	wrdreg s8  }
0xae: {  	[dreg:$0x4] =	wrdreg $0xC0  }
0xaf: {  	_ =	task [dreg:s11], $0x5FFFF  }
0xb0: {  	[dreg:$0x1] =	wrdreg $0xFFFFFFFF  }
0xb1: {  	[dreg:$0x0] =	wrdreg $0x60  }
0xb2: {  	[dreg:$0x2] =	wrdreg s4  }
0xb3: {  	[dreg:$0x3] =	wrdreg s2  }
0xb4: {  	[dreg:$0x4] =	wrdreg s5  }
0xb5: {  	[dreg:$0x5] =	wrdreg s19  }
0xb6: {  	[dreg:$0x6] =	wrdreg s6  }
0xb7: {  	[dreg:$0x7] =	wrdreg $0x9  }
0xb8: {  	_ =	task.clear_ibuf [dreg:s11], $0x8FFFF;
	_ =	strace $0x90000046  }
0xb9: {  	s29 =	simm.s32 $0x9;
	_ =	strace $0x80000048  }
0xba: {  	_ =	swait.ge [sflag:s29], $0x1  }
0xbb: {  	[sflag:s29] =	ssyncadd.s32 $0xFFFFFFFF  }
0xbc: {  	_ =	strace $0x90000048  }
0xbd: {  	_ =	sfence  }
0xbe: {  	s30 =	sld [smem:$0x0];
	_ =	sdelay $0x2  }
0xbf: {  	s31 =	sshll.u32 s1, $0xD;
	s1 =	sshrl.u32 s1, $0x2  }
0xc0: {  	s3 =	sand.u32 $0x4000, s31;
	s1 =	sadd.s32 s1, s30  }
0xc1: {  	s0 =	sor.u32 s3, s0;
	s1 =	sshll.u32 s1, $0x11  }
0xc2: {  	s0 =	sor.u32 s1, s0  }
0xc3: {  	s0 =	sadd.s32 $0x8F2B, s0  }
0xc4: {  	[sflag:s0] =	ssyncadd.remote.s32 $0x1  }
0xc5: {  	_ =	sfence.sel $0xFFFF  }
0xc6: {  	[dreg:$0x0] =	wrdreg $0xFFFFFFFF;
	(pc) =	sbr.abs _section_cstart, $3  }
0xc7: {  	[dreg:$0x1] =	wrdreg $0xFFFFFFFF  }
0xc8: {  	_ =	task.clear_ibuf [dreg:s11], $0x2FFFF;
	_ =	strace $0x9FFFFFFF  }
0xc9: {  	(tm) =	ssettm $0x7FFFFFFF  }
tec
execute0_lowered:
.L_overlay_start_1:
0x0: {  	(tag) =	ssettag $0x1  }
0x1: {  	s0 =	rddreg [dreg:$0x0]  }
0x2: {  	s3 =	rddreg [dreg:$0x1]  }
0x3: {  	s5 =	rddreg [dreg:$0x2]  }
0x4: {  	s1 =	srdreg.scid;
	s6 =	rddreg [dreg:$0x3]  }
0x5: {  	s11 =	stileid.u32;
	s7 =	rddreg [dreg:$0x4];
	s8 =	simm.s32 $0x1  }
0x6: {  	s28 =	simm.s32 $0x3;
	s29 =	simm.s32 $0x400;
	s12 =	simm.s32 $0x4000  }
0x7: {  	s14 =	simm.s32 $0x1100;
	s13 =	simm.s32 $0x8780;
	s15 =	simm.s32 $0x8F80  }
0x8: {  	s16 =	simm.s32 $0x8F00;
	s17 =	simm.s32 $0x8E80;
	s18 =	simm.s32 $0x8E00  }
0x9: {  	s19 =	simm.s32 $0x8D80;
	s20 =	simm.s32 $0x8D00;
	s4 =	sand.u32 $0x1, s1  }
0xa: {  	s26 =	sshll.u32 s1, $0x5;
	s2 =	sor.u32 s4, s11;
	p1 =	seq.s32 s4, $0x1  }
0xb: {  	s9 =	ssub.s32 $0x2, s4;
	s4 =	sshll.u32 s4, $0x10;
	p0 =	seq.s32 s2, $0x0  }
0xc: {  	v0 =	vmov s26;
	s26 =	simm.s32 $0x0;
	s2 =	simm.s32 $0x0;
	p0 =	por !p0, !p1  }
0xd: {  	s10 =	sshrl.u32 s9, $0x1;
	[smem:$0x7FF] =	sst s2;
	p0 =	por !p0, !p0  }
0xe: {  	s9 =	ssub.s32 s9, s10;
	_ =	strace $0x80000047;
	s8 =	simm.s32 @!p0 $0x0  }
0xf: {  	s31 =	smax.u32 s9, $0x1;
	s9 =	simm.s32 $0x9000;
	s8 =	ssub.s32 s11, s8  }
0x10: {  	[dreg:$0xa] =	wrdreg s31;
	s21 =	sand.u32 $0x1FFFFFF, s8;
	s8 =	sshll.u32 s8, $0xA  }
0x11: {  	s11 =	simm.s32 $0x8800;
	s10 =	sshll.u32 s21, $0x4;
	s23 =	sadd.s32 s4, s8  }
0x12: {  	s25 =	sshrl.u32 s8, $0x3;
	s4 =	simm.s32 $0x8900;
	s8 =	simm.s32 $0x9080  }
0x13: {  	v1 =	vimm.s32 $0x6;
	v2 =	vimm.s32 $0x1;
	v3 =	vimm.s32 $0x2;
	s21 =	simm.s32 $0x8C80;
	s22 =	sadd.s32 s5, s10;
	s24 =	sadd.s32 s6, s10  }
0x14: {  	v4 =	vimm.s32 $0x3;
	v5 =	vimm.s32 $0x4;
	v6 =	vimm.s32 $0x5;
	s1 =	sshrl.u32 s23, $0x3;
	s6 =	sadd.s32 s0, s25;
	s0 =	simm.s32 $0x8680  }
.Ltmp0:
0x15: {  	v7 =	vimm.s32 $0x7;
	v8 =	vimm.s32 $0x9;
	v9 =	vimm.s32 $0xA;
	s10 =	simm.s32 $0x8700;
	s5 =	simm.s32 $0x8980;
	(pc) =	sbr.rel .LBB2_1-.Ltmp0, $4  }
0x16: {  	v10 =	vimm.s32 $0xB;
	v11 =	vimm.s32 $0xC;
	v12 =	vimm.s32 $0xD;
	s23 =	simm.s32 $0x8B80;
	s25 =	simm.s32 $0x8A80;
	[dreg:$0x6] =	wrdreg s22  }
0x17: {  	v13 =	vimm.s32 $0xE;
	v14 =	vimm.s32 $0xF;
	v15 =	vimm.s32 $0x0;
	[dreg:$0x7] =	wrdreg s24;
	s3 =	sadd.s32 s3, s1;
	s30 =	sadd.s32 s7, s1  }
0x18: {  	v16 =	vlaneseq.u32;
	v18 =	vimm.s32 $0x8;
	v0 =	vor.u32 $0xFFFFFFC0, v0;
	s7 =	simm.s32 $0x8A00;
	s22 =	simm.s32 $0x8C00;
	[dreg:$0x8] =	wrdreg s3  }
0x19: {  	vm0 =	vmmov $0x1;
	v17 =	vmul.u32 $0x8, v16;
	v0 =	vbroadcast v0, $0x0;
	s24 =	simm.s32 $0x8B00;
	[dreg:$0x9] =	wrdreg s30;
	s3 =	simm.s32 $0x8880  }
.LBB2_7:
0x1a: {  	s1 =	rddreg [dreg:$0x9]  }
0x1b: {  	s29 =	simm.s32 $0x400;
	s26 =	simm.s32 $0x11100;
	s28 =	simm.s32 $0x3  }
0x1c: {  	[hbm4b:s1+s29] =	stream.strided.scatter [tilespmem:s26], [sflag:$0x3], $0x1000, s12, s29, $0x38;
	[tilespmem:$0x13100] =	vst v63  }
0x1d: {  	_ =	swait.ge [sflag:s28], $0x1000  }
0x1e: {  	s30 =	rddreg [dreg:$0xb]  }
0x1f: {  	s31 =	rddreg [dreg:$0xa];
	s26 =	sadd.s32 $0x1, s30  }
0x20: {  	p0 =	sne.s32 s26, s31  }
.Ltmp1:
0x21: {  	_ = 	snop;
	(pc) =	sbr.rel @!p0 .LBB2_8-.Ltmp1, $3  }
0x22: {  	_ =	sdelay $0x1  }
0x23: {  	[sflag:s28] =	ssyncset.done $0x0  }
0x24: {  	[sflag:s28] =	ssyncadd.s32 $0xFFFFF000  }
.LBB2_1:
0x25: {  	[dreg:$0xb] =	wrdreg s26  }
0x26: {  	s1 =	rddreg [dreg:$0x6]  }
0x27: {  	[tilespmem:s2], [sflag:$0x3] =	stream.linear.gather [hbm4b:s1+s2], $0x80, $0x38;
	[tilespmem:$0x13100] =	vst v63  }
0x28: {  	_ =	swait.ge [sflag:s28], $0x80  }
0x29: {  	[sflag:s28] =	ssyncset.done $0x0  }
0x2a: {  	s31 =	simm.s32 $0x80;
	s30 =	rddreg [dreg:$0x7];
	[sflag:s28] =	ssyncadd.s32 $0xFFFFFF80  }
0x2b: {  	[tilespmem:s31], [sflag:$0x3] =	stream.linear.gather [hbm4b:s30+s2], $0x80, $0x38;
	[tilespmem:$0x13100] =	vst v63  }
0x2c: {  	_ =	swait.ge [sflag:s28], $0x80  }
0x2d: {  	[sflag:s28] =	ssyncset.done $0x0  }
0x2e: {  	s31 =	simm.s32 $0x12100;
	s30 =	rddreg [dreg:$0x8];
	[sflag:s28] =	ssyncadd.s32 $0xFFFFFF80  }
0x2f: {  	[tilespmem:s31], [sflag:$0x3] =	stream.strided.gather [hbm4b:s30+s29], $0x1000, s12, s29, $0x38;
	[tilespmem:$0x13100] =	vst v63  }
0x30: {  	_ =	swait.ge [sflag:s28], $0x1000  }
0x31: {  	[sflag:s28] =	ssyncset.done $0x0  }
0x32: {  	[sflag:s28] =	ssyncadd.s32 $0xFFFFF000  }
0x33: {  	v19 =	vld [tilespmem:$0x80]  }
0x34: {  	v20 =	vld [tilespmem:$0x0];
	_ =	sdelay $0x4  }
0x35: {  	v19 =	vadd.s32 v19, v20  }
0x36: {  	v19 =	vshll.u32 v19, $0x6  }
0x37: {  	v29 =	vadd.s32 v0, v19  }
0x38: {  	[tilespmem:$0x100] =	vst v29;
	v19 =	vor.u32 $0x1, v29  }
0x39: {  	v20 =	vor.u32 $0x14, v29;
	[tilespmem:$0x110] =	vst v19  }
0x3a: {  	v34 =	vor.u32 $0x1B, v29;
	[tilespmem:$0x240] =	vst v20  }
0x3b: {  	v19 =	vor.u32 $0x2, v29;
	[tilespmem:$0x2B0] =	vst v34  }
0x3c: {  	v20 =	vor.u32 $0x15, v29;
	[tilespmem:$0x120] =	vst v19  }
0x3d: {  	v19 =	vor.u32 $0x3, v29;
	[tilespmem:$0x250] =	vst v20  }
0x3e: {  	v20 =	vor.u32 $0x16, v29;
	[tilespmem:$0x130] =	vst v19  }
0x3f: {  	v19 =	vor.u32 $0x4, v29;
	[tilespmem:$0x260] =	vst v20  }
0x40: {  	v20 =	vor.u32 $0x17, v29;
	[tilespmem:$0x140] =	vst v19  }
0x41: {  	v19 =	vor.u32 $0x5, v29;
	[tilespmem:$0x270] =	vst v20  }
0x42: {  	v20 =	vor.u32 $0x18, v29;
	[tilespmem:$0x150] =	vst v19  }
0x43: {  	v19 =	vor.u32 $0x6, v29;
	[tilespmem:$0x280] =	vst v20  }
0x44: {  	v20 =	vor.u32 $0x19, v29;
	[tilespmem:$0x160] =	vst v19  }
0x45: {  	v19 =	vor.u32 $0x7, v29;
	[tilespmem:$0x290] =	vst v20  }
0x46: {  	v20 =	vor.u32 $0x1A, v29;
	[tilespmem:$0x170] =	vst v19  }
0x47: {  	v30 =	vld [tilespmem:$0x90];
	v19 =	vor.u32 $0x8, v29;
	[tilespmem:$0x2A0] =	vst v20  }
0x48: {  	v31 =	vld [tilespmem:$0xA0];
	[tilespmem:$0x180] =	vst v19;
	v19 =	vor.u32 $0x9, v29  }
0x49: {  	v27 =	vld [tilespmem:$0xB0];
	[tilespmem:$0x190] =	vst v19;
	v19 =	vor.u32 $0xA, v29  }
0x4a: {  	v25 =	vld [tilespmem:$0xC0];
	[tilespmem:$0x1A0] =	vst v19;
	v19 =	vor.u32 $0xB, v29  }
0x4b: {  	v23 =	vld [tilespmem:$0xD0];
	[tilespmem:$0x1B0] =	vst v19;
	v19 =	vor.u32 $0xC, v29  }
0x4c: {  	v21 =	vld [tilespmem:$0xE0];
	[tilespmem:$0x1C0] =	vst v19;
	v19 =	vor.u32 $0xD, v29  }
0x4d: {  	v32 =	vld [tilespmem:$0x10];
	[tilespmem:$0x1D0] =	vst v19;
	v19 =	vor.u32 $0xE, v29  }
0x4e: {  	v33 =	vld [tilespmem:$0x20];
	[tilespmem:$0x1E0] =	vst v19;
	v19 =	vor.u32 $0xF, v29  }
0x4f: {  	v28 =	vld [tilespmem:$0x30];
	[tilespmem:$0x1F0] =	vst v19;
	v19 =	vor.u32 $0x10, v29  }
0x50: {  	v26 =	vld [tilespmem:$0x40];
	[tilespmem:$0x200] =	vst v19;
	v19 =	vor.u32 $0x11, v29  }
0x51: {  	v24 =	vld [tilespmem:$0x50];
	[tilespmem:$0x210] =	vst v19;
	v19 =	vor.u32 $0x12, v29  }
0x52: {  	v22 =	vld [tilespmem:$0x60];
	[tilespmem:$0x220] =	vst v19;
	v19 =	vor.u32 $0x13, v29  }
0x53: {  	v55 =	vor.u32 $0x1C, v29;
	v20 =	vld [tilespmem:$0x70];
	[tilespmem:$0x230] =	vst v19  }
0x54: {  	v56 =	vor.u32 $0x1D, v29;
	v19 =	vld [tilespmem:$0xF0];
	[tilespmem:$0x2C0] =	vst v55  }
0x55: {  	v30 =	vadd.s32 v30, v32;
	v57 =	vor.u32 $0x1E, v29;
	[tilespmem:$0x2D0] =	vst v56  }
0x56: {  	v30 =	vshll.u32 v30, $0x6;
	v29 =	vor.u32 $0x1F, v29;
	[tilespmem:$0x2E0] =	vst v57  }
0x57: {  	v30 =	vadd.s32 v0, v30;
	[tilespmem:$0x2F0] =	vst v29  }
0x58: {  	v58 =	vor.u32 $0x1, v30;
	[tilespmem:$0x300] =	vst v30  }
0x59: {  	v59 =	vor.u32 $0x2, v30;
	[tilespmem:$0x310] =	vst v58  }
0x5a: {  	v60 =	vor.u32 $0x3, v30;
	[tilespmem:$0x320] =	vst v59  }
0x5b: {  	v61 =	vor.u32 $0x4, v30;
	[tilespmem:$0x330] =	vst v60  }
0x5c: {  	v62 =	vor.u32 $0x5, v30;
	[tilespmem:$0x340] =	vst v61  }
0x5d: {  	v63 =	vor.u32 $0x6, v30;
	[tilespmem:$0x350] =	vst v62  }
0x5e: {  	v32 =	vor.u32 $0x7, v30;
	[tilespmem:$0x360] =	vst v63  }
0x5f: {  	v34 =	vor.u32 $0x8, v30;
	[tilespmem:$0x370] =	vst v32  }
0x60: {  	v35 =	vor.u32 $0x9, v30;
	[tilespmem:$0x380] =	vst v34  }
0x61: {  	v36 =	vor.u32 $0xA, v30;
	[tilespmem:$0x390] =	vst v35  }
0x62: {  	v37 =	vor.u32 $0xB, v30;
	[tilespmem:$0x3A0] =	vst v36  }
0x63: {  	v38 =	vor.u32 $0xC, v30;
	[tilespmem:$0x3B0] =	vst v37  }
0x64: {  	v39 =	vor.u32 $0xD, v30;
	[tilespmem:$0x3C0] =	vst v38  }
0x65: {  	v40 =	vor.u32 $0xE, v30;
	[tilespmem:$0x3D0] =	vst v39  }
0x66: {  	v41 =	vor.u32 $0xF, v30;
	[tilespmem:$0x3E0] =	vst v40  }
0x67: {  	v42 =	vor.u32 $0x10, v30;
	[tilespmem:$0x3F0] =	vst v41  }
0x68: {  	v43 =	vor.u32 $0x11, v30;
	[tilespmem:$0x400] =	vst v42  }
0x69: {  	v44 =	vor.u32 $0x12, v30;
	[tilespmem:$0x410] =	vst v43  }
0x6a: {  	v45 =	vor.u32 $0x13, v30;
	[tilespmem:$0x420] =	vst v44  }
0x6b: {  	v46 =	vor.u32 $0x14, v30;
	[tilespmem:$0x430] =	vst v45  }
0x6c: {  	v47 =	vor.u32 $0x15, v30;
	[tilespmem:$0x440] =	vst v46  }
0x6d: {  	v48 =	vor.u32 $0x16, v30;
	[tilespmem:$0x450] =	vst v47  }
0x6e: {  	v49 =	vor.u32 $0x17, v30;
	[tilespmem:$0x460] =	vst v48  }
0x6f: {  	v50 =	vor.u32 $0x18, v30;
	[tilespmem:$0x470] =	vst v49  }
0x70: {  	v51 =	vor.u32 $0x19, v30;
	[tilespmem:$0x480] =	vst v50  }
0x71: {  	v52 =	vor.u32 $0x1A, v30;
	[tilespmem:$0x490] =	vst v51  }
0x72: {  	v27 =	vadd.s32 v27, v28;
	v53 =	vor.u32 $0x1B, v30;
	[tilespmem:$0x4A0] =	vst v52  }
0x73: {  	v25 =	vadd.s32 v25, v26;
	v27 =	vshll.u32 v27, $0x6;
	v54 =	vor.u32 $0x1C, v30;
	[tilespmem:$0x4B0] =	vst v53  }
0x74: {  	v25 =	vshll.u32 v25, $0x6;
	v27 =	vadd.s32 v0, v27;
	[tilespmem:$0x4C0] =	vst v54  }
0x75: {  	v23 =	vadd.s32 v23, v24;
	v25 =	vadd.s32 v0, v25;
	[tilespmem:$0x700] =	vst v27  }
0x76: {  	v21 =	vadd.s32 v21, v22;
	v23 =	vshll.u32 v23, $0x6;
	v28 =	vor.u32 $0x8, v25;
	[tilespmem:$0x900] =	vst v25  }
0x77: {  	v21 =	vshll.u32 v21, $0x6;
	v23 =	vadd.s32 v0, v23;
	[tilespmem:$0x980] =	vst v28  }
0x78: {  	v21 =	vadd.s32 v0, v21;
	[tilespmem:$0xB00] =	vst v23  }
0x79: {  	v24 =	vor.u32 $0x12, v21;
	[tilespmem:$0xD00] =	vst v21  }
0x7a: {  	v26 =	vor.u32 $0x14, v21;
	[tilespmem:$0xE20] =	vst v24  }
0x7b: {  	v55 =	vor.u32 $0x1D, v30;
	[tilespmem:$0xE40] =	vst v26  }
0x7c: {  	v31 =	vadd.s32 v31, v33;
	v56 =	vor.u32 $0x1E, v30;
	[tilespmem:$0x4D0] =	vst v55  }
0x7d: {  	v31 =	vshll.u32 v31, $0x6;
	v57 =	vor.u32 $0x1F, v30;
	[tilespmem:$0x4E0] =	vst v56  }
0x7e: {  	v58 =	vadd.s32 v0, v31;
	[tilespmem:$0x4F0] =	vst v57  }
0x7f: {  	v29 =	vor.u32 $0x9, v25;
	[tilespmem:$0x500] =	vst v58  }
0x80: {  	v30 =	vor.u32 $0xA, v25;
	[tilespmem:$0x990] =	vst v29  }
0x81: {  	v31 =	vor.u32 $0xB, v25;
	[tilespmem:$0x9A0] =	vst v30  }
0x82: {  	v28 =	vor.u32 $0xD, v23;
	[tilespmem:$0x9B0] =	vst v31  }
0x83: {  	v59 =	vor.u32 $0x1, v58;
	[tilespmem:$0xBD0] =	vst v28  }
0x84: {  	v60 =	vor.u32 $0x2, v58;
	[tilespmem:$0x510] =	vst v59  }
0x85: {  	v61 =	vor.u32 $0x3, v58;
	[tilespmem:$0x520] =	vst v60  }
0x86: {  	v62 =	vor.u32 $0x4, v58;
	[tilespmem:$0x530] =	vst v61  }
0x87: {  	v63 =	vor.u32 $0x5, v58;
	[tilespmem:$0x540] =	vst v62  }
0x88: {  	v32 =	vor.u32 $0x6, v58;
	[tilespmem:$0x550] =	vst v63  }
0x89: {  	v33 =	vor.u32 $0x7, v58;
	[tilespmem:$0x560] =	vst v32  }
0x8a: {  	v34 =	vor.u32 $0x8, v58;
	[tilespmem:$0x570] =	vst v33  }
0x8b: {  	v35 =	vor.u32 $0x9, v58;
	[tilespmem:$0x580] =	vst v34  }
0x8c: {  	v36 =	vor.u32 $0xA, v58;
	[tilespmem:$0x590] =	vst v35  }
0x8d: {  	v37 =	vor.u32 $0xB, v58;
	[tilespmem:$0x5A0] =	vst v36  }
0x8e: {  	v38 =	vor.u32 $0xC, v58;
	[tilespmem:$0x5B0] =	vst v37  }
0x8f: {  	v39 =	vor.u32 $0xD, v58;
	[tilespmem:$0x5C0] =	vst v38  }
0x90: {  	v40 =	vor.u32 $0xE, v58;
	[tilespmem:$0x5D0] =	vst v39  }
0x91: {  	v41 =	vor.u32 $0xF, v58;
	[tilespmem:$0x5E0] =	vst v40  }
0x92: {  	v42 =	vor.u32 $0x10, v58;
	[tilespmem:$0x5F0] =	vst v41  }
0x93: {  	v43 =	vor.u32 $0x11, v58;
	[tilespmem:$0x600] =	vst v42  }
0x94: {  	v44 =	vor.u32 $0x12, v58;
	[tilespmem:$0x610] =	vst v43  }
0x95: {  	v45 =	vor.u32 $0x13, v58;
	[tilespmem:$0x620] =	vst v44  }
0x96: {  	v46 =	vor.u32 $0x14, v58;
	[tilespmem:$0x630] =	vst v45  }
0x97: {  	v47 =	vor.u32 $0x15, v58;
	[tilespmem:$0x640] =	vst v46  }
0x98: {  	v48 =	vor.u32 $0x16, v58;
	[tilespmem:$0x650] =	vst v47  }
0x99: {  	v49 =	vor.u32 $0x17, v58;
	[tilespmem:$0x660] =	vst v48  }
0x9a: {  	v50 =	vor.u32 $0x18, v58;
	[tilespmem:$0x670] =	vst v49  }
0x9b: {  	v51 =	vor.u32 $0x19, v58;
	[tilespmem:$0x680] =	vst v50  }
0x9c: {  	v52 =	vor.u32 $0x1A, v58;
	[tilespmem:$0x690] =	vst v51  }
0x9d: {  	v53 =	vor.u32 $0x1B, v58;
	[tilespmem:$0x6A0] =	vst v52  }
0x9e: {  	v54 =	vor.u32 $0x1C, v58;
	[tilespmem:$0x6B0] =	vst v53  }
0x9f: {  	v55 =	vor.u32 $0x1D, v58;
	[tilespmem:$0x6C0] =	vst v54  }
0xa0: {  	v56 =	vor.u32 $0x1E, v58;
	[tilespmem:$0x6D0] =	vst v55  }
0xa1: {  	v57 =	vor.u32 $0x1F, v58;
	[tilespmem:$0x6E0] =	vst v56  }
0xa2: {  	v58 =	vor.u32 $0x1, v27;
	[tilespmem:$0x6F0] =	vst v57  }
0xa3: {  	v29 =	vor.u32 $0xE, v23;
	[tilespmem:$0x710] =	vst v58  }
0xa4: {  	v30 =	vor.u32 $0xF, v23;
	[tilespmem:$0xBE0] =	vst v29  }
0xa5: {  	v31 =	vor.u32 $0x10, v23;
	[tilespmem:$0xBF0] =	vst v30  }
0xa6: {  	v28 =	vor.u32 $0x16, v21;
	[tilespmem:$0xC00] =	vst v31  }
0xa7: {  	v59 =	vor.u32 $0x2, v27;
	[tilespmem:$0xE60] =	vst v28  }
0xa8: {  	v60 =	vor.u32 $0x3, v27;
	[tilespmem:$0x720] =	vst v59  }
0xa9: {  	v61 =	vor.u32 $0x4, v27;
	[tilespmem:$0x730] =	vst v60  }
0xaa: {  	v62 =	vor.u32 $0x5, v27;
	[tilespmem:$0x740] =	vst v61  }
0xab: {  	v63 =	vor.u32 $0x6, v27;
	[tilespmem:$0x750] =	vst v62  }
0xac: {  	v32 =	vor.u32 $0x7, v27;
	[tilespmem:$0x760] =	vst v63  }
0xad: {  	v33 =	vor.u32 $0x8, v27;
	[tilespmem:$0x770] =	vst v32  }
0xae: {  	v34 =	vor.u32 $0x9, v27;
	[tilespmem:$0x780] =	vst v33  }
0xaf: {  	v35 =	vor.u32 $0xA, v27;
	[tilespmem:$0x790] =	vst v34  }
0xb0: {  	v36 =	vor.u32 $0xB, v27;
	[tilespmem:$0x7A0] =	vst v35  }
0xb1: {  	v37 =	vor.u32 $0xC, v27;
	[tilespmem:$0x7B0] =	vst v36  }
0xb2: {  	v38 =	vor.u32 $0xD, v27;
	[tilespmem:$0x7C0] =	vst v37  }
0xb3: {  	v39 =	vor.u32 $0xE, v27;
	[tilespmem:$0x7D0] =	vst v38  }
0xb4: {  	v40 =	vor.u32 $0xF, v27;
	[tilespmem:$0x7E0] =	vst v39  }
0xb5: {  	v41 =	vor.u32 $0x10, v27;
	[tilespmem:$0x7F0] =	vst v40  }
0xb6: {  	v42 =	vor.u32 $0x11, v27;
	[tilespmem:$0x800] =	vst v41  }
0xb7: {  	v43 =	vor.u32 $0x12, v27;
	[tilespmem:$0x810] =	vst v42  }
0xb8: {  	v44 =	vor.u32 $0x13, v27;
	[tilespmem:$0x820] =	vst v43  }
0xb9: {  	v45 =	vor.u32 $0x14, v27;
	[tilespmem:$0x830] =	vst v44  }
0xba: {  	v46 =	vor.u32 $0x15, v27;
	[tilespmem:$0x840] =	vst v45  }
0xbb: {  	v47 =	vor.u32 $0x16, v27;
	[tilespmem:$0x850] =	vst v46  }
0xbc: {  	v48 =	vor.u32 $0x17, v27;
	[tilespmem:$0x860] =	vst v47  }
0xbd: {  	v49 =	vor.u32 $0x18, v27;
	[tilespmem:$0x870] =	vst v48  }
0xbe: {  	v50 =	vor.u32 $0x19, v27;
	[tilespmem:$0x880] =	vst v49  }
0xbf: {  	v51 =	vor.u32 $0x1A, v27;
	[tilespmem:$0x890] =	vst v50  }
0xc0: {  	v52 =	vor.u32 $0x1B, v27;
	[tilespmem:$0x8A0] =	vst v51  }
0xc1: {  	v53 =	vor.u32 $0x1C, v27;
	[tilespmem:$0x8B0] =	vst v52  }
0xc2: {  	v54 =	vor.u32 $0x1D, v27;
	[tilespmem:$0x8C0] =	vst v53  }
0xc3: {  	v55 =	vor.u32 $0x1E, v27;
	[tilespmem:$0x8D0] =	vst v54  }
0xc4: {  	v56 =	vor.u32 $0x1F, v27;
	[tilespmem:$0x8E0] =	vst v55  }
0xc5: {  	v57 =	vor.u32 $0x1, v25;
	[tilespmem:$0x8F0] =	vst v56  }
0xc6: {  	v58 =	vor.u32 $0x2, v25;
	[tilespmem:$0x910] =	vst v57  }
0xc7: {  	v27 =	vor.u32 $0x15, v21;
	[tilespmem:$0x920] =	vst v58  }
0xc8: {  	v29 =	vor.u32 $0x17, v21;
	[tilespmem:$0xE50] =	vst v27  }
0xc9: {  	v30 =	vor.u32 $0x18, v21;
	[tilespmem:$0xE70] =	vst v29  }
0xca: {  	v31 =	vor.u32 $0x19, v21;
	[tilespmem:$0xE80] =	vst v30  }
0xcb: {  	v59 =	vor.u32 $0x3, v25;
	[tilespmem:$0xE90] =	vst v31  }
0xcc: {  	v60 =	vor.u32 $0x4, v25;
	[tilespmem:$0x930] =	vst v59  }
0xcd: {  	v61 =	vor.u32 $0x5, v25;
	[tilespmem:$0x940] =	vst v60  }
0xce: {  	v62 =	vor.u32 $0x6, v25;
	[tilespmem:$0x950] =	vst v61  }
0xcf: {  	v63 =	vor.u32 $0x7, v25;
	[tilespmem:$0x960] =	vst v62  }
0xd0: {  	v32 =	vor.u32 $0xC, v25;
	[tilespmem:$0x970] =	vst v63  }
0xd1: {  	v33 =	vor.u32 $0xD, v25;
	[tilespmem:$0x9C0] =	vst v32  }
0xd2: {  	v34 =	vor.u32 $0xE, v25;
	[tilespmem:$0x9D0] =	vst v33  }
0xd3: {  	v35 =	vor.u32 $0xF, v25;
	[tilespmem:$0x9E0] =	vst v34  }
0xd4: {  	v36 =	vor.u32 $0x10, v25;
	[tilespmem:$0x9F0] =	vst v35  }
0xd5: {  	v37 =	vor.u32 $0x11, v25;
	[tilespmem:$0xA00] =	vst v36  }
0xd6: {  	v38 =	vor.u32 $0x12, v25;
	[tilespmem:$0xA10] =	vst v37  }
0xd7: {  	v39 =	vor.u32 $0x13, v25;
	[tilespmem:$0xA20] =	vst v38  }
0xd8: {  	v40 =	vor.u32 $0x14, v25;
	[tilespmem:$0xA30] =	vst v39  }
0xd9: {  	v41 =	vor.u32 $0x15, v25;
	[tilespmem:$0xA40] =	vst v40  }
0xda: {  	v42 =	vor.u32 $0x16, v25;
	[tilespmem:$0xA50] =	vst v41  }
0xdb: {  	v43 =	vor.u32 $0x17, v25;
	[tilespmem:$0xA60] =	vst v42  }
0xdc: {  	v44 =	vor.u32 $0x18, v25;
	[tilespmem:$0xA70] =	vst v43  }
0xdd: {  	v45 =	vor.u32 $0x19, v25;
	[tilespmem:$0xA80] =	vst v44  }
0xde: {  	v46 =	vor.u32 $0x1A, v25;
	[tilespmem:$0xA90] =	vst v45  }
0xdf: {  	v47 =	vor.u32 $0x1B, v25;
	[tilespmem:$0xAA0] =	vst v46  }
0xe0: {  	v48 =	vor.u32 $0x1C, v25;
	[tilespmem:$0xAB0] =	vst v47  }
0xe1: {  	v49 =	vor.u32 $0x1D, v25;
	[tilespmem:$0xAC0] =	vst v48  }
0xe2: {  	v50 =	vor.u32 $0x1E, v25;
	[tilespmem:$0xAD0] =	vst v49  }
0xe3: {  	v51 =	vor.u32 $0x1F, v25;
	[tilespmem:$0xAE0] =	vst v50  }
0xe4: {  	v52 =	vor.u32 $0x1, v23;
	[tilespmem:$0xAF0] =	vst v51  }
0xe5: {  	v53 =	vor.u32 $0x2, v23;
	[tilespmem:$0xB10] =	vst v52  }
0xe6: {  	v54 =	vor.u32 $0x3, v23;
	[tilespmem:$0xB20] =	vst v53  }
0xe7: {  	v55 =	vor.u32 $0x4, v23;
	[tilespmem:$0xB30] =	vst v54  }
0xe8: {  	v56 =	vor.u32 $0x5, v23;
	[tilespmem:$0xB40] =	vst v55  }
0xe9: {  	v57 =	vor.u32 $0x6, v23;
	[tilespmem:$0xB50] =	vst v56  }
0xea: {  	v58 =	vor.u32 $0x7, v23;
	[tilespmem:$0xB60] =	vst v57  }
0xeb: {  	v25 =	vor.u32 $0x13, v21;
	[tilespmem:$0xB70] =	vst v58  }
0xec: {  	v59 =	vor.u32 $0x8, v23;
	[tilespmem:$0xE30] =	vst v25  }
0xed: {  	v60 =	vor.u32 $0x9, v23;
	[tilespmem:$0xB80] =	vst v59  }
0xee: {  	v61 =	vor.u32 $0xA, v23;
	[tilespmem:$0xB90] =	vst v60  }
0xef: {  	v62 =	vor.u32 $0xB, v23;
	[tilespmem:$0xBA0] =	vst v61  }
0xf0: {  	v63 =	vor.u32 $0xC, v23;
	[tilespmem:$0xBB0] =	vst v62  }
0xf1: {  	v32 =	vor.u32 $0x11, v23;
	[tilespmem:$0xBC0] =	vst v63  }
0xf2: {  	v33 =	vor.u32 $0x12, v23;
	[tilespmem:$0xC10] =	vst v32  }
0xf3: {  	v34 =	vor.u32 $0x13, v23;
	[tilespmem:$0xC20] =	vst v33  }
0xf4: {  	v35 =	vor.u32 $0x14, v23;
	[tilespmem:$0xC30] =	vst v34  }
0xf5: {  	v36 =	vor.u32 $0x15, v23;
	[tilespmem:$0xC40] =	vst v35  }
0xf6: {  	v37 =	vor.u32 $0x16, v23;
	[tilespmem:$0xC50] =	vst v36  }
0xf7: {  	v38 =	vor.u32 $0x17, v23;
	[tilespmem:$0xC60] =	vst v37  }
0xf8: {  	v39 =	vor.u32 $0x18, v23;
	[tilespmem:$0xC70] =	vst v38  }
0xf9: {  	v40 =	vor.u32 $0x19, v23;
	[tilespmem:$0xC80] =	vst v39  }
0xfa: {  	v41 =	vor.u32 $0x1A, v23;
	[tilespmem:$0xC90] =	vst v40  }
0xfb: {  	v42 =	vor.u32 $0x1B, v23;
	[tilespmem:$0xCA0] =	vst v41  }
0xfc: {  	v43 =	vor.u32 $0x1C, v23;
	[tilespmem:$0xCB0] =	vst v42  }
0xfd: {  	v44 =	vor.u32 $0x1D, v23;
	[tilespmem:$0xCC0] =	vst v43  }
0xfe: {  	v45 =	vor.u32 $0x1E, v23;
	[tilespmem:$0xCD0] =	vst v44  }
0xff: {  	v46 =	vor.u32 $0x1F, v23;
	[tilespmem:$0xCE0] =	vst v45  }
0x100: {  	v47 =	vor.u32 $0x1, v21;
	[tilespmem:$0xCF0] =	vst v46  }
0x101: {  	v48 =	vor.u32 $0x2, v21;
	[tilespmem:$0xD10] =	vst v47  }
0x102: {  	v49 =	vor.u32 $0x3, v21;
	[tilespmem:$0xD20] =	vst v48  }
0x103: {  	v50 =	vor.u32 $0x4, v21;
	[tilespmem:$0xD30] =	vst v49  }
0x104: {  	v51 =	vor.u32 $0x5, v21;
	[tilespmem:$0xD40] =	vst v50  }
0x105: {  	v52 =	vor.u32 $0x6, v21;
	[tilespmem:$0xD50] =	vst v51  }
0x106: {  	v53 =	vor.u32 $0x7, v21;
	[tilespmem:$0xD60] =	vst v52  }
0x107: {  	v54 =	vor.u32 $0x8, v21;
	[tilespmem:$0xD70] =	vst v53  }
0x108: {  	v55 =	vor.u32 $0x9, v21;
	[tilespmem:$0xD80] =	vst v54  }
0x109: {  	v56 =	vor.u32 $0xA, v21;
	[tilespmem:$0xD90] =	vst v55  }
0x10a: {  	v57 =	vor.u32 $0xB, v21;
	[tilespmem:$0xDA0] =	vst v56  }
0x10b: {  	v58 =	vor.u32 $0xC, v21;
	[tilespmem:$0xDB0] =	vst v57  }
0x10c: {  	[tilespmem:$0xDC0] =	vst v58;
	v59 =	vor.u32 $0xD, v21  }
0x10d: {  	v60 =	vor.u32 $0xE, v21;
	[tilespmem:$0xDD0] =	vst v59  }
0x10e: {  	v61 =	vor.u32 $0xF, v21;
	[tilespmem:$0xDE0] =	vst v60  }
0x10f: {  	v62 =	vor.u32 $0x10, v21;
	[tilespmem:$0xDF0] =	vst v61  }
0x110: {  	v63 =	vor.u32 $0x11, v21;
	[tilespmem:$0xE00] =	vst v62  }
0x111: {  	v32 =	vor.u32 $0x1A, v21;
	[tilespmem:$0xE10] =	vst v63  }
0x112: {  	v33 =	vor.u32 $0x1B, v21;
	[tilespmem:$0xEA0] =	vst v32  }
0x113: {  	v34 =	vor.u32 $0x1C, v21;
	[tilespmem:$0xEB0] =	vst v33  }
0x114: {  	v35 =	vor.u32 $0x1D, v21;
	[tilespmem:$0xEC0] =	vst v34  }
0x115: {  	v19 =	vadd.s32 v19, v20;
	v20 =	vor.u32 $0x1E, v21;
	[tilespmem:$0xED0] =	vst v35  }
0x116: {  	v19 =	vshll.u32 v19, $0x6;
	[tilespmem:$0xEE0] =	vst v20;
	v20 =	vor.u32 $0x1F, v21  }
0x117: {  	v19 =	vadd.s32 v0, v19;
	[tilespmem:$0xEF0] =	vst v20  }
0x118: {  	[tilespmem:$0xF00] =	vst v19;
	v20 =	vor.u32 $0x1, v19  }
0x119: {  	[tilespmem:$0xF10] =	vst v20;
	v20 =	vor.u32 $0x2, v19  }
0x11a: {  	[tilespmem:$0xF20] =	vst v20;
	v20 =	vor.u32 $0x3, v19  }
0x11b: {  	[tilespmem:$0xF30] =	vst v20;
	v20 =	vor.u32 $0x4, v19  }
0x11c: {  	[tilespmem:$0xF40] =	vst v20;
	v20 =	vor.u32 $0x5, v19  }
0x11d: {  	[tilespmem:$0xF50] =	vst v20;
	v20 =	vor.u32 $0x6, v19  }
0x11e: {  	[tilespmem:$0xF60] =	vst v20;
	v20 =	vor.u32 $0x7, v19  }
0x11f: {  	[tilespmem:$0xF70] =	vst v20;
	v20 =	vor.u32 $0x8, v19  }
0x120: {  	[tilespmem:$0xF80] =	vst v20;
	v20 =	vor.u32 $0x9, v19  }
0x121: {  	[tilespmem:$0xF90] =	vst v20;
	v20 =	vor.u32 $0xA, v19  }
0x122: {  	[tilespmem:$0xFA0] =	vst v20;
	v20 =	vor.u32 $0xB, v19  }
0x123: {  	[tilespmem:$0xFB0] =	vst v20;
	v20 =	vor.u32 $0xC, v19  }
0x124: {  	[tilespmem:$0xFC0] =	vst v20;
	v20 =	vor.u32 $0xD, v19  }
0x125: {  	[tilespmem:$0xFD0] =	vst v20;
	v20 =	vor.u32 $0xE, v19  }
0x126: {  	[tilespmem:$0xFE0] =	vst v20;
	v20 =	vor.u32 $0xF, v19  }
0x127: {  	[tilespmem:$0xFF0] =	vst v20;
	v20 =	vor.u32 $0x10, v19  }
0x128: {  	[tilespmem:$0x1000] =	vst v20;
	v20 =	vor.u32 $0x11, v19  }
0x129: {  	v36 =	vld [tilespmem:$0x100];
	[tilespmem:$0x1010] =	vst v20;
	v20 =	vor.u32 $0x12, v19  }
0x12a: {  	[tilespmem:$0x1020] =	vst v20;
	v20 =	vor.u32 $0x13, v19  }
0x12b: {  	[tilespmem:$0x1030] =	vst v20;
	v20 =	vor.u32 $0x14, v19  }
0x12c: {  	[tilespmem:$0x1040] =	vst v20;
	v20 =	vor.u32 $0x15, v19  }
0x12d: {  	[tilespmem:$0x1050] =	vst v20;
	v20 =	vor.u32 $0x16, v19  }
0x12e: {  	v37 =	vshll.u32 v36, $0x4;
	[tilespmem:$0x1060] =	vst v20;
	v20 =	vor.u32 $0x17, v19  }
0x12f: {  	v21 =	vand.u32 $0x7, v36;
	v22 =	vand.u32 $0xFFFFFF80, v37;
	[tilespmem:$0x1070] =	vst v20;
	v20 =	vor.u32 $0x18, v19  }
0x130: {  	v21 =	vor.u32 v21, v22;
	[tilespmem:$0x1080] =	vst v20;
	v20 =	vor.u32 $0x19, v19  }
0x131: {  	v22 =	vperm.xlane v21, v15;
	[tilespmem:$0x1090] =	vst v20;
	v20 =	vor.u32 $0x1A, v19  }
0x132: {  	[tilespmem:$0x10A0] =	vst v20;
	v20 =	vor.u32 $0x1B, v19  }
0x133: {  	v38 =	vperm.xlane v21, v2;
	v22 =	vadd.s32 v17, v22;
	[tilespmem:$0x10B0] =	vst v20;
	v20 =	vor.u32 $0x1C, v19  }
0x134: {  	[tilespmem:$0x10C0] =	vst v20;
	v20 =	vor.u32 $0x1D, v19  }
0x135: {  	v39 =	vperm.xlane v21, v3;
	v23 =	vadd.s32 v17, v38;
	[tilespmem:$0x10D0] =	vst v20;
	v20 =	vor.u32 $0x1E, v19  }
0x136: {  	v19 =	vor.u32 $0x1F, v19;
	[tilespmem:$0x10E0] =	vst v20  }
0x137: {  	[tilespmem:$0x10F0] =	vst v19;
	v19 =	vadd.s32 v17, v39;
	v20 =	vperm.xlane v21, v4  }
0x138: {  	[tilespmem:s14], [sflag:$0x1] =	stream.indirect_vreg.gather [hbm4b:s6+s2], $0x80, v22, vm0, $0xb8;
	[tilespmem:$0x13100] =	vst v63  }
0x139: {  	s30 =	simm.s32 $0x1180;
	v40 =	vperm.xlane v21, v5;
	v20 =	vadd.s32 v17, v20  }
0x13a: {  	[tilespmem:s30], [sflag:$0x1] =	stream.indirect_vreg.gather [hbm4b:s6+s2], $0x80, v23, vm0, $0xb8;
	[tilespmem:$0x13100] =	vst v63  }
0x13b: {  	s31 =	simm.s32 $0x1200;
	v41 =	vperm.xlane v21, v6;
	v22 =	vadd.s32 v17, v40  }
0x13c: {  	[tilespmem:s31], [sflag:$0x1] =	stream.indirect_vreg.gather [hbm4b:s6+s2], $0x80, v19, vm0, $0xb8;
	[tilespmem:$0x13100] =	vst v63  }
0x13d: {  	s26 =	simm.s32 $0x1280;
	v42 =	vperm.xlane v21, v1;
	v19 =	vadd.s32 v17, v41  }
0x13e: {  	[tilespmem:s26], [sflag:$0x1] =	stream.indirect_vreg.gather [hbm4b:s6+s2], $0x80, v20, vm0, $0xb8;
	[tilespmem:$0x13100] =	vst v63  }
0x13f: {  	v43 =	vperm.xlane v21, v7;
	s30 =	simm.s32 $0x1300;
	v20 =	vadd.s32 v17, v42  }
0x140: {  	[tilespmem:s30], [sflag:$0x1] =	stream.indirect_vreg.gather [hbm4b:s6+s2], $0x80, v22, vm0, $0xb8;
	[tilespmem:$0x13100] =	vst v63  }
0x141: {  	v45 =	vperm.xlane v21, v18;
	v44 =	vadd.s32 v17, v43;
	s31 =	simm.s32 $0x1380  }
0x142: {  	[tilespmem:s31], [sflag:$0x1] =	stream.indirect_vreg.gather [hbm4b:s6+s2], $0x80, v19, vm0, $0xb8;
	[tilespmem:$0x13100] =	vst v63  }
0x143: {  	v46 =	vperm.xlane v21, v8;
	s26 =	simm.s32 $0x1400;
	v19 =	vadd.s32 v17, v45  }
0x144: {  	[tilespmem:s26], [sflag:$0x1] =	stream.indirect_vreg.gather [hbm4b:s6+s2], $0x80, v20, vm0, $0xb8;
	[tilespmem:$0x13100] =	vst v63  }
0x145: {  	v47 =	vperm.xlane v21, v9;
	s30 =	simm.s32 $0x1480;
	v20 =	vadd.s32 v17, v46  }
0x146: {  	[tilespmem:s30], [sflag:$0x1] =	stream.indirect_vreg.gather [hbm4b:s6+s2], $0x80, v44, vm0, $0xb8;
	[tilespmem:$0x13100] =	vst v63  }
0x147: {  	v49 =	vperm.xlane v21, v10;
	v48 =	vadd.s32 v17, v47;
	s31 =	simm.s32 $0x1500  }
0x148: {  	[tilespmem:s31], [sflag:$0x1] =	stream.indirect_vreg.gather [hbm4b:s6+s2], $0x80, v19, vm0, $0xb8;
	[tilespmem:$0x13100] =	vst v63  }
0x149: {  	v50 =	vperm.xlane v21, v11;
	s26 =	simm.s32 $0x1580;
	v19 =	vadd.s32 v17, v49  }
0x14a: {  	[tilespmem:s26], [sflag:$0x1] =	stream.indirect_vreg.gather [hbm4b:s6+s2], $0x80, v20, vm0, $0xb8;
	[tilespmem:$0x13100] =	vst v63  }
0x14b: {  	v51 =	vperm.xlane v21, v12;
	s30 =	simm.s32 $0x1600;
	v20 =	vadd.s32 v17, v50  }
0x14c: {  	[tilespmem:s30], [sflag:$0x1] =	stream.indirect_vreg.gather [hbm4b:s6+s2], $0x80, v48, vm0, $0xb8;
	[tilespmem:$0x13100] =	vst v63  }
0x14d: {  	v53 =	vperm.xlane v21, v13;
	v52 =	vadd.s32 v17, v51;
	s31 =	simm.s32 $0x1680  }
0x14e: {  	[tilespmem:s31], [sflag:$0x1] =	stream.indirect_vreg.gather [hbm4b:s6+s2], $0x80, v19, vm0, $0xb8;
	[tilespmem:$0x13100] =	vst v63  }
0x14f: {  	v21 =	vperm.xlane v21, v14;
	s26 =	simm.s32 $0x1700;
	v19 =	vadd.s32 v17, v53  }
0x150: {  	[tilespmem:s26], [sflag:$0x1] =	stream.indirect_vreg.gather [hbm4b:s6+s2], $0x80, v20, vm0, $0xb8;
	[tilespmem:$0x13100] =	vst v63  }
0x151: {  	s30 =	simm.s32 $0x1780;
	v20 =	vadd.s32 v17, v21  }
0x152: {  	[tilespmem:s30], [sflag:$0x1] =	stream.indirect_vreg.gather [hbm4b:s6+s2], $0x80, v52, vm0, $0xb8;
	[tilespmem:$0x13100] =	vst v63  }
0x153: {  	s31 =	simm.s32 $0x1800  }
0x154: {  	[tilespmem:s31], [sflag:$0x1] =	stream.indirect_vreg.gather [hbm4b:s6+s2], $0x80, v19, vm0, $0xb8;
	[tilespmem:$0x13100] =	vst v63  }
0x155: {  	s26 =	simm.s32 $0x1880  }
0x156: {  	[tilespmem:s26], [sflag:$0x1] =	stream.indirect_vreg.gather [hbm4b:s6+s2], $0x80, v20, vm0, $0xb8;
	[tilespmem:$0x13100] =	vst v63  }
0x157: {  	v19 =	vld [tilespmem:$0x110];
	_ =	sdelay $0x4  }
0x158: {  	v20 =	vshll.u32 v19, $0x4  }
0x159: {  	v19 =	vand.u32 $0x7, v19;
	v20 =	vand.u32 $0xFFFFFF80, v20  }
0x15a: {  	v19 =	vor.u32 v19, v20  }
0x15b: {  	v20 =	vperm.xlane v19, v15;
	_ =	sdelay $0x1  }
0x15c: {  	v54 =	vperm.xlane v19, v2;
	v20 =	vadd.s32 v17, v20;
	_ =	sdelay $0x1  }
0x15d: {  	v55 =	vperm.xlane v19, v3;
	v21 =	vadd.s32 v17, v54;
	_ =	sdelay $0x1  }
0x15e: {  	s30 =	simm.s32 $0x1900;
	v56 =	vperm.xlane v19, v4;
	v22 =	vadd.s32 v17, v55  }
0x15f: {  	[tilespmem:s30], [sflag:$0x1] =	stream.indirect_vreg.gather [hbm4b:s6+s2], $0x80, v20, vm0, $0xb8;
	[tilespmem:$0x13100] =	vst v63  }
0x160: {  	s31 =	simm.s32 $0x1980;
	v57 =	vperm.xlane v19, v5;
	v20 =	vadd.s32 v17, v56  }
0x161: {  	[tilespmem:s31], [sflag:$0x1] =	stream.indirect_vreg.gather [hbm4b:s6+s2], $0x80, v21, vm0, $0xb8;
	[tilespmem:$0x13100] =	vst v63  }
0x162: {  	s26 =	simm.s32 $0x1A00;
	v59 =	vperm.xlane v19, v6;
	v58 =	vadd.s32 v17, v57  }
0x163: {  	[tilespmem:s26], [sflag:$0x1] =	stream.indirect_vreg.gather [hbm4b:s6+s2], $0x80, v22, vm0, $0xb8;
	[tilespmem:$0x13100] =	vst v63  }
0x164: {  	v61 =	vperm.xlane v19, v1;
	v60 =	vadd.s32 v17, v59;
	s30 =	simm.s32 $0x1A80  }
0x165: {  	[tilespmem:s30], [sflag:$0x1] =	stream.indirect_vreg.gather [hbm4b:s6+s2], $0x80, v20, vm0, $0xb8;
	[tilespmem:$0x13100] =	vst v63  }
0x166: {  	v62 =	vperm.xlane v19, v7;
	s31 =	simm.s32 $0x1B00;
	v20 =	vadd.s32 v17, v61  }
0x167: {  	[tilespmem:s31], [sflag:$0x1] =	stream.indirect_vreg.gather [hbm4b:s6+s2], $0x80, v58, vm0, $0xb8;
	[tilespmem:$0x13100] =	vst v63  }
0x168: {  	v24 =	vperm.xlane v19, v18;
	v63 =	vadd.s32 v17, v62;
	s26 =	simm.s32 $0x1B80  }
0x169: {  	[tilespmem:s26], [sflag:$0x1] =	stream.indirect_vreg.gather [hbm4b:s6+s2], $0x80, v60, vm0, $0xb8;
	[tilespmem:$0x13100] =	vst v63  }
0x16a: {  	v26 =	vperm.xlane v19, v8;
	v25 =	vadd.s32 v17, v24;
	s30 =	simm.s32 $0x1C00  }
0x16b: {  	[tilespmem:s30], [sflag:$0x1] =	stream.indirect_vreg.gather [hbm4b:s6+s2], $0x80, v20, vm0, $0xb8;
	[tilespmem:$0x13100] =	vst v63  }
0x16c: {  	v27 =	vperm.xlane v19, v9;
	s31 =	simm.s32 $0x1C80;
	v20 =	vadd.s32 v17, v26  }
0x16d: {  	[tilespmem:s31], [sflag:$0x1] =	stream.indirect_vreg.gather [hbm4b:s6+s2], $0x80, v63, vm0, $0xb8;
	[tilespmem:$0x13100] =	vst v63  }
0x16e: {  	v29 =	vperm.xlane v19, v10;
	v28 =	vadd.s32 v17, v27;
	s26 =	simm.s32 $0x1D00  }
0x16f: {  	[tilespmem:s26], [sflag:$0x1] =	stream.indirect_vreg.gather [hbm4b:s6+s2], $0x80, v25, vm0, $0xb8;
	[tilespmem:$0x13100] =	vst v63  }
0x170: {  	v31 =	vperm.xlane v19, v11;
	v30 =	vadd.s32 v17, v29;
	s30 =	simm.s32 $0x1D80  }
0x171: {  	[tilespmem:s30], [sflag:$0x1] =	stream.indirect_vreg.gather [hbm4b:s6+s2], $0x80, v20, vm0, $0xb8;
	[tilespmem:$0x13100] =	vst v63  }
0x172: {  	v32 =	vperm.xlane v19, v12;
	s31 =	simm.s32 $0x1E00;
	v20 =	vadd.s32 v17, v31  }
0x173: {  	[tilespmem:s31], [sflag:$0x1] =	stream.indirect_vreg.gather [hbm4b:s6+s2], $0x80, v28, vm0, $0xb8;
	[tilespmem:$0x13100] =	vst v63  }
0x174: {  	v34 =	vperm.xlane v19, v13;
	v33 =	vadd.s32 v17, v32;
	s26 =	simm.s32 $0x1E80  }
0x175: {  	[tilespmem:s26], [sflag:$0x1] =	stream.indirect_vreg.gather [hbm4b:s6+s2], $0x80, v30, vm0, $0xb8;
	[tilespmem:$0x13100] =	vst v63  }
0x176: {  	v19 =	vperm.xlane v19, v14;
	v35 =	vadd.s32 v17, v34;
	s30 =	simm.s32 $0x1F00  }
0x177: {  	[tilespmem:s30], [sflag:$0x1] =	stream.indirect_vreg.gather [hbm4b:s6+s2], $0x80, v20, vm0, $0xb8;
	[tilespmem:$0x13100] =	vst v63  }
0x178: {  	v19 =	vadd.s32 v17, v19;
	s31 =	simm.s32 $0x1F80  }
0x179: {  	[tilespmem:s31], [sflag:$0x1] =	stream.indirect_vreg.gather [hbm4b:s6+s2], $0x80, v33, vm0, $0xb8;
	[tilespmem:$0x13100] =	vst v63  }
0x17a: {  	s26 =	simm.s32 $0x2000  }
0x17b: {  	[tilespmem:s26], [sflag:$0x1] =	stream.indirect_vreg.gather [hbm4b:s6+s2], $0x80, v35, vm0, $0xb8;
	[tilespmem:$0x13100] =	vst v63  }
0x17c: {  	s30 =	simm.s32 $0x2080  }
0x17d: {  	[tilespmem:s30], [sflag:$0x1] =	stream.indirect_vreg.gather [hbm4b:s6+s2], $0x80, v19, vm0, $0xb8;
	[tilespmem:$0x13100] =	vst v63  }
0x17e: {  	v19 =	vld [tilespmem:$0x120];
	_ =	sdelay $0x4  }
0x17f: {  	v20 =	vshll.u32 v19, $0x4  }
0x180: {  	v19 =	vand.u32 $0x7, v19;
	v20 =	vand.u32 $0xFFFFFF80, v20  }
0x181: {  	v19 =	vor.u32 v19, v20  }
0x182: {  	v20 =	vperm.xlane v19, v15;
	_ =	sdelay $0x1  }
0x183: {  	v36 =	vperm.xlane v19, v2;
	v20 =	vadd.s32 v17, v20;
	_ =	sdelay $0x1  }
0x184: {  	v37 =	vperm.xlane v19, v3;
	v21 =	vadd.s32 v17, v36;
	_ =	sdelay $0x1  }
0x185: {  	s31 =	simm.s32 $0x2100;
	v38 =	vperm.xlane v19, v4;
	v22 =	vadd.s32 v17, v37  }
0x186: {  	[tilespmem:s31], [sflag:$0x1] =	stream.indirect_vreg.gather [hbm4b:s6+s2], $0x80, v20, vm0, $0xb8;
	[tilespmem:$0x13100] =	vst v63  }
0x187: {  	s26 =	simm.s32 $0x2180;
	v39 =	vperm.xlane v19, v5;
	v20 =	vadd.s32 v17, v38  }
0x188: {  	[tilespmem:s26], [sflag:$0x1] =	stream.indirect_vreg.gather [hbm4b:s6+s2], $0x80, v21, vm0, $0xb8;
	[tilespmem:$0x13100] =	vst v63  }
0x189: {  	s30 =	simm.s32 $0x2200;
	v41 =	vperm.xlane v19, v6;
	v40 =	vadd.s32 v17, v39  }
0x18a: {  	[tilespmem:s30], [sflag:$0x1] =	stream.indirect_vreg.gather [hbm4b:s6+s2], $0x80, v22, vm0, $0xb8;
	[tilespmem:$0x13100] =	vst v63  }
0x18b: {  	v43 =	vperm.xlane v19, v1;
	v42 =	vadd.s32 v17, v41;
	s31 =	simm.s32 $0x2280  }
0x18c: {  	[tilespmem:s31], [sflag:$0x1] =	stream.indirect_vreg.gather [hbm4b:s6+s2], $0x80, v20, vm0, $0xb8;
	[tilespmem:$0x13100] =	vst v63  }
0x18d: {  	v44 =	vperm.xlane v19, v7;
	s26 =	simm.s32 $0x2300;
	v20 =	vadd.s32 v17, v43  }
0x18e: {  	[tilespmem:s26], [sflag:$0x1] =	stream.indirect_vreg.gather [hbm4b:s6+s2], $0x80, v40, vm0, $0xb8;
	[tilespmem:$0x13100] =	vst v63  }
0x18f: {  	v46 =	vperm.xlane v19, v18;
	v45 =	vadd.s32 v17, v44;
	s30 =	simm.s32 $0x2380  }
0x190: {  	[tilespmem:s30], [sflag:$0x1] =	stream.indirect_vreg.gather [hbm4b:s6+s2], $0x80, v42, vm0, $0xb8;
	[tilespmem:$0x13100] =	vst v63  }
0x191: {  	v48 =	vperm.xlane v19, v8;
	v47 =	vadd.s32 v17, v46;
	s31 =	simm.s32 $0x2400  }
0x192: {  	[tilespmem:s31], [sflag:$0x1] =	stream.indirect_vreg.gather [hbm4b:s6+s2], $0x80, v20, vm0, $0xb8;
	[tilespmem:$0x13100] =	vst v63  }
0x193: {  	v49 =	vperm.xlane v19, v9;
	s26 =	simm.s32 $0x2480;
	v20 =	vadd.s32 v17, v48  }
0x194: {  	[tilespmem:s26], [sflag:$0x1] =	stream.indirect_vreg.gather [hbm4b:s6+s2], $0x80, v45, vm0, $0xb8;
	[tilespmem:$0x13100] =	vst v63  }
0x195: {  	v51 =	vperm.xlane v19, v10;
	v50 =	vadd.s32 v17, v49;
	s30 =	simm.s32 $0x2500  }
0x196: {  	[tilespmem:s30], [sflag:$0x1] =	stream.indirect_vreg.gather [hbm4b:s6+s2], $0x80, v47, vm0, $0xb8;
	[tilespmem:$0x13100] =	vst v63  }
0x197: {  	v53 =	vperm.xlane v19, v11;
	v52 =	vadd.s32 v17, v51;
	s31 =	simm.s32 $0x2580  }
0x198: {  	[tilespmem:s31], [sflag:$0x1] =	stream.indirect_vreg.gather [hbm4b:s6+s2], $0x80, v20, vm0, $0xb8;
	[tilespmem:$0x13100] =	vst v63  }
0x199: {  	v54 =	vperm.xlane v19, v12;
	s26 =	simm.s32 $0x2600;
	v20 =	vadd.s32 v17, v53  }
0x19a: {  	[tilespmem:s26], [sflag:$0x1] =	stream.indirect_vreg.gather [hbm4b:s6+s2], $0x80, v50, vm0, $0xb8;
	[tilespmem:$0x13100] =	vst v63  }
0x19b: {  	v56 =	vperm.xlane v19, v13;
	v55 =	vadd.s32 v17, v54;
	s30 =	simm.s32 $0x2680  }
0x19c: {  	[tilespmem:s30], [sflag:$0x1] =	stream.indirect_vreg.gather [hbm4b:s6+s2], $0x80, v52, vm0, $0xb8;
	[tilespmem:$0x13100] =	vst v63  }
0x19d: {  	v19 =	vperm.xlane v19, v14;
	v57 =	vadd.s32 v17, v56;
	s31 =	simm.s32 $0x2700  }
0x19e: {  	[tilespmem:s31], [sflag:$0x1] =	stream.indirect_vreg.gather [hbm4b:s6+s2], $0x80, v20, vm0, $0xb8;
	[tilespmem:$0x13100] =	vst v63  }
0x19f: {  	v19 =	vadd.s32 v17, v19;
	s26 =	simm.s32 $0x2780  }
0x1a0: {  	[tilespmem:s26], [sflag:$0x1] =	stream.indirect_vreg.gather [hbm4b:s6+s2], $0x80, v55, vm0, $0xb8;
	[tilespmem:$0x13100] =	vst v63  }
0x1a1: {  	s30 =	simm.s32 $0x2800  }
0x1a2: {  	[tilespmem:s30], [sflag:$0x1] =	stream.indirect_vreg.gather [hbm4b:s6+s2], $0x80, v57, vm0, $0xb8;
	[tilespmem:$0x13100] =	vst v63  }
0x1a3: {  	s31 =	simm.s32 $0x2880  }
0x1a4: {  	[tilespmem:s31], [sflag:$0x1] =	stream.indirect_vreg.gather [hbm4b:s6+s2], $0x80, v19, vm0, $0xb8;
	[tilespmem:$0x13100] =	vst v63  }
0x1a5: {  	v19 =	vld [tilespmem:$0x130];
	_ =	sdelay $0x4  }
0x1a6: {  	v20 =	vshll.u32 v19, $0x4  }
0x1a7: {  	v19 =	vand.u32 $0x7, v19;
	v20 =	vand.u32 $0xFFFFFF80, v20  }
0x1a8: {  	v19 =	vor.u32 v19, v20  }
0x1a9: {  	v20 =	vperm.xlane v19, v15;
	_ =	sdelay $0x1  }
0x1aa: {  	v58 =	vperm.xlane v19, v2;
	v20 =	vadd.s32 v17, v20;
	_ =	sdelay $0x1  }
0x1ab: {  	v59 =	vperm.xlane v19, v3;
	v21 =	vadd.s32 v17, v58;
	_ =	sdelay $0x1  }
0x1ac: {  	s26 =	simm.s32 $0x2900;
	v60 =	vperm.xlane v19, v4;
	v22 =	vadd.s32 v17, v59  }
0x1ad: {  	[tilespmem:s26], [sflag:$0x1] =	stream.indirect_vreg.gather [hbm4b:s6+s2], $0x80, v20, vm0, $0xb8;
	[tilespmem:$0x13100] =	vst v63  }
0x1ae: {  	s30 =	simm.s32 $0x2980;
	v61 =	vperm.xlane v19, v5;
	v20 =	vadd.s32 v17, v60  }
0x1af: {  	[tilespmem:s30], [sflag:$0x1] =	stream.indirect_vreg.gather [hbm4b:s6+s2], $0x80, v21, vm0, $0xb8;
	[tilespmem:$0x13100] =	vst v63  }
0x1b0: {  	s31 =	simm.s32 $0x2A00;
	v63 =	vperm.xlane v19, v6;
	v62 =	vadd.s32 v17, v61  }
0x1b1: {  	[tilespmem:s31], [sflag:$0x1] =	stream.indirect_vreg.gather [hbm4b:s6+s2], $0x80, v22, vm0, $0xb8;
	[tilespmem:$0x13100] =	vst v63  }
0x1b2: {  	v25 =	vperm.xlane v19, v1;
	v24 =	vadd.s32 v17, v63;
	s26 =	simm.s32 $0x2A80  }
0x1b3: {  	[tilespmem:s26], [sflag:$0x1] =	stream.indirect_vreg.gather [hbm4b:s6+s2], $0x80, v20, vm0, $0xb8;
	[tilespmem:$0x13100] =	vst v63  }
0x1b4: {  	v26 =	vperm.xlane v19, v7;
	s30 =	simm.s32 $0x2B00;
	v20 =	vadd.s32 v17, v25  }
0x1b5: {  	[tilespmem:s30], [sflag:$0x1] =	stream.indirect_vreg.gather [hbm4b:s6+s2], $0x80, v62, vm0, $0xb8;
	[tilespmem:$0x13100] =	vst v63  }
0x1b6: {  	v28 =	vperm.xlane v19, v18;
	v27 =	vadd.s32 v17, v26;
	s31 =	simm.s32 $0x2B80  }
0x1b7: {  	[tilespmem:s31], [sflag:$0x1] =	stream.indirect_vreg.gather [hbm4b:s6+s2], $0x80, v24, vm0, $0xb8;
	[tilespmem:$0x13100] =	vst v63  }
0x1b8: {  	v30 =	vperm.xlane v19, v8;
	v29 =	vadd.s32 v17, v28;
	s26 =	simm.s32 $0x2C00  }
0x1b9: {  	[tilespmem:s26], [sflag:$0x1] =	stream.indirect_vreg.gather [hbm4b:s6+s2], $0x80, v20, vm0, $0xb8;
	[tilespmem:$0x13100] =	vst v63  }
0x1ba: {  	v31 =	vperm.xlane v19, v9;
	s30 =	simm.s32 $0x2C80;
	v20 =	vadd.s32 v17, v30  }
0x1bb: {  	[tilespmem:s30], [sflag:$0x1] =	stream.indirect_vreg.gather [hbm4b:s6+s2], $0x80, v27, vm0, $0xb8;
	[tilespmem:$0x13100] =	vst v63  }
0x1bc: {  	v33 =	vperm.xlane v19, v10;
	v32 =	vadd.s32 v17, v31;
	s31 =	simm.s32 $0x2D00  }
0x1bd: {  	[tilespmem:s31], [sflag:$0x1] =	stream.indirect_vreg.gather [hbm4b:s6+s2], $0x80, v29, vm0, $0xb8;
	[tilespmem:$0x13100] =	vst v63  }
0x1be: {  	v35 =	vperm.xlane v19, v11;
	v34 =	vadd.s32 v17, v33;
	s26 =	simm.s32 $0x2D80  }
0x1bf: {  	[tilespmem:s26], [sflag:$0x1] =	stream.indirect_vreg.gather [hbm4b:s6+s2], $0x80, v20, vm0, $0xb8;
	[tilespmem:$0x13100] =	vst v63  }
0x1c0: {  	v36 =	vperm.xlane v19, v12;
	s30 =	simm.s32 $0x2E00;
	v20 =	vadd.s32 v17, v35  }
0x1c1: {  	[tilespmem:s30], [sflag:$0x1] =	stream.indirect_vreg.gather [hbm4b:s6+s2], $0x80, v32, vm0, $0xb8;
	[tilespmem:$0x13100] =	vst v63  }
0x1c2: {  	v38 =	vperm.xlane v19, v13;
	v37 =	vadd.s32 v17, v36;
	s31 =	simm.s32 $0x2E80  }
0x1c3: {  	[tilespmem:s31], [sflag:$0x1] =	stream.indirect_vreg.gather [hbm4b:s6+s2], $0x80, v34, vm0, $0xb8;
	[tilespmem:$0x13100] =	vst v63  }
0x1c4: {  	v19 =	vperm.xlane v19, v14;
	v39 =	vadd.s32 v17, v38;
	s26 =	simm.s32 $0x2F00  }
0x1c5: {  	[tilespmem:s26], [sflag:$0x1] =	stream.indirect_vreg.gather [hbm4b:s6+s2], $0x80, v20, vm0, $0xb8;
	[tilespmem:$0x13100] =	vst v63  }
0x1c6: {  	v19 =	vadd.s32 v17, v19;
	s30 =	simm.s32 $0x2F80  }
0x1c7: {  	[tilespmem:s30], [sflag:$0x1] =	stream.indirect_vreg.gather [hbm4b:s6+s2], $0x80, v37, vm0, $0xb8;
	[tilespmem:$0x13100] =	vst v63  }
0x1c8: {  	s31 =	simm.s32 $0x3000  }
0x1c9: {  	[tilespmem:s31], [sflag:$0x1] =	stream.indirect_vreg.gather [hbm4b:s6+s2], $0x80, v39, vm0, $0xb8;
	[tilespmem:$0x13100] =	vst v63  }
0x1ca: {  	s26 =	simm.s32 $0x3080  }
0x1cb: {  	[tilespmem:s26], [sflag:$0x1] =	stream.indirect_vreg.gather [hbm4b:s6+s2], $0x80, v19, vm0, $0xb8;
	[tilespmem:$0x13100] =	vst v63  }
0x1cc: {  	v19 =	vld [tilespmem:$0x140];
	_ =	sdelay $0x4  }
0x1cd: {  	v20 =	vshll.u32 v19, $0x4  }
0x1ce: {  	v19 =	vand.u32 $0x7, v19;
	v20 =	vand.u32 $0xFFFFFF80, v20  }
0x1cf: {  	v19 =	vor.u32 v19, v20  }
0x1d0: {  	v20 =	vperm.xlane v19, v15;
	_ =	sdelay $0x1  }
0x1d1: {  	v40 =	vperm.xlane v19, v2;
	v20 =	vadd.s32 v17, v20;
	_ =	sdelay $0x1  }
0x1d2: {  	v41 =	vperm.xlane v19, v3;
	v21 =	vadd.s32 v17, v40;
	_ =	sdelay $0x1  }
0x1d3: {  	s30 =	simm.s32 $0x3100;
	v42 =	vperm.xlane v19, v4;
	v22 =	vadd.s32 v17, v41  }
0x1d4: {  	[tilespmem:s30], [sflag:$0x1] =	stream.indirect_vreg.gather [hbm4b:s6+s2], $0x80, v20, vm0, $0xb8;
	[tilespmem:$0x13100] =	vst v63  }
0x1d5: {  	s31 =	simm.s32 $0x3180;
	v43 =	vperm.xlane v19, v5;
	v20 =	vadd.s32 v17, v42  }
0x1d6: {  	[tilespmem:s31], [sflag:$0x1] =	stream.indirect_vreg.gather [hbm4b:s6+s2], $0x80, v21, vm0, $0xb8;
	[tilespmem:$0x13100] =	vst v63  }
0x1d7: {  	s26 =	simm.s32 $0x3200;
	v45 =	vperm.xlane v19, v6;
	v44 =	vadd.s32 v17, v43  }
0x1d8: {  	[tilespmem:s26], [sflag:$0x1] =	stream.indirect_vreg.gather [hbm4b:s6+s2], $0x80, v22, vm0, $0xb8;
	[tilespmem:$0x13100] =	vst v63  }
0x1d9: {  	v47 =	vperm.xlane v19, v1;
	v46 =	vadd.s32 v17, v45;
	s30 =	simm.s32 $0x3280  }
0x1da: {  	[tilespmem:s30], [sflag:$0x1] =	stream.indirect_vreg.gather [hbm4b:s6+s2], $0x80, v20, vm0, $0xb8;
	[tilespmem:$0x13100] =	vst v63  }
0x1db: {  	v48 =	vperm.xlane v19, v7;
	s31 =	simm.s32 $0x3300;
	v20 =	vadd.s32 v17, v47  }
0x1dc: {  	[tilespmem:s31], [sflag:$0x1] =	stream.indirect_vreg.gather [hbm4b:s6+s2], $0x80, v44, vm0, $0xb8;
	[tilespmem:$0x13100] =	vst v63  }
0x1dd: {  	v50 =	vperm.xlane v19, v18;
	v49 =	vadd.s32 v17, v48;
	s26 =	simm.s32 $0x3380  }
0x1de: {  	[tilespmem:s26], [sflag:$0x1] =	stream.indirect_vreg.gather [hbm4b:s6+s2], $0x80, v46, vm0, $0xb8;
	[tilespmem:$0x13100] =	vst v63  }
0x1df: {  	v52 =	vperm.xlane v19, v8;
	v51 =	vadd.s32 v17, v50;
	s30 =	simm.s32 $0x3400  }
0x1e0: {  	[tilespmem:s30], [sflag:$0x1] =	stream.indirect_vreg.gather [hbm4b:s6+s2], $0x80, v20, vm0, $0xb8;
	[tilespmem:$0x13100] =	vst v63  }
0x1e1: {  	v53 =	vperm.xlane v19, v9;
	s31 =	simm.s32 $0x3480;
	v20 =	vadd.s32 v17, v52  }
0x1e2: {  	[tilespmem:s31], [sflag:$0x1] =	stream.indirect_vreg.gather [hbm4b:s6+s2], $0x80, v49, vm0, $0xb8;
	[tilespmem:$0x13100] =	vst v63  }
0x1e3: {  	v55 =	vperm.xlane v19, v10;
	v54 =	vadd.s32 v17, v53;
	s26 =	simm.s32 $0x3500  }
0x1e4: {  	[tilespmem:s26], [sflag:$0x1] =	stream.indirect_vreg.gather [hbm4b:s6+s2], $0x80, v51, vm0, $0xb8;
	[tilespmem:$0x13100] =	vst v63  }
0x1e5: {  	v57 =	vperm.xlane v19, v11;
	v56 =	vadd.s32 v17, v55;
	s30 =	simm.s32 $0x3580  }
0x1e6: {  	[tilespmem:s30], [sflag:$0x1] =	stream.indirect_vreg.gather [hbm4b:s6+s2], $0x80, v20, vm0, $0xb8;
	[tilespmem:$0x13100] =	vst v63  }
0x1e7: {  	v58 =	vperm.xlane v19, v12;
	s31 =	simm.s32 $0x3600;
	v20 =	vadd.s32 v17, v57  }
0x1e8: {  	[tilespmem:s31], [sflag:$0x1] =	stream.indirect_vreg.gather [hbm4b:s6+s2], $0x80, v54, vm0, $0xb8;
	[tilespmem:$0x13100] =	vst v63  }
0x1e9: {  	v60 =	vperm.xlane v19, v13;
	v59 =	vadd.s32 v17, v58;
	s26 =	simm.s32 $0x3680  }
0x1ea: {  	[tilespmem:s26], [sflag:$0x1] =	stream.indirect_vreg.gather [hbm4b:s6+s2], $0x80, v56, vm0, $0xb8;
	[tilespmem:$0x13100] =	vst v63  }
0x1eb: {  	v19 =	vperm.xlane v19, v14;
	v61 =	vadd.s32 v17, v60;
	s30 =	simm.s32 $0x3700  }
0x1ec: {  	[tilespmem:s30], [sflag:$0x1] =	stream.indirect_vreg.gather [hbm4b:s6+s2], $0x80, v20, vm0, $0xb8;
	[tilespmem:$0x13100] =	vst v63  }
0x1ed: {  	v19 =	vadd.s32 v17, v19;
	s31 =	simm.s32 $0x3780  }
0x1ee: {  	[tilespmem:s31], [sflag:$0x1] =	stream.indirect_vreg.gather [hbm4b:s6+s2], $0x80, v59, vm0, $0xb8;
	[tilespmem:$0x13100] =	vst v63  }
0x1ef: {  	s26 =	simm.s32 $0x3800  }
0x1f0: {  	[tilespmem:s26], [sflag:$0x1] =	stream.indirect_vreg.gather [hbm4b:s6+s2], $0x80, v61, vm0, $0xb8;
	[tilespmem:$0x13100] =	vst v63  }
0x1f1: {  	s30 =	simm.s32 $0x3880  }
0x1f2: {  	[tilespmem:s30], [sflag:$0x1] =	stream.indirect_vreg.gather [hbm4b:s6+s2], $0x80, v19, vm0, $0xb8;
	[tilespmem:$0x13100] =	vst v63  }
0x1f3: {  	v19 =	vld [tilespmem:$0x150];
	_ =	sdelay $0x4  }
0x1f4: {  	v20 =	vshll.u32 v19, $0x4  }
0x1f5: {  	v19 =	vand.u32 $0x7, v19;
	v20 =	vand.u32 $0xFFFFFF80, v20  }
0x1f6: {  	v19 =	vor.u32 v19, v20  }
0x1f7: {  	v20 =	vperm.xlane v19, v15;
	_ =	sdelay $0x1  }
0x1f8: {  	v62 =	vperm.xlane v19, v2;
	v20 =	vadd.s32 v17, v20;
	_ =	sdelay $0x1  }
0x1f9: {  	v63 =	vperm.xlane v19, v3;
	v21 =	vadd.s32 v17, v62;
	_ =	sdelay $0x1  }
0x1fa: {  	s31 =	simm.s32 $0x3900;
	v24 =	vperm.xlane v19, v4;
	v22 =	vadd.s32 v17, v63  }
0x1fb: {  	[tilespmem:s31], [sflag:$0x1] =	stream.indirect_vreg.gather [hbm4b:s6+s2], $0x80, v20, vm0, $0xb8;
	[tilespmem:$0x13100] =	vst v63  }
0x1fc: {  	s26 =	simm.s32 $0x3980;
	v25 =	vperm.xlane v19, v5;
	v20 =	vadd.s32 v17, v24  }
0x1fd: {  	[tilespmem:s26], [sflag:$0x1] =	stream.indirect_vreg.gather [hbm4b:s6+s2], $0x80, v21, vm0, $0xb8;
	[tilespmem:$0x13100] =	vst v63  }
0x1fe: {  	s30 =	simm.s32 $0x3A00;
	v27 =	vperm.xlane v19, v6;
	v26 =	vadd.s32 v17, v25  }
0x1ff: {  	[tilespmem:s30], [sflag:$0x1] =	stream.indirect_vreg.gather [hbm4b:s6+s2], $0x80, v22, vm0, $0xb8;
	[tilespmem:$0x13100] =	vst v63  }
0x200: {  	v29 =	vperm.xlane v19, v1;
	v28 =	vadd.s32 v17, v27;
	s31 =	simm.s32 $0x3A80  }
0x201: {  	[tilespmem:s31], [sflag:$0x1] =	stream.indirect_vreg.gather [hbm4b:s6+s2], $0x80, v20, vm0, $0xb8;
	[tilespmem:$0x13100] =	vst v63  }
0x202: {  	v30 =	vperm.xlane v19, v7;
	s26 =	simm.s32 $0x3B00;
	v20 =	vadd.s32 v17, v29  }
0x203: {  	[tilespmem:s26], [sflag:$0x1] =	stream.indirect_vreg.gather [hbm4b:s6+s2], $0x80, v26, vm0, $0xb8;
	[tilespmem:$0x13100] =	vst v63  }
0x204: {  	v32 =	vperm.xlane v19, v18;
	v31 =	vadd.s32 v17, v30;
	s30 =	simm.s32 $0x3B80  }
0x205: {  	[tilespmem:s30], [sflag:$0x1] =	stream.indirect_vreg.gather [hbm4b:s6+s2], $0x80, v28, vm0, $0xb8;
	[tilespmem:$0x13100] =	vst v63  }
0x206: {  	v34 =	vperm.xlane v19, v8;
	v33 =	vadd.s32 v17, v32;
	s31 =	simm.s32 $0x3C00  }
0x207: {  	[tilespmem:s31], [sflag:$0x1] =	stream.indirect_vreg.gather [hbm4b:s6+s2], $0x80, v20, vm0, $0xb8;
	[tilespmem:$0x13100] =	vst v63  }
0x208: {  	v35 =	vperm.xlane v19, v9;
	s26 =	simm.s32 $0x3C80;
	v20 =	vadd.s32 v17, v34  }
0x209: {  	[tilespmem:s26], [sflag:$0x1] =	stream.indirect_vreg.gather [hbm4b:s6+s2], $0x80, v31, vm0, $0xb8;
	[tilespmem:$0x13100] =	vst v63  }
0x20a: {  	v37 =	vperm.xlane v19, v10;
	v36 =	vadd.s32 v17, v35;
	s30 =	simm.s32 $0x3D00  }
0x20b: {  	[tilespmem:s30], [sflag:$0x1] =	stream.indirect_vreg.gather [hbm4b:s6+s2], $0x80, v33, vm0, $0xb8;
	[tilespmem:$0x13100] =	vst v63  }
0x20c: {  	v39 =	vperm.xlane v19, v11;
	v38 =	vadd.s32 v17, v37;
	s31 =	simm.s32 $0x3D80  }
0x20d: {  	[tilespmem:s31], [sflag:$0x1] =	stream.indirect_vreg.gather [hbm4b:s6+s2], $0x80, v20, vm0, $0xb8;
	[tilespmem:$0x13100] =	vst v63  }
0x20e: {  	v40 =	vperm.xlane v19, v12;
	s26 =	simm.s32 $0x3E00;
	v20 =	vadd.s32 v17, v39  }
0x20f: {  	[tilespmem:s26], [sflag:$0x1] =	stream.indirect_vreg.gather [hbm4b:s6+s2], $0x80, v36, vm0, $0xb8;
	[tilespmem:$0x13100] =	vst v63  }
0x210: {  	v42 =	vperm.xlane v19, v13;
	v41 =	vadd.s32 v17, v40;
	s30 =	simm.s32 $0x3E80  }
0x211: {  	[tilespmem:s30], [sflag:$0x1] =	stream.indirect_vreg.gather [hbm4b:s6+s2], $0x80, v38, vm0, $0xb8;
	[tilespmem:$0x13100] =	vst v63  }
0x212: {  	v19 =	vperm.xlane v19, v14;
	v43 =	vadd.s32 v17, v42;
	s31 =	simm.s32 $0x3F00  }
0x213: {  	[tilespmem:s31], [sflag:$0x1] =	stream.indirect_vreg.gather [hbm4b:s6+s2], $0x80, v20, vm0, $0xb8;
	[tilespmem:$0x13100] =	vst v63  }
0x214: {  	v19 =	vadd.s32 v17, v19;
	s26 =	simm.s32 $0x3F80  }
0x215: {  	[tilespmem:s26], [sflag:$0x1] =	stream.indirect_vreg.gather [hbm4b:s6+s2], $0x80, v41, vm0, $0xb8;
	[tilespmem:$0x13100] =	vst v63  }
0x216: {  	_ = 	snop  }
0x217: {  	[tilespmem:s12], [sflag:$0x1] =	stream.indirect_vreg.gather [hbm4b:s6+s2], $0x80, v43, vm0, $0xb8;
	[tilespmem:$0x13100] =	vst v63  }
0x218: {  	s30 =	simm.s32 $0x4080  }
0x219: {  	[tilespmem:s30], [sflag:$0x1] =	stream.indirect_vreg.gather [hbm4b:s6+s2], $0x80, v19, vm0, $0xb8;
	[tilespmem:$0x13100] =	vst v63  }
0x21a: {  	v19 =	vld [tilespmem:$0x160];
	_ =	sdelay $0x4  }
0x21b: {  	v20 =	vshll.u32 v19, $0x4  }
0x21c: {  	v19 =	vand.u32 $0x7, v19;
	v20 =	vand.u32 $0xFFFFFF80, v20  }
0x21d: {  	v19 =	vor.u32 v19, v20  }
0x21e: {  	v20 =	vperm.xlane v19, v15;
	_ =	sdelay $0x1  }
0x21f: {  	v44 =	vperm.xlane v19, v2;
	v20 =	vadd.s32 v17, v20;
	_ =	sdelay $0x1  }
0x220: {  	v45 =	vperm.xlane v19, v3;
	v21 =	vadd.s32 v17, v44;
	_ =	sdelay $0x1  }
0x221: {  	s31 =	simm.s32 $0x4100;
	v46 =	vperm.xlane v19, v4;
	v22 =	vadd.s32 v17, v45  }
0x222: {  	[tilespmem:s31], [sflag:$0x1] =	stream.indirect_vreg.gather [hbm4b:s6+s2], $0x80, v20, vm0, $0xb8;
	[tilespmem:$0x13100] =	vst v63  }
0x223: {  	s26 =	simm.s32 $0x4180;
	v47 =	vperm.xlane v19, v5;
	v20 =	vadd.s32 v17, v46  }
0x224: {  	[tilespmem:s26], [sflag:$0x1] =	stream.indirect_vreg.gather [hbm4b:s6+s2], $0x80, v21, vm0, $0xb8;
	[tilespmem:$0x13100] =	vst v63  }
0x225: {  	s30 =	simm.s32 $0x4200;
	v49 =	vperm.xlane v19, v6;
	v48 =	vadd.s32 v17, v47  }
0x226: {  	[tilespmem:s30], [sflag:$0x1] =	stream.indirect_vreg.gather [hbm4b:s6+s2], $0x80, v22, vm0, $0xb8;
	[tilespmem:$0x13100] =	vst v63  }
0x227: {  	v51 =	vperm.xlane v19, v1;
	v50 =	vadd.s32 v17, v49;
	s31 =	simm.s32 $0x4280  }
0x228: {  	[tilespmem:s31], [sflag:$0x1] =	stream.indirect_vreg.gather [hbm4b:s6+s2], $0x80, v20, vm0, $0xb8;
	[tilespmem:$0x13100] =	vst v63  }
0x229: {  	v52 =	vperm.xlane v19, v7;
	s26 =	simm.s32 $0x4300;
	v20 =	vadd.s32 v17, v51  }
0x22a: {  	[tilespmem:s26], [sflag:$0x1] =	stream.indirect_vreg.gather [hbm4b:s6+s2], $0x80, v48, vm0, $0xb8;
	[tilespmem:$0x13100] =	vst v63  }
0x22b: {  	v54 =	vperm.xlane v19, v18;
	v53 =	vadd.s32 v17, v52;
	s30 =	simm.s32 $0x4380  }
0x22c: {  	[tilespmem:s30], [sflag:$0x1] =	stream.indirect_vreg.gather [hbm4b:s6+s2], $0x80, v50, vm0, $0xb8;
	[tilespmem:$0x13100] =	vst v63  }
0x22d: {  	v56 =	vperm.xlane v19, v8;
	v55 =	vadd.s32 v17, v54;
	s31 =	simm.s32 $0x4400  }
0x22e: {  	[tilespmem:s31], [sflag:$0x1] =	stream.indirect_vreg.gather [hbm4b:s6+s2], $0x80, v20, vm0, $0xb8;
	[tilespmem:$0x13100] =	vst v63  }
0x22f: {  	v57 =	vperm.xlane v19, v9;
	s26 =	simm.s32 $0x4480;
	v20 =	vadd.s32 v17, v56  }
0x230: {  	[tilespmem:s26], [sflag:$0x1] =	stream.indirect_vreg.gather [hbm4b:s6+s2], $0x80, v53, vm0, $0xb8;
	[tilespmem:$0x13100] =	vst v63  }
0x231: {  	v59 =	vperm.xlane v19, v10;
	v58 =	vadd.s32 v17, v57;
	s30 =	simm.s32 $0x4500  }
0x232: {  	[tilespmem:s30], [sflag:$0x1] =	stream.indirect_vreg.gather [hbm4b:s6+s2], $0x80, v55, vm0, $0xb8;
	[tilespmem:$0x13100] =	vst v63  }
0x233: {  	v61 =	vperm.xlane v19, v11;
	v60 =	vadd.s32 v17, v59;
	s31 =	simm.s32 $0x4580  }
0x234: {  	[tilespmem:s31], [sflag:$0x1] =	stream.indirect_vreg.gather [hbm4b:s6+s2], $0x80, v20, vm0, $0xb8;
	[tilespmem:$0x13100] =	vst v63  }
0x235: {  	v62 =	vperm.xlane v19, v12;
	s26 =	simm.s32 $0x4600;
	v20 =	vadd.s32 v17, v61  }
0x236: {  	[tilespmem:s26], [sflag:$0x1] =	stream.indirect_vreg.gather [hbm4b:s6+s2], $0x80, v58, vm0, $0xb8;
	[tilespmem:$0x13100] =	vst v63  }
0x237: {  	v24 =	vperm.xlane v19, v13;
	v63 =	vadd.s32 v17, v62;
	s30 =	simm.s32 $0x4680  }
0x238: {  	[tilespmem:s30], [sflag:$0x1] =	stream.indirect_vreg.gather [hbm4b:s6+s2], $0x80, v60, vm0, $0xb8;
	[tilespmem:$0x13100] =	vst v63  }
0x239: {  	v19 =	vperm.xlane v19, v14;
	v25 =	vadd.s32 v17, v24;
	s31 =	simm.s32 $0x4700  }
0x23a: {  	[tilespmem:s31], [sflag:$0x1] =	stream.indirect_vreg.gather [hbm4b:s6+s2], $0x80, v20, vm0, $0xb8;
	[tilespmem:$0x13100] =	vst v63  }
0x23b: {  	v19 =	vadd.s32 v17, v19;
	s26 =	simm.s32 $0x4780  }
0x23c: {  	[tilespmem:s26], [sflag:$0x1] =	stream.indirect_vreg.gather [hbm4b:s6+s2], $0x80, v63, vm0, $0xb8;
	[tilespmem:$0x13100] =	vst v63  }
0x23d: {  	s30 =	simm.s32 $0x4800  }
0x23e: {  	[tilespmem:s30], [sflag:$0x1] =	stream.indirect_vreg.gather [hbm4b:s6+s2], $0x80, v25, vm0, $0xb8;
	[tilespmem:$0x13100] =	vst v63  }
0x23f: {  	s31 =	simm.s32 $0x4880  }
0x240: {  	[tilespmem:s31], [sflag:$0x1] =	stream.indirect_vreg.gather [hbm4b:s6+s2], $0x80, v19, vm0, $0xb8;
	[tilespmem:$0x13100] =	vst v63  }
0x241: {  	v19 =	vld [tilespmem:$0x170];
	_ =	sdelay $0x4  }
0x242: {  	v20 =	vshll.u32 v19, $0x4  }
0x243: {  	v19 =	vand.u32 $0x7, v19;
	v20 =	vand.u32 $0xFFFFFF80, v20  }
0x244: {  	v19 =	vor.u32 v19, v20  }
0x245: {  	v20 =	vperm.xlane v19, v15;
	_ =	sdelay $0x1  }
0x246: {  	v26 =	vperm.xlane v19, v2;
	v20 =	vadd.s32 v17, v20;
	_ =	sdelay $0x1  }
0x247: {  	v27 =	vperm.xlane v19, v3;
	v21 =	vadd.s32 v17, v26;
	_ =	sdelay $0x1  }
0x248: {  	s26 =	simm.s32 $0x4900;
	v28 =	vperm.xlane v19, v4;
	v22 =	vadd.s32 v17, v27  }
0x249: {  	[tilespmem:s26], [sflag:$0x1] =	stream.indirect_vreg.gather [hbm4b:s6+s2], $0x80, v20, vm0, $0xb8;
	[tilespmem:$0x13100] =	vst v63  }
0x24a: {  	s30 =	simm.s32 $0x4980;
	v29 =	vperm.xlane v19, v5;
	v20 =	vadd.s32 v17, v28  }
0x24b: {  	[tilespmem:s30], [sflag:$0x1] =	stream.indirect_vreg.gather [hbm4b:s6+s2], $0x80, v21, vm0, $0xb8;
	[tilespmem:$0x13100] =	vst v63  }
0x24c: {  	s31 =	simm.s32 $0x4A00;
	v31 =	vperm.xlane v19, v6;
	v30 =	vadd.s32 v17, v29  }
0x24d: {  	[tilespmem:s31], [sflag:$0x1] =	stream.indirect_vreg.gather [hbm4b:s6+s2], $0x80, v22, vm0, $0xb8;
	[tilespmem:$0x13100] =	vst v63  }
0x24e: {  	v33 =	vperm.xlane v19, v1;
	v32 =	vadd.s32 v17, v31;
	s26 =	simm.s32 $0x4A80  }
0x24f: {  	[tilespmem:s26], [sflag:$0x1] =	stream.indirect_vreg.gather [hbm4b:s6+s2], $0x80, v20, vm0, $0xb8;
	[tilespmem:$0x13100] =	vst v63  }
0x250: {  	v34 =	vperm.xlane v19, v7;
	s30 =	simm.s32 $0x4B00;
	v20 =	vadd.s32 v17, v33  }
0x251: {  	[tilespmem:s30], [sflag:$0x1] =	stream.indirect_vreg.gather [hbm4b:s6+s2], $0x80, v30, vm0, $0xb8;
	[tilespmem:$0x13100] =	vst v63  }
0x252: {  	v36 =	vperm.xlane v19, v18;
	v35 =	vadd.s32 v17, v34;
	s31 =	simm.s32 $0x4B80  }
0x253: {  	[tilespmem:s31], [sflag:$0x1] =	stream.indirect_vreg.gather [hbm4b:s6+s2], $0x80, v32, vm0, $0xb8;
	[tilespmem:$0x13100] =	vst v63  }
0x254: {  	v38 =	vperm.xlane v19, v8;
	v37 =	vadd.s32 v17, v36;
	s26 =	simm.s32 $0x4C00  }
0x255: {  	[tilespmem:s26], [sflag:$0x1] =	stream.indirect_vreg.gather [hbm4b:s6+s2], $0x80, v20, vm0, $0xb8;
	[tilespmem:$0x13100] =	vst v63  }
0x256: {  	v39 =	vperm.xlane v19, v9;
	s30 =	simm.s32 $0x4C80;
	v20 =	vadd.s32 v17, v38  }
0x257: {  	[tilespmem:s30], [sflag:$0x1] =	stream.indirect_vreg.gather [hbm4b:s6+s2], $0x80, v35, vm0, $0xb8;
	[tilespmem:$0x13100] =	vst v63  }
0x258: {  	v41 =	vperm.xlane v19, v10;
	v40 =	vadd.s32 v17, v39;
	s31 =	simm.s32 $0x4D00  }
0x259: {  	[tilespmem:s31], [sflag:$0x1] =	stream.indirect_vreg.gather [hbm4b:s6+s2], $0x80, v37, vm0, $0xb8;
	[tilespmem:$0x13100] =	vst v63  }
0x25a: {  	v43 =	vperm.xlane v19, v11;
	v42 =	vadd.s32 v17, v41;
	s26 =	simm.s32 $0x4D80  }
0x25b: {  	[tilespmem:s26], [sflag:$0x1] =	stream.indirect_vreg.gather [hbm4b:s6+s2], $0x80, v20, vm0, $0xb8;
	[tilespmem:$0x13100] =	vst v63  }
0x25c: {  	v44 =	vperm.xlane v19, v12;
	s30 =	simm.s32 $0x4E00;
	v20 =	vadd.s32 v17, v43  }
0x25d: {  	[tilespmem:s30], [sflag:$0x1] =	stream.indirect_vreg.gather [hbm4b:s6+s2], $0x80, v40, vm0, $0xb8;
	[tilespmem:$0x13100] =	vst v63  }
0x25e: {  	v46 =	vperm.xlane v19, v13;
	v45 =	vadd.s32 v17, v44;
	s31 =	simm.s32 $0x4E80  }
0x25f: {  	[tilespmem:s31], [sflag:$0x1] =	stream.indirect_vreg.gather [hbm4b:s6+s2], $0x80, v42, vm0, $0xb8;
	[tilespmem:$0x13100] =	vst v63  }
0x260: {  	v19 =	vperm.xlane v19, v14;
	v47 =	vadd.s32 v17, v46;
	s26 =	simm.s32 $0x4F00  }
0x261: {  	[tilespmem:s26], [sflag:$0x1] =	stream.indirect_vreg.gather [hbm4b:s6+s2], $0x80, v20, vm0, $0xb8;
	[tilespmem:$0x13100] =	vst v63  }
0x262: {  	v19 =	vadd.s32 v17, v19;
	s30 =	simm.s32 $0x4F80  }
0x263: {  	[tilespmem:s30], [sflag:$0x1] =	stream.indirect_vreg.gather [hbm4b:s6+s2], $0x80, v45, vm0, $0xb8;
	[tilespmem:$0x13100] =	vst v63  }
0x264: {  	s31 =	simm.s32 $0x5000  }
0x265: {  	[tilespmem:s31], [sflag:$0x1] =	stream.indirect_vreg.gather [hbm4b:s6+s2], $0x80, v47, vm0, $0xb8;
	[tilespmem:$0x13100] =	vst v63  }
0x266: {  	s26 =	simm.s32 $0x5080  }
0x267: {  	[tilespmem:s26], [sflag:$0x1] =	stream.indirect_vreg.gather [hbm4b:s6+s2], $0x80, v19, vm0, $0xb8;
	[tilespmem:$0x13100] =	vst v63  }
0x268: {  	v19 =	vld [tilespmem:$0x180];
	_ =	sdelay $0x4  }
0x269: {  	v20 =	vshll.u32 v19, $0x4  }
0x26a: {  	v19 =	vand.u32 $0x7, v19;
	v20 =	vand.u32 $0xFFFFFF80, v20  }
0x26b: {  	v19 =	vor.u32 v19, v20  }
0x26c: {  	v20 =	vperm.xlane v19, v15;
	_ =	sdelay $0x1  }
0x26d: {  	v48 =	vperm.xlane v19, v2;
	v20 =	vadd.s32 v17, v20;
	_ =	sdelay $0x1  }
0x26e: {  	v49 =	vperm.xlane v19, v3;
	v21 =	vadd.s32 v17, v48;
	_ =	sdelay $0x1  }
0x26f: {  	s30 =	simm.s32 $0x5100;
	v50 =	vperm.xlane v19, v4;
	v22 =	vadd.s32 v17, v49  }
0x270: {  	[tilespmem:s30], [sflag:$0x1] =	stream.indirect_vreg.gather [hbm4b:s6+s2], $0x80, v20, vm0, $0xb8;
	[tilespmem:$0x13100] =	vst v63  }
0x271: {  	s31 =	simm.s32 $0x5180;
	v51 =	vperm.xlane v19, v5;
	v20 =	vadd.s32 v17, v50  }
0x272: {  	[tilespmem:s31], [sflag:$0x1] =	stream.indirect_vreg.gather [hbm4b:s6+s2], $0x80, v21, vm0, $0xb8;
	[tilespmem:$0x13100] =	vst v63  }
0x273: {  	s26 =	simm.s32 $0x5200;
	v53 =	vperm.xlane v19, v6;
	v52 =	vadd.s32 v17, v51  }
0x274: {  	[tilespmem:s26], [sflag:$0x1] =	stream.indirect_vreg.gather [hbm4b:s6+s2], $0x80, v22, vm0, $0xb8;
	[tilespmem:$0x13100] =	vst v63  }
0x275: {  	v55 =	vperm.xlane v19, v1;
	v54 =	vadd.s32 v17, v53;
	s30 =	simm.s32 $0x5280  }
0x276: {  	[tilespmem:s30], [sflag:$0x1] =	stream.indirect_vreg.gather [hbm4b:s6+s2], $0x80, v20, vm0, $0xb8;
	[tilespmem:$0x13100] =	vst v63  }
0x277: {  	v56 =	vperm.xlane v19, v7;
	s31 =	simm.s32 $0x5300;
	v20 =	vadd.s32 v17, v55  }
0x278: {  	[tilespmem:s31], [sflag:$0x1] =	stream.indirect_vreg.gather [hbm4b:s6+s2], $0x80, v52, vm0, $0xb8;
	[tilespmem:$0x13100] =	vst v63  }
0x279: {  	v58 =	vperm.xlane v19, v18;
	v57 =	vadd.s32 v17, v56;
	s26 =	simm.s32 $0x5380  }
0x27a: {  	[tilespmem:s26], [sflag:$0x1] =	stream.indirect_vreg.gather [hbm4b:s6+s2], $0x80, v54, vm0, $0xb8;
	[tilespmem:$0x13100] =	vst v63  }
0x27b: {  	v60 =	vperm.xlane v19, v8;
	v59 =	vadd.s32 v17, v58;
	s30 =	simm.s32 $0x5400  }
0x27c: {  	[tilespmem:s30], [sflag:$0x1] =	stream.indirect_vreg.gather [hbm4b:s6+s2], $0x80, v20, vm0, $0xb8;
	[tilespmem:$0x13100] =	vst v63  }
0x27d: {  	v61 =	vperm.xlane v19, v9;
	s31 =	simm.s32 $0x5480;
	v20 =	vadd.s32 v17, v60  }
0x27e: {  	[tilespmem:s31], [sflag:$0x1] =	stream.indirect_vreg.gather [hbm4b:s6+s2], $0x80, v57, vm0, $0xb8;
	[tilespmem:$0x13100] =	vst v63  }
0x27f: {  	v63 =	vperm.xlane v19, v10;
	v62 =	vadd.s32 v17, v61;
	s26 =	simm.s32 $0x5500  }
0x280: {  	[tilespmem:s26], [sflag:$0x1] =	stream.indirect_vreg.gather [hbm4b:s6+s2], $0x80, v59, vm0, $0xb8;
	[tilespmem:$0x13100] =	vst v63  }
0x281: {  	v25 =	vperm.xlane v19, v11;
	v24 =	vadd.s32 v17, v63;
	s30 =	simm.s32 $0x5580  }
0x282: {  	[tilespmem:s30], [sflag:$0x1] =	stream.indirect_vreg.gather [hbm4b:s6+s2], $0x80, v20, vm0, $0xb8;
	[tilespmem:$0x13100] =	vst v63  }
0x283: {  	v26 =	vperm.xlane v19, v12;
	s31 =	simm.s32 $0x5600;
	v20 =	vadd.s32 v17, v25  }
0x284: {  	[tilespmem:s31], [sflag:$0x1] =	stream.indirect_vreg.gather [hbm4b:s6+s2], $0x80, v62, vm0, $0xb8;
	[tilespmem:$0x13100] =	vst v63  }
0x285: {  	v28 =	vperm.xlane v19, v13;
	v27 =	vadd.s32 v17, v26;
	s26 =	simm.s32 $0x5680  }
0x286: {  	[tilespmem:s26], [sflag:$0x1] =	stream.indirect_vreg.gather [hbm4b:s6+s2], $0x80, v24, vm0, $0xb8;
	[tilespmem:$0x13100] =	vst v63  }
0x287: {  	v19 =	vperm.xlane v19, v14;
	v29 =	vadd.s32 v17, v28;
	s30 =	simm.s32 $0x5700  }
0x288: {  	[tilespmem:s30], [sflag:$0x1] =	stream.indirect_vreg.gather [hbm4b:s6+s2], $0x80, v20, vm0, $0xb8;
	[tilespmem:$0x13100] =	vst v63  }
0x289: {  	v19 =	vadd.s32 v17, v19;
	s31 =	simm.s32 $0x5780  }
0x28a: {  	[tilespmem:s31], [sflag:$0x1] =	stream.indirect_vreg.gather [hbm4b:s6+s2], $0x80, v27, vm0, $0xb8;
	[tilespmem:$0x13100] =	vst v63  }
0x28b: {  	s26 =	simm.s32 $0x5800  }
0x28c: {  	[tilespmem:s26], [sflag:$0x1] =	stream.indirect_vreg.gather [hbm4b:s6+s2], $0x80, v29, vm0, $0xb8;
	[tilespmem:$0x13100] =	vst v63  }
0x28d: {  	s30 =	simm.s32 $0x5880  }
0x28e: {  	[tilespmem:s30], [sflag:$0x1] =	stream.indirect_vreg.gather [hbm4b:s6+s2], $0x80, v19, vm0, $0xb8;
	[tilespmem:$0x13100] =	vst v63  }
0x28f: {  	v19 =	vld [tilespmem:$0x190];
	_ =	sdelay $0x4  }
0x290: {  	v20 =	vshll.u32 v19, $0x4  }
0x291: {  	v19 =	vand.u32 $0x7, v19;
	v20 =	vand.u32 $0xFFFFFF80, v20  }
0x292: {  	v19 =	vor.u32 v19, v20  }
0x293: {  	v20 =	vperm.xlane v19, v15;
	_ =	sdelay $0x1  }
0x294: {  	v30 =	vperm.xlane v19, v2;
	v20 =	vadd.s32 v17, v20;
	_ =	sdelay $0x1  }
0x295: {  	v31 =	vperm.xlane v19, v3;
	v21 =	vadd.s32 v17, v30;
	_ =	sdelay $0x1  }
0x296: {  	s31 =	simm.s32 $0x5900;
	v32 =	vperm.xlane v19, v4;
	v22 =	vadd.s32 v17, v31  }
0x297: {  	[tilespmem:s31], [sflag:$0x1] =	stream.indirect_vreg.gather [hbm4b:s6+s2], $0x80, v20, vm0, $0xb8;
	[tilespmem:$0x13100] =	vst v63  }
0x298: {  	s26 =	simm.s32 $0x5980;
	v33 =	vperm.xlane v19, v5;
	v20 =	vadd.s32 v17, v32  }
0x299: {  	[tilespmem:s26], [sflag:$0x1] =	stream.indirect_vreg.gather [hbm4b:s6+s2], $0x80, v21, vm0, $0xb8;
	[tilespmem:$0x13100] =	vst v63  }
0x29a: {  	s30 =	simm.s32 $0x5A00;
	v35 =	vperm.xlane v19, v6;
	v34 =	vadd.s32 v17, v33  }
0x29b: {  	[tilespmem:s30], [sflag:$0x1] =	stream.indirect_vreg.gather [hbm4b:s6+s2], $0x80, v22, vm0, $0xb8;
	[tilespmem:$0x13100] =	vst v63  }
0x29c: {  	v37 =	vperm.xlane v19, v1;
	v36 =	vadd.s32 v17, v35;
	s31 =	simm.s32 $0x5A80  }
0x29d: {  	[tilespmem:s31], [sflag:$0x1] =	stream.indirect_vreg.gather [hbm4b:s6+s2], $0x80, v20, vm0, $0xb8;
	[tilespmem:$0x13100] =	vst v63  }
0x29e: {  	v38 =	vperm.xlane v19, v7;
	s26 =	simm.s32 $0x5B00;
	v20 =	vadd.s32 v17, v37  }
0x29f: {  	[tilespmem:s26], [sflag:$0x1] =	stream.indirect_vreg.gather [hbm4b:s6+s2], $0x80, v34, vm0, $0xb8;
	[tilespmem:$0x13100] =	vst v63  }
0x2a0: {  	v40 =	vperm.xlane v19, v18;
	v39 =	vadd.s32 v17, v38;
	s30 =	simm.s32 $0x5B80  }
0x2a1: {  	[tilespmem:s30], [sflag:$0x1] =	stream.indirect_vreg.gather [hbm4b:s6+s2], $0x80, v36, vm0, $0xb8;
	[tilespmem:$0x13100] =	vst v63  }
0x2a2: {  	v42 =	vperm.xlane v19, v8;
	v41 =	vadd.s32 v17, v40;
	s31 =	simm.s32 $0x5C00  }
0x2a3: {  	[tilespmem:s31], [sflag:$0x1] =	stream.indirect_vreg.gather [hbm4b:s6+s2], $0x80, v20, vm0, $0xb8;
	[tilespmem:$0x13100] =	vst v63  }
0x2a4: {  	v43 =	vperm.xlane v19, v9;
	s26 =	simm.s32 $0x5C80;
	v20 =	vadd.s32 v17, v42  }
0x2a5: {  	[tilespmem:s26], [sflag:$0x1] =	stream.indirect_vreg.gather [hbm4b:s6+s2], $0x80, v39, vm0, $0xb8;
	[tilespmem:$0x13100] =	vst v63  }
0x2a6: {  	v45 =	vperm.xlane v19, v10;
	v44 =	vadd.s32 v17, v43;
	s30 =	simm.s32 $0x5D00  }
0x2a7: {  	[tilespmem:s30], [sflag:$0x1] =	stream.indirect_vreg.gather [hbm4b:s6+s2], $0x80, v41, vm0, $0xb8;
	[tilespmem:$0x13100] =	vst v63  }
0x2a8: {  	v47 =	vperm.xlane v19, v11;
	v46 =	vadd.s32 v17, v45;
	s31 =	simm.s32 $0x5D80  }
0x2a9: {  	[tilespmem:s31], [sflag:$0x1] =	stream.indirect_vreg.gather [hbm4b:s6+s2], $0x80, v20, vm0, $0xb8;
	[tilespmem:$0x13100] =	vst v63  }
0x2aa: {  	v48 =	vperm.xlane v19, v12;
	s26 =	simm.s32 $0x5E00;
	v20 =	vadd.s32 v17, v47  }
0x2ab: {  	[tilespmem:s26], [sflag:$0x1] =	stream.indirect_vreg.gather [hbm4b:s6+s2], $0x80, v44, vm0, $0xb8;
	[tilespmem:$0x13100] =	vst v63  }
0x2ac: {  	v50 =	vperm.xlane v19, v13;
	v49 =	vadd.s32 v17, v48;
	s30 =	simm.s32 $0x5E80  }
0x2ad: {  	[tilespmem:s30], [sflag:$0x1] =	stream.indirect_vreg.gather [hbm4b:s6+s2], $0x80, v46, vm0, $0xb8;
	[tilespmem:$0x13100] =	vst v63  }
0x2ae: {  	v19 =	vperm.xlane v19, v14;
	v51 =	vadd.s32 v17, v50;
	s31 =	simm.s32 $0x5F00  }
0x2af: {  	[tilespmem:s31], [sflag:$0x1] =	stream.indirect_vreg.gather [hbm4b:s6+s2], $0x80, v20, vm0, $0xb8;
	[tilespmem:$0x13100] =	vst v63  }
0x2b0: {  	v19 =	vadd.s32 v17, v19;
	s26 =	simm.s32 $0x5F80  }
0x2b1: {  	[tilespmem:s26], [sflag:$0x1] =	stream.indirect_vreg.gather [hbm4b:s6+s2], $0x80, v49, vm0, $0xb8;
	[tilespmem:$0x13100] =	vst v63  }
0x2b2: {  	s30 =	simm.s32 $0x6000  }
0x2b3: {  	[tilespmem:s30], [sflag:$0x1] =	stream.indirect_vreg.gather [hbm4b:s6+s2], $0x80, v51, vm0, $0xb8;
	[tilespmem:$0x13100] =	vst v63  }
0x2b4: {  	s31 =	simm.s32 $0x6080  }
0x2b5: {  	[tilespmem:s31], [sflag:$0x1] =	stream.indirect_vreg.gather [hbm4b:s6+s2], $0x80, v19, vm0, $0xb8;
	[tilespmem:$0x13100] =	vst v63  }
0x2b6: {  	v19 =	vld [tilespmem:$0x1A0];
	_ =	sdelay $0x4  }
0x2b7: {  	v20 =	vshll.u32 v19, $0x4  }
0x2b8: {  	v19 =	vand.u32 $0x7, v19;
	v20 =	vand.u32 $0xFFFFFF80, v20  }
0x2b9: {  	v19 =	vor.u32 v19, v20  }
0x2ba: {  	v20 =	vperm.xlane v19, v15;
	_ =	sdelay $0x1  }
0x2bb: {  	v52 =	vperm.xlane v19, v2;
	v20 =	vadd.s32 v17, v20;
	_ =	sdelay $0x1  }
0x2bc: {  	v53 =	vperm.xlane v19, v3;
	v21 =	vadd.s32 v17, v52;
	_ =	sdelay $0x1  }
0x2bd: {  	s26 =	simm.s32 $0x6100;
	v54 =	vperm.xlane v19, v4;
	v22 =	vadd.s32 v17, v53  }
0x2be: {  	[tilespmem:s26], [sflag:$0x1] =	stream.indirect_vreg.gather [hbm4b:s6+s2], $0x80, v20, vm0, $0xb8;
	[tilespmem:$0x13100] =	vst v63  }
0x2bf: {  	s30 =	simm.s32 $0x6180;
	v55 =	vperm.xlane v19, v5;
	v20 =	vadd.s32 v17, v54  }
0x2c0: {  	[tilespmem:s30], [sflag:$0x1] =	stream.indirect_vreg.gather [hbm4b:s6+s2], $0x80, v21, vm0, $0xb8;
	[tilespmem:$0x13100] =	vst v63  }
0x2c1: {  	s31 =	simm.s32 $0x6200;
	v57 =	vperm.xlane v19, v6;
	v56 =	vadd.s32 v17, v55  }
0x2c2: {  	[tilespmem:s31], [sflag:$0x1] =	stream.indirect_vreg.gather [hbm4b:s6+s2], $0x80, v22, vm0, $0xb8;
	[tilespmem:$0x13100] =	vst v63  }
0x2c3: {  	v59 =	vperm.xlane v19, v1;
	v58 =	vadd.s32 v17, v57;
	s26 =	simm.s32 $0x6280  }
0x2c4: {  	[tilespmem:s26], [sflag:$0x1] =	stream.indirect_vreg.gather [hbm4b:s6+s2], $0x80, v20, vm0, $0xb8;
	[tilespmem:$0x13100] =	vst v63  }
0x2c5: {  	v60 =	vperm.xlane v19, v7;
	s30 =	simm.s32 $0x6300;
	v20 =	vadd.s32 v17, v59  }
0x2c6: {  	[tilespmem:s30], [sflag:$0x1] =	stream.indirect_vreg.gather [hbm4b:s6+s2], $0x80, v56, vm0, $0xb8;
	[tilespmem:$0x13100] =	vst v63  }
0x2c7: {  	v62 =	vperm.xlane v19, v18;
	v61 =	vadd.s32 v17, v60;
	s31 =	simm.s32 $0x6380  }
0x2c8: {  	[tilespmem:s31], [sflag:$0x1] =	stream.indirect_vreg.gather [hbm4b:s6+s2], $0x80, v58, vm0, $0xb8;
	[tilespmem:$0x13100] =	vst v63  }
0x2c9: {  	v24 =	vperm.xlane v19, v8;
	v63 =	vadd.s32 v17, v62;
	s26 =	simm.s32 $0x6400  }
0x2ca: {  	[tilespmem:s26], [sflag:$0x1] =	stream.indirect_vreg.gather [hbm4b:s6+s2], $0x80, v20, vm0, $0xb8;
	[tilespmem:$0x13100] =	vst v63  }
0x2cb: {  	v25 =	vperm.xlane v19, v9;
	s30 =	simm.s32 $0x6480;
	v20 =	vadd.s32 v17, v24  }
0x2cc: {  	[tilespmem:s30], [sflag:$0x1] =	stream.indirect_vreg.gather [hbm4b:s6+s2], $0x80, v61, vm0, $0xb8;
	[tilespmem:$0x13100] =	vst v63  }
0x2cd: {  	v27 =	vperm.xlane v19, v10;
	v26 =	vadd.s32 v17, v25;
	s31 =	simm.s32 $0x6500  }
0x2ce: {  	[tilespmem:s31], [sflag:$0x1] =	stream.indirect_vreg.gather [hbm4b:s6+s2], $0x80, v63, vm0, $0xb8;
	[tilespmem:$0x13100] =	vst v63  }
0x2cf: {  	v29 =	vperm.xlane v19, v11;
	v28 =	vadd.s32 v17, v27;
	s26 =	simm.s32 $0x6580  }
0x2d0: {  	[tilespmem:s26], [sflag:$0x1] =	stream.indirect_vreg.gather [hbm4b:s6+s2], $0x80, v20, vm0, $0xb8;
	[tilespmem:$0x13100] =	vst v63  }
0x2d1: {  	v30 =	vperm.xlane v19, v12;
	s30 =	simm.s32 $0x6600;
	v20 =	vadd.s32 v17, v29  }
0x2d2: {  	[tilespmem:s30], [sflag:$0x1] =	stream.indirect_vreg.gather [hbm4b:s6+s2], $0x80, v26, vm0, $0xb8;
	[tilespmem:$0x13100] =	vst v63  }
0x2d3: {  	v32 =	vperm.xlane v19, v13;
	v31 =	vadd.s32 v17, v30;
	s31 =	simm.s32 $0x6680  }
0x2d4: {  	[tilespmem:s31], [sflag:$0x1] =	stream.indirect_vreg.gather [hbm4b:s6+s2], $0x80, v28, vm0, $0xb8;
	[tilespmem:$0x13100] =	vst v63  }
0x2d5: {  	v19 =	vperm.xlane v19, v14;
	v33 =	vadd.s32 v17, v32;
	s26 =	simm.s32 $0x6700  }
0x2d6: {  	[tilespmem:s26], [sflag:$0x1] =	stream.indirect_vreg.gather [hbm4b:s6+s2], $0x80, v20, vm0, $0xb8;
	[tilespmem:$0x13100] =	vst v63  }
0x2d7: {  	v19 =	vadd.s32 v17, v19;
	s30 =	simm.s32 $0x6780  }
0x2d8: {  	[tilespmem:s30], [sflag:$0x1] =	stream.indirect_vreg.gather [hbm4b:s6+s2], $0x80, v31, vm0, $0xb8;
	[tilespmem:$0x13100] =	vst v63  }
0x2d9: {  	s31 =	simm.s32 $0x6800  }
0x2da: {  	[tilespmem:s31], [sflag:$0x1] =	stream.indirect_vreg.gather [hbm4b:s6+s2], $0x80, v33, vm0, $0xb8;
	[tilespmem:$0x13100] =	vst v63  }
0x2db: {  	s26 =	simm.s32 $0x6880  }
0x2dc: {  	[tilespmem:s26], [sflag:$0x1] =	stream.indirect_vreg.gather [hbm4b:s6+s2], $0x80, v19, vm0, $0xb8;
	[tilespmem:$0x13100] =	vst v63  }
0x2dd: {  	v19 =	vld [tilespmem:$0x1B0];
	_ =	sdelay $0x4  }
0x2de: {  	v20 =	vshll.u32 v19, $0x4  }
0x2df: {  	v19 =	vand.u32 $0x7, v19;
	v20 =	vand.u32 $0xFFFFFF80, v20  }
0x2e0: {  	v19 =	vor.u32 v19, v20  }
0x2e1: {  	v20 =	vperm.xlane v19, v15;
	_ =	sdelay $0x1  }
0x2e2: {  	v34 =	vperm.xlane v19, v2;
	v20 =	vadd.s32 v17, v20;
	_ =	sdelay $0x1  }
0x2e3: {  	v35 =	vperm.xlane v19, v3;
	v21 =	vadd.s32 v17, v34;
	_ =	sdelay $0x1  }
0x2e4: {  	s30 =	simm.s32 $0x6900;
	v36 =	vperm.xlane v19, v4;
	v22 =	vadd.s32 v17, v35  }
0x2e5: {  	[tilespmem:s30], [sflag:$0x1] =	stream.indirect_vreg.gather [hbm4b:s6+s2], $0x80, v20, vm0, $0xb8;
	[tilespmem:$0x13100] =	vst v63  }
0x2e6: {  	s31 =	simm.s32 $0x6980;
	v37 =	vperm.xlane v19, v5;
	v20 =	vadd.s32 v17, v36  }
0x2e7: {  	[tilespmem:s31], [sflag:$0x1] =	stream.indirect_vreg.gather [hbm4b:s6+s2], $0x80, v21, vm0, $0xb8;
	[tilespmem:$0x13100] =	vst v63  }
0x2e8: {  	s26 =	simm.s32 $0x6A00;
	v39 =	vperm.xlane v19, v6;
	v38 =	vadd.s32 v17, v37  }
0x2e9: {  	[tilespmem:s26], [sflag:$0x1] =	stream.indirect_vreg.gather [hbm4b:s6+s2], $0x80, v22, vm0, $0xb8;
	[tilespmem:$0x13100] =	vst v63  }
0x2ea: {  	v41 =	vperm.xlane v19, v1;
	v40 =	vadd.s32 v17, v39;
	s30 =	simm.s32 $0x6A80  }
0x2eb: {  	[tilespmem:s30], [sflag:$0x1] =	stream.indirect_vreg.gather [hbm4b:s6+s2], $0x80, v20, vm0, $0xb8;
	[tilespmem:$0x13100] =	vst v63  }
0x2ec: {  	v42 =	vperm.xlane v19, v7;
	s31 =	simm.s32 $0x6B00;
	v20 =	vadd.s32 v17, v41  }
0x2ed: {  	[tilespmem:s31], [sflag:$0x1] =	stream.indirect_vreg.gather [hbm4b:s6+s2], $0x80, v38, vm0, $0xb8;
	[tilespmem:$0x13100] =	vst v63  }
0x2ee: {  	v44 =	vperm.xlane v19, v18;
	v43 =	vadd.s32 v17, v42;
	s26 =	simm.s32 $0x6B80  }
0x2ef: {  	[tilespmem:s26], [sflag:$0x1] =	stream.indirect_vreg.gather [hbm4b:s6+s2], $0x80, v40, vm0, $0xb8;
	[tilespmem:$0x13100] =	vst v63  }
0x2f0: {  	v46 =	vperm.xlane v19, v8;
	v45 =	vadd.s32 v17, v44;
	s30 =	simm.s32 $0x6C00  }
0x2f1: {  	[tilespmem:s30], [sflag:$0x1] =	stream.indirect_vreg.gather [hbm4b:s6+s2], $0x80, v20, vm0, $0xb8;
	[tilespmem:$0x13100] =	vst v63  }
0x2f2: {  	v47 =	vperm.xlane v19, v9;
	s31 =	simm.s32 $0x6C80;
	v20 =	vadd.s32 v17, v46  }
0x2f3: {  	[tilespmem:s31], [sflag:$0x1] =	stream.indirect_vreg.gather [hbm4b:s6+s2], $0x80, v43, vm0, $0xb8;
	[tilespmem:$0x13100] =	vst v63  }
0x2f4: {  	v49 =	vperm.xlane v19, v10;
	v48 =	vadd.s32 v17, v47;
	s26 =	simm.s32 $0x6D00  }
0x2f5: {  	[tilespmem:s26], [sflag:$0x1] =	stream.indirect_vreg.gather [hbm4b:s6+s2], $0x80, v45, vm0, $0xb8;
	[tilespmem:$0x13100] =	vst v63  }
0x2f6: {  	v51 =	vperm.xlane v19, v11;
	v50 =	vadd.s32 v17, v49;
	s30 =	simm.s32 $0x6D80  }
0x2f7: {  	[tilespmem:s30], [sflag:$0x1] =	stream.indirect_vreg.gather [hbm4b:s6+s2], $0x80, v20, vm0, $0xb8;
	[tilespmem:$0x13100] =	vst v63  }
0x2f8: {  	v52 =	vperm.xlane v19, v12;
	s31 =	simm.s32 $0x6E00;
	v20 =	vadd.s32 v17, v51  }
0x2f9: {  	[tilespmem:s31], [sflag:$0x1] =	stream.indirect_vreg.gather [hbm4b:s6+s2], $0x80, v48, vm0, $0xb8;
	[tilespmem:$0x13100] =	vst v63  }
0x2fa: {  	v54 =	vperm.xlane v19, v13;
	v53 =	vadd.s32 v17, v52;
	s26 =	simm.s32 $0x6E80  }
0x2fb: {  	[tilespmem:s26], [sflag:$0x1] =	stream.indirect_vreg.gather [hbm4b:s6+s2], $0x80, v50, vm0, $0xb8;
	[tilespmem:$0x13100] =	vst v63  }
0x2fc: {  	v19 =	vperm.xlane v19, v14;
	v55 =	vadd.s32 v17, v54;
	s30 =	simm.s32 $0x6F00  }
0x2fd: {  	[tilespmem:s30], [sflag:$0x1] =	stream.indirect_vreg.gather [hbm4b:s6+s2], $0x80, v20, vm0, $0xb8;
	[tilespmem:$0x13100] =	vst v63  }
0x2fe: {  	v19 =	vadd.s32 v17, v19;
	s31 =	simm.s32 $0x6F80  }
0x2ff: {  	[tilespmem:s31], [sflag:$0x1] =	stream.indirect_vreg.gather [hbm4b:s6+s2], $0x80, v53, vm0, $0xb8;
	[tilespmem:$0x13100] =	vst v63  }
0x300: {  	s26 =	simm.s32 $0x7000  }
0x301: {  	[tilespmem:s26], [sflag:$0x1] =	stream.indirect_vreg.gather [hbm4b:s6+s2], $0x80, v55, vm0, $0xb8;
	[tilespmem:$0x13100] =	vst v63  }
0x302: {  	s30 =	simm.s32 $0x7080  }
0x303: {  	[tilespmem:s30], [sflag:$0x1] =	stream.indirect_vreg.gather [hbm4b:s6+s2], $0x80, v19, vm0, $0xb8;
	[tilespmem:$0x13100] =	vst v63  }
0x304: {  	v19 =	vld [tilespmem:$0x1C0];
	_ =	sdelay $0x4  }
0x305: {  	v20 =	vshll.u32 v19, $0x4  }
0x306: {  	v19 =	vand.u32 $0x7, v19;
	v20 =	vand.u32 $0xFFFFFF80, v20  }
0x307: {  	v19 =	vor.u32 v19, v20  }
0x308: {  	v20 =	vperm.xlane v19, v15;
	_ =	sdelay $0x1  }
0x309: {  	v56 =	vperm.xlane v19, v2;
	v20 =	vadd.s32 v17, v20;
	_ =	sdelay $0x1  }
0x30a: {  	v57 =	vperm.xlane v19, v3;
	v21 =	vadd.s32 v17, v56;
	_ =	sdelay $0x1  }
0x30b: {  	s31 =	simm.s32 $0x7100;
	v58 =	vperm.xlane v19, v4;
	v22 =	vadd.s32 v17, v57  }
0x30c: {  	[tilespmem:s31], [sflag:$0x1] =	stream.indirect_vreg.gather [hbm4b:s6+s2], $0x80, v20, vm0, $0xb8;
	[tilespmem:$0x13100] =	vst v63  }
0x30d: {  	s26 =	simm.s32 $0x7180;
	v59 =	vperm.xlane v19, v5;
	v20 =	vadd.s32 v17, v58  }
0x30e: {  	[tilespmem:s26], [sflag:$0x1] =	stream.indirect_vreg.gather [hbm4b:s6+s2], $0x80, v21, vm0, $0xb8;
	[tilespmem:$0x13100] =	vst v63  }
0x30f: {  	s30 =	simm.s32 $0x7200;
	v61 =	vperm.xlane v19, v6;
	v60 =	vadd.s32 v17, v59  }
0x310: {  	[tilespmem:s30], [sflag:$0x1] =	stream.indirect_vreg.gather [hbm4b:s6+s2], $0x80, v22, vm0, $0xb8;
	[tilespmem:$0x13100] =	vst v63  }
0x311: {  	v63 =	vperm.xlane v19, v1;
	v62 =	vadd.s32 v17, v61;
	s31 =	simm.s32 $0x7280  }
0x312: {  	[tilespmem:s31], [sflag:$0x1] =	stream.indirect_vreg.gather [hbm4b:s6+s2], $0x80, v20, vm0, $0xb8;
	[tilespmem:$0x13100] =	vst v63  }
0x313: {  	v24 =	vperm.xlane v19, v7;
	s26 =	simm.s32 $0x7300;
	v20 =	vadd.s32 v17, v63  }
0x314: {  	[tilespmem:s26], [sflag:$0x1] =	stream.indirect_vreg.gather [hbm4b:s6+s2], $0x80, v60, vm0, $0xb8;
	[tilespmem:$0x13100] =	vst v63  }
0x315: {  	v26 =	vperm.xlane v19, v18;
	v25 =	vadd.s32 v17, v24;
	s30 =	simm.s32 $0x7380  }
0x316: {  	[tilespmem:s30], [sflag:$0x1] =	stream.indirect_vreg.gather [hbm4b:s6+s2], $0x80, v62, vm0, $0xb8;
	[tilespmem:$0x13100] =	vst v63  }
0x317: {  	v28 =	vperm.xlane v19, v8;
	v27 =	vadd.s32 v17, v26;
	s31 =	simm.s32 $0x7400  }
0x318: {  	[tilespmem:s31], [sflag:$0x1] =	stream.indirect_vreg.gather [hbm4b:s6+s2], $0x80, v20, vm0, $0xb8;
	[tilespmem:$0x13100] =	vst v63  }
0x319: {  	v29 =	vperm.xlane v19, v9;
	s26 =	simm.s32 $0x7480;
	v20 =	vadd.s32 v17, v28  }
0x31a: {  	[tilespmem:s26], [sflag:$0x1] =	stream.indirect_vreg.gather [hbm4b:s6+s2], $0x80, v25, vm0, $0xb8;
	[tilespmem:$0x13100] =	vst v63  }
0x31b: {  	v31 =	vperm.xlane v19, v10;
	v30 =	vadd.s32 v17, v29;
	s30 =	simm.s32 $0x7500  }
0x31c: {  	[tilespmem:s30], [sflag:$0x1] =	stream.indirect_vreg.gather [hbm4b:s6+s2], $0x80, v27, vm0, $0xb8;
	[tilespmem:$0x13100] =	vst v63  }
0x31d: {  	v33 =	vperm.xlane v19, v11;
	v32 =	vadd.s32 v17, v31;
	s31 =	simm.s32 $0x7580  }
0x31e: {  	[tilespmem:s31], [sflag:$0x1] =	stream.indirect_vreg.gather [hbm4b:s6+s2], $0x80, v20, vm0, $0xb8;
	[tilespmem:$0x13100] =	vst v63  }
0x31f: {  	v34 =	vperm.xlane v19, v12;
	s26 =	simm.s32 $0x7600;
	v20 =	vadd.s32 v17, v33  }
0x320: {  	[tilespmem:s26], [sflag:$0x1] =	stream.indirect_vreg.gather [hbm4b:s6+s2], $0x80, v30, vm0, $0xb8;
	[tilespmem:$0x13100] =	vst v63  }
0x321: {  	v36 =	vperm.xlane v19, v13;
	v35 =	vadd.s32 v17, v34;
	s30 =	simm.s32 $0x7680  }
0x322: {  	[tilespmem:s30], [sflag:$0x1] =	stream.indirect_vreg.gather [hbm4b:s6+s2], $0x80, v32, vm0, $0xb8;
	[tilespmem:$0x13100] =	vst v63  }
0x323: {  	v19 =	vperm.xlane v19, v14;
	v37 =	vadd.s32 v17, v36;
	s31 =	simm.s32 $0x7700  }
0x324: {  	[tilespmem:s31], [sflag:$0x1] =	stream.indirect_vreg.gather [hbm4b:s6+s2], $0x80, v20, vm0, $0xb8;
	[tilespmem:$0x13100] =	vst v63  }
0x325: {  	v19 =	vadd.s32 v17, v19;
	s26 =	simm.s32 $0x7780  }
0x326: {  	[tilespmem:s26], [sflag:$0x1] =	stream.indirect_vreg.gather [hbm4b:s6+s2], $0x80, v35, vm0, $0xb8;
	[tilespmem:$0x13100] =	vst v63  }
0x327: {  	s30 =	simm.s32 $0x7800  }
0x328: {  	[tilespmem:s30], [sflag:$0x1] =	stream.indirect_vreg.gather [hbm4b:s6+s2], $0x80, v37, vm0, $0xb8;
	[tilespmem:$0x13100] =	vst v63  }
0x329: {  	s31 =	simm.s32 $0x7880  }
0x32a: {  	[tilespmem:s31], [sflag:$0x1] =	stream.indirect_vreg.gather [hbm4b:s6+s2], $0x80, v19, vm0, $0xb8;
	[tilespmem:$0x13100] =	vst v63  }
0x32b: {  	v19 =	vld [tilespmem:$0x1D0];
	_ =	sdelay $0x4  }
0x32c: {  	v20 =	vshll.u32 v19, $0x4  }
0x32d: {  	v19 =	vand.u32 $0x7, v19;
	v20 =	vand.u32 $0xFFFFFF80, v20  }
0x32e: {  	v19 =	vor.u32 v19, v20  }
0x32f: {  	v20 =	vperm.xlane v19, v15;
	_ =	sdelay $0x1  }
0x330: {  	v38 =	vperm.xlane v19, v2;
	v20 =	vadd.s32 v17, v20;
	_ =	sdelay $0x1  }
0x331: {  	v39 =	vperm.xlane v19, v3;
	v21 =	vadd.s32 v17, v38;
	_ =	sdelay $0x1  }
0x332: {  	s26 =	simm.s32 $0x7900;
	v40 =	vperm.xlane v19, v4;
	v22 =	vadd.s32 v17, v39  }
0x333: {  	[tilespmem:s26], [sflag:$0x1] =	stream.indirect_vreg.gather [hbm4b:s6+s2], $0x80, v20, vm0, $0xb8;
	[tilespmem:$0x13100] =	vst v63  }
0x334: {  	s30 =	simm.s32 $0x7980;
	v41 =	vperm.xlane v19, v5;
	v20 =	vadd.s32 v17, v40  }
0x335: {  	[tilespmem:s30], [sflag:$0x1] =	stream.indirect_vreg.gather [hbm4b:s6+s2], $0x80, v21, vm0, $0xb8;
	[tilespmem:$0x13100] =	vst v63  }
0x336: {  	s31 =	simm.s32 $0x7A00;
	v43 =	vperm.xlane v19, v6;
	v42 =	vadd.s32 v17, v41  }
0x337: {  	[tilespmem:s31], [sflag:$0x1] =	stream.indirect_vreg.gather [hbm4b:s6+s2], $0x80, v22, vm0, $0xb8;
	[tilespmem:$0x13100] =	vst v63  }
0x338: {  	v45 =	vperm.xlane v19, v1;
	v44 =	vadd.s32 v17, v43;
	s26 =	simm.s32 $0x7A80  }
0x339: {  	[tilespmem:s26], [sflag:$0x1] =	stream.indirect_vreg.gather [hbm4b:s6+s2], $0x80, v20, vm0, $0xb8;
	[tilespmem:$0x13100] =	vst v63  }
0x33a: {  	v46 =	vperm.xlane v19, v7;
	s30 =	simm.s32 $0x7B00;
	v20 =	vadd.s32 v17, v45  }
0x33b: {  	[tilespmem:s30], [sflag:$0x1] =	stream.indirect_vreg.gather [hbm4b:s6+s2], $0x80, v42, vm0, $0xb8;
	[tilespmem:$0x13100] =	vst v63  }
0x33c: {  	v48 =	vperm.xlane v19, v18;
	v47 =	vadd.s32 v17, v46;
	s31 =	simm.s32 $0x7B80  }
0x33d: {  	[tilespmem:s31], [sflag:$0x1] =	stream.indirect_vreg.gather [hbm4b:s6+s2], $0x80, v44, vm0, $0xb8;
	[tilespmem:$0x13100] =	vst v63  }
0x33e: {  	v50 =	vperm.xlane v19, v8;
	v49 =	vadd.s32 v17, v48;
	s26 =	simm.s32 $0x7C00  }
0x33f: {  	[tilespmem:s26], [sflag:$0x1] =	stream.indirect_vreg.gather [hbm4b:s6+s2], $0x80, v20, vm0, $0xb8;
	[tilespmem:$0x13100] =	vst v63  }
0x340: {  	v51 =	vperm.xlane v19, v9;
	s30 =	simm.s32 $0x7C80;
	v20 =	vadd.s32 v17, v50  }
0x341: {  	[tilespmem:s30], [sflag:$0x1] =	stream.indirect_vreg.gather [hbm4b:s6+s2], $0x80, v47, vm0, $0xb8;
	[tilespmem:$0x13100] =	vst v63  }
0x342: {  	v53 =	vperm.xlane v19, v10;
	v52 =	vadd.s32 v17, v51;
	s31 =	simm.s32 $0x7D00  }
0x343: {  	[tilespmem:s31], [sflag:$0x1] =	stream.indirect_vreg.gather [hbm4b:s6+s2], $0x80, v49, vm0, $0xb8;
	[tilespmem:$0x13100] =	vst v63  }
0x344: {  	v55 =	vperm.xlane v19, v11;
	v54 =	vadd.s32 v17, v53;
	s26 =	simm.s32 $0x7D80  }
0x345: {  	[tilespmem:s26], [sflag:$0x1] =	stream.indirect_vreg.gather [hbm4b:s6+s2], $0x80, v20, vm0, $0xb8;
	[tilespmem:$0x13100] =	vst v63  }
0x346: {  	v56 =	vperm.xlane v19, v12;
	s30 =	simm.s32 $0x7E00;
	v20 =	vadd.s32 v17, v55  }
0x347: {  	[tilespmem:s30], [sflag:$0x1] =	stream.indirect_vreg.gather [hbm4b:s6+s2], $0x80, v52, vm0, $0xb8;
	[tilespmem:$0x13100] =	vst v63  }
0x348: {  	v58 =	vperm.xlane v19, v13;
	v57 =	vadd.s32 v17, v56;
	s31 =	simm.s32 $0x7E80  }
0x349: {  	[tilespmem:s31], [sflag:$0x1] =	stream.indirect_vreg.gather [hbm4b:s6+s2], $0x80, v54, vm0, $0xb8;
	[tilespmem:$0x13100] =	vst v63  }
0x34a: {  	v19 =	vperm.xlane v19, v14;
	v59 =	vadd.s32 v17, v58;
	s26 =	simm.s32 $0x7F00  }
0x34b: {  	[tilespmem:s26], [sflag:$0x1] =	stream.indirect_vreg.gather [hbm4b:s6+s2], $0x80, v20, vm0, $0xb8;
	[tilespmem:$0x13100] =	vst v63  }
0x34c: {  	v19 =	vadd.s32 v17, v19;
	s30 =	simm.s32 $0x7F80  }
0x34d: {  	[tilespmem:s30], [sflag:$0x1] =	stream.indirect_vreg.gather [hbm4b:s6+s2], $0x80, v57, vm0, $0xb8;
	[tilespmem:$0x13100] =	vst v63  }
0x34e: {  	s31 =	simm.s32 $0x8000  }
0x34f: {  	[tilespmem:s31], [sflag:$0x1] =	stream.indirect_vreg.gather [hbm4b:s6+s2], $0x80, v59, vm0, $0xb8;
	[tilespmem:$0x13100] =	vst v63  }
0x350: {  	s26 =	simm.s32 $0x8080  }
0x351: {  	[tilespmem:s26], [sflag:$0x1] =	stream.indirect_vreg.gather [hbm4b:s6+s2], $0x80, v19, vm0, $0xb8;
	[tilespmem:$0x13100] =	vst v63  }
0x352: {  	v19 =	vld [tilespmem:$0x1E0];
	_ =	sdelay $0x4  }
0x353: {  	v20 =	vshll.u32 v19, $0x4  }
0x354: {  	v19 =	vand.u32 $0x7, v19;
	v20 =	vand.u32 $0xFFFFFF80, v20  }
0x355: {  	v19 =	vor.u32 v19, v20  }
0x356: {  	v20 =	vperm.xlane v19, v15;
	_ =	sdelay $0x1  }
0x357: {  	v60 =	vperm.xlane v19, v2;
	v20 =	vadd.s32 v17, v20;
	_ =	sdelay $0x1  }
0x358: {  	v61 =	vperm.xlane v19, v3;
	v21 =	vadd.s32 v17, v60;
	_ =	sdelay $0x1  }
0x359: {  	s30 =	simm.s32 $0x8100;
	v62 =	vperm.xlane v19, v4;
	v22 =	vadd.s32 v17, v61  }
0x35a: {  	[tilespmem:s30], [sflag:$0x1] =	stream.indirect_vreg.gather [hbm4b:s6+s2], $0x80, v20, vm0, $0xb8;
	[tilespmem:$0x13100] =	vst v63  }
0x35b: {  	s31 =	simm.s32 $0x8180;
	v63 =	vperm.xlane v19, v5;
	v20 =	vadd.s32 v17, v62  }
0x35c: {  	[tilespmem:s31], [sflag:$0x1] =	stream.indirect_vreg.gather [hbm4b:s6+s2], $0x80, v21, vm0, $0xb8;
	[tilespmem:$0x13100] =	vst v63  }
0x35d: {  	s26 =	simm.s32 $0x8200;
	v25 =	vperm.xlane v19, v6;
	v24 =	vadd.s32 v17, v63  }
0x35e: {  	[tilespmem:s26], [sflag:$0x1] =	stream.indirect_vreg.gather [hbm4b:s6+s2], $0x80, v22, vm0, $0xb8;
	[tilespmem:$0x13100] =	vst v63  }
0x35f: {  	v27 =	vperm.xlane v19, v1;
	v26 =	vadd.s32 v17, v25;
	s30 =	simm.s32 $0x8280  }
0x360: {  	[tilespmem:s30], [sflag:$0x1] =	stream.indirect_vreg.gather [hbm4b:s6+s2], $0x80, v20, vm0, $0xb8;
	[tilespmem:$0x13100] =	vst v63  }
0x361: {  	v28 =	vperm.xlane v19, v7;
	s31 =	simm.s32 $0x8300;
	v20 =	vadd.s32 v17, v27  }
0x362: {  	[tilespmem:s31], [sflag:$0x1] =	stream.indirect_vreg.gather [hbm4b:s6+s2], $0x80, v24, vm0, $0xb8;
	[tilespmem:$0x13100] =	vst v63  }
0x363: {  	v30 =	vperm.xlane v19, v18;
	v29 =	vadd.s32 v17, v28;
	s26 =	simm.s32 $0x8380  }
0x364: {  	[tilespmem:s26], [sflag:$0x1] =	stream.indirect_vreg.gather [hbm4b:s6+s2], $0x80, v26, vm0, $0xb8;
	[tilespmem:$0x13100] =	vst v63  }
0x365: {  	v32 =	vperm.xlane v19, v8;
	v31 =	vadd.s32 v17, v30;
	s30 =	simm.s32 $0x8400  }
0x366: {  	[tilespmem:s30], [sflag:$0x1] =	stream.indirect_vreg.gather [hbm4b:s6+s2], $0x80, v20, vm0, $0xb8;
	[tilespmem:$0x13100] =	vst v63  }
0x367: {  	v33 =	vperm.xlane v19, v9;
	s31 =	simm.s32 $0x8480;
	v20 =	vadd.s32 v17, v32  }
0x368: {  	[tilespmem:s31], [sflag:$0x1] =	stream.indirect_vreg.gather [hbm4b:s6+s2], $0x80, v29, vm0, $0xb8;
	[tilespmem:$0x13100] =	vst v63  }
0x369: {  	v35 =	vperm.xlane v19, v10;
	v34 =	vadd.s32 v17, v33;
	s26 =	simm.s32 $0x8500  }
0x36a: {  	[tilespmem:s26], [sflag:$0x1] =	stream.indirect_vreg.gather [hbm4b:s6+s2], $0x80, v31, vm0, $0xb8;
	[tilespmem:$0x13100] =	vst v63  }
0x36b: {  	v37 =	vperm.xlane v19, v11;
	v36 =	vadd.s32 v17, v35;
	s30 =	simm.s32 $0x8580  }
0x36c: {  	[tilespmem:s30], [sflag:$0x1] =	stream.indirect_vreg.gather [hbm4b:s6+s2], $0x80, v20, vm0, $0xb8;
	[tilespmem:$0x13100] =	vst v63  }
0x36d: {  	v38 =	vperm.xlane v19, v12;
	s31 =	simm.s32 $0x8600;
	v20 =	vadd.s32 v17, v37  }
0x36e: {  	[tilespmem:s31], [sflag:$0x1] =	stream.indirect_vreg.gather [hbm4b:s6+s2], $0x80, v34, vm0, $0xb8;
	[tilespmem:$0x13100] =	vst v63  }
0x36f: {  	v40 =	vperm.xlane v19, v13;
	v39 =	vadd.s32 v17, v38  }
0x370: {  	[tilespmem:s0], [sflag:$0x1] =	stream.indirect_vreg.gather [hbm4b:s6+s2], $0x80, v36, vm0, $0xb8;
	[tilespmem:$0x13100] =	vst v63  }
0x371: {  	v19 =	vperm.xlane v19, v14;
	v41 =	vadd.s32 v17, v40  }
0x372: {  	[tilespmem:s10], [sflag:$0x1] =	stream.indirect_vreg.gather [hbm4b:s6+s2], $0x80, v20, vm0, $0xb8;
	[tilespmem:$0x13100] =	vst v63  }
0x373: {  	v19 =	vadd.s32 v17, v19  }
0x374: {  	[tilespmem:s13], [sflag:$0x1] =	stream.indirect_vreg.gather [hbm4b:s6+s2], $0x80, v39, vm0, $0xb8;
	[tilespmem:$0x13100] =	vst v63  }
0x375: {  	_ = 	snop  }
0x376: {  	[tilespmem:s11], [sflag:$0x1] =	stream.indirect_vreg.gather [hbm4b:s6+s2], $0x80, v41, vm0, $0xb8;
	[tilespmem:$0x13100] =	vst v63  }
0x377: {  	_ = 	snop  }
0x378: {  	[tilespmem:s3], [sflag:$0x1] =	stream.indirect_vreg.gather [hbm4b:s6+s2], $0x80, v19, vm0, $0xb8;
	[tilespmem:$0x13100] =	vst v63  }
0x379: {  	v19 =	vld [tilespmem:$0x1F0];
	_ =	sdelay $0x4  }
0x37a: {  	v20 =	vshll.u32 v19, $0x4  }
0x37b: {  	v19 =	vand.u32 $0x7, v19;
	v20 =	vand.u32 $0xFFFFFF80, v20  }
0x37c: {  	v19 =	vor.u32 v19, v20  }
0x37d: {  	v20 =	vperm.xlane v19, v15;
	_ =	sdelay $0x1  }
0x37e: {  	v42 =	vperm.xlane v19, v2;
	v20 =	vadd.s32 v17, v20;
	_ =	sdelay $0x1  }
0x37f: {  	v43 =	vperm.xlane v19, v3;
	v21 =	vadd.s32 v17, v42;
	_ =	sdelay $0x1  }
0x380: {  	v44 =	vperm.xlane v19, v4;
	v22 =	vadd.s32 v17, v43  }
0x381: {  	[tilespmem:s4], [sflag:$0x1] =	stream.indirect_vreg.gather [hbm4b:s6+s2], $0x80, v20, vm0, $0xb8;
	[tilespmem:$0x13100] =	vst v63  }
0x382: {  	v45 =	vperm.xlane v19, v5;
	v20 =	vadd.s32 v17, v44  }
0x383: {  	[tilespmem:s5], [sflag:$0x1] =	stream.indirect_vreg.gather [hbm4b:s6+s2], $0x80, v21, vm0, $0xb8;
	[tilespmem:$0x13100] =	vst v63  }
0x384: {  	v47 =	vperm.xlane v19, v6;
	v46 =	vadd.s32 v17, v45  }
0x385: {  	[tilespmem:s7], [sflag:$0x1] =	stream.indirect_vreg.gather [hbm4b:s6+s2], $0x80, v22, vm0, $0xb8;
	[tilespmem:$0x13100] =	vst v63  }
0x386: {  	v49 =	vperm.xlane v19, v1;
	v48 =	vadd.s32 v17, v47  }
0x387: {  	[tilespmem:s25], [sflag:$0x1] =	stream.indirect_vreg.gather [hbm4b:s6+s2], $0x80, v20, vm0, $0xb8;
	[tilespmem:$0x13100] =	vst v63  }
0x388: {  	v50 =	vperm.xlane v19, v7;
	v20 =	vadd.s32 v17, v49  }
0x389: {  	[tilespmem:s24], [sflag:$0x1] =	stream.indirect_vreg.gather [hbm4b:s6+s2], $0x80, v46, vm0, $0xb8;
	[tilespmem:$0x13100] =	vst v63  }
0x38a: {  	v52 =	vperm.xlane v19, v18;
	v51 =	vadd.s32 v17, v50  }
0x38b: {  	[tilespmem:s23], [sflag:$0x1] =	stream.indirect_vreg.gather [hbm4b:s6+s2], $0x80, v48, vm0, $0xb8;
	[tilespmem:$0x13100] =	vst v63  }
0x38c: {  	v54 =	vperm.xlane v19, v8;
	v53 =	vadd.s32 v17, v52  }
0x38d: {  	[tilespmem:s22], [sflag:$0x1] =	stream.indirect_vreg.gather [hbm4b:s6+s2], $0x80, v20, vm0, $0xb8;
	[tilespmem:$0x13100] =	vst v63  }
0x38e: {  	v55 =	vperm.xlane v19, v9;
	v20 =	vadd.s32 v17, v54  }
0x38f: {  	[tilespmem:s21], [sflag:$0x1] =	stream.indirect_vreg.gather [hbm4b:s6+s2], $0x80, v51, vm0, $0xb8;
	[tilespmem:$0x13100] =	vst v63  }
0x390: {  	v57 =	vperm.xlane v19, v10;
	v56 =	vadd.s32 v17, v55  }
0x391: {  	[tilespmem:s20], [sflag:$0x1] =	stream.indirect_vreg.gather [hbm4b:s6+s2], $0x80, v53, vm0, $0xb8;
	[tilespmem:$0x13100] =	vst v63  }
0x392: {  	v59 =	vperm.xlane v19, v11;
	v58 =	vadd.s32 v17, v57  }
0x393: {  	[tilespmem:s19], [sflag:$0x1] =	stream.indirect_vreg.gather [hbm4b:s6+s2], $0x80, v20, vm0, $0xb8;
	[tilespmem:$0x13100] =	vst v63  }
0x394: {  	v60 =	vperm.xlane v19, v12;
	v20 =	vadd.s32 v17, v59  }
0x395: {  	[tilespmem:s18], [sflag:$0x1] =	stream.indirect_vreg.gather [hbm4b:s6+s2], $0x80, v56, vm0, $0xb8;
	[tilespmem:$0x13100] =	vst v63  }
0x396: {  	v61 =	vadd.s32 v17, v60  }
0x397: {  	v62 =	vperm.xlane v19, v13;
	[tilespmem:s17], [sflag:$0x1] =	stream.indirect_vreg.gather [hbm4b:s6+s2], $0x80, v58, vm0, $0xb8;
	[tilespmem:$0x13100] =	vst v63  }
0x398: {  	_ = 	snop  }
0x399: {  	v19 =	vperm.xlane v19, v14;
	v63 =	vadd.s32 v17, v62;
	[tilespmem:s16], [sflag:$0x1] =	stream.indirect_vreg.gather [hbm4b:s6+s2], $0x80, v20, vm0, $0xb8;
	[tilespmem:$0x13100] =	vst v63  }
0x39a: {  	_ = 	snop  }
0x39b: {  	v19 =	vadd.s32 v17, v19;
	[tilespmem:s15], [sflag:$0x1] =	stream.indirect_vreg.gather [hbm4b:s6+s2], $0x80, v61, vm0, $0xb8;
	[tilespmem:$0x13100] =	vst v63  }
.Ltmp2:
0x39c: {  	_ = 	snop;
	(pc) =	sbr.rel .LBB2_2-.Ltmp2, $4  }
0x39d: {  	_ = 	snop  }
0x39e: {  	[tilespmem:s9], [sflag:$0x1] =	stream.indirect_vreg.gather [hbm4b:s6+s2], $0x80, v63, vm0, $0xb8;
	[tilespmem:$0x13100] =	vst v63  }
0x39f: {  	s29 =	simm.s32 $0x0;
	s28 =	simm.s32 $0x0;
	s26 =	simm.s32 $0x2F0  }
0x3a0: {  	[tilespmem:s8], [sflag:$0x1] =	stream.indirect_vreg.gather [hbm4b:s6+s2], $0x80, v19, vm0, $0xb8;
	[tilespmem:$0x13100] =	vst v63  }
.LBB2_6:
0x3a1: {  	s31 =	sshll.u32 s30, $0x8  }
0x3a2: {  	v20 =	vmul.u32 $0x80, v16;
	v19 =	vmov s31  }
0x3a3: {  	s1 =	simm.s32 $0x2;
	s31 =	sand.u32 $0x70, s28;
	v19 =	vshll.u32 v19, $0x7  }
0x3a4: {  	s1 =	simm.s32 @!p0 $0x1;
	v21 =	vor.u32 s31, v16;
	v22 =	vor.u32 v20, v19  }
0x3a5: {  	_ =	swait.ge [sflag:s1], $0x8000;
	v22 =	vor.u32 v21, v22  }
0x3a6: {  	[sflag:s1] =	ssyncset.done $0x0  }
0x3a7: {  	s30 =	sshll.u32 s30, $0xB;
	[sflag:s1] =	ssyncadd.s32 $0xFFFF8000  }
0x3a8: {  	s30 =	sor.u32 s31, s30;
	v23 =	vld [tilespmem:s31+$0x80]  }
0x3a9: {  	v25 =	vld [tilespmem:s30+$0x12100]  }
0x3aa: {  	v24 =	vor.u32 $0x800, v20;
	v22 =	vld.idx.msk [tilespmem:v22+s14+$0x0], $0xffff  }
0x3ab: {  	v24 =	vor.u32 v24, v19  }
0x3ac: {  	v24 =	vor.u32 v21, v24;
	_ =	sdelay $0x1  }
0x3ad: {  	vm1 =	veq.s32 v23, $0x2  }
0x3ae: {  	v22 =	vsel vm1, v25, v22  }
0x3af: {  	v38 =	vld [tilespmem:s30+$0x12180];
	[tilespmem:s30+$0x11100] =	vst v22  }
0x3b0: {  	v37 =	vor.u32 $0x1000, v20;
	v22 =	vld.idx.msk [tilespmem:v24+s14+$0x0], $0xffff  }
0x3b1: {  	v23 =	vor.u32 v37, v19  }
0x3b2: {  	v23 =	vor.u32 v21, v23;
	_ =	sdelay $0x2  }
0x3b3: {  	v22 =	vsel vm1, v38, v22  }
0x3b4: {  	v40 =	vld [tilespmem:s30+$0x12200];
	[tilespmem:s30+$0x11180] =	vst v22  }
0x3b5: {  	v39 =	vor.u32 $0x1800, v20;
	v22 =	vld.idx.msk [tilespmem:v23+s14+$0x0], $0xffff  }
0x3b6: {  	v23 =	vor.u32 v39, v19  }
0x3b7: {  	v23 =	vor.u32 v21, v23;
	_ =	sdelay $0x2  }
0x3b8: {  	v22 =	vsel vm1, v40, v22  }
0x3b9: {  	v42 =	vld [tilespmem:s30+$0x12280];
	[tilespmem:s30+$0x11200] =	vst v22  }
0x3ba: {  	v41 =	vor.u32 $0x2000, v20;
	v22 =	vld.idx.msk [tilespmem:v23+s14+$0x0], $0xffff  }
0x3bb: {  	v23 =	vor.u32 v41, v19  }
0x3bc: {  	v23 =	vor.u32 v21, v23;
	_ =	sdelay $0x2  }
0x3bd: {  	v22 =	vsel vm1, v42, v22  }
0x3be: {  	v44 =	vld [tilespmem:s30+$0x12300];
	[tilespmem:s30+$0x11280] =	vst v22  }
0x3bf: {  	v43 =	vor.u32 $0x2800, v20;
	v22 =	vld.idx.msk [tilespmem:v23+s14+$0x0], $0xffff  }
0x3c0: {  	v23 =	vor.u32 v43, v19  }
0x3c1: {  	v23 =	vor.u32 v21, v23;
	_ =	sdelay $0x2  }
0x3c2: {  	v22 =	vsel vm1, v44, v22  }
0x3c3: {  	v46 =	vld [tilespmem:s30+$0x12380];
	[tilespmem:s30+$0x11300] =	vst v22  }
0x3c4: {  	v45 =	vor.u32 $0x3000, v20;
	v22 =	vld.idx.msk [tilespmem:v23+s14+$0x0], $0xffff  }
0x3c5: {  	v23 =	vor.u32 v45, v19  }
0x3c6: {  	v23 =	vor.u32 v21, v23;
	_ =	sdelay $0x2  }
0x3c7: {  	v22 =	vsel vm1, v46, v22  }
0x3c8: {  	v48 =	vld [tilespmem:s30+$0x12400];
	[tilespmem:s30+$0x11380] =	vst v22  }
0x3c9: {  	v47 =	vor.u32 $0x3800, v20;
	v22 =	vld.idx.msk [tilespmem:v23+s14+$0x0], $0xffff  }
0x3ca: {  	v23 =	vor.u32 v47, v19  }
0x3cb: {  	v23 =	vor.u32 v21, v23;
	_ =	sdelay $0x2  }
0x3cc: {  	v22 =	vsel vm1, v48, v22  }
0x3cd: {  	v50 =	vld [tilespmem:s30+$0x12480];
	[tilespmem:s30+$0x11400] =	vst v22  }
0x3ce: {  	v49 =	vor.u32 $0x4000, v20;
	v22 =	vld.idx.msk [tilespmem:v23+s14+$0x0], $0xffff  }
0x3cf: {  	v23 =	vor.u32 v49, v19  }
0x3d0: {  	v23 =	vor.u32 v21, v23;
	_ =	sdelay $0x2  }
0x3d1: {  	v22 =	vsel vm1, v50, v22  }
0x3d2: {  	v52 =	vld [tilespmem:s30+$0x12500];
	[tilespmem:s30+$0x11480] =	vst v22  }
0x3d3: {  	v51 =	vor.u32 $0x4800, v20;
	v22 =	vld.idx.msk [tilespmem:v23+s14+$0x0], $0xffff  }
0x3d4: {  	v23 =	vor.u32 v51, v19  }
0x3d5: {  	v23 =	vor.u32 v21, v23;
	_ =	sdelay $0x2  }
0x3d6: {  	v22 =	vsel vm1, v52, v22  }
0x3d7: {  	v54 =	vld [tilespmem:s30+$0x12580];
	[tilespmem:s30+$0x11500] =	vst v22  }
0x3d8: {  	v53 =	vor.u32 $0x5000, v20;
	v22 =	vld.idx.msk [tilespmem:v23+s14+$0x0], $0xffff  }
0x3d9: {  	v23 =	vor.u32 v53, v19  }
0x3da: {  	v23 =	vor.u32 v21, v23;
	_ =	sdelay $0x2  }
0x3db: {  	v22 =	vsel vm1, v54, v22  }
0x3dc: {  	v56 =	vld [tilespmem:s30+$0x12600];
	[tilespmem:s30+$0x11580] =	vst v22  }
0x3dd: {  	v55 =	vor.u32 $0x5800, v20;
	v22 =	vld.idx.msk [tilespmem:v23+s14+$0x0], $0xffff  }
0x3de: {  	v23 =	vor.u32 v55, v19  }
0x3df: {  	v23 =	vor.u32 v21, v23;
	_ =	sdelay $0x2  }
0x3e0: {  	v22 =	vsel vm1, v56, v22  }
0x3e1: {  	v58 =	vld [tilespmem:s30+$0x12680];
	[tilespmem:s30+$0x11600] =	vst v22  }
0x3e2: {  	v57 =	vor.u32 $0x6000, v20;
	v22 =	vld.idx.msk [tilespmem:v23+s14+$0x0], $0xffff  }
0x3e3: {  	v23 =	vor.u32 v57, v19  }
0x3e4: {  	v23 =	vor.u32 v21, v23;
	_ =	sdelay $0x2  }
0x3e5: {  	v22 =	vsel vm1, v58, v22  }
0x3e6: {  	v60 =	vld [tilespmem:s30+$0x12700];
	[tilespmem:s30+$0x11680] =	vst v22  }
0x3e7: {  	v59 =	vor.u32 $0x6800, v20;
	v22 =	vld.idx.msk [tilespmem:v23+s14+$0x0], $0xffff  }
0x3e8: {  	v23 =	vor.u32 v59, v19  }
0x3e9: {  	v23 =	vor.u32 v21, v23;
	_ =	sdelay $0x2  }
0x3ea: {  	v22 =	vsel vm1, v60, v22  }
0x3eb: {  	v62 =	vld [tilespmem:s30+$0x12780];
	[tilespmem:s30+$0x11700] =	vst v22  }
0x3ec: {  	v61 =	vor.u32 $0x7000, v20;
	v22 =	vld.idx.msk [tilespmem:v23+s14+$0x0], $0xffff  }
0x3ed: {  	v23 =	vor.u32 v61, v19  }
0x3ee: {  	v23 =	vor.u32 v21, v23;
	_ =	sdelay $0x2  }
0x3ef: {  	v22 =	vsel vm1, v62, v22  }
0x3f0: {  	v63 =	vld [tilespmem:s30+$0x12800];
	[tilespmem:s30+$0x11780] =	vst v22  }
0x3f1: {  	v20 =	vor.u32 $0x7800, v20;
	v22 =	vld.idx.msk [tilespmem:v23+s14+$0x0], $0xffff  }
0x3f2: {  	v19 =	vor.u32 v20, v19  }
0x3f3: {  	v19 =	vor.u32 v21, v19;
	_ =	sdelay $0x2  }
0x3f4: {  	v20 =	vsel vm1, v63, v22  }
0x3f5: {  	[tilespmem:s30+$0x11800] =	vst v20;
	v20 =	vld [tilespmem:s30+$0x12880]  }
0x3f6: {  	s28 =	sadd.s32 $0x8, s28;
	v19 =	vld.idx.msk [tilespmem:v19+s14+$0x0], $0xffff  }
0x3f7: {  	p0 =	sne.s32 s28, $0x80  }
.Ltmp3:
0x3f8: {  	_ = 	snop;
	(pc) =	sbr.rel @!p0 .LBB2_7-.Ltmp3, $3  }
0x3f9: {  	_ =	sdelay $0x1  }
0x3fa: {  	v19 =	vsel vm1, v20, v19  }
0x3fb: {  	s26 =	sadd.s32 $0x100, s26;
	[tilespmem:s30+$0x11880] =	vst v19  }
.LBB2_2:
0x3fc: {  	s30 =	sand.u32 $0x1, s29  }
0x3fd: {  	p1 =	seq.s32 s29, $0xF;
	p0 =	seq.s32 s30, $0x1  }
0x3fe: {  	p1 =	por p1, !p0  }
.Ltmp4:
0x3ff: {  	_ = 	snop;
	(pc) =	sbr.rel @p1 .LBB2_4-.Ltmp4, $1  }
0x400: {  	_ =	sdelay $0x3  }
0x401: {  	v19 =	vld [tilespmem:s26+$0xFFFFFF10];
	_ =	sdelay $0x4  }
0x402: {  	v20 =	vshll.u32 v19, $0x4  }
0x403: {  	v19 =	vand.u32 $0x7, v19;
	v20 =	vand.u32 $0xFFFFFF80, v20  }
0x404: {  	v19 =	vor.u32 v19, v20  }
0x405: {  	v20 =	vperm.xlane v19, v15;
	_ =	sdelay $0x1  }
0x406: {  	v21 =	vperm.xlane v19, v2;
	v20 =	vadd.s32 v17, v20;
	_ =	sdelay $0x1  }
0x407: {  	v22 =	vperm.xlane v19, v3;
	v21 =	vadd.s32 v17, v21;
	_ =	sdelay $0x1  }
0x408: {  	v23 =	vperm.xlane v19, v4;
	v22 =	vadd.s32 v17, v22  }
0x409: {  	[tilespmem:s14], [sflag:$0x1] =	stream.indirect_vreg.gather [hbm4b:s6+s2], $0x80, v20, vm0, $0xb8;
	[tilespmem:$0x13100] =	vst v63  }
0x40a: {  	s1 =	simm.s32 $0x1180;
	v35 =	vperm.xlane v19, v5;
	v20 =	vadd.s32 v17, v23  }
0x40b: {  	[tilespmem:s1], [sflag:$0x1] =	stream.indirect_vreg.gather [hbm4b:s6+s2], $0x80, v21, vm0, $0xb8;
	[tilespmem:$0x13100] =	vst v63  }
0x40c: {  	s31 =	simm.s32 $0x1200;
	v37 =	vperm.xlane v19, v6;
	v36 =	vadd.s32 v17, v35  }
0x40d: {  	[tilespmem:s31], [sflag:$0x1] =	stream.indirect_vreg.gather [hbm4b:s6+s2], $0x80, v22, vm0, $0xb8;
	[tilespmem:$0x13100] =	vst v63  }
0x40e: {  	v39 =	vperm.xlane v19, v1;
	v38 =	vadd.s32 v17, v37;
	s31 =	simm.s32 $0x1280  }
0x40f: {  	[tilespmem:s31], [sflag:$0x1] =	stream.indirect_vreg.gather [hbm4b:s6+s2], $0x80, v20, vm0, $0xb8;
	[tilespmem:$0x13100] =	vst v63  }
0x410: {  	v40 =	vperm.xlane v19, v7;
	v20 =	vadd.s32 v17, v39;
	s31 =	simm.s32 $0x1300  }
0x411: {  	[tilespmem:s31], [sflag:$0x1] =	stream.indirect_vreg.gather [hbm4b:s6+s2], $0x80, v36, vm0, $0xb8;
	[tilespmem:$0x13100] =	vst v63  }
0x412: {  	v42 =	vperm.xlane v19, v18;
	v41 =	vadd.s32 v17, v40;
	s31 =	simm.s32 $0x1380  }
0x413: {  	[tilespmem:s31], [sflag:$0x1] =	stream.indirect_vreg.gather [hbm4b:s6+s2], $0x80, v38, vm0, $0xb8;
	[tilespmem:$0x13100] =	vst v63  }
0x414: {  	v44 =	vperm.xlane v19, v8;
	v43 =	vadd.s32 v17, v42;
	s31 =	simm.s32 $0x1400  }
0x415: {  	[tilespmem:s31], [sflag:$0x1] =	stream.indirect_vreg.gather [hbm4b:s6+s2], $0x80, v20, vm0, $0xb8;
	[tilespmem:$0x13100] =	vst v63  }
0x416: {  	v45 =	vperm.xlane v19, v9;
	v20 =	vadd.s32 v17, v44;
	s31 =	simm.s32 $0x1480  }
0x417: {  	[tilespmem:s31], [sflag:$0x1] =	stream.indirect_vreg.gather [hbm4b:s6+s2], $0x80, v41, vm0, $0xb8;
	[tilespmem:$0x13100] =	vst v63  }
0x418: {  	v47 =	vperm.xlane v19, v10;
	v46 =	vadd.s32 v17, v45;
	s31 =	simm.s32 $0x1500  }
0x419: {  	[tilespmem:s31], [sflag:$0x1] =	stream.indirect_vreg.gather [hbm4b:s6+s2], $0x80, v43, vm0, $0xb8;
	[tilespmem:$0x13100] =	vst v63  }
0x41a: {  	v49 =	vperm.xlane v19, v11;
	v48 =	vadd.s32 v17, v47;
	s31 =	simm.s32 $0x1580  }
0x41b: {  	[tilespmem:s31], [sflag:$0x1] =	stream.indirect_vreg.gather [hbm4b:s6+s2], $0x80, v20, vm0, $0xb8;
	[tilespmem:$0x13100] =	vst v63  }
0x41c: {  	v50 =	vperm.xlane v19, v12;
	v20 =	vadd.s32 v17, v49;
	s31 =	simm.s32 $0x1600  }
0x41d: {  	[tilespmem:s31], [sflag:$0x1] =	stream.indirect_vreg.gather [hbm4b:s6+s2], $0x80, v46, vm0, $0xb8;
	[tilespmem:$0x13100] =	vst v63  }
0x41e: {  	v52 =	vperm.xlane v19, v13;
	v51 =	vadd.s32 v17, v50;
	s31 =	simm.s32 $0x1680  }
0x41f: {  	[tilespmem:s31], [sflag:$0x1] =	stream.indirect_vreg.gather [hbm4b:s6+s2], $0x80, v48, vm0, $0xb8;
	[tilespmem:$0x13100] =	vst v63  }
0x420: {  	v19 =	vperm.xlane v19, v14;
	v53 =	vadd.s32 v17, v52;
	s31 =	simm.s32 $0x1700  }
0x421: {  	[tilespmem:s31], [sflag:$0x1] =	stream.indirect_vreg.gather [hbm4b:s6+s2], $0x80, v20, vm0, $0xb8;
	[tilespmem:$0x13100] =	vst v63  }
0x422: {  	v19 =	vadd.s32 v17, v19;
	s31 =	simm.s32 $0x1780  }
0x423: {  	[tilespmem:s31], [sflag:$0x1] =	stream.indirect_vreg.gather [hbm4b:s6+s2], $0x80, v51, vm0, $0xb8;
	[tilespmem:$0x13100] =	vst v63  }
0x424: {  	s31 =	simm.s32 $0x1800  }
0x425: {  	[tilespmem:s31], [sflag:$0x1] =	stream.indirect_vreg.gather [hbm4b:s6+s2], $0x80, v53, vm0, $0xb8;
	[tilespmem:$0x13100] =	vst v63  }
0x426: {  	s31 =	simm.s32 $0x1880  }
0x427: {  	[tilespmem:s31], [sflag:$0x1] =	stream.indirect_vreg.gather [hbm4b:s6+s2], $0x80, v19, vm0, $0xb8;
	[tilespmem:$0x13100] =	vst v63  }
0x428: {  	v19 =	vld [tilespmem:s26+$0xFFFFFF20];
	_ =	sdelay $0x4  }
0x429: {  	v20 =	vshll.u32 v19, $0x4  }
0x42a: {  	v19 =	vand.u32 $0x7, v19;
	v20 =	vand.u32 $0xFFFFFF80, v20  }
0x42b: {  	v19 =	vor.u32 v19, v20  }
0x42c: {  	v20 =	vperm.xlane v19, v15;
	_ =	sdelay $0x1  }
0x42d: {  	v54 =	vperm.xlane v19, v2;
	v20 =	vadd.s32 v17, v20;
	_ =	sdelay $0x1  }
0x42e: {  	v55 =	vperm.xlane v19, v3;
	v21 =	vadd.s32 v17, v54;
	_ =	sdelay $0x1  }
0x42f: {  	s31 =	simm.s32 $0x1900;
	v56 =	vperm.xlane v19, v4;
	v22 =	vadd.s32 v17, v55  }
0x430: {  	[tilespmem:s31], [sflag:$0x1] =	stream.indirect_vreg.gather [hbm4b:s6+s2], $0x80, v20, vm0, $0xb8;
	[tilespmem:$0x13100] =	vst v63  }
0x431: {  	v57 =	vperm.xlane v19, v5;
	v20 =	vadd.s32 v17, v56;
	s31 =	simm.s32 $0x1980  }
0x432: {  	[tilespmem:s31], [sflag:$0x1] =	stream.indirect_vreg.gather [hbm4b:s6+s2], $0x80, v21, vm0, $0xb8;
	[tilespmem:$0x13100] =	vst v63  }
0x433: {  	v59 =	vperm.xlane v19, v6;
	v58 =	vadd.s32 v17, v57;
	s31 =	simm.s32 $0x1A00  }
0x434: {  	[tilespmem:s31], [sflag:$0x1] =	stream.indirect_vreg.gather [hbm4b:s6+s2], $0x80, v22, vm0, $0xb8;
	[tilespmem:$0x13100] =	vst v63  }
0x435: {  	v61 =	vperm.xlane v19, v1;
	v60 =	vadd.s32 v17, v59;
	s31 =	simm.s32 $0x1A80  }
0x436: {  	[tilespmem:s31], [sflag:$0x1] =	stream.indirect_vreg.gather [hbm4b:s6+s2], $0x80, v20, vm0, $0xb8;
	[tilespmem:$0x13100] =	vst v63  }
0x437: {  	v62 =	vperm.xlane v19, v7;
	v20 =	vadd.s32 v17, v61;
	s31 =	simm.s32 $0x1B00  }
0x438: {  	[tilespmem:s31], [sflag:$0x1] =	stream.indirect_vreg.gather [hbm4b:s6+s2], $0x80, v58, vm0, $0xb8;
	[tilespmem:$0x13100] =	vst v63  }
0x439: {  	v24 =	vperm.xlane v19, v18;
	v63 =	vadd.s32 v17, v62;
	s31 =	simm.s32 $0x1B80  }
0x43a: {  	[tilespmem:s31], [sflag:$0x1] =	stream.indirect_vreg.gather [hbm4b:s6+s2], $0x80, v60, vm0, $0xb8;
	[tilespmem:$0x13100] =	vst v63  }
0x43b: {  	v26 =	vperm.xlane v19, v8;
	v25 =	vadd.s32 v17, v24;
	s31 =	simm.s32 $0x1C00  }
0x43c: {  	[tilespmem:s31], [sflag:$0x1] =	stream.indirect_vreg.gather [hbm4b:s6+s2], $0x80, v20, vm0, $0xb8;
	[tilespmem:$0x13100] =	vst v63  }
0x43d: {  	v27 =	vperm.xlane v19, v9;
	v20 =	vadd.s32 v17, v26;
	s31 =	simm.s32 $0x1C80  }
0x43e: {  	[tilespmem:s31], [sflag:$0x1] =	stream.indirect_vreg.gather [hbm4b:s6+s2], $0x80, v63, vm0, $0xb8;
	[tilespmem:$0x13100] =	vst v63  }
0x43f: {  	v29 =	vperm.xlane v19, v10;
	v28 =	vadd.s32 v17, v27;
	s31 =	simm.s32 $0x1D00  }
0x440: {  	[tilespmem:s31], [sflag:$0x1] =	stream.indirect_vreg.gather [hbm4b:s6+s2], $0x80, v25, vm0, $0xb8;
	[tilespmem:$0x13100] =	vst v63  }
0x441: {  	v31 =	vperm.xlane v19, v11;
	v30 =	vadd.s32 v17, v29;
	s31 =	simm.s32 $0x1D80  }
0x442: {  	[tilespmem:s31], [sflag:$0x1] =	stream.indirect_vreg.gather [hbm4b:s6+s2], $0x80, v20, vm0, $0xb8;
	[tilespmem:$0x13100] =	vst v63  }
0x443: {  	v32 =	vperm.xlane v19, v12;
	v20 =	vadd.s32 v17, v31;
	s31 =	simm.s32 $0x1E00  }
0x444: {  	[tilespmem:s31], [sflag:$0x1] =	stream.indirect_vreg.gather [hbm4b:s6+s2], $0x80, v28, vm0, $0xb8;
	[tilespmem:$0x13100] =	vst v63  }
0x445: {  	v34 =	vperm.xlane v19, v13;
	v33 =	vadd.s32 v17, v32;
	s31 =	simm.s32 $0x1E80  }
0x446: {  	[tilespmem:s31], [sflag:$0x1] =	stream.indirect_vreg.gather [hbm4b:s6+s2], $0x80, v30, vm0, $0xb8;
	[tilespmem:$0x13100] =	vst v63  }
0x447: {  	v19 =	vperm.xlane v19, v14;
	v35 =	vadd.s32 v17, v34;
	s31 =	simm.s32 $0x1F00  }
0x448: {  	[tilespmem:s31], [sflag:$0x1] =	stream.indirect_vreg.gather [hbm4b:s6+s2], $0x80, v20, vm0, $0xb8;
	[tilespmem:$0x13100] =	vst v63  }
0x449: {  	v19 =	vadd.s32 v17, v19;
	s31 =	simm.s32 $0x1F80  }
0x44a: {  	[tilespmem:s31], [sflag:$0x1] =	stream.indirect_vreg.gather [hbm4b:s6+s2], $0x80, v33, vm0, $0xb8;
	[tilespmem:$0x13100] =	vst v63  }
0x44b: {  	s31 =	simm.s32 $0x2000  }
0x44c: {  	[tilespmem:s31], [sflag:$0x1] =	stream.indirect_vreg.gather [hbm4b:s6+s2], $0x80, v35, vm0, $0xb8;
	[tilespmem:$0x13100] =	vst v63  }
0x44d: {  	s31 =	simm.s32 $0x2080  }
0x44e: {  	[tilespmem:s31], [sflag:$0x1] =	stream.indirect_vreg.gather [hbm4b:s6+s2], $0x80, v19, vm0, $0xb8;
	[tilespmem:$0x13100] =	vst v63  }
0x44f: {  	v19 =	vld [tilespmem:s26+$0xFFFFFF30];
	_ =	sdelay $0x4  }
0x450: {  	v20 =	vshll.u32 v19, $0x4  }
0x451: {  	v19 =	vand.u32 $0x7, v19;
	v20 =	vand.u32 $0xFFFFFF80, v20  }
0x452: {  	v19 =	vor.u32 v19, v20  }
0x453: {  	v20 =	vperm.xlane v19, v15;
	_ =	sdelay $0x1  }
0x454: {  	v36 =	vperm.xlane v19, v2;
	v20 =	vadd.s32 v17, v20;
	_ =	sdelay $0x1  }
0x455: {  	v37 =	vperm.xlane v19, v3;
	v21 =	vadd.s32 v17, v36;
	_ =	sdelay $0x1  }
0x456: {  	s31 =	simm.s32 $0x2100;
	v38 =	vperm.xlane v19, v4;
	v22 =	vadd.s32 v17, v37  }
0x457: {  	[tilespmem:s31], [sflag:$0x1] =	stream.indirect_vreg.gather [hbm4b:s6+s2], $0x80, v20, vm0, $0xb8;
	[tilespmem:$0x13100] =	vst v63  }
0x458: {  	v39 =	vperm.xlane v19, v5;
	v20 =	vadd.s32 v17, v38;
	s31 =	simm.s32 $0x2180  }
0x459: {  	[tilespmem:s31], [sflag:$0x1] =	stream.indirect_vreg.gather [hbm4b:s6+s2], $0x80, v21, vm0, $0xb8;
	[tilespmem:$0x13100] =	vst v63  }
0x45a: {  	v41 =	vperm.xlane v19, v6;
	v40 =	vadd.s32 v17, v39;
	s31 =	simm.s32 $0x2200  }
0x45b: {  	[tilespmem:s31], [sflag:$0x1] =	stream.indirect_vreg.gather [hbm4b:s6+s2], $0x80, v22, vm0, $0xb8;
	[tilespmem:$0x13100] =	vst v63  }
0x45c: {  	v43 =	vperm.xlane v19, v1;
	v42 =	vadd.s32 v17, v41;
	s31 =	simm.s32 $0x2280  }
0x45d: {  	[tilespmem:s31], [sflag:$0x1] =	stream.indirect_vreg.gather [hbm4b:s6+s2], $0x80, v20, vm0, $0xb8;
	[tilespmem:$0x13100] =	vst v63  }
0x45e: {  	v44 =	vperm.xlane v19, v7;
	v20 =	vadd.s32 v17, v43;
	s31 =	simm.s32 $0x2300  }
0x45f: {  	[tilespmem:s31], [sflag:$0x1] =	stream.indirect_vreg.gather [hbm4b:s6+s2], $0x80, v40, vm0, $0xb8;
	[tilespmem:$0x13100] =	vst v63  }
0x460: {  	v46 =	vperm.xlane v19, v18;
	v45 =	vadd.s32 v17, v44;
	s31 =	simm.s32 $0x2380  }
0x461: {  	[tilespmem:s31], [sflag:$0x1] =	stream.indirect_vreg.gather [hbm4b:s6+s2], $0x80, v42, vm0, $0xb8;
	[tilespmem:$0x13100] =	vst v63  }
0x462: {  	v48 =	vperm.xlane v19, v8;
	v47 =	vadd.s32 v17, v46;
	s31 =	simm.s32 $0x2400  }
0x463: {  	[tilespmem:s31], [sflag:$0x1] =	stream.indirect_vreg.gather [hbm4b:s6+s2], $0x80, v20, vm0, $0xb8;
	[tilespmem:$0x13100] =	vst v63  }
0x464: {  	v49 =	vperm.xlane v19, v9;
	v20 =	vadd.s32 v17, v48;
	s31 =	simm.s32 $0x2480  }
0x465: {  	[tilespmem:s31], [sflag:$0x1] =	stream.indirect_vreg.gather [hbm4b:s6+s2], $0x80, v45, vm0, $0xb8;
	[tilespmem:$0x13100] =	vst v63  }
0x466: {  	v51 =	vperm.xlane v19, v10;
	v50 =	vadd.s32 v17, v49;
	s31 =	simm.s32 $0x2500  }
0x467: {  	[tilespmem:s31], [sflag:$0x1] =	stream.indirect_vreg.gather [hbm4b:s6+s2], $0x80, v47, vm0, $0xb8;
	[tilespmem:$0x13100] =	vst v63  }
0x468: {  	v53 =	vperm.xlane v19, v11;
	v52 =	vadd.s32 v17, v51;
	s31 =	simm.s32 $0x2580  }
0x469: {  	[tilespmem:s31], [sflag:$0x1] =	stream.indirect_vreg.gather [hbm4b:s6+s2], $0x80, v20, vm0, $0xb8;
	[tilespmem:$0x13100] =	vst v63  }
0x46a: {  	v54 =	vperm.xlane v19, v12;
	v20 =	vadd.s32 v17, v53;
	s31 =	simm.s32 $0x2600  }
0x46b: {  	[tilespmem:s31], [sflag:$0x1] =	stream.indirect_vreg.gather [hbm4b:s6+s2], $0x80, v50, vm0, $0xb8;
	[tilespmem:$0x13100] =	vst v63  }
0x46c: {  	v56 =	vperm.xlane v19, v13;
	v55 =	vadd.s32 v17, v54;
	s31 =	simm.s32 $0x2680  }
0x46d: {  	[tilespmem:s31], [sflag:$0x1] =	stream.indirect_vreg.gather [hbm4b:s6+s2], $0x80, v52, vm0, $0xb8;
	[tilespmem:$0x13100] =	vst v63  }
0x46e: {  	v19 =	vperm.xlane v19, v14;
	v57 =	vadd.s32 v17, v56;
	s31 =	simm.s32 $0x2700  }
0x46f: {  	[tilespmem:s31], [sflag:$0x1] =	stream.indirect_vreg.gather [hbm4b:s6+s2], $0x80, v20, vm0, $0xb8;
	[tilespmem:$0x13100] =	vst v63  }
0x470: {  	v19 =	vadd.s32 v17, v19;
	s31 =	simm.s32 $0x2780  }
0x471: {  	[tilespmem:s31], [sflag:$0x1] =	stream.indirect_vreg.gather [hbm4b:s6+s2], $0x80, v55, vm0, $0xb8;
	[tilespmem:$0x13100] =	vst v63  }
0x472: {  	s31 =	simm.s32 $0x2800  }
0x473: {  	[tilespmem:s31], [sflag:$0x1] =	stream.indirect_vreg.gather [hbm4b:s6+s2], $0x80, v57, vm0, $0xb8;
	[tilespmem:$0x13100] =	vst v63  }
0x474: {  	s31 =	simm.s32 $0x2880  }
0x475: {  	[tilespmem:s31], [sflag:$0x1] =	stream.indirect_vreg.gather [hbm4b:s6+s2], $0x80, v19, vm0, $0xb8;
	[tilespmem:$0x13100] =	vst v63  }
0x476: {  	v19 =	vld [tilespmem:s26+$0xFFFFFF40];
	_ =	sdelay $0x4  }
0x477: {  	v20 =	vshll.u32 v19, $0x4  }
0x478: {  	v19 =	vand.u32 $0x7, v19;
	v20 =	vand.u32 $0xFFFFFF80, v20  }
0x479: {  	v19 =	vor.u32 v19, v20  }
0x47a: {  	v20 =	vperm.xlane v19, v15;
	_ =	sdelay $0x1  }
0x47b: {  	v58 =	vperm.xlane v19, v2;
	v20 =	vadd.s32 v17, v20;
	_ =	sdelay $0x1  }
0x47c: {  	v59 =	vperm.xlane v19, v3;
	v21 =	vadd.s32 v17, v58;
	_ =	sdelay $0x1  }
0x47d: {  	s31 =	simm.s32 $0x2900;
	v60 =	vperm.xlane v19, v4;
	v22 =	vadd.s32 v17, v59  }
0x47e: {  	[tilespmem:s31], [sflag:$0x1] =	stream.indirect_vreg.gather [hbm4b:s6+s2], $0x80, v20, vm0, $0xb8;
	[tilespmem:$0x13100] =	vst v63  }
0x47f: {  	v61 =	vperm.xlane v19, v5;
	v20 =	vadd.s32 v17, v60;
	s31 =	simm.s32 $0x2980  }
0x480: {  	[tilespmem:s31], [sflag:$0x1] =	stream.indirect_vreg.gather [hbm4b:s6+s2], $0x80, v21, vm0, $0xb8;
	[tilespmem:$0x13100] =	vst v63  }
0x481: {  	v63 =	vperm.xlane v19, v6;
	v62 =	vadd.s32 v17, v61;
	s31 =	simm.s32 $0x2A00  }
0x482: {  	[tilespmem:s31], [sflag:$0x1] =	stream.indirect_vreg.gather [hbm4b:s6+s2], $0x80, v22, vm0, $0xb8;
	[tilespmem:$0x13100] =	vst v63  }
0x483: {  	v25 =	vperm.xlane v19, v1;
	v24 =	vadd.s32 v17, v63;
	s31 =	simm.s32 $0x2A80  }
0x484: {  	[tilespmem:s31], [sflag:$0x1] =	stream.indirect_vreg.gather [hbm4b:s6+s2], $0x80, v20, vm0, $0xb8;
	[tilespmem:$0x13100] =	vst v63  }
0x485: {  	v26 =	vperm.xlane v19, v7;
	v20 =	vadd.s32 v17, v25;
	s31 =	simm.s32 $0x2B00  }
0x486: {  	[tilespmem:s31], [sflag:$0x1] =	stream.indirect_vreg.gather [hbm4b:s6+s2], $0x80, v62, vm0, $0xb8;
	[tilespmem:$0x13100] =	vst v63  }
0x487: {  	v28 =	vperm.xlane v19, v18;
	v27 =	vadd.s32 v17, v26;
	s31 =	simm.s32 $0x2B80  }
0x488: {  	[tilespmem:s31], [sflag:$0x1] =	stream.indirect_vreg.gather [hbm4b:s6+s2], $0x80, v24, vm0, $0xb8;
	[tilespmem:$0x13100] =	vst v63  }
0x489: {  	v30 =	vperm.xlane v19, v8;
	v29 =	vadd.s32 v17, v28;
	s31 =	simm.s32 $0x2C00  }
0x48a: {  	[tilespmem:s31], [sflag:$0x1] =	stream.indirect_vreg.gather [hbm4b:s6+s2], $0x80, v20, vm0, $0xb8;
	[tilespmem:$0x13100] =	vst v63  }
0x48b: {  	v31 =	vperm.xlane v19, v9;
	v20 =	vadd.s32 v17, v30;
	s31 =	simm.s32 $0x2C80  }
0x48c: {  	[tilespmem:s31], [sflag:$0x1] =	stream.indirect_vreg.gather [hbm4b:s6+s2], $0x80, v27, vm0, $0xb8;
	[tilespmem:$0x13100] =	vst v63  }
0x48d: {  	v33 =	vperm.xlane v19, v10;
	v32 =	vadd.s32 v17, v31;
	s31 =	simm.s32 $0x2D00  }
0x48e: {  	[tilespmem:s31], [sflag:$0x1] =	stream.indirect_vreg.gather [hbm4b:s6+s2], $0x80, v29, vm0, $0xb8;
	[tilespmem:$0x13100] =	vst v63  }
0x48f: {  	v35 =	vperm.xlane v19, v11;
	v34 =	vadd.s32 v17, v33;
	s31 =	simm.s32 $0x2D80  }
0x490: {  	[tilespmem:s31], [sflag:$0x1] =	stream.indirect_vreg.gather [hbm4b:s6+s2], $0x80, v20, vm0, $0xb8;
	[tilespmem:$0x13100] =	vst v63  }
0x491: {  	v36 =	vperm.xlane v19, v12;
	v20 =	vadd.s32 v17, v35;
	s31 =	simm.s32 $0x2E00  }
0x492: {  	[tilespmem:s31], [sflag:$0x1] =	stream.indirect_vreg.gather [hbm4b:s6+s2], $0x80, v32, vm0, $0xb8;
	[tilespmem:$0x13100] =	vst v63  }
0x493: {  	v38 =	vperm.xlane v19, v13;
	v37 =	vadd.s32 v17, v36;
	s31 =	simm.s32 $0x2E80  }
0x494: {  	[tilespmem:s31], [sflag:$0x1] =	stream.indirect_vreg.gather [hbm4b:s6+s2], $0x80, v34, vm0, $0xb8;
	[tilespmem:$0x13100] =	vst v63  }
0x495: {  	v19 =	vperm.xlane v19, v14;
	v39 =	vadd.s32 v17, v38;
	s31 =	simm.s32 $0x2F00  }
0x496: {  	[tilespmem:s31], [sflag:$0x1] =	stream.indirect_vreg.gather [hbm4b:s6+s2], $0x80, v20, vm0, $0xb8;
	[tilespmem:$0x13100] =	vst v63  }
0x497: {  	v19 =	vadd.s32 v17, v19;
	s31 =	simm.s32 $0x2F80  }
0x498: {  	[tilespmem:s31], [sflag:$0x1] =	stream.indirect_vreg.gather [hbm4b:s6+s2], $0x80, v37, vm0, $0xb8;
	[tilespmem:$0x13100] =	vst v63  }
0x499: {  	s31 =	simm.s32 $0x3000  }
0x49a: {  	[tilespmem:s31], [sflag:$0x1] =	stream.indirect_vreg.gather [hbm4b:s6+s2], $0x80, v39, vm0, $0xb8;
	[tilespmem:$0x13100] =	vst v63  }
0x49b: {  	s31 =	simm.s32 $0x3080  }
0x49c: {  	[tilespmem:s31], [sflag:$0x1] =	stream.indirect_vreg.gather [hbm4b:s6+s2], $0x80, v19, vm0, $0xb8;
	[tilespmem:$0x13100] =	vst v63  }
0x49d: {  	v19 =	vld [tilespmem:s26+$0xFFFFFF50];
	_ =	sdelay $0x4  }
0x49e: {  	v20 =	vshll.u32 v19, $0x4  }
0x49f: {  	v19 =	vand.u32 $0x7, v19;
	v20 =	vand.u32 $0xFFFFFF80, v20  }
0x4a0: {  	v19 =	vor.u32 v19, v20  }
0x4a1: {  	v20 =	vperm.xlane v19, v15;
	_ =	sdelay $0x1  }
0x4a2: {  	v40 =	vperm.xlane v19, v2;
	v20 =	vadd.s32 v17, v20;
	_ =	sdelay $0x1  }
0x4a3: {  	v41 =	vperm.xlane v19, v3;
	v21 =	vadd.s32 v17, v40;
	_ =	sdelay $0x1  }
0x4a4: {  	s31 =	simm.s32 $0x3100;
	v42 =	vperm.xlane v19, v4;
	v22 =	vadd.s32 v17, v41  }
0x4a5: {  	[tilespmem:s31], [sflag:$0x1] =	stream.indirect_vreg.gather [hbm4b:s6+s2], $0x80, v20, vm0, $0xb8;
	[tilespmem:$0x13100] =	vst v63  }
0x4a6: {  	v43 =	vperm.xlane v19, v5;
	v20 =	vadd.s32 v17, v42;
	s31 =	simm.s32 $0x3180  }
0x4a7: {  	[tilespmem:s31], [sflag:$0x1] =	stream.indirect_vreg.gather [hbm4b:s6+s2], $0x80, v21, vm0, $0xb8;
	[tilespmem:$0x13100] =	vst v63  }
0x4a8: {  	v45 =	vperm.xlane v19, v6;
	v44 =	vadd.s32 v17, v43;
	s31 =	simm.s32 $0x3200  }
0x4a9: {  	[tilespmem:s31], [sflag:$0x1] =	stream.indirect_vreg.gather [hbm4b:s6+s2], $0x80, v22, vm0, $0xb8;
	[tilespmem:$0x13100] =	vst v63  }
0x4aa: {  	v47 =	vperm.xlane v19, v1;
	v46 =	vadd.s32 v17, v45;
	s31 =	simm.s32 $0x3280  }
0x4ab: {  	[tilespmem:s31], [sflag:$0x1] =	stream.indirect_vreg.gather [hbm4b:s6+s2], $0x80, v20, vm0, $0xb8;
	[tilespmem:$0x13100] =	vst v63  }
0x4ac: {  	v48 =	vperm.xlane v19, v7;
	v20 =	vadd.s32 v17, v47;
	s31 =	simm.s32 $0x3300  }
0x4ad: {  	[tilespmem:s31], [sflag:$0x1] =	stream.indirect_vreg.gather [hbm4b:s6+s2], $0x80, v44, vm0, $0xb8;
	[tilespmem:$0x13100] =	vst v63  }
0x4ae: {  	v50 =	vperm.xlane v19, v18;
	v49 =	vadd.s32 v17, v48;
	s31 =	simm.s32 $0x3380  }
0x4af: {  	[tilespmem:s31], [sflag:$0x1] =	stream.indirect_vreg.gather [hbm4b:s6+s2], $0x80, v46, vm0, $0xb8;
	[tilespmem:$0x13100] =	vst v63  }
0x4b0: {  	v52 =	vperm.xlane v19, v8;
	v51 =	vadd.s32 v17, v50;
	s31 =	simm.s32 $0x3400  }
0x4b1: {  	[tilespmem:s31], [sflag:$0x1] =	stream.indirect_vreg.gather [hbm4b:s6+s2], $0x80, v20, vm0, $0xb8;
	[tilespmem:$0x13100] =	vst v63  }
0x4b2: {  	v53 =	vperm.xlane v19, v9;
	v20 =	vadd.s32 v17, v52;
	s31 =	simm.s32 $0x3480  }
0x4b3: {  	[tilespmem:s31], [sflag:$0x1] =	stream.indirect_vreg.gather [hbm4b:s6+s2], $0x80, v49, vm0, $0xb8;
	[tilespmem:$0x13100] =	vst v63  }
0x4b4: {  	v55 =	vperm.xlane v19, v10;
	v54 =	vadd.s32 v17, v53;
	s31 =	simm.s32 $0x3500  }
0x4b5: {  	[tilespmem:s31], [sflag:$0x1] =	stream.indirect_vreg.gather [hbm4b:s6+s2], $0x80, v51, vm0, $0xb8;
	[tilespmem:$0x13100] =	vst v63  }
0x4b6: {  	v57 =	vperm.xlane v19, v11;
	v56 =	vadd.s32 v17, v55;
	s31 =	simm.s32 $0x3580  }
0x4b7: {  	[tilespmem:s31], [sflag:$0x1] =	stream.indirect_vreg.gather [hbm4b:s6+s2], $0x80, v20, vm0, $0xb8;
	[tilespmem:$0x13100] =	vst v63  }
0x4b8: {  	v58 =	vperm.xlane v19, v12;
	v20 =	vadd.s32 v17, v57;
	s31 =	simm.s32 $0x3600  }
0x4b9: {  	[tilespmem:s31], [sflag:$0x1] =	stream.indirect_vreg.gather [hbm4b:s6+s2], $0x80, v54, vm0, $0xb8;
	[tilespmem:$0x13100] =	vst v63  }
0x4ba: {  	v60 =	vperm.xlane v19, v13;
	v59 =	vadd.s32 v17, v58;
	s31 =	simm.s32 $0x3680  }
0x4bb: {  	[tilespmem:s31], [sflag:$0x1] =	stream.indirect_vreg.gather [hbm4b:s6+s2], $0x80, v56, vm0, $0xb8;
	[tilespmem:$0x13100] =	vst v63  }
0x4bc: {  	v19 =	vperm.xlane v19, v14;
	v61 =	vadd.s32 v17, v60;
	s31 =	simm.s32 $0x3700  }
0x4bd: {  	[tilespmem:s31], [sflag:$0x1] =	stream.indirect_vreg.gather [hbm4b:s6+s2], $0x80, v20, vm0, $0xb8;
	[tilespmem:$0x13100] =	vst v63  }
0x4be: {  	v19 =	vadd.s32 v17, v19;
	s31 =	simm.s32 $0x3780  }
0x4bf: {  	[tilespmem:s31], [sflag:$0x1] =	stream.indirect_vreg.gather [hbm4b:s6+s2], $0x80, v59, vm0, $0xb8;
	[tilespmem:$0x13100] =	vst v63  }
0x4c0: {  	s31 =	simm.s32 $0x3800  }
0x4c1: {  	[tilespmem:s31], [sflag:$0x1] =	stream.indirect_vreg.gather [hbm4b:s6+s2], $0x80, v61, vm0, $0xb8;
	[tilespmem:$0x13100] =	vst v63  }
0x4c2: {  	s31 =	simm.s32 $0x3880  }
0x4c3: {  	[tilespmem:s31], [sflag:$0x1] =	stream.indirect_vreg.gather [hbm4b:s6+s2], $0x80, v19, vm0, $0xb8;
	[tilespmem:$0x13100] =	vst v63  }
0x4c4: {  	v19 =	vld [tilespmem:s26+$0xFFFFFF60];
	_ =	sdelay $0x4  }
0x4c5: {  	v20 =	vshll.u32 v19, $0x4  }
0x4c6: {  	v19 =	vand.u32 $0x7, v19;
	v20 =	vand.u32 $0xFFFFFF80, v20  }
0x4c7: {  	v19 =	vor.u32 v19, v20  }
0x4c8: {  	v20 =	vperm.xlane v19, v15;
	_ =	sdelay $0x1  }
0x4c9: {  	v62 =	vperm.xlane v19, v2;
	v20 =	vadd.s32 v17, v20;
	_ =	sdelay $0x1  }
0x4ca: {  	v63 =	vperm.xlane v19, v3;
	v21 =	vadd.s32 v17, v62;
	_ =	sdelay $0x1  }
0x4cb: {  	s31 =	simm.s32 $0x3900;
	v24 =	vperm.xlane v19, v4;
	v22 =	vadd.s32 v17, v63  }
0x4cc: {  	[tilespmem:s31], [sflag:$0x1] =	stream.indirect_vreg.gather [hbm4b:s6+s2], $0x80, v20, vm0, $0xb8;
	[tilespmem:$0x13100] =	vst v63  }
0x4cd: {  	v25 =	vperm.xlane v19, v5;
	v20 =	vadd.s32 v17, v24;
	s31 =	simm.s32 $0x3980  }
0x4ce: {  	[tilespmem:s31], [sflag:$0x1] =	stream.indirect_vreg.gather [hbm4b:s6+s2], $0x80, v21, vm0, $0xb8;
	[tilespmem:$0x13100] =	vst v63  }
0x4cf: {  	v27 =	vperm.xlane v19, v6;
	v26 =	vadd.s32 v17, v25;
	s31 =	simm.s32 $0x3A00  }
0x4d0: {  	[tilespmem:s31], [sflag:$0x1] =	stream.indirect_vreg.gather [hbm4b:s6+s2], $0x80, v22, vm0, $0xb8;
	[tilespmem:$0x13100] =	vst v63  }
0x4d1: {  	v29 =	vperm.xlane v19, v1;
	v28 =	vadd.s32 v17, v27;
	s31 =	simm.s32 $0x3A80  }
0x4d2: {  	[tilespmem:s31], [sflag:$0x1] =	stream.indirect_vreg.gather [hbm4b:s6+s2], $0x80, v20, vm0, $0xb8;
	[tilespmem:$0x13100] =	vst v63  }
0x4d3: {  	v30 =	vperm.xlane v19, v7;
	v20 =	vadd.s32 v17, v29;
	s31 =	simm.s32 $0x3B00  }
0x4d4: {  	[tilespmem:s31], [sflag:$0x1] =	stream.indirect_vreg.gather [hbm4b:s6+s2], $0x80, v26, vm0, $0xb8;
	[tilespmem:$0x13100] =	vst v63  }
0x4d5: {  	v32 =	vperm.xlane v19, v18;
	v31 =	vadd.s32 v17, v30;
	s31 =	simm.s32 $0x3B80  }
0x4d6: {  	[tilespmem:s31], [sflag:$0x1] =	stream.indirect_vreg.gather [hbm4b:s6+s2], $0x80, v28, vm0, $0xb8;
	[tilespmem:$0x13100] =	vst v63  }
0x4d7: {  	v34 =	vperm.xlane v19, v8;
	v33 =	vadd.s32 v17, v32;
	s31 =	simm.s32 $0x3C00  }
0x4d8: {  	[tilespmem:s31], [sflag:$0x1] =	stream.indirect_vreg.gather [hbm4b:s6+s2], $0x80, v20, vm0, $0xb8;
	[tilespmem:$0x13100] =	vst v63  }
0x4d9: {  	v35 =	vperm.xlane v19, v9;
	v20 =	vadd.s32 v17, v34;
	s31 =	simm.s32 $0x3C80  }
0x4da: {  	[tilespmem:s31], [sflag:$0x1] =	stream.indirect_vreg.gather [hbm4b:s6+s2], $0x80, v31, vm0, $0xb8;
	[tilespmem:$0x13100] =	vst v63  }
0x4db: {  	v37 =	vperm.xlane v19, v10;
	v36 =	vadd.s32 v17, v35;
	s31 =	simm.s32 $0x3D00  }
0x4dc: {  	[tilespmem:s31], [sflag:$0x1] =	stream.indirect_vreg.gather [hbm4b:s6+s2], $0x80, v33, vm0, $0xb8;
	[tilespmem:$0x13100] =	vst v63  }
0x4dd: {  	v39 =	vperm.xlane v19, v11;
	v38 =	vadd.s32 v17, v37;
	s31 =	simm.s32 $0x3D80  }
0x4de: {  	[tilespmem:s31], [sflag:$0x1] =	stream.indirect_vreg.gather [hbm4b:s6+s2], $0x80, v20, vm0, $0xb8;
	[tilespmem:$0x13100] =	vst v63  }
0x4df: {  	v40 =	vperm.xlane v19, v12;
	v20 =	vadd.s32 v17, v39;
	s31 =	simm.s32 $0x3E00  }
0x4e0: {  	[tilespmem:s31], [sflag:$0x1] =	stream.indirect_vreg.gather [hbm4b:s6+s2], $0x80, v36, vm0, $0xb8;
	[tilespmem:$0x13100] =	vst v63  }
0x4e1: {  	v42 =	vperm.xlane v19, v13;
	v41 =	vadd.s32 v17, v40;
	s31 =	simm.s32 $0x3E80  }
0x4e2: {  	[tilespmem:s31], [sflag:$0x1] =	stream.indirect_vreg.gather [hbm4b:s6+s2], $0x80, v38, vm0, $0xb8;
	[tilespmem:$0x13100] =	vst v63  }
0x4e3: {  	v19 =	vperm.xlane v19, v14;
	v43 =	vadd.s32 v17, v42;
	s31 =	simm.s32 $0x3F00  }
0x4e4: {  	[tilespmem:s31], [sflag:$0x1] =	stream.indirect_vreg.gather [hbm4b:s6+s2], $0x80, v20, vm0, $0xb8;
	[tilespmem:$0x13100] =	vst v63  }
0x4e5: {  	v19 =	vadd.s32 v17, v19;
	s31 =	simm.s32 $0x3F80  }
0x4e6: {  	[tilespmem:s31], [sflag:$0x1] =	stream.indirect_vreg.gather [hbm4b:s6+s2], $0x80, v41, vm0, $0xb8;
	[tilespmem:$0x13100] =	vst v63  }
0x4e7: {  	_ = 	snop  }
0x4e8: {  	[tilespmem:s12], [sflag:$0x1] =	stream.indirect_vreg.gather [hbm4b:s6+s2], $0x80, v43, vm0, $0xb8;
	[tilespmem:$0x13100] =	vst v63  }
0x4e9: {  	s31 =	simm.s32 $0x4080  }
0x4ea: {  	[tilespmem:s31], [sflag:$0x1] =	stream.indirect_vreg.gather [hbm4b:s6+s2], $0x80, v19, vm0, $0xb8;
	[tilespmem:$0x13100] =	vst v63  }
0x4eb: {  	v19 =	vld [tilespmem:s26+$0xFFFFFF70];
	_ =	sdelay $0x4  }
0x4ec: {  	v20 =	vshll.u32 v19, $0x4  }
0x4ed: {  	v19 =	vand.u32 $0x7, v19;
	v20 =	vand.u32 $0xFFFFFF80, v20  }
0x4ee: {  	v19 =	vor.u32 v19, v20  }
0x4ef: {  	v20 =	vperm.xlane v19, v15;
	_ =	sdelay $0x1  }
0x4f0: {  	v44 =	vperm.xlane v19, v2;
	v20 =	vadd.s32 v17, v20;
	_ =	sdelay $0x1  }
0x4f1: {  	v45 =	vperm.xlane v19, v3;
	v21 =	vadd.s32 v17, v44;
	_ =	sdelay $0x1  }
0x4f2: {  	s31 =	simm.s32 $0x4100;
	v46 =	vperm.xlane v19, v4;
	v22 =	vadd.s32 v17, v45  }
0x4f3: {  	[tilespmem:s31], [sflag:$0x1] =	stream.indirect_vreg.gather [hbm4b:s6+s2], $0x80, v20, vm0, $0xb8;
	[tilespmem:$0x13100] =	vst v63  }
0x4f4: {  	v47 =	vperm.xlane v19, v5;
	v20 =	vadd.s32 v17, v46;
	s31 =	simm.s32 $0x4180  }
0x4f5: {  	[tilespmem:s31], [sflag:$0x1] =	stream.indirect_vreg.gather [hbm4b:s6+s2], $0x80, v21, vm0, $0xb8;
	[tilespmem:$0x13100] =	vst v63  }
0x4f6: {  	v49 =	vperm.xlane v19, v6;
	v48 =	vadd.s32 v17, v47;
	s31 =	simm.s32 $0x4200  }
0x4f7: {  	[tilespmem:s31], [sflag:$0x1] =	stream.indirect_vreg.gather [hbm4b:s6+s2], $0x80, v22, vm0, $0xb8;
	[tilespmem:$0x13100] =	vst v63  }
0x4f8: {  	v51 =	vperm.xlane v19, v1;
	v50 =	vadd.s32 v17, v49;
	s31 =	simm.s32 $0x4280  }
0x4f9: {  	[tilespmem:s31], [sflag:$0x1] =	stream.indirect_vreg.gather [hbm4b:s6+s2], $0x80, v20, vm0, $0xb8;
	[tilespmem:$0x13100] =	vst v63  }
0x4fa: {  	v52 =	vperm.xlane v19, v7;
	v20 =	vadd.s32 v17, v51;
	s31 =	simm.s32 $0x4300  }
0x4fb: {  	[tilespmem:s31], [sflag:$0x1] =	stream.indirect_vreg.gather [hbm4b:s6+s2], $0x80, v48, vm0, $0xb8;
	[tilespmem:$0x13100] =	vst v63  }
0x4fc: {  	v54 =	vperm.xlane v19, v18;
	v53 =	vadd.s32 v17, v52;
	s31 =	simm.s32 $0x4380  }
0x4fd: {  	[tilespmem:s31], [sflag:$0x1] =	stream.indirect_vreg.gather [hbm4b:s6+s2], $0x80, v50, vm0, $0xb8;
	[tilespmem:$0x13100] =	vst v63  }
0x4fe: {  	v56 =	vperm.xlane v19, v8;
	v55 =	vadd.s32 v17, v54;
	s31 =	simm.s32 $0x4400  }
0x4ff: {  	[tilespmem:s31], [sflag:$0x1] =	stream.indirect_vreg.gather [hbm4b:s6+s2], $0x80, v20, vm0, $0xb8;
	[tilespmem:$0x13100] =	vst v63  }
0x500: {  	v57 =	vperm.xlane v19, v9;
	v20 =	vadd.s32 v17, v56;
	s31 =	simm.s32 $0x4480  }
0x501: {  	[tilespmem:s31], [sflag:$0x1] =	stream.indirect_vreg.gather [hbm4b:s6+s2], $0x80, v53, vm0, $0xb8;
	[tilespmem:$0x13100] =	vst v63  }
0x502: {  	v59 =	vperm.xlane v19, v10;
	v58 =	vadd.s32 v17, v57;
	s31 =	simm.s32 $0x4500  }
0x503: {  	[tilespmem:s31], [sflag:$0x1] =	stream.indirect_vreg.gather [hbm4b:s6+s2], $0x80, v55, vm0, $0xb8;
	[tilespmem:$0x13100] =	vst v63  }
0x504: {  	v61 =	vperm.xlane v19, v11;
	v60 =	vadd.s32 v17, v59;
	s31 =	simm.s32 $0x4580  }
0x505: {  	[tilespmem:s31], [sflag:$0x1] =	stream.indirect_vreg.gather [hbm4b:s6+s2], $0x80, v20, vm0, $0xb8;
	[tilespmem:$0x13100] =	vst v63  }
0x506: {  	v62 =	vperm.xlane v19, v12;
	v20 =	vadd.s32 v17, v61;
	s31 =	simm.s32 $0x4600  }
0x507: {  	[tilespmem:s31], [sflag:$0x1] =	stream.indirect_vreg.gather [hbm4b:s6+s2], $0x80, v58, vm0, $0xb8;
	[tilespmem:$0x13100] =	vst v63  }
0x508: {  	v24 =	vperm.xlane v19, v13;
	v63 =	vadd.s32 v17, v62;
	s31 =	simm.s32 $0x4680  }
0x509: {  	[tilespmem:s31], [sflag:$0x1] =	stream.indirect_vreg.gather [hbm4b:s6+s2], $0x80, v60, vm0, $0xb8;
	[tilespmem:$0x13100] =	vst v63  }
0x50a: {  	v19 =	vperm.xlane v19, v14;
	v25 =	vadd.s32 v17, v24;
	s31 =	simm.s32 $0x4700  }
0x50b: {  	[tilespmem:s31], [sflag:$0x1] =	stream.indirect_vreg.gather [hbm4b:s6+s2], $0x80, v20, vm0, $0xb8;
	[tilespmem:$0x13100] =	vst v63  }
0x50c: {  	v19 =	vadd.s32 v17, v19;
	s31 =	simm.s32 $0x4780  }
0x50d: {  	[tilespmem:s31], [sflag:$0x1] =	stream.indirect_vreg.gather [hbm4b:s6+s2], $0x80, v63, vm0, $0xb8;
	[tilespmem:$0x13100] =	vst v63  }
0x50e: {  	s31 =	simm.s32 $0x4800  }
0x50f: {  	[tilespmem:s31], [sflag:$0x1] =	stream.indirect_vreg.gather [hbm4b:s6+s2], $0x80, v25, vm0, $0xb8;
	[tilespmem:$0x13100] =	vst v63  }
0x510: {  	s31 =	simm.s32 $0x4880  }
0x511: {  	[tilespmem:s31], [sflag:$0x1] =	stream.indirect_vreg.gather [hbm4b:s6+s2], $0x80, v19, vm0, $0xb8;
	[tilespmem:$0x13100] =	vst v63  }
0x512: {  	v19 =	vld [tilespmem:s26+$0xFFFFFF80];
	_ =	sdelay $0x4  }
0x513: {  	v20 =	vshll.u32 v19, $0x4  }
0x514: {  	v19 =	vand.u32 $0x7, v19;
	v20 =	vand.u32 $0xFFFFFF80, v20  }
0x515: {  	v19 =	vor.u32 v19, v20  }
0x516: {  	v20 =	vperm.xlane v19, v15;
	_ =	sdelay $0x1  }
0x517: {  	v26 =	vperm.xlane v19, v2;
	v20 =	vadd.s32 v17, v20;
	_ =	sdelay $0x1  }
0x518: {  	v27 =	vperm.xlane v19, v3;
	v21 =	vadd.s32 v17, v26;
	_ =	sdelay $0x1  }
0x519: {  	s31 =	simm.s32 $0x4900;
	v28 =	vperm.xlane v19, v4;
	v22 =	vadd.s32 v17, v27  }
0x51a: {  	[tilespmem:s31], [sflag:$0x1] =	stream.indirect_vreg.gather [hbm4b:s6+s2], $0x80, v20, vm0, $0xb8;
	[tilespmem:$0x13100] =	vst v63  }
0x51b: {  	v29 =	vperm.xlane v19, v5;
	v20 =	vadd.s32 v17, v28;
	s31 =	simm.s32 $0x4980  }
0x51c: {  	[tilespmem:s31], [sflag:$0x1] =	stream.indirect_vreg.gather [hbm4b:s6+s2], $0x80, v21, vm0, $0xb8;
	[tilespmem:$0x13100] =	vst v63  }
0x51d: {  	v31 =	vperm.xlane v19, v6;
	v30 =	vadd.s32 v17, v29;
	s31 =	simm.s32 $0x4A00  }
0x51e: {  	[tilespmem:s31], [sflag:$0x1] =	stream.indirect_vreg.gather [hbm4b:s6+s2], $0x80, v22, vm0, $0xb8;
	[tilespmem:$0x13100] =	vst v63  }
0x51f: {  	v33 =	vperm.xlane v19, v1;
	v32 =	vadd.s32 v17, v31;
	s31 =	simm.s32 $0x4A80  }
0x520: {  	[tilespmem:s31], [sflag:$0x1] =	stream.indirect_vreg.gather [hbm4b:s6+s2], $0x80, v20, vm0, $0xb8;
	[tilespmem:$0x13100] =	vst v63  }
0x521: {  	v34 =	vperm.xlane v19, v7;
	v20 =	vadd.s32 v17, v33;
	s31 =	simm.s32 $0x4B00  }
0x522: {  	[tilespmem:s31], [sflag:$0x1] =	stream.indirect_vreg.gather [hbm4b:s6+s2], $0x80, v30, vm0, $0xb8;
	[tilespmem:$0x13100] =	vst v63  }
0x523: {  	v36 =	vperm.xlane v19, v18;
	v35 =	vadd.s32 v17, v34;
	s31 =	simm.s32 $0x4B80  }
0x524: {  	[tilespmem:s31], [sflag:$0x1] =	stream.indirect_vreg.gather [hbm4b:s6+s2], $0x80, v32, vm0, $0xb8;
	[tilespmem:$0x13100] =	vst v63  }
0x525: {  	v38 =	vperm.xlane v19, v8;
	v37 =	vadd.s32 v17, v36;
	s31 =	simm.s32 $0x4C00  }
0x526: {  	[tilespmem:s31], [sflag:$0x1] =	stream.indirect_vreg.gather [hbm4b:s6+s2], $0x80, v20, vm0, $0xb8;
	[tilespmem:$0x13100] =	vst v63  }
0x527: {  	v39 =	vperm.xlane v19, v9;
	v20 =	vadd.s32 v17, v38;
	s31 =	simm.s32 $0x4C80  }
0x528: {  	[tilespmem:s31], [sflag:$0x1] =	stream.indirect_vreg.gather [hbm4b:s6+s2], $0x80, v35, vm0, $0xb8;
	[tilespmem:$0x13100] =	vst v63  }
0x529: {  	v41 =	vperm.xlane v19, v10;
	v40 =	vadd.s32 v17, v39;
	s31 =	simm.s32 $0x4D00  }
0x52a: {  	[tilespmem:s31], [sflag:$0x1] =	stream.indirect_vreg.gather [hbm4b:s6+s2], $0x80, v37, vm0, $0xb8;
	[tilespmem:$0x13100] =	vst v63  }
0x52b: {  	v43 =	vperm.xlane v19, v11;
	v42 =	vadd.s32 v17, v41;
	s31 =	simm.s32 $0x4D80  }
0x52c: {  	[tilespmem:s31], [sflag:$0x1] =	stream.indirect_vreg.gather [hbm4b:s6+s2], $0x80, v20, vm0, $0xb8;
	[tilespmem:$0x13100] =	vst v63  }
0x52d: {  	v44 =	vperm.xlane v19, v12;
	v20 =	vadd.s32 v17, v43;
	s31 =	simm.s32 $0x4E00  }
0x52e: {  	[tilespmem:s31], [sflag:$0x1] =	stream.indirect_vreg.gather [hbm4b:s6+s2], $0x80, v40, vm0, $0xb8;
	[tilespmem:$0x13100] =	vst v63  }
0x52f: {  	v46 =	vperm.xlane v19, v13;
	v45 =	vadd.s32 v17, v44;
	s31 =	simm.s32 $0x4E80  }
0x530: {  	[tilespmem:s31], [sflag:$0x1] =	stream.indirect_vreg.gather [hbm4b:s6+s2], $0x80, v42, vm0, $0xb8;
	[tilespmem:$0x13100] =	vst v63  }
0x531: {  	v19 =	vperm.xlane v19, v14;
	v47 =	vadd.s32 v17, v46;
	s31 =	simm.s32 $0x4F00  }
0x532: {  	[tilespmem:s31], [sflag:$0x1] =	stream.indirect_vreg.gather [hbm4b:s6+s2], $0x80, v20, vm0, $0xb8;
	[tilespmem:$0x13100] =	vst v63  }
0x533: {  	v19 =	vadd.s32 v17, v19;
	s31 =	simm.s32 $0x4F80  }
0x534: {  	[tilespmem:s31], [sflag:$0x1] =	stream.indirect_vreg.gather [hbm4b:s6+s2], $0x80, v45, vm0, $0xb8;
	[tilespmem:$0x13100] =	vst v63  }
0x535: {  	s31 =	simm.s32 $0x5000  }
0x536: {  	[tilespmem:s31], [sflag:$0x1] =	stream.indirect_vreg.gather [hbm4b:s6+s2], $0x80, v47, vm0, $0xb8;
	[tilespmem:$0x13100] =	vst v63  }
0x537: {  	s31 =	simm.s32 $0x5080  }
0x538: {  	[tilespmem:s31], [sflag:$0x1] =	stream.indirect_vreg.gather [hbm4b:s6+s2], $0x80, v19, vm0, $0xb8;
	[tilespmem:$0x13100] =	vst v63  }
0x539: {  	v19 =	vld [tilespmem:s26+$0xFFFFFF90];
	_ =	sdelay $0x4  }
0x53a: {  	v20 =	vshll.u32 v19, $0x4  }
0x53b: {  	v19 =	vand.u32 $0x7, v19;
	v20 =	vand.u32 $0xFFFFFF80, v20  }
0x53c: {  	v19 =	vor.u32 v19, v20  }
0x53d: {  	v20 =	vperm.xlane v19, v15;
	_ =	sdelay $0x1  }
0x53e: {  	v48 =	vperm.xlane v19, v2;
	v20 =	vadd.s32 v17, v20;
	_ =	sdelay $0x1  }
0x53f: {  	v49 =	vperm.xlane v19, v3;
	v21 =	vadd.s32 v17, v48;
	_ =	sdelay $0x1  }
0x540: {  	s31 =	simm.s32 $0x5100;
	v50 =	vperm.xlane v19, v4;
	v22 =	vadd.s32 v17, v49  }
0x541: {  	[tilespmem:s31], [sflag:$0x1] =	stream.indirect_vreg.gather [hbm4b:s6+s2], $0x80, v20, vm0, $0xb8;
	[tilespmem:$0x13100] =	vst v63  }
0x542: {  	v51 =	vperm.xlane v19, v5;
	v20 =	vadd.s32 v17, v50;
	s31 =	simm.s32 $0x5180  }
0x543: {  	[tilespmem:s31], [sflag:$0x1] =	stream.indirect_vreg.gather [hbm4b:s6+s2], $0x80, v21, vm0, $0xb8;
	[tilespmem:$0x13100] =	vst v63  }
0x544: {  	v53 =	vperm.xlane v19, v6;
	v52 =	vadd.s32 v17, v51;
	s31 =	simm.s32 $0x5200  }
0x545: {  	[tilespmem:s31], [sflag:$0x1] =	stream.indirect_vreg.gather [hbm4b:s6+s2], $0x80, v22, vm0, $0xb8;
	[tilespmem:$0x13100] =	vst v63  }
0x546: {  	v55 =	vperm.xlane v19, v1;
	v54 =	vadd.s32 v17, v53;
	s31 =	simm.s32 $0x5280  }
0x547: {  	[tilespmem:s31], [sflag:$0x1] =	stream.indirect_vreg.gather [hbm4b:s6+s2], $0x80, v20, vm0, $0xb8;
	[tilespmem:$0x13100] =	vst v63  }
0x548: {  	v56 =	vperm.xlane v19, v7;
	v20 =	vadd.s32 v17, v55;
	s31 =	simm.s32 $0x5300  }
0x549: {  	[tilespmem:s31], [sflag:$0x1] =	stream.indirect_vreg.gather [hbm4b:s6+s2], $0x80, v52, vm0, $0xb8;
	[tilespmem:$0x13100] =	vst v63  }
0x54a: {  	v58 =	vperm.xlane v19, v18;
	v57 =	vadd.s32 v17, v56;
	s31 =	simm.s32 $0x5380  }
0x54b: {  	[tilespmem:s31], [sflag:$0x1] =	stream.indirect_vreg.gather [hbm4b:s6+s2], $0x80, v54, vm0, $0xb8;
	[tilespmem:$0x13100] =	vst v63  }
0x54c: {  	v60 =	vperm.xlane v19, v8;
	v59 =	vadd.s32 v17, v58;
	s31 =	simm.s32 $0x5400  }
0x54d: {  	[tilespmem:s31], [sflag:$0x1] =	stream.indirect_vreg.gather [hbm4b:s6+s2], $0x80, v20, vm0, $0xb8;
	[tilespmem:$0x13100] =	vst v63  }
0x54e: {  	v61 =	vperm.xlane v19, v9;
	v20 =	vadd.s32 v17, v60;
	s31 =	simm.s32 $0x5480  }
0x54f: {  	[tilespmem:s31], [sflag:$0x1] =	stream.indirect_vreg.gather [hbm4b:s6+s2], $0x80, v57, vm0, $0xb8;
	[tilespmem:$0x13100] =	vst v63  }
0x550: {  	v63 =	vperm.xlane v19, v10;
	v62 =	vadd.s32 v17, v61;
	s31 =	simm.s32 $0x5500  }
0x551: {  	[tilespmem:s31], [sflag:$0x1] =	stream.indirect_vreg.gather [hbm4b:s6+s2], $0x80, v59, vm0, $0xb8;
	[tilespmem:$0x13100] =	vst v63  }
0x552: {  	v25 =	vperm.xlane v19, v11;
	v24 =	vadd.s32 v17, v63;
	s31 =	simm.s32 $0x5580  }
0x553: {  	[tilespmem:s31], [sflag:$0x1] =	stream.indirect_vreg.gather [hbm4b:s6+s2], $0x80, v20, vm0, $0xb8;
	[tilespmem:$0x13100] =	vst v63  }
0x554: {  	v26 =	vperm.xlane v19, v12;
	v20 =	vadd.s32 v17, v25;
	s31 =	simm.s32 $0x5600  }
0x555: {  	[tilespmem:s31], [sflag:$0x1] =	stream.indirect_vreg.gather [hbm4b:s6+s2], $0x80, v62, vm0, $0xb8;
	[tilespmem:$0x13100] =	vst v63  }
0x556: {  	v28 =	vperm.xlane v19, v13;
	v27 =	vadd.s32 v17, v26;
	s31 =	simm.s32 $0x5680  }
0x557: {  	[tilespmem:s31], [sflag:$0x1] =	stream.indirect_vreg.gather [hbm4b:s6+s2], $0x80, v24, vm0, $0xb8;
	[tilespmem:$0x13100] =	vst v63  }
0x558: {  	v19 =	vperm.xlane v19, v14;
	v29 =	vadd.s32 v17, v28;
	s31 =	simm.s32 $0x5700  }
0x559: {  	[tilespmem:s31], [sflag:$0x1] =	stream.indirect_vreg.gather [hbm4b:s6+s2], $0x80, v20, vm0, $0xb8;
	[tilespmem:$0x13100] =	vst v63  }
0x55a: {  	v19 =	vadd.s32 v17, v19;
	s31 =	simm.s32 $0x5780  }
0x55b: {  	[tilespmem:s31], [sflag:$0x1] =	stream.indirect_vreg.gather [hbm4b:s6+s2], $0x80, v27, vm0, $0xb8;
	[tilespmem:$0x13100] =	vst v63  }
0x55c: {  	s31 =	simm.s32 $0x5800  }
0x55d: {  	[tilespmem:s31], [sflag:$0x1] =	stream.indirect_vreg.gather [hbm4b:s6+s2], $0x80, v29, vm0, $0xb8;
	[tilespmem:$0x13100] =	vst v63  }
0x55e: {  	s31 =	simm.s32 $0x5880  }
0x55f: {  	[tilespmem:s31], [sflag:$0x1] =	stream.indirect_vreg.gather [hbm4b:s6+s2], $0x80, v19, vm0, $0xb8;
	[tilespmem:$0x13100] =	vst v63  }
0x560: {  	v19 =	vld [tilespmem:s26+$0xFFFFFFA0];
	_ =	sdelay $0x4  }
0x561: {  	v20 =	vshll.u32 v19, $0x4  }
0x562: {  	v19 =	vand.u32 $0x7, v19;
	v20 =	vand.u32 $0xFFFFFF80, v20  }
0x563: {  	v19 =	vor.u32 v19, v20  }
0x564: {  	v20 =	vperm.xlane v19, v15;
	_ =	sdelay $0x1  }
0x565: {  	v30 =	vperm.xlane v19, v2;
	v20 =	vadd.s32 v17, v20;
	_ =	sdelay $0x1  }
0x566: {  	v31 =	vperm.xlane v19, v3;
	v21 =	vadd.s32 v17, v30;
	_ =	sdelay $0x1  }
0x567: {  	s31 =	simm.s32 $0x5900;
	v32 =	vperm.xlane v19, v4;
	v22 =	vadd.s32 v17, v31  }
0x568: {  	[tilespmem:s31], [sflag:$0x1] =	stream.indirect_vreg.gather [hbm4b:s6+s2], $0x80, v20, vm0, $0xb8;
	[tilespmem:$0x13100] =	vst v63  }
0x569: {  	v33 =	vperm.xlane v19, v5;
	v20 =	vadd.s32 v17, v32;
	s31 =	simm.s32 $0x5980  }
0x56a: {  	[tilespmem:s31], [sflag:$0x1] =	stream.indirect_vreg.gather [hbm4b:s6+s2], $0x80, v21, vm0, $0xb8;
	[tilespmem:$0x13100] =	vst v63  }
0x56b: {  	v35 =	vperm.xlane v19, v6;
	v34 =	vadd.s32 v17, v33;
	s31 =	simm.s32 $0x5A00  }
0x56c: {  	[tilespmem:s31], [sflag:$0x1] =	stream.indirect_vreg.gather [hbm4b:s6+s2], $0x80, v22, vm0, $0xb8;
	[tilespmem:$0x13100] =	vst v63  }
0x56d: {  	v37 =	vperm.xlane v19, v1;
	v36 =	vadd.s32 v17, v35;
	s31 =	simm.s32 $0x5A80  }
0x56e: {  	[tilespmem:s31], [sflag:$0x1] =	stream.indirect_vreg.gather [hbm4b:s6+s2], $0x80, v20, vm0, $0xb8;
	[tilespmem:$0x13100] =	vst v63  }
0x56f: {  	v38 =	vperm.xlane v19, v7;
	v20 =	vadd.s32 v17, v37;
	s31 =	simm.s32 $0x5B00  }
0x570: {  	[tilespmem:s31], [sflag:$0x1] =	stream.indirect_vreg.gather [hbm4b:s6+s2], $0x80, v34, vm0, $0xb8;
	[tilespmem:$0x13100] =	vst v63  }
0x571: {  	v40 =	vperm.xlane v19, v18;
	v39 =	vadd.s32 v17, v38;
	s31 =	simm.s32 $0x5B80  }
0x572: {  	[tilespmem:s31], [sflag:$0x1] =	stream.indirect_vreg.gather [hbm4b:s6+s2], $0x80, v36, vm0, $0xb8;
	[tilespmem:$0x13100] =	vst v63  }
0x573: {  	v42 =	vperm.xlane v19, v8;
	v41 =	vadd.s32 v17, v40;
	s31 =	simm.s32 $0x5C00  }
0x574: {  	[tilespmem:s31], [sflag:$0x1] =	stream.indirect_vreg.gather [hbm4b:s6+s2], $0x80, v20, vm0, $0xb8;
	[tilespmem:$0x13100] =	vst v63  }
0x575: {  	v43 =	vperm.xlane v19, v9;
	v20 =	vadd.s32 v17, v42;
	s31 =	simm.s32 $0x5C80  }
0x576: {  	[tilespmem:s31], [sflag:$0x1] =	stream.indirect_vreg.gather [hbm4b:s6+s2], $0x80, v39, vm0, $0xb8;
	[tilespmem:$0x13100] =	vst v63  }
0x577: {  	v45 =	vperm.xlane v19, v10;
	v44 =	vadd.s32 v17, v43;
	s31 =	simm.s32 $0x5D00  }
0x578: {  	[tilespmem:s31], [sflag:$0x1] =	stream.indirect_vreg.gather [hbm4b:s6+s2], $0x80, v41, vm0, $0xb8;
	[tilespmem:$0x13100] =	vst v63  }
0x579: {  	v47 =	vperm.xlane v19, v11;
	v46 =	vadd.s32 v17, v45;
	s31 =	simm.s32 $0x5D80  }
0x57a: {  	[tilespmem:s31], [sflag:$0x1] =	stream.indirect_vreg.gather [hbm4b:s6+s2], $0x80, v20, vm0, $0xb8;
	[tilespmem:$0x13100] =	vst v63  }
0x57b: {  	v48 =	vperm.xlane v19, v12;
	v20 =	vadd.s32 v17, v47;
	s31 =	simm.s32 $0x5E00  }
0x57c: {  	[tilespmem:s31], [sflag:$0x1] =	stream.indirect_vreg.gather [hbm4b:s6+s2], $0x80, v44, vm0, $0xb8;
	[tilespmem:$0x13100] =	vst v63  }
0x57d: {  	v50 =	vperm.xlane v19, v13;
	v49 =	vadd.s32 v17, v48;
	s31 =	simm.s32 $0x5E80  }
0x57e: {  	[tilespmem:s31], [sflag:$0x1] =	stream.indirect_vreg.gather [hbm4b:s6+s2], $0x80, v46, vm0, $0xb8;
	[tilespmem:$0x13100] =	vst v63  }
0x57f: {  	v19 =	vperm.xlane v19, v14;
	v51 =	vadd.s32 v17, v50;
	s31 =	simm.s32 $0x5F00  }
0x580: {  	[tilespmem:s31], [sflag:$0x1] =	stream.indirect_vreg.gather [hbm4b:s6+s2], $0x80, v20, vm0, $0xb8;
	[tilespmem:$0x13100] =	vst v63  }
0x581: {  	v19 =	vadd.s32 v17, v19;
	s31 =	simm.s32 $0x5F80  }
0x582: {  	[tilespmem:s31], [sflag:$0x1] =	stream.indirect_vreg.gather [hbm4b:s6+s2], $0x80, v49, vm0, $0xb8;
	[tilespmem:$0x13100] =	vst v63  }
0x583: {  	s31 =	simm.s32 $0x6000  }
0x584: {  	[tilespmem:s31], [sflag:$0x1] =	stream.indirect_vreg.gather [hbm4b:s6+s2], $0x80, v51, vm0, $0xb8;
	[tilespmem:$0x13100] =	vst v63  }
0x585: {  	s31 =	simm.s32 $0x6080  }
0x586: {  	[tilespmem:s31], [sflag:$0x1] =	stream.indirect_vreg.gather [hbm4b:s6+s2], $0x80, v19, vm0, $0xb8;
	[tilespmem:$0x13100] =	vst v63  }
0x587: {  	v19 =	vld [tilespmem:s26+$0xFFFFFFB0];
	_ =	sdelay $0x4  }
0x588: {  	v20 =	vshll.u32 v19, $0x4  }
0x589: {  	v19 =	vand.u32 $0x7, v19;
	v20 =	vand.u32 $0xFFFFFF80, v20  }
0x58a: {  	v19 =	vor.u32 v19, v20  }
0x58b: {  	v20 =	vperm.xlane v19, v15;
	_ =	sdelay $0x1  }
0x58c: {  	v52 =	vperm.xlane v19, v2;
	v20 =	vadd.s32 v17, v20;
	_ =	sdelay $0x1  }
0x58d: {  	v53 =	vperm.xlane v19, v3;
	v21 =	vadd.s32 v17, v52;
	_ =	sdelay $0x1  }
0x58e: {  	s31 =	simm.s32 $0x6100;
	v54 =	vperm.xlane v19, v4;
	v22 =	vadd.s32 v17, v53  }
0x58f: {  	[tilespmem:s31], [sflag:$0x1] =	stream.indirect_vreg.gather [hbm4b:s6+s2], $0x80, v20, vm0, $0xb8;
	[tilespmem:$0x13100] =	vst v63  }
0x590: {  	v55 =	vperm.xlane v19, v5;
	v20 =	vadd.s32 v17, v54;
	s31 =	simm.s32 $0x6180  }
0x591: {  	[tilespmem:s31], [sflag:$0x1] =	stream.indirect_vreg.gather [hbm4b:s6+s2], $0x80, v21, vm0, $0xb8;
	[tilespmem:$0x13100] =	vst v63  }
0x592: {  	v57 =	vperm.xlane v19, v6;
	v56 =	vadd.s32 v17, v55;
	s31 =	simm.s32 $0x6200  }
0x593: {  	[tilespmem:s31], [sflag:$0x1] =	stream.indirect_vreg.gather [hbm4b:s6+s2], $0x80, v22, vm0, $0xb8;
	[tilespmem:$0x13100] =	vst v63  }
0x594: {  	v59 =	vperm.xlane v19, v1;
	v58 =	vadd.s32 v17, v57;
	s31 =	simm.s32 $0x6280  }
0x595: {  	[tilespmem:s31], [sflag:$0x1] =	stream.indirect_vreg.gather [hbm4b:s6+s2], $0x80, v20, vm0, $0xb8;
	[tilespmem:$0x13100] =	vst v63  }
0x596: {  	v60 =	vperm.xlane v19, v7;
	v20 =	vadd.s32 v17, v59;
	s31 =	simm.s32 $0x6300  }
0x597: {  	[tilespmem:s31], [sflag:$0x1] =	stream.indirect_vreg.gather [hbm4b:s6+s2], $0x80, v56, vm0, $0xb8;
	[tilespmem:$0x13100] =	vst v63  }
0x598: {  	v62 =	vperm.xlane v19, v18;
	v61 =	vadd.s32 v17, v60;
	s31 =	simm.s32 $0x6380  }
0x599: {  	[tilespmem:s31], [sflag:$0x1] =	stream.indirect_vreg.gather [hbm4b:s6+s2], $0x80, v58, vm0, $0xb8;
	[tilespmem:$0x13100] =	vst v63  }
0x59a: {  	v24 =	vperm.xlane v19, v8;
	v63 =	vadd.s32 v17, v62;
	s31 =	simm.s32 $0x6400  }
0x59b: {  	[tilespmem:s31], [sflag:$0x1] =	stream.indirect_vreg.gather [hbm4b:s6+s2], $0x80, v20, vm0, $0xb8;
	[tilespmem:$0x13100] =	vst v63  }
0x59c: {  	v25 =	vperm.xlane v19, v9;
	v20 =	vadd.s32 v17, v24;
	s31 =	simm.s32 $0x6480  }
0x59d: {  	[tilespmem:s31], [sflag:$0x1] =	stream.indirect_vreg.gather [hbm4b:s6+s2], $0x80, v61, vm0, $0xb8;
	[tilespmem:$0x13100] =	vst v63  }
0x59e: {  	v27 =	vperm.xlane v19, v10;
	v26 =	vadd.s32 v17, v25;
	s31 =	simm.s32 $0x6500  }
0x59f: {  	[tilespmem:s31], [sflag:$0x1] =	stream.indirect_vreg.gather [hbm4b:s6+s2], $0x80, v63, vm0, $0xb8;
	[tilespmem:$0x13100] =	vst v63  }
0x5a0: {  	v29 =	vperm.xlane v19, v11;
	v28 =	vadd.s32 v17, v27;
	s31 =	simm.s32 $0x6580  }
0x5a1: {  	[tilespmem:s31], [sflag:$0x1] =	stream.indirect_vreg.gather [hbm4b:s6+s2], $0x80, v20, vm0, $0xb8;
	[tilespmem:$0x13100] =	vst v63  }
0x5a2: {  	v30 =	vperm.xlane v19, v12;
	v20 =	vadd.s32 v17, v29;
	s31 =	simm.s32 $0x6600  }
0x5a3: {  	[tilespmem:s31], [sflag:$0x1] =	stream.indirect_vreg.gather [hbm4b:s6+s2], $0x80, v26, vm0, $0xb8;
	[tilespmem:$0x13100] =	vst v63  }
0x5a4: {  	v32 =	vperm.xlane v19, v13;
	v31 =	vadd.s32 v17, v30;
	s31 =	simm.s32 $0x6680  }
0x5a5: {  	[tilespmem:s31], [sflag:$0x1] =	stream.indirect_vreg.gather [hbm4b:s6+s2], $0x80, v28, vm0, $0xb8;
	[tilespmem:$0x13100] =	vst v63  }
0x5a6: {  	v19 =	vperm.xlane v19, v14;
	v33 =	vadd.s32 v17, v32;
	s31 =	simm.s32 $0x6700  }
0x5a7: {  	[tilespmem:s31], [sflag:$0x1] =	stream.indirect_vreg.gather [hbm4b:s6+s2], $0x80, v20, vm0, $0xb8;
	[tilespmem:$0x13100] =	vst v63  }
0x5a8: {  	v19 =	vadd.s32 v17, v19;
	s31 =	simm.s32 $0x6780  }
0x5a9: {  	[tilespmem:s31], [sflag:$0x1] =	stream.indirect_vreg.gather [hbm4b:s6+s2], $0x80, v31, vm0, $0xb8;
	[tilespmem:$0x13100] =	vst v63  }
0x5aa: {  	s31 =	simm.s32 $0x6800  }
0x5ab: {  	[tilespmem:s31], [sflag:$0x1] =	stream.indirect_vreg.gather [hbm4b:s6+s2], $0x80, v33, vm0, $0xb8;
	[tilespmem:$0x13100] =	vst v63  }
0x5ac: {  	s31 =	simm.s32 $0x6880  }
0x5ad: {  	[tilespmem:s31], [sflag:$0x1] =	stream.indirect_vreg.gather [hbm4b:s6+s2], $0x80, v19, vm0, $0xb8;
	[tilespmem:$0x13100] =	vst v63  }
0x5ae: {  	v19 =	vld [tilespmem:s26+$0xFFFFFFC0];
	_ =	sdelay $0x4  }
0x5af: {  	v20 =	vshll.u32 v19, $0x4  }
0x5b0: {  	v19 =	vand.u32 $0x7, v19;
	v20 =	vand.u32 $0xFFFFFF80, v20  }
0x5b1: {  	v19 =	vor.u32 v19, v20  }
0x5b2: {  	v20 =	vperm.xlane v19, v15;
	_ =	sdelay $0x1  }
0x5b3: {  	v34 =	vperm.xlane v19, v2;
	v20 =	vadd.s32 v17, v20;
	_ =	sdelay $0x1  }
0x5b4: {  	v35 =	vperm.xlane v19, v3;
	v21 =	vadd.s32 v17, v34;
	_ =	sdelay $0x1  }
0x5b5: {  	s31 =	simm.s32 $0x6900;
	v36 =	vperm.xlane v19, v4;
	v22 =	vadd.s32 v17, v35  }
0x5b6: {  	[tilespmem:s31], [sflag:$0x1] =	stream.indirect_vreg.gather [hbm4b:s6+s2], $0x80, v20, vm0, $0xb8;
	[tilespmem:$0x13100] =	vst v63  }
0x5b7: {  	v37 =	vperm.xlane v19, v5;
	v20 =	vadd.s32 v17, v36;
	s31 =	simm.s32 $0x6980  }
0x5b8: {  	[tilespmem:s31], [sflag:$0x1] =	stream.indirect_vreg.gather [hbm4b:s6+s2], $0x80, v21, vm0, $0xb8;
	[tilespmem:$0x13100] =	vst v63  }
0x5b9: {  	v39 =	vperm.xlane v19, v6;
	v38 =	vadd.s32 v17, v37;
	s31 =	simm.s32 $0x6A00  }
0x5ba: {  	[tilespmem:s31], [sflag:$0x1] =	stream.indirect_vreg.gather [hbm4b:s6+s2], $0x80, v22, vm0, $0xb8;
	[tilespmem:$0x13100] =	vst v63  }
0x5bb: {  	v41 =	vperm.xlane v19, v1;
	v40 =	vadd.s32 v17, v39;
	s31 =	simm.s32 $0x6A80  }
0x5bc: {  	[tilespmem:s31], [sflag:$0x1] =	stream.indirect_vreg.gather [hbm4b:s6+s2], $0x80, v20, vm0, $0xb8;
	[tilespmem:$0x13100] =	vst v63  }
0x5bd: {  	v42 =	vperm.xlane v19, v7;
	v20 =	vadd.s32 v17, v41;
	s31 =	simm.s32 $0x6B00  }
0x5be: {  	[tilespmem:s31], [sflag:$0x1] =	stream.indirect_vreg.gather [hbm4b:s6+s2], $0x80, v38, vm0, $0xb8;
	[tilespmem:$0x13100] =	vst v63  }
0x5bf: {  	v44 =	vperm.xlane v19, v18;
	v43 =	vadd.s32 v17, v42;
	s31 =	simm.s32 $0x6B80  }
0x5c0: {  	[tilespmem:s31], [sflag:$0x1] =	stream.indirect_vreg.gather [hbm4b:s6+s2], $0x80, v40, vm0, $0xb8;
	[tilespmem:$0x13100] =	vst v63  }
0x5c1: {  	v46 =	vperm.xlane v19, v8;
	v45 =	vadd.s32 v17, v44;
	s31 =	simm.s32 $0x6C00  }
0x5c2: {  	[tilespmem:s31], [sflag:$0x1] =	stream.indirect_vreg.gather [hbm4b:s6+s2], $0x80, v20, vm0, $0xb8;
	[tilespmem:$0x13100] =	vst v63  }
0x5c3: {  	v47 =	vperm.xlane v19, v9;
	v20 =	vadd.s32 v17, v46;
	s31 =	simm.s32 $0x6C80  }
0x5c4: {  	[tilespmem:s31], [sflag:$0x1] =	stream.indirect_vreg.gather [hbm4b:s6+s2], $0x80, v43, vm0, $0xb8;
	[tilespmem:$0x13100] =	vst v63  }
0x5c5: {  	v49 =	vperm.xlane v19, v10;
	v48 =	vadd.s32 v17, v47;
	s31 =	simm.s32 $0x6D00  }
0x5c6: {  	[tilespmem:s31], [sflag:$0x1] =	stream.indirect_vreg.gather [hbm4b:s6+s2], $0x80, v45, vm0, $0xb8;
	[tilespmem:$0x13100] =	vst v63  }
0x5c7: {  	v51 =	vperm.xlane v19, v11;
	v50 =	vadd.s32 v17, v49;
	s31 =	simm.s32 $0x6D80  }
0x5c8: {  	[tilespmem:s31], [sflag:$0x1] =	stream.indirect_vreg.gather [hbm4b:s6+s2], $0x80, v20, vm0, $0xb8;
	[tilespmem:$0x13100] =	vst v63  }
0x5c9: {  	v52 =	vperm.xlane v19, v12;
	v20 =	vadd.s32 v17, v51;
	s31 =	simm.s32 $0x6E00  }
0x5ca: {  	[tilespmem:s31], [sflag:$0x1] =	stream.indirect_vreg.gather [hbm4b:s6+s2], $0x80, v48, vm0, $0xb8;
	[tilespmem:$0x13100] =	vst v63  }
0x5cb: {  	v54 =	vperm.xlane v19, v13;
	v53 =	vadd.s32 v17, v52;
	s31 =	simm.s32 $0x6E80  }
0x5cc: {  	[tilespmem:s31], [sflag:$0x1] =	stream.indirect_vreg.gather [hbm4b:s6+s2], $0x80, v50, vm0, $0xb8;
	[tilespmem:$0x13100] =	vst v63  }
0x5cd: {  	v19 =	vperm.xlane v19, v14;
	v55 =	vadd.s32 v17, v54;
	s31 =	simm.s32 $0x6F00  }
0x5ce: {  	[tilespmem:s31], [sflag:$0x1] =	stream.indirect_vreg.gather [hbm4b:s6+s2], $0x80, v20, vm0, $0xb8;
	[tilespmem:$0x13100] =	vst v63  }
0x5cf: {  	v19 =	vadd.s32 v17, v19;
	s31 =	simm.s32 $0x6F80  }
0x5d0: {  	[tilespmem:s31], [sflag:$0x1] =	stream.indirect_vreg.gather [hbm4b:s6+s2], $0x80, v53, vm0, $0xb8;
	[tilespmem:$0x13100] =	vst v63  }
0x5d1: {  	s31 =	simm.s32 $0x7000  }
0x5d2: {  	[tilespmem:s31], [sflag:$0x1] =	stream.indirect_vreg.gather [hbm4b:s6+s2], $0x80, v55, vm0, $0xb8;
	[tilespmem:$0x13100] =	vst v63  }
0x5d3: {  	s31 =	simm.s32 $0x7080  }
0x5d4: {  	[tilespmem:s31], [sflag:$0x1] =	stream.indirect_vreg.gather [hbm4b:s6+s2], $0x80, v19, vm0, $0xb8;
	[tilespmem:$0x13100] =	vst v63  }
0x5d5: {  	v19 =	vld [tilespmem:s26+$0xFFFFFFD0];
	_ =	sdelay $0x4  }
0x5d6: {  	v20 =	vshll.u32 v19, $0x4  }
0x5d7: {  	v19 =	vand.u32 $0x7, v19;
	v20 =	vand.u32 $0xFFFFFF80, v20  }
0x5d8: {  	v19 =	vor.u32 v19, v20  }
0x5d9: {  	v20 =	vperm.xlane v19, v15;
	_ =	sdelay $0x1  }
0x5da: {  	v56 =	vperm.xlane v19, v2;
	v20 =	vadd.s32 v17, v20;
	_ =	sdelay $0x1  }
0x5db: {  	v57 =	vperm.xlane v19, v3;
	v21 =	vadd.s32 v17, v56;
	_ =	sdelay $0x1  }
0x5dc: {  	s31 =	simm.s32 $0x7100;
	v58 =	vperm.xlane v19, v4;
	v22 =	vadd.s32 v17, v57  }
0x5dd: {  	[tilespmem:s31], [sflag:$0x1] =	stream.indirect_vreg.gather [hbm4b:s6+s2], $0x80, v20, vm0, $0xb8;
	[tilespmem:$0x13100] =	vst v63  }
0x5de: {  	v59 =	vperm.xlane v19, v5;
	v20 =	vadd.s32 v17, v58;
	s31 =	simm.s32 $0x7180  }
0x5df: {  	[tilespmem:s31], [sflag:$0x1] =	stream.indirect_vreg.gather [hbm4b:s6+s2], $0x80, v21, vm0, $0xb8;
	[tilespmem:$0x13100] =	vst v63  }
0x5e0: {  	v61 =	vperm.xlane v19, v6;
	v60 =	vadd.s32 v17, v59;
	s31 =	simm.s32 $0x7200  }
0x5e1: {  	[tilespmem:s31], [sflag:$0x1] =	stream.indirect_vreg.gather [hbm4b:s6+s2], $0x80, v22, vm0, $0xb8;
	[tilespmem:$0x13100] =	vst v63  }
0x5e2: {  	v63 =	vperm.xlane v19, v1;
	v62 =	vadd.s32 v17, v61;
	s31 =	simm.s32 $0x7280  }
0x5e3: {  	[tilespmem:s31], [sflag:$0x1] =	stream.indirect_vreg.gather [hbm4b:s6+s2], $0x80, v20, vm0, $0xb8;
	[tilespmem:$0x13100] =	vst v63  }
0x5e4: {  	v24 =	vperm.xlane v19, v7;
	v20 =	vadd.s32 v17, v63;
	s31 =	simm.s32 $0x7300  }
0x5e5: {  	[tilespmem:s31], [sflag:$0x1] =	stream.indirect_vreg.gather [hbm4b:s6+s2], $0x80, v60, vm0, $0xb8;
	[tilespmem:$0x13100] =	vst v63  }
0x5e6: {  	v26 =	vperm.xlane v19, v18;
	v25 =	vadd.s32 v17, v24;
	s31 =	simm.s32 $0x7380  }
0x5e7: {  	[tilespmem:s31], [sflag:$0x1] =	stream.indirect_vreg.gather [hbm4b:s6+s2], $0x80, v62, vm0, $0xb8;
	[tilespmem:$0x13100] =	vst v63  }
0x5e8: {  	v28 =	vperm.xlane v19, v8;
	v27 =	vadd.s32 v17, v26;
	s31 =	simm.s32 $0x7400  }
0x5e9: {  	[tilespmem:s31], [sflag:$0x1] =	stream.indirect_vreg.gather [hbm4b:s6+s2], $0x80, v20, vm0, $0xb8;
	[tilespmem:$0x13100] =	vst v63  }
0x5ea: {  	v29 =	vperm.xlane v19, v9;
	v20 =	vadd.s32 v17, v28;
	s31 =	simm.s32 $0x7480  }
0x5eb: {  	[tilespmem:s31], [sflag:$0x1] =	stream.indirect_vreg.gather [hbm4b:s6+s2], $0x80, v25, vm0, $0xb8;
	[tilespmem:$0x13100] =	vst v63  }
0x5ec: {  	v31 =	vperm.xlane v19, v10;
	v30 =	vadd.s32 v17, v29;
	s31 =	simm.s32 $0x7500  }
0x5ed: {  	[tilespmem:s31], [sflag:$0x1] =	stream.indirect_vreg.gather [hbm4b:s6+s2], $0x80, v27, vm0, $0xb8;
	[tilespmem:$0x13100] =	vst v63  }
0x5ee: {  	v33 =	vperm.xlane v19, v11;
	v32 =	vadd.s32 v17, v31;
	s31 =	simm.s32 $0x7580  }
0x5ef: {  	[tilespmem:s31], [sflag:$0x1] =	stream.indirect_vreg.gather [hbm4b:s6+s2], $0x80, v20, vm0, $0xb8;
	[tilespmem:$0x13100] =	vst v63  }
0x5f0: {  	v34 =	vperm.xlane v19, v12;
	v20 =	vadd.s32 v17, v33;
	s31 =	simm.s32 $0x7600  }
0x5f1: {  	[tilespmem:s31], [sflag:$0x1] =	stream.indirect_vreg.gather [hbm4b:s6+s2], $0x80, v30, vm0, $0xb8;
	[tilespmem:$0x13100] =	vst v63  }
0x5f2: {  	v36 =	vperm.xlane v19, v13;
	v35 =	vadd.s32 v17, v34;
	s31 =	simm.s32 $0x7680  }
0x5f3: {  	[tilespmem:s31], [sflag:$0x1] =	stream.indirect_vreg.gather [hbm4b:s6+s2], $0x80, v32, vm0, $0xb8;
	[tilespmem:$0x13100] =	vst v63  }
0x5f4: {  	v19 =	vperm.xlane v19, v14;
	v37 =	vadd.s32 v17, v36;
	s31 =	simm.s32 $0x7700  }
0x5f5: {  	[tilespmem:s31], [sflag:$0x1] =	stream.indirect_vreg.gather [hbm4b:s6+s2], $0x80, v20, vm0, $0xb8;
	[tilespmem:$0x13100] =	vst v63  }
0x5f6: {  	v19 =	vadd.s32 v17, v19;
	s31 =	simm.s32 $0x7780  }
0x5f7: {  	[tilespmem:s31], [sflag:$0x1] =	stream.indirect_vreg.gather [hbm4b:s6+s2], $0x80, v35, vm0, $0xb8;
	[tilespmem:$0x13100] =	vst v63  }
0x5f8: {  	s31 =	simm.s32 $0x7800  }
0x5f9: {  	[tilespmem:s31], [sflag:$0x1] =	stream.indirect_vreg.gather [hbm4b:s6+s2], $0x80, v37, vm0, $0xb8;
	[tilespmem:$0x13100] =	vst v63  }
0x5fa: {  	s31 =	simm.s32 $0x7880  }
0x5fb: {  	[tilespmem:s31], [sflag:$0x1] =	stream.indirect_vreg.gather [hbm4b:s6+s2], $0x80, v19, vm0, $0xb8;
	[tilespmem:$0x13100] =	vst v63  }
0x5fc: {  	v19 =	vld [tilespmem:s26+$0xFFFFFFE0];
	_ =	sdelay $0x4  }
0x5fd: {  	v20 =	vshll.u32 v19, $0x4  }
0x5fe: {  	v19 =	vand.u32 $0x7, v19;
	v20 =	vand.u32 $0xFFFFFF80, v20  }
0x5ff: {  	v19 =	vor.u32 v19, v20  }
0x600: {  	v20 =	vperm.xlane v19, v15;
	_ =	sdelay $0x1  }
0x601: {  	v38 =	vperm.xlane v19, v2;
	v20 =	vadd.s32 v17, v20;
	_ =	sdelay $0x1  }
0x602: {  	v39 =	vperm.xlane v19, v3;
	v21 =	vadd.s32 v17, v38;
	_ =	sdelay $0x1  }
0x603: {  	s31 =	simm.s32 $0x7900;
	v40 =	vperm.xlane v19, v4;
	v22 =	vadd.s32 v17, v39  }
0x604: {  	[tilespmem:s31], [sflag:$0x1] =	stream.indirect_vreg.gather [hbm4b:s6+s2], $0x80, v20, vm0, $0xb8;
	[tilespmem:$0x13100] =	vst v63  }
0x605: {  	v41 =	vperm.xlane v19, v5;
	v20 =	vadd.s32 v17, v40;
	s31 =	simm.s32 $0x7980  }
0x606: {  	[tilespmem:s31], [sflag:$0x1] =	stream.indirect_vreg.gather [hbm4b:s6+s2], $0x80, v21, vm0, $0xb8;
	[tilespmem:$0x13100] =	vst v63  }
0x607: {  	v43 =	vperm.xlane v19, v6;
	v42 =	vadd.s32 v17, v41;
	s31 =	simm.s32 $0x7A00  }
0x608: {  	[tilespmem:s31], [sflag:$0x1] =	stream.indirect_vreg.gather [hbm4b:s6+s2], $0x80, v22, vm0, $0xb8;
	[tilespmem:$0x13100] =	vst v63  }
0x609: {  	v45 =	vperm.xlane v19, v1;
	v44 =	vadd.s32 v17, v43;
	s31 =	simm.s32 $0x7A80  }
0x60a: {  	[tilespmem:s31], [sflag:$0x1] =	stream.indirect_vreg.gather [hbm4b:s6+s2], $0x80, v20, vm0, $0xb8;
	[tilespmem:$0x13100] =	vst v63  }
0x60b: {  	v46 =	vperm.xlane v19, v7;
	v20 =	vadd.s32 v17, v45;
	s31 =	simm.s32 $0x7B00  }
0x60c: {  	[tilespmem:s31], [sflag:$0x1] =	stream.indirect_vreg.gather [hbm4b:s6+s2], $0x80, v42, vm0, $0xb8;
	[tilespmem:$0x13100] =	vst v63  }
0x60d: {  	v48 =	vperm.xlane v19, v18;
	v47 =	vadd.s32 v17, v46;
	s31 =	simm.s32 $0x7B80  }
0x60e: {  	[tilespmem:s31], [sflag:$0x1] =	stream.indirect_vreg.gather [hbm4b:s6+s2], $0x80, v44, vm0, $0xb8;
	[tilespmem:$0x13100] =	vst v63  }
0x60f: {  	v50 =	vperm.xlane v19, v8;
	v49 =	vadd.s32 v17, v48;
	s31 =	simm.s32 $0x7C00  }
0x610: {  	[tilespmem:s31], [sflag:$0x1] =	stream.indirect_vreg.gather [hbm4b:s6+s2], $0x80, v20, vm0, $0xb8;
	[tilespmem:$0x13100] =	vst v63  }
0x611: {  	v51 =	vperm.xlane v19, v9;
	v20 =	vadd.s32 v17, v50;
	s31 =	simm.s32 $0x7C80  }
0x612: {  	[tilespmem:s31], [sflag:$0x1] =	stream.indirect_vreg.gather [hbm4b:s6+s2], $0x80, v47, vm0, $0xb8;
	[tilespmem:$0x13100] =	vst v63  }
0x613: {  	v53 =	vperm.xlane v19, v10;
	v52 =	vadd.s32 v17, v51;
	s31 =	simm.s32 $0x7D00  }
0x614: {  	[tilespmem:s31], [sflag:$0x1] =	stream.indirect_vreg.gather [hbm4b:s6+s2], $0x80, v49, vm0, $0xb8;
	[tilespmem:$0x13100] =	vst v63  }
0x615: {  	v55 =	vperm.xlane v19, v11;
	v54 =	vadd.s32 v17, v53;
	s31 =	simm.s32 $0x7D80  }
0x616: {  	[tilespmem:s31], [sflag:$0x1] =	stream.indirect_vreg.gather [hbm4b:s6+s2], $0x80, v20, vm0, $0xb8;
	[tilespmem:$0x13100] =	vst v63  }
0x617: {  	v56 =	vperm.xlane v19, v12;
	v20 =	vadd.s32 v17, v55;
	s31 =	simm.s32 $0x7E00  }
0x618: {  	[tilespmem:s31], [sflag:$0x1] =	stream.indirect_vreg.gather [hbm4b:s6+s2], $0x80, v52, vm0, $0xb8;
	[tilespmem:$0x13100] =	vst v63  }
0x619: {  	v58 =	vperm.xlane v19, v13;
	v57 =	vadd.s32 v17, v56;
	s31 =	simm.s32 $0x7E80  }
0x61a: {  	[tilespmem:s31], [sflag:$0x1] =	stream.indirect_vreg.gather [hbm4b:s6+s2], $0x80, v54, vm0, $0xb8;
	[tilespmem:$0x13100] =	vst v63  }
0x61b: {  	v19 =	vperm.xlane v19, v14;
	v59 =	vadd.s32 v17, v58;
	s31 =	simm.s32 $0x7F00  }
0x61c: {  	[tilespmem:s31], [sflag:$0x1] =	stream.indirect_vreg.gather [hbm4b:s6+s2], $0x80, v20, vm0, $0xb8;
	[tilespmem:$0x13100] =	vst v63  }
0x61d: {  	v19 =	vadd.s32 v17, v19;
	s31 =	simm.s32 $0x7F80  }
0x61e: {  	[tilespmem:s31], [sflag:$0x1] =	stream.indirect_vreg.gather [hbm4b:s6+s2], $0x80, v57, vm0, $0xb8;
	[tilespmem:$0x13100] =	vst v63  }
0x61f: {  	s31 =	simm.s32 $0x8000  }
0x620: {  	[tilespmem:s31], [sflag:$0x1] =	stream.indirect_vreg.gather [hbm4b:s6+s2], $0x80, v59, vm0, $0xb8;
	[tilespmem:$0x13100] =	vst v63  }
0x621: {  	s31 =	simm.s32 $0x8080  }
0x622: {  	[tilespmem:s31], [sflag:$0x1] =	stream.indirect_vreg.gather [hbm4b:s6+s2], $0x80, v19, vm0, $0xb8;
	[tilespmem:$0x13100] =	vst v63  }
0x623: {  	v19 =	vld [tilespmem:s26+$0xFFFFFFF0];
	_ =	sdelay $0x4  }
0x624: {  	v20 =	vshll.u32 v19, $0x4  }
0x625: {  	v19 =	vand.u32 $0x7, v19;
	v20 =	vand.u32 $0xFFFFFF80, v20  }
0x626: {  	v19 =	vor.u32 v19, v20  }
0x627: {  	v20 =	vperm.xlane v19, v15;
	_ =	sdelay $0x1  }
0x628: {  	v60 =	vperm.xlane v19, v2;
	v20 =	vadd.s32 v17, v20;
	_ =	sdelay $0x1  }
0x629: {  	v61 =	vperm.xlane v19, v3;
	v21 =	vadd.s32 v17, v60;
	_ =	sdelay $0x1  }
0x62a: {  	s31 =	simm.s32 $0x8100;
	v62 =	vperm.xlane v19, v4;
	v22 =	vadd.s32 v17, v61  }
0x62b: {  	[tilespmem:s31], [sflag:$0x1] =	stream.indirect_vreg.gather [hbm4b:s6+s2], $0x80, v20, vm0, $0xb8;
	[tilespmem:$0x13100] =	vst v63  }
0x62c: {  	v63 =	vperm.xlane v19, v5;
	v20 =	vadd.s32 v17, v62;
	s31 =	simm.s32 $0x8180  }
0x62d: {  	[tilespmem:s31], [sflag:$0x1] =	stream.indirect_vreg.gather [hbm4b:s6+s2], $0x80, v21, vm0, $0xb8;
	[tilespmem:$0x13100] =	vst v63  }
0x62e: {  	v25 =	vperm.xlane v19, v6;
	v24 =	vadd.s32 v17, v63;
	s31 =	simm.s32 $0x8200  }
0x62f: {  	[tilespmem:s31], [sflag:$0x1] =	stream.indirect_vreg.gather [hbm4b:s6+s2], $0x80, v22, vm0, $0xb8;
	[tilespmem:$0x13100] =	vst v63  }
0x630: {  	v27 =	vperm.xlane v19, v1;
	v26 =	vadd.s32 v17, v25;
	s31 =	simm.s32 $0x8280  }
0x631: {  	[tilespmem:s31], [sflag:$0x1] =	stream.indirect_vreg.gather [hbm4b:s6+s2], $0x80, v20, vm0, $0xb8;
	[tilespmem:$0x13100] =	vst v63  }
0x632: {  	v28 =	vperm.xlane v19, v7;
	v20 =	vadd.s32 v17, v27;
	s31 =	simm.s32 $0x8300  }
0x633: {  	[tilespmem:s31], [sflag:$0x1] =	stream.indirect_vreg.gather [hbm4b:s6+s2], $0x80, v24, vm0, $0xb8;
	[tilespmem:$0x13100] =	vst v63  }
0x634: {  	v30 =	vperm.xlane v19, v18;
	v29 =	vadd.s32 v17, v28;
	s31 =	simm.s32 $0x8380  }
0x635: {  	[tilespmem:s31], [sflag:$0x1] =	stream.indirect_vreg.gather [hbm4b:s6+s2], $0x80, v26, vm0, $0xb8;
	[tilespmem:$0x13100] =	vst v63  }
0x636: {  	v32 =	vperm.xlane v19, v8;
	v31 =	vadd.s32 v17, v30;
	s31 =	simm.s32 $0x8400  }
0x637: {  	[tilespmem:s31], [sflag:$0x1] =	stream.indirect_vreg.gather [hbm4b:s6+s2], $0x80, v20, vm0, $0xb8;
	[tilespmem:$0x13100] =	vst v63  }
0x638: {  	v33 =	vperm.xlane v19, v9;
	v20 =	vadd.s32 v17, v32;
	s31 =	simm.s32 $0x8480  }
0x639: {  	[tilespmem:s31], [sflag:$0x1] =	stream.indirect_vreg.gather [hbm4b:s6+s2], $0x80, v29, vm0, $0xb8;
	[tilespmem:$0x13100] =	vst v63  }
0x63a: {  	v35 =	vperm.xlane v19, v10;
	v34 =	vadd.s32 v17, v33;
	s31 =	simm.s32 $0x8500  }
0x63b: {  	[tilespmem:s31], [sflag:$0x1] =	stream.indirect_vreg.gather [hbm4b:s6+s2], $0x80, v31, vm0, $0xb8;
	[tilespmem:$0x13100] =	vst v63  }
0x63c: {  	v37 =	vperm.xlane v19, v11;
	v36 =	vadd.s32 v17, v35;
	s31 =	simm.s32 $0x8580  }
0x63d: {  	[tilespmem:s31], [sflag:$0x1] =	stream.indirect_vreg.gather [hbm4b:s6+s2], $0x80, v20, vm0, $0xb8;
	[tilespmem:$0x13100] =	vst v63  }
0x63e: {  	v38 =	vperm.xlane v19, v12;
	v20 =	vadd.s32 v17, v37;
	s31 =	simm.s32 $0x8600  }
0x63f: {  	[tilespmem:s31], [sflag:$0x1] =	stream.indirect_vreg.gather [hbm4b:s6+s2], $0x80, v34, vm0, $0xb8;
	[tilespmem:$0x13100] =	vst v63  }
0x640: {  	v40 =	vperm.xlane v19, v13;
	v39 =	vadd.s32 v17, v38  }
0x641: {  	[tilespmem:s0], [sflag:$0x1] =	stream.indirect_vreg.gather [hbm4b:s6+s2], $0x80, v36, vm0, $0xb8;
	[tilespmem:$0x13100] =	vst v63  }
0x642: {  	v19 =	vperm.xlane v19, v14;
	v41 =	vadd.s32 v17, v40  }
0x643: {  	[tilespmem:s10], [sflag:$0x1] =	stream.indirect_vreg.gather [hbm4b:s6+s2], $0x80, v20, vm0, $0xb8;
	[tilespmem:$0x13100] =	vst v63  }
0x644: {  	v19 =	vadd.s32 v17, v19  }
0x645: {  	[tilespmem:s13], [sflag:$0x1] =	stream.indirect_vreg.gather [hbm4b:s6+s2], $0x80, v39, vm0, $0xb8;
	[tilespmem:$0x13100] =	vst v63  }
0x646: {  	_ = 	snop  }
0x647: {  	[tilespmem:s11], [sflag:$0x1] =	stream.indirect_vreg.gather [hbm4b:s6+s2], $0x80, v41, vm0, $0xb8;
	[tilespmem:$0x13100] =	vst v63  }
0x648: {  	_ = 	snop  }
0x649: {  	[tilespmem:s3], [sflag:$0x1] =	stream.indirect_vreg.gather [hbm4b:s6+s2], $0x80, v19, vm0, $0xb8;
	[tilespmem:$0x13100] =	vst v63  }
0x64a: {  	v19 =	vld [tilespmem:s26+$0x0];
	_ =	sdelay $0x4  }
0x64b: {  	v20 =	vshll.u32 v19, $0x4  }
0x64c: {  	v19 =	vand.u32 $0x7, v19;
	v20 =	vand.u32 $0xFFFFFF80, v20  }
0x64d: {  	v19 =	vor.u32 v19, v20  }
0x64e: {  	v20 =	vperm.xlane v19, v15;
	_ =	sdelay $0x1  }
0x64f: {  	v42 =	vperm.xlane v19, v2;
	v20 =	vadd.s32 v17, v20;
	_ =	sdelay $0x1  }
0x650: {  	v43 =	vperm.xlane v19, v3;
	v21 =	vadd.s32 v17, v42;
	_ =	sdelay $0x1  }
0x651: {  	v44 =	vperm.xlane v19, v4;
	v22 =	vadd.s32 v17, v43  }
0x652: {  	[tilespmem:s4], [sflag:$0x1] =	stream.indirect_vreg.gather [hbm4b:s6+s2], $0x80, v20, vm0, $0xb8;
	[tilespmem:$0x13100] =	vst v63  }
0x653: {  	v45 =	vperm.xlane v19, v5;
	v20 =	vadd.s32 v17, v44  }
0x654: {  	[tilespmem:s5], [sflag:$0x1] =	stream.indirect_vreg.gather [hbm4b:s6+s2], $0x80, v21, vm0, $0xb8;
	[tilespmem:$0x13100] =	vst v63  }
0x655: {  	v47 =	vperm.xlane v19, v6;
	v46 =	vadd.s32 v17, v45  }
0x656: {  	[tilespmem:s7], [sflag:$0x1] =	stream.indirect_vreg.gather [hbm4b:s6+s2], $0x80, v22, vm0, $0xb8;
	[tilespmem:$0x13100] =	vst v63  }
0x657: {  	v49 =	vperm.xlane v19, v1;
	v48 =	vadd.s32 v17, v47  }
0x658: {  	[tilespmem:s25], [sflag:$0x1] =	stream.indirect_vreg.gather [hbm4b:s6+s2], $0x80, v20, vm0, $0xb8;
	[tilespmem:$0x13100] =	vst v63  }
0x659: {  	v50 =	vperm.xlane v19, v7;
	v20 =	vadd.s32 v17, v49  }
0x65a: {  	[tilespmem:s24], [sflag:$0x1] =	stream.indirect_vreg.gather [hbm4b:s6+s2], $0x80, v46, vm0, $0xb8;
	[tilespmem:$0x13100] =	vst v63  }
0x65b: {  	v52 =	vperm.xlane v19, v18;
	v51 =	vadd.s32 v17, v50  }
0x65c: {  	[tilespmem:s23], [sflag:$0x1] =	stream.indirect_vreg.gather [hbm4b:s6+s2], $0x80, v48, vm0, $0xb8;
	[tilespmem:$0x13100] =	vst v63  }
0x65d: {  	v54 =	vperm.xlane v19, v8;
	v53 =	vadd.s32 v17, v52  }
0x65e: {  	[tilespmem:s22], [sflag:$0x1] =	stream.indirect_vreg.gather [hbm4b:s6+s2], $0x80, v20, vm0, $0xb8;
	[tilespmem:$0x13100] =	vst v63  }
0x65f: {  	v55 =	vperm.xlane v19, v9;
	v20 =	vadd.s32 v17, v54  }
0x660: {  	[tilespmem:s21], [sflag:$0x1] =	stream.indirect_vreg.gather [hbm4b:s6+s2], $0x80, v51, vm0, $0xb8;
	[tilespmem:$0x13100] =	vst v63  }
0x661: {  	v57 =	vperm.xlane v19, v10;
	v56 =	vadd.s32 v17, v55  }
0x662: {  	[tilespmem:s20], [sflag:$0x1] =	stream.indirect_vreg.gather [hbm4b:s6+s2], $0x80, v53, vm0, $0xb8;
	[tilespmem:$0x13100] =	vst v63  }
0x663: {  	v59 =	vperm.xlane v19, v11;
	v58 =	vadd.s32 v17, v57  }
0x664: {  	[tilespmem:s19], [sflag:$0x1] =	stream.indirect_vreg.gather [hbm4b:s6+s2], $0x80, v20, vm0, $0xb8;
	[tilespmem:$0x13100] =	vst v63  }
0x665: {  	v60 =	vperm.xlane v19, v12;
	v20 =	vadd.s32 v17, v59  }
0x666: {  	[tilespmem:s18], [sflag:$0x1] =	stream.indirect_vreg.gather [hbm4b:s6+s2], $0x80, v56, vm0, $0xb8;
	[tilespmem:$0x13100] =	vst v63  }
0x667: {  	v62 =	vperm.xlane v19, v13;
	v61 =	vadd.s32 v17, v60  }
0x668: {  	[tilespmem:s17], [sflag:$0x1] =	stream.indirect_vreg.gather [hbm4b:s6+s2], $0x80, v58, vm0, $0xb8;
	[tilespmem:$0x13100] =	vst v63  }
0x669: {  	v19 =	vperm.xlane v19, v14;
	v63 =	vadd.s32 v17, v62  }
0x66a: {  	[tilespmem:s16], [sflag:$0x1] =	stream.indirect_vreg.gather [hbm4b:s6+s2], $0x80, v20, vm0, $0xb8;
	[tilespmem:$0x13100] =	vst v63  }
0x66b: {  	v19 =	vadd.s32 v17, v19  }
0x66c: {  	[tilespmem:s15], [sflag:$0x1] =	stream.indirect_vreg.gather [hbm4b:s6+s2], $0x80, v61, vm0, $0xb8;
	[tilespmem:$0x13100] =	vst v63  }
0x66d: {  	_ = 	snop  }
0x66e: {  	[tilespmem:s9], [sflag:$0x1] =	stream.indirect_vreg.gather [hbm4b:s6+s2], $0x80, v63, vm0, $0xb8;
	[tilespmem:$0x13100] =	vst v63  }
0x66f: {  	_ = 	snop  }
0x670: {  	[tilespmem:s8], [sflag:$0x1] =	stream.indirect_vreg.gather [hbm4b:s6+s2], $0x80, v19, vm0, $0xb8;
	[tilespmem:$0x13100] =	vst v63  }
.LBB2_4:
0x671: {  	s29 =	sadd.s32 $0x1, s29  }
0x672: {  	s31 =	sand.u32 $0x1, s29  }
0x673: {  	p1 =	seq.s32 s31, $0x0  }
.Ltmp5:
0x674: {  	_ = 	snop;
	(pc) =	sbr.rel @p1 .LBB2_6-.Ltmp5, $1  }
0x675: {  	_ =	sdelay $0x3  }
0x676: {  	v19 =	vld [tilespmem:s26+$0xFFFFFF10];
	_ =	sdelay $0x4  }
0x677: {  	v20 =	vshll.u32 v19, $0x4  }
0x678: {  	v19 =	vand.u32 $0x7, v19;
	v20 =	vand.u32 $0xFFFFFF80, v20  }
0x679: {  	v19 =	vor.u32 v19, v20  }
0x67a: {  	v20 =	vperm.xlane v19, v15;
	_ =	sdelay $0x1  }
0x67b: {  	v21 =	vperm.xlane v19, v2;
	v20 =	vadd.s32 v17, v20;
	_ =	sdelay $0x1  }
0x67c: {  	v22 =	vperm.xlane v19, v3;
	v21 =	vadd.s32 v17, v21;
	_ =	sdelay $0x1  }
0x67d: {  	s1 =	simm.s32 $0x9100;
	v23 =	vperm.xlane v19, v4;
	v22 =	vadd.s32 v17, v22  }
0x67e: {  	[tilespmem:s1], [sflag:$0x2] =	stream.indirect_vreg.gather [hbm4b:s6+s2], $0x80, v20, vm0, $0xb8;
	[tilespmem:$0x13100] =	vst v63  }
0x67f: {  	s31 =	simm.s32 $0x9180;
	v35 =	vperm.xlane v19, v5;
	v20 =	vadd.s32 v17, v23  }
0x680: {  	[tilespmem:s31], [sflag:$0x2] =	stream.indirect_vreg.gather [hbm4b:s6+s2], $0x80, v21, vm0, $0xb8;
	[tilespmem:$0x13100] =	vst v63  }
0x681: {  	v37 =	vperm.xlane v19, v6;
	v36 =	vadd.s32 v17, v35;
	s31 =	simm.s32 $0x9200  }
0x682: {  	[tilespmem:s31], [sflag:$0x2] =	stream.indirect_vreg.gather [hbm4b:s6+s2], $0x80, v22, vm0, $0xb8;
	[tilespmem:$0x13100] =	vst v63  }
0x683: {  	v39 =	vperm.xlane v19, v1;
	v38 =	vadd.s32 v17, v37;
	s31 =	simm.s32 $0x9280  }
0x684: {  	[tilespmem:s31], [sflag:$0x2] =	stream.indirect_vreg.gather [hbm4b:s6+s2], $0x80, v20, vm0, $0xb8;
	[tilespmem:$0x13100] =	vst v63  }
0x685: {  	v40 =	vperm.xlane v19, v7;
	v20 =	vadd.s32 v17, v39;
	s31 =	simm.s32 $0x9300  }
0x686: {  	[tilespmem:s31], [sflag:$0x2] =	stream.indirect_vreg.gather [hbm4b:s6+s2], $0x80, v36, vm0, $0xb8;
	[tilespmem:$0x13100] =	vst v63  }
0x687: {  	v42 =	vperm.xlane v19, v18;
	v41 =	vadd.s32 v17, v40;
	s31 =	simm.s32 $0x9380  }
0x688: {  	[tilespmem:s31], [sflag:$0x2] =	stream.indirect_vreg.gather [hbm4b:s6+s2], $0x80, v38, vm0, $0xb8;
	[tilespmem:$0x13100] =	vst v63  }
0x689: {  	v44 =	vperm.xlane v19, v8;
	v43 =	vadd.s32 v17, v42;
	s31 =	simm.s32 $0x9400  }
0x68a: {  	[tilespmem:s31], [sflag:$0x2] =	stream.indirect_vreg.gather [hbm4b:s6+s2], $0x80, v20, vm0, $0xb8;
	[tilespmem:$0x13100] =	vst v63  }
0x68b: {  	v45 =	vperm.xlane v19, v9;
	v20 =	vadd.s32 v17, v44;
	s31 =	simm.s32 $0x9480  }
0x68c: {  	[tilespmem:s31], [sflag:$0x2] =	stream.indirect_vreg.gather [hbm4b:s6+s2], $0x80, v41, vm0, $0xb8;
	[tilespmem:$0x13100] =	vst v63  }
0x68d: {  	v47 =	vperm.xlane v19, v10;
	v46 =	vadd.s32 v17, v45;
	s31 =	simm.s32 $0x9500  }
0x68e: {  	[tilespmem:s31], [sflag:$0x2] =	stream.indirect_vreg.gather [hbm4b:s6+s2], $0x80, v43, vm0, $0xb8;
	[tilespmem:$0x13100] =	vst v63  }
0x68f: {  	v49 =	vperm.xlane v19, v11;
	v48 =	vadd.s32 v17, v47;
	s31 =	simm.s32 $0x9580  }
0x690: {  	[tilespmem:s31], [sflag:$0x2] =	stream.indirect_vreg.gather [hbm4b:s6+s2], $0x80, v20, vm0, $0xb8;
	[tilespmem:$0x13100] =	vst v63  }
0x691: {  	v50 =	vperm.xlane v19, v12;
	v20 =	vadd.s32 v17, v49;
	s31 =	simm.s32 $0x9600  }
0x692: {  	[tilespmem:s31], [sflag:$0x2] =	stream.indirect_vreg.gather [hbm4b:s6+s2], $0x80, v46, vm0, $0xb8;
	[tilespmem:$0x13100] =	vst v63  }
0x693: {  	v52 =	vperm.xlane v19, v13;
	v51 =	vadd.s32 v17, v50;
	s31 =	simm.s32 $0x9680  }
0x694: {  	[tilespmem:s31], [sflag:$0x2] =	stream.indirect_vreg.gather [hbm4b:s6+s2], $0x80, v48, vm0, $0xb8;
	[tilespmem:$0x13100] =	vst v63  }
0x695: {  	v19 =	vperm.xlane v19, v14;
	v53 =	vadd.s32 v17, v52;
	s31 =	simm.s32 $0x9700  }
0x696: {  	[tilespmem:s31], [sflag:$0x2] =	stream.indirect_vreg.gather [hbm4b:s6+s2], $0x80, v20, vm0, $0xb8;
	[tilespmem:$0x13100] =	vst v63  }
0x697: {  	v19 =	vadd.s32 v17, v19;
	s31 =	simm.s32 $0x9780  }
0x698: {  	[tilespmem:s31], [sflag:$0x2] =	stream.indirect_vreg.gather [hbm4b:s6+s2], $0x80, v51, vm0, $0xb8;
	[tilespmem:$0x13100] =	vst v63  }
0x699: {  	s31 =	simm.s32 $0x9800  }
0x69a: {  	[tilespmem:s31], [sflag:$0x2] =	stream.indirect_vreg.gather [hbm4b:s6+s2], $0x80, v53, vm0, $0xb8;
	[tilespmem:$0x13100] =	vst v63  }
0x69b: {  	s31 =	simm.s32 $0x9880  }
0x69c: {  	[tilespmem:s31], [sflag:$0x2] =	stream.indirect_vreg.gather [hbm4b:s6+s2], $0x80, v19, vm0, $0xb8;
	[tilespmem:$0x13100] =	vst v63  }
0x69d: {  	v19 =	vld [tilespmem:s26+$0xFFFFFF20];
	_ =	sdelay $0x4  }
0x69e: {  	v20 =	vshll.u32 v19, $0x4  }
0x69f: {  	v19 =	vand.u32 $0x7, v19;
	v20 =	vand.u32 $0xFFFFFF80, v20  }
0x6a0: {  	v19 =	vor.u32 v19, v20  }
0x6a1: {  	v20 =	vperm.xlane v19, v15;
	_ =	sdelay $0x1  }
0x6a2: {  	v54 =	vperm.xlane v19, v2;
	v20 =	vadd.s32 v17, v20;
	_ =	sdelay $0x1  }
0x6a3: {  	v55 =	vperm.xlane v19, v3;
	v21 =	vadd.s32 v17, v54;
	_ =	sdelay $0x1  }
0x6a4: {  	s31 =	simm.s32 $0x9900;
	v56 =	vperm.xlane v19, v4;
	v22 =	vadd.s32 v17, v55  }
0x6a5: {  	[tilespmem:s31], [sflag:$0x2] =	stream.indirect_vreg.gather [hbm4b:s6+s2], $0x80, v20, vm0, $0xb8;
	[tilespmem:$0x13100] =	vst v63  }
0x6a6: {  	v57 =	vperm.xlane v19, v5;
	v20 =	vadd.s32 v17, v56;
	s31 =	simm.s32 $0x9980  }
0x6a7: {  	[tilespmem:s31], [sflag:$0x2] =	stream.indirect_vreg.gather [hbm4b:s6+s2], $0x80, v21, vm0, $0xb8;
	[tilespmem:$0x13100] =	vst v63  }
0x6a8: {  	v59 =	vperm.xlane v19, v6;
	v58 =	vadd.s32 v17, v57;
	s31 =	simm.s32 $0x9A00  }
0x6a9: {  	[tilespmem:s31], [sflag:$0x2] =	stream.indirect_vreg.gather [hbm4b:s6+s2], $0x80, v22, vm0, $0xb8;
	[tilespmem:$0x13100] =	vst v63  }
0x6aa: {  	v61 =	vperm.xlane v19, v1;
	v60 =	vadd.s32 v17, v59;
	s31 =	simm.s32 $0x9A80  }
0x6ab: {  	[tilespmem:s31], [sflag:$0x2] =	stream.indirect_vreg.gather [hbm4b:s6+s2], $0x80, v20, vm0, $0xb8;
	[tilespmem:$0x13100] =	vst v63  }
0x6ac: {  	v62 =	vperm.xlane v19, v7;
	v20 =	vadd.s32 v17, v61;
	s31 =	simm.s32 $0x9B00  }
0x6ad: {  	[tilespmem:s31], [sflag:$0x2] =	stream.indirect_vreg.gather [hbm4b:s6+s2], $0x80, v58, vm0, $0xb8;
	[tilespmem:$0x13100] =	vst v63  }
0x6ae: {  	v24 =	vperm.xlane v19, v18;
	v63 =	vadd.s32 v17, v62;
	s31 =	simm.s32 $0x9B80  }
0x6af: {  	[tilespmem:s31], [sflag:$0x2] =	stream.indirect_vreg.gather [hbm4b:s6+s2], $0x80, v60, vm0, $0xb8;
	[tilespmem:$0x13100] =	vst v63  }
0x6b0: {  	v26 =	vperm.xlane v19, v8;
	v25 =	vadd.s32 v17, v24;
	s31 =	simm.s32 $0x9C00  }
0x6b1: {  	[tilespmem:s31], [sflag:$0x2] =	stream.indirect_vreg.gather [hbm4b:s6+s2], $0x80, v20, vm0, $0xb8;
	[tilespmem:$0x13100] =	vst v63  }
0x6b2: {  	v27 =	vperm.xlane v19, v9;
	v20 =	vadd.s32 v17, v26;
	s31 =	simm.s32 $0x9C80  }
0x6b3: {  	[tilespmem:s31], [sflag:$0x2] =	stream.indirect_vreg.gather [hbm4b:s6+s2], $0x80, v63, vm0, $0xb8;
	[tilespmem:$0x13100] =	vst v63  }
0x6b4: {  	v29 =	vperm.xlane v19, v10;
	v28 =	vadd.s32 v17, v27;
	s31 =	simm.s32 $0x9D00  }
0x6b5: {  	[tilespmem:s31], [sflag:$0x2] =	stream.indirect_vreg.gather [hbm4b:s6+s2], $0x80, v25, vm0, $0xb8;
	[tilespmem:$0x13100] =	vst v63  }
0x6b6: {  	v31 =	vperm.xlane v19, v11;
	v30 =	vadd.s32 v17, v29;
	s31 =	simm.s32 $0x9D80  }
0x6b7: {  	[tilespmem:s31], [sflag:$0x2] =	stream.indirect_vreg.gather [hbm4b:s6+s2], $0x80, v20, vm0, $0xb8;
	[tilespmem:$0x13100] =	vst v63  }
0x6b8: {  	v32 =	vperm.xlane v19, v12;
	v20 =	vadd.s32 v17, v31;
	s31 =	simm.s32 $0x9E00  }
0x6b9: {  	[tilespmem:s31], [sflag:$0x2] =	stream.indirect_vreg.gather [hbm4b:s6+s2], $0x80, v28, vm0, $0xb8;
	[tilespmem:$0x13100] =	vst v63  }
0x6ba: {  	v34 =	vperm.xlane v19, v13;
	v33 =	vadd.s32 v17, v32;
	s31 =	simm.s32 $0x9E80  }
0x6bb: {  	[tilespmem:s31], [sflag:$0x2] =	stream.indirect_vreg.gather [hbm4b:s6+s2], $0x80, v30, vm0, $0xb8;
	[tilespmem:$0x13100] =	vst v63  }
0x6bc: {  	v19 =	vperm.xlane v19, v14;
	v35 =	vadd.s32 v17, v34;
	s31 =	simm.s32 $0x9F00  }
0x6bd: {  	[tilespmem:s31], [sflag:$0x2] =	stream.indirect_vreg.gather [hbm4b:s6+s2], $0x80, v20, vm0, $0xb8;
	[tilespmem:$0x13100] =	vst v63  }
0x6be: {  	v19 =	vadd.s32 v17, v19;
	s31 =	simm.s32 $0x9F80  }
0x6bf: {  	[tilespmem:s31], [sflag:$0x2] =	stream.indirect_vreg.gather [hbm4b:s6+s2], $0x80, v33, vm0, $0xb8;
	[tilespmem:$0x13100] =	vst v63  }
0x6c0: {  	s31 =	simm.s32 $0xA000  }
0x6c1: {  	[tilespmem:s31], [sflag:$0x2] =	stream.indirect_vreg.gather [hbm4b:s6+s2], $0x80, v35, vm0, $0xb8;
	[tilespmem:$0x13100] =	vst v63  }
0x6c2: {  	s31 =	simm.s32 $0xA080  }
0x6c3: {  	[tilespmem:s31], [sflag:$0x2] =	stream.indirect_vreg.gather [hbm4b:s6+s2], $0x80, v19, vm0, $0xb8;
	[tilespmem:$0x13100] =	vst v63  }
0x6c4: {  	v19 =	vld [tilespmem:s26+$0xFFFFFF30];
	_ =	sdelay $0x4  }
0x6c5: {  	v20 =	vshll.u32 v19, $0x4  }
0x6c6: {  	v19 =	vand.u32 $0x7, v19;
	v20 =	vand.u32 $0xFFFFFF80, v20  }
0x6c7: {  	v19 =	vor.u32 v19, v20  }
0x6c8: {  	v20 =	vperm.xlane v19, v15;
	_ =	sdelay $0x1  }
0x6c9: {  	v36 =	vperm.xlane v19, v2;
	v20 =	vadd.s32 v17, v20;
	_ =	sdelay $0x1  }
0x6ca: {  	v37 =	vperm.xlane v19, v3;
	v21 =	vadd.s32 v17, v36;
	_ =	sdelay $0x1  }
0x6cb: {  	s31 =	simm.s32 $0xA100;
	v38 =	vperm.xlane v19, v4;
	v22 =	vadd.s32 v17, v37  }
0x6cc: {  	[tilespmem:s31], [sflag:$0x2] =	stream.indirect_vreg.gather [hbm4b:s6+s2], $0x80, v20, vm0, $0xb8;
	[tilespmem:$0x13100] =	vst v63  }
0x6cd: {  	v39 =	vperm.xlane v19, v5;
	v20 =	vadd.s32 v17, v38;
	s31 =	simm.s32 $0xA180  }
0x6ce: {  	[tilespmem:s31], [sflag:$0x2] =	stream.indirect_vreg.gather [hbm4b:s6+s2], $0x80, v21, vm0, $0xb8;
	[tilespmem:$0x13100] =	vst v63  }
0x6cf: {  	v41 =	vperm.xlane v19, v6;
	v40 =	vadd.s32 v17, v39;
	s31 =	simm.s32 $0xA200  }
0x6d0: {  	[tilespmem:s31], [sflag:$0x2] =	stream.indirect_vreg.gather [hbm4b:s6+s2], $0x80, v22, vm0, $0xb8;
	[tilespmem:$0x13100] =	vst v63  }
0x6d1: {  	v43 =	vperm.xlane v19, v1;
	v42 =	vadd.s32 v17, v41;
	s31 =	simm.s32 $0xA280  }
0x6d2: {  	[tilespmem:s31], [sflag:$0x2] =	stream.indirect_vreg.gather [hbm4b:s6+s2], $0x80, v20, vm0, $0xb8;
	[tilespmem:$0x13100] =	vst v63  }
0x6d3: {  	v44 =	vperm.xlane v19, v7;
	v20 =	vadd.s32 v17, v43;
	s31 =	simm.s32 $0xA300  }
0x6d4: {  	[tilespmem:s31], [sflag:$0x2] =	stream.indirect_vreg.gather [hbm4b:s6+s2], $0x80, v40, vm0, $0xb8;
	[tilespmem:$0x13100] =	vst v63  }
0x6d5: {  	v46 =	vperm.xlane v19, v18;
	v45 =	vadd.s32 v17, v44;
	s31 =	simm.s32 $0xA380  }
0x6d6: {  	[tilespmem:s31], [sflag:$0x2] =	stream.indirect_vreg.gather [hbm4b:s6+s2], $0x80, v42, vm0, $0xb8;
	[tilespmem:$0x13100] =	vst v63  }
0x6d7: {  	v48 =	vperm.xlane v19, v8;
	v47 =	vadd.s32 v17, v46;
	s31 =	simm.s32 $0xA400  }
0x6d8: {  	[tilespmem:s31], [sflag:$0x2] =	stream.indirect_vreg.gather [hbm4b:s6+s2], $0x80, v20, vm0, $0xb8;
	[tilespmem:$0x13100] =	vst v63  }
0x6d9: {  	v49 =	vperm.xlane v19, v9;
	v20 =	vadd.s32 v17, v48;
	s31 =	simm.s32 $0xA480  }
0x6da: {  	[tilespmem:s31], [sflag:$0x2] =	stream.indirect_vreg.gather [hbm4b:s6+s2], $0x80, v45, vm0, $0xb8;
	[tilespmem:$0x13100] =	vst v63  }
0x6db: {  	v51 =	vperm.xlane v19, v10;
	v50 =	vadd.s32 v17, v49;
	s31 =	simm.s32 $0xA500  }
0x6dc: {  	[tilespmem:s31], [sflag:$0x2] =	stream.indirect_vreg.gather [hbm4b:s6+s2], $0x80, v47, vm0, $0xb8;
	[tilespmem:$0x13100] =	vst v63  }
0x6dd: {  	v53 =	vperm.xlane v19, v11;
	v52 =	vadd.s32 v17, v51;
	s31 =	simm.s32 $0xA580  }
0x6de: {  	[tilespmem:s31], [sflag:$0x2] =	stream.indirect_vreg.gather [hbm4b:s6+s2], $0x80, v20, vm0, $0xb8;
	[tilespmem:$0x13100] =	vst v63  }
0x6df: {  	v54 =	vperm.xlane v19, v12;
	v20 =	vadd.s32 v17, v53;
	s31 =	simm.s32 $0xA600  }
0x6e0: {  	[tilespmem:s31], [sflag:$0x2] =	stream.indirect_vreg.gather [hbm4b:s6+s2], $0x80, v50, vm0, $0xb8;
	[tilespmem:$0x13100] =	vst v63  }
0x6e1: {  	v56 =	vperm.xlane v19, v13;
	v55 =	vadd.s32 v17, v54;
	s31 =	simm.s32 $0xA680  }
0x6e2: {  	[tilespmem:s31], [sflag:$0x2] =	stream.indirect_vreg.gather [hbm4b:s6+s2], $0x80, v52, vm0, $0xb8;
	[tilespmem:$0x13100] =	vst v63  }
0x6e3: {  	v19 =	vperm.xlane v19, v14;
	v57 =	vadd.s32 v17, v56;
	s31 =	simm.s32 $0xA700  }
0x6e4: {  	[tilespmem:s31], [sflag:$0x2] =	stream.indirect_vreg.gather [hbm4b:s6+s2], $0x80, v20, vm0, $0xb8;
	[tilespmem:$0x13100] =	vst v63  }
0x6e5: {  	v19 =	vadd.s32 v17, v19;
	s31 =	simm.s32 $0xA780  }
0x6e6: {  	[tilespmem:s31], [sflag:$0x2] =	stream.indirect_vreg.gather [hbm4b:s6+s2], $0x80, v55, vm0, $0xb8;
	[tilespmem:$0x13100] =	vst v63  }
0x6e7: {  	s31 =	simm.s32 $0xA800  }
0x6e8: {  	[tilespmem:s31], [sflag:$0x2] =	stream.indirect_vreg.gather [hbm4b:s6+s2], $0x80, v57, vm0, $0xb8;
	[tilespmem:$0x13100] =	vst v63  }
0x6e9: {  	s31 =	simm.s32 $0xA880  }
0x6ea: {  	[tilespmem:s31], [sflag:$0x2] =	stream.indirect_vreg.gather [hbm4b:s6+s2], $0x80, v19, vm0, $0xb8;
	[tilespmem:$0x13100] =	vst v63  }
0x6eb: {  	v19 =	vld [tilespmem:s26+$0xFFFFFF40];
	_ =	sdelay $0x4  }
0x6ec: {  	v20 =	vshll.u32 v19, $0x4  }
0x6ed: {  	v19 =	vand.u32 $0x7, v19;
	v20 =	vand.u32 $0xFFFFFF80, v20  }
0x6ee: {  	v19 =	vor.u32 v19, v20  }
0x6ef: {  	v20 =	vperm.xlane v19, v15;
	_ =	sdelay $0x1  }
0x6f0: {  	v58 =	vperm.xlane v19, v2;
	v20 =	vadd.s32 v17, v20;
	_ =	sdelay $0x1  }
0x6f1: {  	v59 =	vperm.xlane v19, v3;
	v21 =	vadd.s32 v17, v58;
	_ =	sdelay $0x1  }
0x6f2: {  	s31 =	simm.s32 $0xA900;
	v60 =	vperm.xlane v19, v4;
	v22 =	vadd.s32 v17, v59  }
0x6f3: {  	[tilespmem:s31], [sflag:$0x2] =	stream.indirect_vreg.gather [hbm4b:s6+s2], $0x80, v20, vm0, $0xb8;
	[tilespmem:$0x13100] =	vst v63  }
0x6f4: {  	v61 =	vperm.xlane v19, v5;
	v20 =	vadd.s32 v17, v60;
	s31 =	simm.s32 $0xA980  }
0x6f5: {  	[tilespmem:s31], [sflag:$0x2] =	stream.indirect_vreg.gather [hbm4b:s6+s2], $0x80, v21, vm0, $0xb8;
	[tilespmem:$0x13100] =	vst v63  }
0x6f6: {  	v63 =	vperm.xlane v19, v6;
	v62 =	vadd.s32 v17, v61;
	s31 =	simm.s32 $0xAA00  }
0x6f7: {  	[tilespmem:s31], [sflag:$0x2] =	stream.indirect_vreg.gather [hbm4b:s6+s2], $0x80, v22, vm0, $0xb8;
	[tilespmem:$0x13100] =	vst v63  }
0x6f8: {  	v25 =	vperm.xlane v19, v1;
	v24 =	vadd.s32 v17, v63;
	s31 =	simm.s32 $0xAA80  }
0x6f9: {  	[tilespmem:s31], [sflag:$0x2] =	stream.indirect_vreg.gather [hbm4b:s6+s2], $0x80, v20, vm0, $0xb8;
	[tilespmem:$0x13100] =	vst v63  }
0x6fa: {  	v26 =	vperm.xlane v19, v7;
	v20 =	vadd.s32 v17, v25;
	s31 =	simm.s32 $0xAB00  }
0x6fb: {  	[tilespmem:s31], [sflag:$0x2] =	stream.indirect_vreg.gather [hbm4b:s6+s2], $0x80, v62, vm0, $0xb8;
	[tilespmem:$0x13100] =	vst v63  }
0x6fc: {  	v28 =	vperm.xlane v19, v18;
	v27 =	vadd.s32 v17, v26;
	s31 =	simm.s32 $0xAB80  }
0x6fd: {  	[tilespmem:s31], [sflag:$0x2] =	stream.indirect_vreg.gather [hbm4b:s6+s2], $0x80, v24, vm0, $0xb8;
	[tilespmem:$0x13100] =	vst v63  }
0x6fe: {  	v30 =	vperm.xlane v19, v8;
	v29 =	vadd.s32 v17, v28;
	s31 =	simm.s32 $0xAC00  }
0x6ff: {  	[tilespmem:s31], [sflag:$0x2] =	stream.indirect_vreg.gather [hbm4b:s6+s2], $0x80, v20, vm0, $0xb8;
	[tilespmem:$0x13100] =	vst v63  }
0x700: {  	v31 =	vperm.xlane v19, v9;
	v20 =	vadd.s32 v17, v30;
	s31 =	simm.s32 $0xAC80  }
0x701: {  	[tilespmem:s31], [sflag:$0x2] =	stream.indirect_vreg.gather [hbm4b:s6+s2], $0x80, v27, vm0, $0xb8;
	[tilespmem:$0x13100] =	vst v63  }
0x702: {  	v33 =	vperm.xlane v19, v10;
	v32 =	vadd.s32 v17, v31;
	s31 =	simm.s32 $0xAD00  }
0x703: {  	[tilespmem:s31], [sflag:$0x2] =	stream.indirect_vreg.gather [hbm4b:s6+s2], $0x80, v29, vm0, $0xb8;
	[tilespmem:$0x13100] =	vst v63  }
0x704: {  	v35 =	vperm.xlane v19, v11;
	v34 =	vadd.s32 v17, v33;
	s31 =	simm.s32 $0xAD80  }
0x705: {  	[tilespmem:s31], [sflag:$0x2] =	stream.indirect_vreg.gather [hbm4b:s6+s2], $0x80, v20, vm0, $0xb8;
	[tilespmem:$0x13100] =	vst v63  }
0x706: {  	v36 =	vperm.xlane v19, v12;
	v20 =	vadd.s32 v17, v35;
	s31 =	simm.s32 $0xAE00  }
0x707: {  	[tilespmem:s31], [sflag:$0x2] =	stream.indirect_vreg.gather [hbm4b:s6+s2], $0x80, v32, vm0, $0xb8;
	[tilespmem:$0x13100] =	vst v63  }
0x708: {  	v38 =	vperm.xlane v19, v13;
	v37 =	vadd.s32 v17, v36;
	s31 =	simm.s32 $0xAE80  }
0x709: {  	[tilespmem:s31], [sflag:$0x2] =	stream.indirect_vreg.gather [hbm4b:s6+s2], $0x80, v34, vm0, $0xb8;
	[tilespmem:$0x13100] =	vst v63  }
0x70a: {  	v19 =	vperm.xlane v19, v14;
	v39 =	vadd.s32 v17, v38;
	s31 =	simm.s32 $0xAF00  }
0x70b: {  	[tilespmem:s31], [sflag:$0x2] =	stream.indirect_vreg.gather [hbm4b:s6+s2], $0x80, v20, vm0, $0xb8;
	[tilespmem:$0x13100] =	vst v63  }
0x70c: {  	v19 =	vadd.s32 v17, v19;
	s31 =	simm.s32 $0xAF80  }
0x70d: {  	[tilespmem:s31], [sflag:$0x2] =	stream.indirect_vreg.gather [hbm4b:s6+s2], $0x80, v37, vm0, $0xb8;
	[tilespmem:$0x13100] =	vst v63  }
0x70e: {  	s31 =	simm.s32 $0xB000  }
0x70f: {  	[tilespmem:s31], [sflag:$0x2] =	stream.indirect_vreg.gather [hbm4b:s6+s2], $0x80, v39, vm0, $0xb8;
	[tilespmem:$0x13100] =	vst v63  }
0x710: {  	s31 =	simm.s32 $0xB080  }
0x711: {  	[tilespmem:s31], [sflag:$0x2] =	stream.indirect_vreg.gather [hbm4b:s6+s2], $0x80, v19, vm0, $0xb8;
	[tilespmem:$0x13100] =	vst v63  }
0x712: {  	v19 =	vld [tilespmem:s26+$0xFFFFFF50];
	_ =	sdelay $0x4  }
0x713: {  	v20 =	vshll.u32 v19, $0x4  }
0x714: {  	v19 =	vand.u32 $0x7, v19;
	v20 =	vand.u32 $0xFFFFFF80, v20  }
0x715: {  	v19 =	vor.u32 v19, v20  }
0x716: {  	v20 =	vperm.xlane v19, v15;
	_ =	sdelay $0x1  }
0x717: {  	v40 =	vperm.xlane v19, v2;
	v20 =	vadd.s32 v17, v20;
	_ =	sdelay $0x1  }
0x718: {  	v41 =	vperm.xlane v19, v3;
	v21 =	vadd.s32 v17, v40;
	_ =	sdelay $0x1  }
0x719: {  	s31 =	simm.s32 $0xB100;
	v42 =	vperm.xlane v19, v4;
	v22 =	vadd.s32 v17, v41  }
0x71a: {  	[tilespmem:s31], [sflag:$0x2] =	stream.indirect_vreg.gather [hbm4b:s6+s2], $0x80, v20, vm0, $0xb8;
	[tilespmem:$0x13100] =	vst v63  }
0x71b: {  	v43 =	vperm.xlane v19, v5;
	v20 =	vadd.s32 v17, v42;
	s31 =	simm.s32 $0xB180  }
0x71c: {  	[tilespmem:s31], [sflag:$0x2] =	stream.indirect_vreg.gather [hbm4b:s6+s2], $0x80, v21, vm0, $0xb8;
	[tilespmem:$0x13100] =	vst v63  }
0x71d: {  	v45 =	vperm.xlane v19, v6;
	v44 =	vadd.s32 v17, v43;
	s31 =	simm.s32 $0xB200  }
0x71e: {  	[tilespmem:s31], [sflag:$0x2] =	stream.indirect_vreg.gather [hbm4b:s6+s2], $0x80, v22, vm0, $0xb8;
	[tilespmem:$0x13100] =	vst v63  }
0x71f: {  	v47 =	vperm.xlane v19, v1;
	v46 =	vadd.s32 v17, v45;
	s31 =	simm.s32 $0xB280  }
0x720: {  	[tilespmem:s31], [sflag:$0x2] =	stream.indirect_vreg.gather [hbm4b:s6+s2], $0x80, v20, vm0, $0xb8;
	[tilespmem:$0x13100] =	vst v63  }
0x721: {  	v48 =	vperm.xlane v19, v7;
	v20 =	vadd.s32 v17, v47;
	s31 =	simm.s32 $0xB300  }
0x722: {  	[tilespmem:s31], [sflag:$0x2] =	stream.indirect_vreg.gather [hbm4b:s6+s2], $0x80, v44, vm0, $0xb8;
	[tilespmem:$0x13100] =	vst v63  }
0x723: {  	v50 =	vperm.xlane v19, v18;
	v49 =	vadd.s32 v17, v48;
	s31 =	simm.s32 $0xB380  }
0x724: {  	[tilespmem:s31], [sflag:$0x2] =	stream.indirect_vreg.gather [hbm4b:s6+s2], $0x80, v46, vm0, $0xb8;
	[tilespmem:$0x13100] =	vst v63  }
0x725: {  	v52 =	vperm.xlane v19, v8;
	v51 =	vadd.s32 v17, v50;
	s31 =	simm.s32 $0xB400  }
0x726: {  	[tilespmem:s31], [sflag:$0x2] =	stream.indirect_vreg.gather [hbm4b:s6+s2], $0x80, v20, vm0, $0xb8;
	[tilespmem:$0x13100] =	vst v63  }
0x727: {  	v53 =	vperm.xlane v19, v9;
	v20 =	vadd.s32 v17, v52;
	s31 =	simm.s32 $0xB480  }
0x728: {  	[tilespmem:s31], [sflag:$0x2] =	stream.indirect_vreg.gather [hbm4b:s6+s2], $0x80, v49, vm0, $0xb8;
	[tilespmem:$0x13100] =	vst v63  }
0x729: {  	v55 =	vperm.xlane v19, v10;
	v54 =	vadd.s32 v17, v53;
	s31 =	simm.s32 $0xB500  }
0x72a: {  	[tilespmem:s31], [sflag:$0x2] =	stream.indirect_vreg.gather [hbm4b:s6+s2], $0x80, v51, vm0, $0xb8;
	[tilespmem:$0x13100] =	vst v63  }
0x72b: {  	v57 =	vperm.xlane v19, v11;
	v56 =	vadd.s32 v17, v55;
	s31 =	simm.s32 $0xB580  }
0x72c: {  	[tilespmem:s31], [sflag:$0x2] =	stream.indirect_vreg.gather [hbm4b:s6+s2], $0x80, v20, vm0, $0xb8;
	[tilespmem:$0x13100] =	vst v63  }
0x72d: {  	v58 =	vperm.xlane v19, v12;
	v20 =	vadd.s32 v17, v57;
	s31 =	simm.s32 $0xB600  }
0x72e: {  	[tilespmem:s31], [sflag:$0x2] =	stream.indirect_vreg.gather [hbm4b:s6+s2], $0x80, v54, vm0, $0xb8;
	[tilespmem:$0x13100] =	vst v63  }
0x72f: {  	v60 =	vperm.xlane v19, v13;
	v59 =	vadd.s32 v17, v58;
	s31 =	simm.s32 $0xB680  }
0x730: {  	[tilespmem:s31], [sflag:$0x2] =	stream.indirect_vreg.gather [hbm4b:s6+s2], $0x80, v56, vm0, $0xb8;
	[tilespmem:$0x13100] =	vst v63  }
0x731: {  	v19 =	vperm.xlane v19, v14;
	v61 =	vadd.s32 v17, v60;
	s31 =	simm.s32 $0xB700  }
0x732: {  	[tilespmem:s31], [sflag:$0x2] =	stream.indirect_vreg.gather [hbm4b:s6+s2], $0x80, v20, vm0, $0xb8;
	[tilespmem:$0x13100] =	vst v63  }
0x733: {  	v19 =	vadd.s32 v17, v19;
	s31 =	simm.s32 $0xB780  }
0x734: {  	[tilespmem:s31], [sflag:$0x2] =	stream.indirect_vreg.gather [hbm4b:s6+s2], $0x80, v59, vm0, $0xb8;
	[tilespmem:$0x13100] =	vst v63  }
0x735: {  	s31 =	simm.s32 $0xB800  }
0x736: {  	[tilespmem:s31], [sflag:$0x2] =	stream.indirect_vreg.gather [hbm4b:s6+s2], $0x80, v61, vm0, $0xb8;
	[tilespmem:$0x13100] =	vst v63  }
0x737: {  	s31 =	simm.s32 $0xB880  }
0x738: {  	[tilespmem:s31], [sflag:$0x2] =	stream.indirect_vreg.gather [hbm4b:s6+s2], $0x80, v19, vm0, $0xb8;
	[tilespmem:$0x13100] =	vst v63  }
0x739: {  	v19 =	vld [tilespmem:s26+$0xFFFFFF60];
	_ =	sdelay $0x4  }
0x73a: {  	v20 =	vshll.u32 v19, $0x4  }
0x73b: {  	v19 =	vand.u32 $0x7, v19;
	v20 =	vand.u32 $0xFFFFFF80, v20  }
0x73c: {  	v19 =	vor.u32 v19, v20  }
0x73d: {  	v20 =	vperm.xlane v19, v15;
	_ =	sdelay $0x1  }
0x73e: {  	v62 =	vperm.xlane v19, v2;
	v20 =	vadd.s32 v17, v20;
	_ =	sdelay $0x1  }
0x73f: {  	v63 =	vperm.xlane v19, v3;
	v21 =	vadd.s32 v17, v62;
	_ =	sdelay $0x1  }
0x740: {  	s31 =	simm.s32 $0xB900;
	v24 =	vperm.xlane v19, v4;
	v22 =	vadd.s32 v17, v63  }
0x741: {  	[tilespmem:s31], [sflag:$0x2] =	stream.indirect_vreg.gather [hbm4b:s6+s2], $0x80, v20, vm0, $0xb8;
	[tilespmem:$0x13100] =	vst v63  }
0x742: {  	v25 =	vperm.xlane v19, v5;
	v20 =	vadd.s32 v17, v24;
	s31 =	simm.s32 $0xB980  }
0x743: {  	[tilespmem:s31], [sflag:$0x2] =	stream.indirect_vreg.gather [hbm4b:s6+s2], $0x80, v21, vm0, $0xb8;
	[tilespmem:$0x13100] =	vst v63  }
0x744: {  	v27 =	vperm.xlane v19, v6;
	v26 =	vadd.s32 v17, v25;
	s31 =	simm.s32 $0xBA00  }
0x745: {  	[tilespmem:s31], [sflag:$0x2] =	stream.indirect_vreg.gather [hbm4b:s6+s2], $0x80, v22, vm0, $0xb8;
	[tilespmem:$0x13100] =	vst v63  }
0x746: {  	v29 =	vperm.xlane v19, v1;
	v28 =	vadd.s32 v17, v27;
	s31 =	simm.s32 $0xBA80  }
0x747: {  	[tilespmem:s31], [sflag:$0x2] =	stream.indirect_vreg.gather [hbm4b:s6+s2], $0x80, v20, vm0, $0xb8;
	[tilespmem:$0x13100] =	vst v63  }
0x748: {  	v30 =	vperm.xlane v19, v7;
	v20 =	vadd.s32 v17, v29;
	s31 =	simm.s32 $0xBB00  }
0x749: {  	[tilespmem:s31], [sflag:$0x2] =	stream.indirect_vreg.gather [hbm4b:s6+s2], $0x80, v26, vm0, $0xb8;
	[tilespmem:$0x13100] =	vst v63  }
0x74a: {  	v32 =	vperm.xlane v19, v18;
	v31 =	vadd.s32 v17, v30;
	s31 =	simm.s32 $0xBB80  }
0x74b: {  	[tilespmem:s31], [sflag:$0x2] =	stream.indirect_vreg.gather [hbm4b:s6+s2], $0x80, v28, vm0, $0xb8;
	[tilespmem:$0x13100] =	vst v63  }
0x74c: {  	v34 =	vperm.xlane v19, v8;
	v33 =	vadd.s32 v17, v32;
	s31 =	simm.s32 $0xBC00  }
0x74d: {  	[tilespmem:s31], [sflag:$0x2] =	stream.indirect_vreg.gather [hbm4b:s6+s2], $0x80, v20, vm0, $0xb8;
	[tilespmem:$0x13100] =	vst v63  }
0x74e: {  	v35 =	vperm.xlane v19, v9;
	v20 =	vadd.s32 v17, v34;
	s31 =	simm.s32 $0xBC80  }
0x74f: {  	[tilespmem:s31], [sflag:$0x2] =	stream.indirect_vreg.gather [hbm4b:s6+s2], $0x80, v31, vm0, $0xb8;
	[tilespmem:$0x13100] =	vst v63  }
0x750: {  	v37 =	vperm.xlane v19, v10;
	v36 =	vadd.s32 v17, v35;
	s31 =	simm.s32 $0xBD00  }
0x751: {  	[tilespmem:s31], [sflag:$0x2] =	stream.indirect_vreg.gather [hbm4b:s6+s2], $0x80, v33, vm0, $0xb8;
	[tilespmem:$0x13100] =	vst v63  }
0x752: {  	v39 =	vperm.xlane v19, v11;
	v38 =	vadd.s32 v17, v37;
	s31 =	simm.s32 $0xBD80  }
0x753: {  	[tilespmem:s31], [sflag:$0x2] =	stream.indirect_vreg.gather [hbm4b:s6+s2], $0x80, v20, vm0, $0xb8;
	[tilespmem:$0x13100] =	vst v63  }
0x754: {  	v40 =	vperm.xlane v19, v12;
	v20 =	vadd.s32 v17, v39;
	s31 =	simm.s32 $0xBE00  }
0x755: {  	[tilespmem:s31], [sflag:$0x2] =	stream.indirect_vreg.gather [hbm4b:s6+s2], $0x80, v36, vm0, $0xb8;
	[tilespmem:$0x13100] =	vst v63  }
0x756: {  	v42 =	vperm.xlane v19, v13;
	v41 =	vadd.s32 v17, v40;
	s31 =	simm.s32 $0xBE80  }
0x757: {  	[tilespmem:s31], [sflag:$0x2] =	stream.indirect_vreg.gather [hbm4b:s6+s2], $0x80, v38, vm0, $0xb8;
	[tilespmem:$0x13100] =	vst v63  }
0x758: {  	v19 =	vperm.xlane v19, v14;
	v43 =	vadd.s32 v17, v42;
	s31 =	simm.s32 $0xBF00  }
0x759: {  	[tilespmem:s31], [sflag:$0x2] =	stream.indirect_vreg.gather [hbm4b:s6+s2], $0x80, v20, vm0, $0xb8;
	[tilespmem:$0x13100] =	vst v63  }
0x75a: {  	v19 =	vadd.s32 v17, v19;
	s31 =	simm.s32 $0xBF80  }
0x75b: {  	[tilespmem:s31], [sflag:$0x2] =	stream.indirect_vreg.gather [hbm4b:s6+s2], $0x80, v41, vm0, $0xb8;
	[tilespmem:$0x13100] =	vst v63  }
0x75c: {  	s31 =	simm.s32 $0xC000  }
0x75d: {  	[tilespmem:s31], [sflag:$0x2] =	stream.indirect_vreg.gather [hbm4b:s6+s2], $0x80, v43, vm0, $0xb8;
	[tilespmem:$0x13100] =	vst v63  }
0x75e: {  	s31 =	simm.s32 $0xC080  }
0x75f: {  	[tilespmem:s31], [sflag:$0x2] =	stream.indirect_vreg.gather [hbm4b:s6+s2], $0x80, v19, vm0, $0xb8;
	[tilespmem:$0x13100] =	vst v63  }
0x760: {  	v19 =	vld [tilespmem:s26+$0xFFFFFF70];
	_ =	sdelay $0x4  }
0x761: {  	v20 =	vshll.u32 v19, $0x4  }
0x762: {  	v19 =	vand.u32 $0x7, v19;
	v20 =	vand.u32 $0xFFFFFF80, v20  }
0x763: {  	v19 =	vor.u32 v19, v20  }
0x764: {  	v20 =	vperm.xlane v19, v15;
	_ =	sdelay $0x1  }
0x765: {  	v44 =	vperm.xlane v19, v2;
	v20 =	vadd.s32 v17, v20;
	_ =	sdelay $0x1  }
0x766: {  	v45 =	vperm.xlane v19, v3;
	v21 =	vadd.s32 v17, v44;
	_ =	sdelay $0x1  }
0x767: {  	s31 =	simm.s32 $0xC100;
	v46 =	vperm.xlane v19, v4;
	v22 =	vadd.s32 v17, v45  }
0x768: {  	[tilespmem:s31], [sflag:$0x2] =	stream.indirect_vreg.gather [hbm4b:s6+s2], $0x80, v20, vm0, $0xb8;
	[tilespmem:$0x13100] =	vst v63  }
0x769: {  	v47 =	vperm.xlane v19, v5;
	v20 =	vadd.s32 v17, v46;
	s31 =	simm.s32 $0xC180  }
0x76a: {  	[tilespmem:s31], [sflag:$0x2] =	stream.indirect_vreg.gather [hbm4b:s6+s2], $0x80, v21, vm0, $0xb8;
	[tilespmem:$0x13100] =	vst v63  }
0x76b: {  	v49 =	vperm.xlane v19, v6;
	v48 =	vadd.s32 v17, v47;
	s31 =	simm.s32 $0xC200  }
0x76c: {  	[tilespmem:s31], [sflag:$0x2] =	stream.indirect_vreg.gather [hbm4b:s6+s2], $0x80, v22, vm0, $0xb8;
	[tilespmem:$0x13100] =	vst v63  }
0x76d: {  	v51 =	vperm.xlane v19, v1;
	v50 =	vadd.s32 v17, v49;
	s31 =	simm.s32 $0xC280  }
0x76e: {  	[tilespmem:s31], [sflag:$0x2] =	stream.indirect_vreg.gather [hbm4b:s6+s2], $0x80, v20, vm0, $0xb8;
	[tilespmem:$0x13100] =	vst v63  }
0x76f: {  	v52 =	vperm.xlane v19, v7;
	v20 =	vadd.s32 v17, v51;
	s31 =	simm.s32 $0xC300  }
0x770: {  	[tilespmem:s31], [sflag:$0x2] =	stream.indirect_vreg.gather [hbm4b:s6+s2], $0x80, v48, vm0, $0xb8;
	[tilespmem:$0x13100] =	vst v63  }
0x771: {  	v54 =	vperm.xlane v19, v18;
	v53 =	vadd.s32 v17, v52;
	s31 =	simm.s32 $0xC380  }
0x772: {  	[tilespmem:s31], [sflag:$0x2] =	stream.indirect_vreg.gather [hbm4b:s6+s2], $0x80, v50, vm0, $0xb8;
	[tilespmem:$0x13100] =	vst v63  }
0x773: {  	v56 =	vperm.xlane v19, v8;
	v55 =	vadd.s32 v17, v54;
	s31 =	simm.s32 $0xC400  }
0x774: {  	[tilespmem:s31], [sflag:$0x2] =	stream.indirect_vreg.gather [hbm4b:s6+s2], $0x80, v20, vm0, $0xb8;
	[tilespmem:$0x13100] =	vst v63  }
0x775: {  	v57 =	vperm.xlane v19, v9;
	v20 =	vadd.s32 v17, v56;
	s31 =	simm.s32 $0xC480  }
0x776: {  	[tilespmem:s31], [sflag:$0x2] =	stream.indirect_vreg.gather [hbm4b:s6+s2], $0x80, v53, vm0, $0xb8;
	[tilespmem:$0x13100] =	vst v63  }
0x777: {  	v59 =	vperm.xlane v19, v10;
	v58 =	vadd.s32 v17, v57;
	s31 =	simm.s32 $0xC500  }
0x778: {  	[tilespmem:s31], [sflag:$0x2] =	stream.indirect_vreg.gather [hbm4b:s6+s2], $0x80, v55, vm0, $0xb8;
	[tilespmem:$0x13100] =	vst v63  }
0x779: {  	v61 =	vperm.xlane v19, v11;
	v60 =	vadd.s32 v17, v59;
	s31 =	simm.s32 $0xC580  }
0x77a: {  	[tilespmem:s31], [sflag:$0x2] =	stream.indirect_vreg.gather [hbm4b:s6+s2], $0x80, v20, vm0, $0xb8;
	[tilespmem:$0x13100] =	vst v63  }
0x77b: {  	v62 =	vperm.xlane v19, v12;
	v20 =	vadd.s32 v17, v61;
	s31 =	simm.s32 $0xC600  }
0x77c: {  	[tilespmem:s31], [sflag:$0x2] =	stream.indirect_vreg.gather [hbm4b:s6+s2], $0x80, v58, vm0, $0xb8;
	[tilespmem:$0x13100] =	vst v63  }
0x77d: {  	v24 =	vperm.xlane v19, v13;
	v63 =	vadd.s32 v17, v62;
	s31 =	simm.s32 $0xC680  }
0x77e: {  	[tilespmem:s31], [sflag:$0x2] =	stream.indirect_vreg.gather [hbm4b:s6+s2], $0x80, v60, vm0, $0xb8;
	[tilespmem:$0x13100] =	vst v63  }
0x77f: {  	v19 =	vperm.xlane v19, v14;
	v25 =	vadd.s32 v17, v24;
	s31 =	simm.s32 $0xC700  }
0x780: {  	[tilespmem:s31], [sflag:$0x2] =	stream.indirect_vreg.gather [hbm4b:s6+s2], $0x80, v20, vm0, $0xb8;
	[tilespmem:$0x13100] =	vst v63  }
0x781: {  	v19 =	vadd.s32 v17, v19;
	s31 =	simm.s32 $0xC780  }
0x782: {  	[tilespmem:s31], [sflag:$0x2] =	stream.indirect_vreg.gather [hbm4b:s6+s2], $0x80, v63, vm0, $0xb8;
	[tilespmem:$0x13100] =	vst v63  }
0x783: {  	s31 =	simm.s32 $0xC800  }
0x784: {  	[tilespmem:s31], [sflag:$0x2] =	stream.indirect_vreg.gather [hbm4b:s6+s2], $0x80, v25, vm0, $0xb8;
	[tilespmem:$0x13100] =	vst v63  }
0x785: {  	s31 =	simm.s32 $0xC880  }
0x786: {  	[tilespmem:s31], [sflag:$0x2] =	stream.indirect_vreg.gather [hbm4b:s6+s2], $0x80, v19, vm0, $0xb8;
	[tilespmem:$0x13100] =	vst v63  }
0x787: {  	v19 =	vld [tilespmem:s26+$0xFFFFFF80];
	_ =	sdelay $0x4  }
0x788: {  	v20 =	vshll.u32 v19, $0x4  }
0x789: {  	v19 =	vand.u32 $0x7, v19;
	v20 =	vand.u32 $0xFFFFFF80, v20  }
0x78a: {  	v19 =	vor.u32 v19, v20  }
0x78b: {  	v20 =	vperm.xlane v19, v15;
	_ =	sdelay $0x1  }
0x78c: {  	v26 =	vperm.xlane v19, v2;
	v20 =	vadd.s32 v17, v20;
	_ =	sdelay $0x1  }
0x78d: {  	v27 =	vperm.xlane v19, v3;
	v21 =	vadd.s32 v17, v26;
	_ =	sdelay $0x1  }
0x78e: {  	s31 =	simm.s32 $0xC900;
	v28 =	vperm.xlane v19, v4;
	v22 =	vadd.s32 v17, v27  }
0x78f: {  	[tilespmem:s31], [sflag:$0x2] =	stream.indirect_vreg.gather [hbm4b:s6+s2], $0x80, v20, vm0, $0xb8;
	[tilespmem:$0x13100] =	vst v63  }
0x790: {  	v29 =	vperm.xlane v19, v5;
	v20 =	vadd.s32 v17, v28;
	s31 =	simm.s32 $0xC980  }
0x791: {  	[tilespmem:s31], [sflag:$0x2] =	stream.indirect_vreg.gather [hbm4b:s6+s2], $0x80, v21, vm0, $0xb8;
	[tilespmem:$0x13100] =	vst v63  }
0x792: {  	v31 =	vperm.xlane v19, v6;
	v30 =	vadd.s32 v17, v29;
	s31 =	simm.s32 $0xCA00  }
0x793: {  	[tilespmem:s31], [sflag:$0x2] =	stream.indirect_vreg.gather [hbm4b:s6+s2], $0x80, v22, vm0, $0xb8;
	[tilespmem:$0x13100] =	vst v63  }
0x794: {  	v33 =	vperm.xlane v19, v1;
	v32 =	vadd.s32 v17, v31;
	s31 =	simm.s32 $0xCA80  }
0x795: {  	[tilespmem:s31], [sflag:$0x2] =	stream.indirect_vreg.gather [hbm4b:s6+s2], $0x80, v20, vm0, $0xb8;
	[tilespmem:$0x13100] =	vst v63  }
0x796: {  	v34 =	vperm.xlane v19, v7;
	v20 =	vadd.s32 v17, v33;
	s31 =	simm.s32 $0xCB00  }
0x797: {  	[tilespmem:s31], [sflag:$0x2] =	stream.indirect_vreg.gather [hbm4b:s6+s2], $0x80, v30, vm0, $0xb8;
	[tilespmem:$0x13100] =	vst v63  }
0x798: {  	v36 =	vperm.xlane v19, v18;
	v35 =	vadd.s32 v17, v34;
	s31 =	simm.s32 $0xCB80  }
0x799: {  	[tilespmem:s31], [sflag:$0x2] =	stream.indirect_vreg.gather [hbm4b:s6+s2], $0x80, v32, vm0, $0xb8;
	[tilespmem:$0x13100] =	vst v63  }
0x79a: {  	v38 =	vperm.xlane v19, v8;
	v37 =	vadd.s32 v17, v36;
	s31 =	simm.s32 $0xCC00  }
0x79b: {  	[tilespmem:s31], [sflag:$0x2] =	stream.indirect_vreg.gather [hbm4b:s6+s2], $0x80, v20, vm0, $0xb8;
	[tilespmem:$0x13100] =	vst v63  }
0x79c: {  	v39 =	vperm.xlane v19, v9;
	v20 =	vadd.s32 v17, v38;
	s31 =	simm.s32 $0xCC80  }
0x79d: {  	[tilespmem:s31], [sflag:$0x2] =	stream.indirect_vreg.gather [hbm4b:s6+s2], $0x80, v35, vm0, $0xb8;
	[tilespmem:$0x13100] =	vst v63  }
0x79e: {  	v41 =	vperm.xlane v19, v10;
	v40 =	vadd.s32 v17, v39;
	s31 =	simm.s32 $0xCD00  }
0x79f: {  	[tilespmem:s31], [sflag:$0x2] =	stream.indirect_vreg.gather [hbm4b:s6+s2], $0x80, v37, vm0, $0xb8;
	[tilespmem:$0x13100] =	vst v63  }
0x7a0: {  	v43 =	vperm.xlane v19, v11;
	v42 =	vadd.s32 v17, v41;
	s31 =	simm.s32 $0xCD80  }
0x7a1: {  	[tilespmem:s31], [sflag:$0x2] =	stream.indirect_vreg.gather [hbm4b:s6+s2], $0x80, v20, vm0, $0xb8;
	[tilespmem:$0x13100] =	vst v63  }
0x7a2: {  	v44 =	vperm.xlane v19, v12;
	v20 =	vadd.s32 v17, v43;
	s31 =	simm.s32 $0xCE00  }
0x7a3: {  	[tilespmem:s31], [sflag:$0x2] =	stream.indirect_vreg.gather [hbm4b:s6+s2], $0x80, v40, vm0, $0xb8;
	[tilespmem:$0x13100] =	vst v63  }
0x7a4: {  	v46 =	vperm.xlane v19, v13;
	v45 =	vadd.s32 v17, v44;
	s31 =	simm.s32 $0xCE80  }
0x7a5: {  	[tilespmem:s31], [sflag:$0x2] =	stream.indirect_vreg.gather [hbm4b:s6+s2], $0x80, v42, vm0, $0xb8;
	[tilespmem:$0x13100] =	vst v63  }
0x7a6: {  	v19 =	vperm.xlane v19, v14;
	v47 =	vadd.s32 v17, v46;
	s31 =	simm.s32 $0xCF00  }
0x7a7: {  	[tilespmem:s31], [sflag:$0x2] =	stream.indirect_vreg.gather [hbm4b:s6+s2], $0x80, v20, vm0, $0xb8;
	[tilespmem:$0x13100] =	vst v63  }
0x7a8: {  	v19 =	vadd.s32 v17, v19;
	s31 =	simm.s32 $0xCF80  }
0x7a9: {  	[tilespmem:s31], [sflag:$0x2] =	stream.indirect_vreg.gather [hbm4b:s6+s2], $0x80, v45, vm0, $0xb8;
	[tilespmem:$0x13100] =	vst v63  }
0x7aa: {  	s31 =	simm.s32 $0xD000  }
0x7ab: {  	[tilespmem:s31], [sflag:$0x2] =	stream.indirect_vreg.gather [hbm4b:s6+s2], $0x80, v47, vm0, $0xb8;
	[tilespmem:$0x13100] =	vst v63  }
0x7ac: {  	s31 =	simm.s32 $0xD080  }
0x7ad: {  	[tilespmem:s31], [sflag:$0x2] =	stream.indirect_vreg.gather [hbm4b:s6+s2], $0x80, v19, vm0, $0xb8;
	[tilespmem:$0x13100] =	vst v63  }
0x7ae: {  	v19 =	vld [tilespmem:s26+$0xFFFFFF90];
	_ =	sdelay $0x4  }
0x7af: {  	v20 =	vshll.u32 v19, $0x4  }
0x7b0: {  	v19 =	vand.u32 $0x7, v19;
	v20 =	vand.u32 $0xFFFFFF80, v20  }
0x7b1: {  	v19 =	vor.u32 v19, v20  }
0x7b2: {  	v20 =	vperm.xlane v19, v15;
	_ =	sdelay $0x1  }
0x7b3: {  	v48 =	vperm.xlane v19, v2;
	v20 =	vadd.s32 v17, v20;
	_ =	sdelay $0x1  }
0x7b4: {  	v49 =	vperm.xlane v19, v3;
	v21 =	vadd.s32 v17, v48;
	_ =	sdelay $0x1  }
0x7b5: {  	s31 =	simm.s32 $0xD100;
	v50 =	vperm.xlane v19, v4;
	v22 =	vadd.s32 v17, v49  }
0x7b6: {  	[tilespmem:s31], [sflag:$0x2] =	stream.indirect_vreg.gather [hbm4b:s6+s2], $0x80, v20, vm0, $0xb8;
	[tilespmem:$0x13100] =	vst v63  }
0x7b7: {  	v51 =	vperm.xlane v19, v5;
	v20 =	vadd.s32 v17, v50;
	s31 =	simm.s32 $0xD180  }
0x7b8: {  	[tilespmem:s31], [sflag:$0x2] =	stream.indirect_vreg.gather [hbm4b:s6+s2], $0x80, v21, vm0, $0xb8;
	[tilespmem:$0x13100] =	vst v63  }
0x7b9: {  	v53 =	vperm.xlane v19, v6;
	v52 =	vadd.s32 v17, v51;
	s31 =	simm.s32 $0xD200  }
0x7ba: {  	[tilespmem:s31], [sflag:$0x2] =	stream.indirect_vreg.gather [hbm4b:s6+s2], $0x80, v22, vm0, $0xb8;
	[tilespmem:$0x13100] =	vst v63  }
0x7bb: {  	v55 =	vperm.xlane v19, v1;
	v54 =	vadd.s32 v17, v53;
	s31 =	simm.s32 $0xD280  }
0x7bc: {  	[tilespmem:s31], [sflag:$0x2] =	stream.indirect_vreg.gather [hbm4b:s6+s2], $0x80, v20, vm0, $0xb8;
	[tilespmem:$0x13100] =	vst v63  }
0x7bd: {  	v56 =	vperm.xlane v19, v7;
	v20 =	vadd.s32 v17, v55;
	s31 =	simm.s32 $0xD300  }
0x7be: {  	[tilespmem:s31], [sflag:$0x2] =	stream.indirect_vreg.gather [hbm4b:s6+s2], $0x80, v52, vm0, $0xb8;
	[tilespmem:$0x13100] =	vst v63  }
0x7bf: {  	v58 =	vperm.xlane v19, v18;
	v57 =	vadd.s32 v17, v56;
	s31 =	simm.s32 $0xD380  }
0x7c0: {  	[tilespmem:s31], [sflag:$0x2] =	stream.indirect_vreg.gather [hbm4b:s6+s2], $0x80, v54, vm0, $0xb8;
	[tilespmem:$0x13100] =	vst v63  }
0x7c1: {  	v60 =	vperm.xlane v19, v8;
	v59 =	vadd.s32 v17, v58;
	s31 =	simm.s32 $0xD400  }
0x7c2: {  	[tilespmem:s31], [sflag:$0x2] =	stream.indirect_vreg.gather [hbm4b:s6+s2], $0x80, v20, vm0, $0xb8;
	[tilespmem:$0x13100] =	vst v63  }
0x7c3: {  	v61 =	vperm.xlane v19, v9;
	v20 =	vadd.s32 v17, v60;
	s31 =	simm.s32 $0xD480  }
0x7c4: {  	[tilespmem:s31], [sflag:$0x2] =	stream.indirect_vreg.gather [hbm4b:s6+s2], $0x80, v57, vm0, $0xb8;
	[tilespmem:$0x13100] =	vst v63  }
0x7c5: {  	v63 =	vperm.xlane v19, v10;
	v62 =	vadd.s32 v17, v61;
	s31 =	simm.s32 $0xD500  }
0x7c6: {  	[tilespmem:s31], [sflag:$0x2] =	stream.indirect_vreg.gather [hbm4b:s6+s2], $0x80, v59, vm0, $0xb8;
	[tilespmem:$0x13100] =	vst v63  }
0x7c7: {  	v25 =	vperm.xlane v19, v11;
	v24 =	vadd.s32 v17, v63;
	s31 =	simm.s32 $0xD580  }
0x7c8: {  	[tilespmem:s31], [sflag:$0x2] =	stream.indirect_vreg.gather [hbm4b:s6+s2], $0x80, v20, vm0, $0xb8;
	[tilespmem:$0x13100] =	vst v63  }
0x7c9: {  	v26 =	vperm.xlane v19, v12;
	v20 =	vadd.s32 v17, v25;
	s31 =	simm.s32 $0xD600  }
0x7ca: {  	[tilespmem:s31], [sflag:$0x2] =	stream.indirect_vreg.gather [hbm4b:s6+s2], $0x80, v62, vm0, $0xb8;
	[tilespmem:$0x13100] =	vst v63  }
0x7cb: {  	v28 =	vperm.xlane v19, v13;
	v27 =	vadd.s32 v17, v26;
	s31 =	simm.s32 $0xD680  }
0x7cc: {  	[tilespmem:s31], [sflag:$0x2] =	stream.indirect_vreg.gather [hbm4b:s6+s2], $0x80, v24, vm0, $0xb8;
	[tilespmem:$0x13100] =	vst v63  }
0x7cd: {  	v19 =	vperm.xlane v19, v14;
	v29 =	vadd.s32 v17, v28;
	s31 =	simm.s32 $0xD700  }
0x7ce: {  	[tilespmem:s31], [sflag:$0x2] =	stream.indirect_vreg.gather [hbm4b:s6+s2], $0x80, v20, vm0, $0xb8;
	[tilespmem:$0x13100] =	vst v63  }
0x7cf: {  	v19 =	vadd.s32 v17, v19;
	s31 =	simm.s32 $0xD780  }
0x7d0: {  	[tilespmem:s31], [sflag:$0x2] =	stream.indirect_vreg.gather [hbm4b:s6+s2], $0x80, v27, vm0, $0xb8;
	[tilespmem:$0x13100] =	vst v63  }
0x7d1: {  	s31 =	simm.s32 $0xD800  }
0x7d2: {  	[tilespmem:s31], [sflag:$0x2] =	stream.indirect_vreg.gather [hbm4b:s6+s2], $0x80, v29, vm0, $0xb8;
	[tilespmem:$0x13100] =	vst v63  }
0x7d3: {  	s31 =	simm.s32 $0xD880  }
0x7d4: {  	[tilespmem:s31], [sflag:$0x2] =	stream.indirect_vreg.gather [hbm4b:s6+s2], $0x80, v19, vm0, $0xb8;
	[tilespmem:$0x13100] =	vst v63  }
0x7d5: {  	v19 =	vld [tilespmem:s26+$0xFFFFFFA0];
	_ =	sdelay $0x4  }
0x7d6: {  	v20 =	vshll.u32 v19, $0x4  }
0x7d7: {  	v19 =	vand.u32 $0x7, v19;
	v20 =	vand.u32 $0xFFFFFF80, v20  }
0x7d8: {  	v19 =	vor.u32 v19, v20  }
0x7d9: {  	v20 =	vperm.xlane v19, v15;
	_ =	sdelay $0x1  }
0x7da: {  	v30 =	vperm.xlane v19, v2;
	v20 =	vadd.s32 v17, v20;
	_ =	sdelay $0x1  }
0x7db: {  	v31 =	vperm.xlane v19, v3;
	v21 =	vadd.s32 v17, v30;
	_ =	sdelay $0x1  }
0x7dc: {  	s31 =	simm.s32 $0xD900;
	v32 =	vperm.xlane v19, v4;
	v22 =	vadd.s32 v17, v31  }
0x7dd: {  	[tilespmem:s31], [sflag:$0x2] =	stream.indirect_vreg.gather [hbm4b:s6+s2], $0x80, v20, vm0, $0xb8;
	[tilespmem:$0x13100] =	vst v63  }
0x7de: {  	v33 =	vperm.xlane v19, v5;
	v20 =	vadd.s32 v17, v32;
	s31 =	simm.s32 $0xD980  }
0x7df: {  	[tilespmem:s31], [sflag:$0x2] =	stream.indirect_vreg.gather [hbm4b:s6+s2], $0x80, v21, vm0, $0xb8;
	[tilespmem:$0x13100] =	vst v63  }
0x7e0: {  	v35 =	vperm.xlane v19, v6;
	v34 =	vadd.s32 v17, v33;
	s31 =	simm.s32 $0xDA00  }
0x7e1: {  	[tilespmem:s31], [sflag:$0x2] =	stream.indirect_vreg.gather [hbm4b:s6+s2], $0x80, v22, vm0, $0xb8;
	[tilespmem:$0x13100] =	vst v63  }
0x7e2: {  	v37 =	vperm.xlane v19, v1;
	v36 =	vadd.s32 v17, v35;
	s31 =	simm.s32 $0xDA80  }
0x7e3: {  	[tilespmem:s31], [sflag:$0x2] =	stream.indirect_vreg.gather [hbm4b:s6+s2], $0x80, v20, vm0, $0xb8;
	[tilespmem:$0x13100] =	vst v63  }
0x7e4: {  	v38 =	vperm.xlane v19, v7;
	v20 =	vadd.s32 v17, v37;
	s31 =	simm.s32 $0xDB00  }
0x7e5: {  	[tilespmem:s31], [sflag:$0x2] =	stream.indirect_vreg.gather [hbm4b:s6+s2], $0x80, v34, vm0, $0xb8;
	[tilespmem:$0x13100] =	vst v63  }
0x7e6: {  	v40 =	vperm.xlane v19, v18;
	v39 =	vadd.s32 v17, v38;
	s31 =	simm.s32 $0xDB80  }
0x7e7: {  	[tilespmem:s31], [sflag:$0x2] =	stream.indirect_vreg.gather [hbm4b:s6+s2], $0x80, v36, vm0, $0xb8;
	[tilespmem:$0x13100] =	vst v63  }
0x7e8: {  	v42 =	vperm.xlane v19, v8;
	v41 =	vadd.s32 v17, v40;
	s31 =	simm.s32 $0xDC00  }
0x7e9: {  	[tilespmem:s31], [sflag:$0x2] =	stream.indirect_vreg.gather [hbm4b:s6+s2], $0x80, v20, vm0, $0xb8;
	[tilespmem:$0x13100] =	vst v63  }
0x7ea: {  	v43 =	vperm.xlane v19, v9;
	v20 =	vadd.s32 v17, v42;
	s31 =	simm.s32 $0xDC80  }
0x7eb: {  	[tilespmem:s31], [sflag:$0x2] =	stream.indirect_vreg.gather [hbm4b:s6+s2], $0x80, v39, vm0, $0xb8;
	[tilespmem:$0x13100] =	vst v63  }
0x7ec: {  	v45 =	vperm.xlane v19, v10;
	v44 =	vadd.s32 v17, v43;
	s31 =	simm.s32 $0xDD00  }
0x7ed: {  	[tilespmem:s31], [sflag:$0x2] =	stream.indirect_vreg.gather [hbm4b:s6+s2], $0x80, v41, vm0, $0xb8;
	[tilespmem:$0x13100] =	vst v63  }
0x7ee: {  	v47 =	vperm.xlane v19, v11;
	v46 =	vadd.s32 v17, v45;
	s31 =	simm.s32 $0xDD80  }
0x7ef: {  	[tilespmem:s31], [sflag:$0x2] =	stream.indirect_vreg.gather [hbm4b:s6+s2], $0x80, v20, vm0, $0xb8;
	[tilespmem:$0x13100] =	vst v63  }
0x7f0: {  	v48 =	vperm.xlane v19, v12;
	v20 =	vadd.s32 v17, v47;
	s31 =	simm.s32 $0xDE00  }
0x7f1: {  	[tilespmem:s31], [sflag:$0x2] =	stream.indirect_vreg.gather [hbm4b:s6+s2], $0x80, v44, vm0, $0xb8;
	[tilespmem:$0x13100] =	vst v63  }
0x7f2: {  	v50 =	vperm.xlane v19, v13;
	v49 =	vadd.s32 v17, v48;
	s31 =	simm.s32 $0xDE80  }
0x7f3: {  	[tilespmem:s31], [sflag:$0x2] =	stream.indirect_vreg.gather [hbm4b:s6+s2], $0x80, v46, vm0, $0xb8;
	[tilespmem:$0x13100] =	vst v63  }
0x7f4: {  	v19 =	vperm.xlane v19, v14;
	v51 =	vadd.s32 v17, v50;
	s31 =	simm.s32 $0xDF00  }
0x7f5: {  	[tilespmem:s31], [sflag:$0x2] =	stream.indirect_vreg.gather [hbm4b:s6+s2], $0x80, v20, vm0, $0xb8;
	[tilespmem:$0x13100] =	vst v63  }
0x7f6: {  	v19 =	vadd.s32 v17, v19;
	s31 =	simm.s32 $0xDF80  }
0x7f7: {  	[tilespmem:s31], [sflag:$0x2] =	stream.indirect_vreg.gather [hbm4b:s6+s2], $0x80, v49, vm0, $0xb8;
	[tilespmem:$0x13100] =	vst v63  }
0x7f8: {  	s31 =	simm.s32 $0xE000  }
0x7f9: {  	[tilespmem:s31], [sflag:$0x2] =	stream.indirect_vreg.gather [hbm4b:s6+s2], $0x80, v51, vm0, $0xb8;
	[tilespmem:$0x13100] =	vst v63  }
0x7fa: {  	s31 =	simm.s32 $0xE080  }
0x7fb: {  	[tilespmem:s31], [sflag:$0x2] =	stream.indirect_vreg.gather [hbm4b:s6+s2], $0x80, v19, vm0, $0xb8;
	[tilespmem:$0x13100] =	vst v63  }
0x7fc: {  	v19 =	vld [tilespmem:s26+$0xFFFFFFB0];
	_ =	sdelay $0x4  }
0x7fd: {  	v20 =	vshll.u32 v19, $0x4  }
0x7fe: {  	v19 =	vand.u32 $0x7, v19;
	v20 =	vand.u32 $0xFFFFFF80, v20  }
0x7ff: {  	v19 =	vor.u32 v19, v20  }
0x800: {  	v20 =	vperm.xlane v19, v15;
	_ =	sdelay $0x1  }
0x801: {  	v52 =	vperm.xlane v19, v2;
	v20 =	vadd.s32 v17, v20;
	_ =	sdelay $0x1  }
0x802: {  	v53 =	vperm.xlane v19, v3;
	v21 =	vadd.s32 v17, v52;
	_ =	sdelay $0x1  }
0x803: {  	s31 =	simm.s32 $0xE100;
	v54 =	vperm.xlane v19, v4;
	v22 =	vadd.s32 v17, v53  }
0x804: {  	[tilespmem:s31], [sflag:$0x2] =	stream.indirect_vreg.gather [hbm4b:s6+s2], $0x80, v20, vm0, $0xb8;
	[tilespmem:$0x13100] =	vst v63  }
0x805: {  	v55 =	vperm.xlane v19, v5;
	v20 =	vadd.s32 v17, v54;
	s31 =	simm.s32 $0xE180  }
0x806: {  	[tilespmem:s31], [sflag:$0x2] =	stream.indirect_vreg.gather [hbm4b:s6+s2], $0x80, v21, vm0, $0xb8;
	[tilespmem:$0x13100] =	vst v63  }
0x807: {  	v57 =	vperm.xlane v19, v6;
	v56 =	vadd.s32 v17, v55;
	s31 =	simm.s32 $0xE200  }
0x808: {  	[tilespmem:s31], [sflag:$0x2] =	stream.indirect_vreg.gather [hbm4b:s6+s2], $0x80, v22, vm0, $0xb8;
	[tilespmem:$0x13100] =	vst v63  }
0x809: {  	v59 =	vperm.xlane v19, v1;
	v58 =	vadd.s32 v17, v57;
	s31 =	simm.s32 $0xE280  }
0x80a: {  	[tilespmem:s31], [sflag:$0x2] =	stream.indirect_vreg.gather [hbm4b:s6+s2], $0x80, v20, vm0, $0xb8;
	[tilespmem:$0x13100] =	vst v63  }
0x80b: {  	v60 =	vperm.xlane v19, v7;
	v20 =	vadd.s32 v17, v59;
	s31 =	simm.s32 $0xE300  }
0x80c: {  	[tilespmem:s31], [sflag:$0x2] =	stream.indirect_vreg.gather [hbm4b:s6+s2], $0x80, v56, vm0, $0xb8;
	[tilespmem:$0x13100] =	vst v63  }
0x80d: {  	v62 =	vperm.xlane v19, v18;
	v61 =	vadd.s32 v17, v60;
	s31 =	simm.s32 $0xE380  }
0x80e: {  	[tilespmem:s31], [sflag:$0x2] =	stream.indirect_vreg.gather [hbm4b:s6+s2], $0x80, v58, vm0, $0xb8;
	[tilespmem:$0x13100] =	vst v63  }
0x80f: {  	v24 =	vperm.xlane v19, v8;
	v63 =	vadd.s32 v17, v62;
	s31 =	simm.s32 $0xE400  }
0x810: {  	[tilespmem:s31], [sflag:$0x2] =	stream.indirect_vreg.gather [hbm4b:s6+s2], $0x80, v20, vm0, $0xb8;
	[tilespmem:$0x13100] =	vst v63  }
0x811: {  	v25 =	vperm.xlane v19, v9;
	v20 =	vadd.s32 v17, v24;
	s31 =	simm.s32 $0xE480  }
0x812: {  	[tilespmem:s31], [sflag:$0x2] =	stream.indirect_vreg.gather [hbm4b:s6+s2], $0x80, v61, vm0, $0xb8;
	[tilespmem:$0x13100] =	vst v63  }
0x813: {  	v27 =	vperm.xlane v19, v10;
	v26 =	vadd.s32 v17, v25;
	s31 =	simm.s32 $0xE500  }
0x814: {  	[tilespmem:s31], [sflag:$0x2] =	stream.indirect_vreg.gather [hbm4b:s6+s2], $0x80, v63, vm0, $0xb8;
	[tilespmem:$0x13100] =	vst v63  }
0x815: {  	v29 =	vperm.xlane v19, v11;
	v28 =	vadd.s32 v17, v27;
	s31 =	simm.s32 $0xE580  }
0x816: {  	[tilespmem:s31], [sflag:$0x2] =	stream.indirect_vreg.gather [hbm4b:s6+s2], $0x80, v20, vm0, $0xb8;
	[tilespmem:$0x13100] =	vst v63  }
0x817: {  	v30 =	vperm.xlane v19, v12;
	v20 =	vadd.s32 v17, v29;
	s31 =	simm.s32 $0xE600  }
0x818: {  	[tilespmem:s31], [sflag:$0x2] =	stream.indirect_vreg.gather [hbm4b:s6+s2], $0x80, v26, vm0, $0xb8;
	[tilespmem:$0x13100] =	vst v63  }
0x819: {  	v32 =	vperm.xlane v19, v13;
	v31 =	vadd.s32 v17, v30;
	s31 =	simm.s32 $0xE680  }
0x81a: {  	[tilespmem:s31], [sflag:$0x2] =	stream.indirect_vreg.gather [hbm4b:s6+s2], $0x80, v28, vm0, $0xb8;
	[tilespmem:$0x13100] =	vst v63  }
0x81b: {  	v19 =	vperm.xlane v19, v14;
	v33 =	vadd.s32 v17, v32;
	s31 =	simm.s32 $0xE700  }
0x81c: {  	[tilespmem:s31], [sflag:$0x2] =	stream.indirect_vreg.gather [hbm4b:s6+s2], $0x80, v20, vm0, $0xb8;
	[tilespmem:$0x13100] =	vst v63  }
0x81d: {  	v19 =	vadd.s32 v17, v19;
	s31 =	simm.s32 $0xE780  }
0x81e: {  	[tilespmem:s31], [sflag:$0x2] =	stream.indirect_vreg.gather [hbm4b:s6+s2], $0x80, v31, vm0, $0xb8;
	[tilespmem:$0x13100] =	vst v63  }
0x81f: {  	s31 =	simm.s32 $0xE800  }
0x820: {  	[tilespmem:s31], [sflag:$0x2] =	stream.indirect_vreg.gather [hbm4b:s6+s2], $0x80, v33, vm0, $0xb8;
	[tilespmem:$0x13100] =	vst v63  }
0x821: {  	s31 =	simm.s32 $0xE880  }
0x822: {  	[tilespmem:s31], [sflag:$0x2] =	stream.indirect_vreg.gather [hbm4b:s6+s2], $0x80, v19, vm0, $0xb8;
	[tilespmem:$0x13100] =	vst v63  }
0x823: {  	v19 =	vld [tilespmem:s26+$0xFFFFFFC0];
	_ =	sdelay $0x4  }
0x824: {  	v20 =	vshll.u32 v19, $0x4  }
0x825: {  	v19 =	vand.u32 $0x7, v19;
	v20 =	vand.u32 $0xFFFFFF80, v20  }
0x826: {  	v19 =	vor.u32 v19, v20  }
0x827: {  	v20 =	vperm.xlane v19, v15;
	_ =	sdelay $0x1  }
0x828: {  	v34 =	vperm.xlane v19, v2;
	v20 =	vadd.s32 v17, v20;
	_ =	sdelay $0x1  }
0x829: {  	v35 =	vperm.xlane v19, v3;
	v21 =	vadd.s32 v17, v34;
	_ =	sdelay $0x1  }
0x82a: {  	s31 =	simm.s32 $0xE900;
	v36 =	vperm.xlane v19, v4;
	v22 =	vadd.s32 v17, v35  }
0x82b: {  	[tilespmem:s31], [sflag:$0x2] =	stream.indirect_vreg.gather [hbm4b:s6+s2], $0x80, v20, vm0, $0xb8;
	[tilespmem:$0x13100] =	vst v63  }
0x82c: {  	v37 =	vperm.xlane v19, v5;
	v20 =	vadd.s32 v17, v36;
	s31 =	simm.s32 $0xE980  }
0x82d: {  	[tilespmem:s31], [sflag:$0x2] =	stream.indirect_vreg.gather [hbm4b:s6+s2], $0x80, v21, vm0, $0xb8;
	[tilespmem:$0x13100] =	vst v63  }
0x82e: {  	v39 =	vperm.xlane v19, v6;
	v38 =	vadd.s32 v17, v37;
	s31 =	simm.s32 $0xEA00  }
0x82f: {  	[tilespmem:s31], [sflag:$0x2] =	stream.indirect_vreg.gather [hbm4b:s6+s2], $0x80, v22, vm0, $0xb8;
	[tilespmem:$0x13100] =	vst v63  }
0x830: {  	v41 =	vperm.xlane v19, v1;
	v40 =	vadd.s32 v17, v39;
	s31 =	simm.s32 $0xEA80  }
0x831: {  	[tilespmem:s31], [sflag:$0x2] =	stream.indirect_vreg.gather [hbm4b:s6+s2], $0x80, v20, vm0, $0xb8;
	[tilespmem:$0x13100] =	vst v63  }
0x832: {  	v42 =	vperm.xlane v19, v7;
	v20 =	vadd.s32 v17, v41;
	s31 =	simm.s32 $0xEB00  }
0x833: {  	[tilespmem:s31], [sflag:$0x2] =	stream.indirect_vreg.gather [hbm4b:s6+s2], $0x80, v38, vm0, $0xb8;
	[tilespmem:$0x13100] =	vst v63  }
0x834: {  	v44 =	vperm.xlane v19, v18;
	v43 =	vadd.s32 v17, v42;
	s31 =	simm.s32 $0xEB80  }
0x835: {  	[tilespmem:s31], [sflag:$0x2] =	stream.indirect_vreg.gather [hbm4b:s6+s2], $0x80, v40, vm0, $0xb8;
	[tilespmem:$0x13100] =	vst v63  }
0x836: {  	v46 =	vperm.xlane v19, v8;
	v45 =	vadd.s32 v17, v44;
	s31 =	simm.s32 $0xEC00  }
0x837: {  	[tilespmem:s31], [sflag:$0x2] =	stream.indirect_vreg.gather [hbm4b:s6+s2], $0x80, v20, vm0, $0xb8;
	[tilespmem:$0x13100] =	vst v63  }
0x838: {  	v47 =	vperm.xlane v19, v9;
	v20 =	vadd.s32 v17, v46;
	s31 =	simm.s32 $0xEC80  }
0x839: {  	[tilespmem:s31], [sflag:$0x2] =	stream.indirect_vreg.gather [hbm4b:s6+s2], $0x80, v43, vm0, $0xb8;
	[tilespmem:$0x13100] =	vst v63  }
0x83a: {  	v49 =	vperm.xlane v19, v10;
	v48 =	vadd.s32 v17, v47;
	s31 =	simm.s32 $0xED00  }
0x83b: {  	[tilespmem:s31], [sflag:$0x2] =	stream.indirect_vreg.gather [hbm4b:s6+s2], $0x80, v45, vm0, $0xb8;
	[tilespmem:$0x13100] =	vst v63  }
0x83c: {  	v51 =	vperm.xlane v19, v11;
	v50 =	vadd.s32 v17, v49;
	s31 =	simm.s32 $0xED80  }
0x83d: {  	[tilespmem:s31], [sflag:$0x2] =	stream.indirect_vreg.gather [hbm4b:s6+s2], $0x80, v20, vm0, $0xb8;
	[tilespmem:$0x13100] =	vst v63  }
0x83e: {  	v52 =	vperm.xlane v19, v12;
	v20 =	vadd.s32 v17, v51;
	s31 =	simm.s32 $0xEE00  }
0x83f: {  	[tilespmem:s31], [sflag:$0x2] =	stream.indirect_vreg.gather [hbm4b:s6+s2], $0x80, v48, vm0, $0xb8;
	[tilespmem:$0x13100] =	vst v63  }
0x840: {  	v54 =	vperm.xlane v19, v13;
	v53 =	vadd.s32 v17, v52;
	s31 =	simm.s32 $0xEE80  }
0x841: {  	[tilespmem:s31], [sflag:$0x2] =	stream.indirect_vreg.gather [hbm4b:s6+s2], $0x80, v50, vm0, $0xb8;
	[tilespmem:$0x13100] =	vst v63  }
0x842: {  	v19 =	vperm.xlane v19, v14;
	v55 =	vadd.s32 v17, v54;
	s31 =	simm.s32 $0xEF00  }
0x843: {  	[tilespmem:s31], [sflag:$0x2] =	stream.indirect_vreg.gather [hbm4b:s6+s2], $0x80, v20, vm0, $0xb8;
	[tilespmem:$0x13100] =	vst v63  }
0x844: {  	v19 =	vadd.s32 v17, v19;
	s31 =	simm.s32 $0xEF80  }
0x845: {  	[tilespmem:s31], [sflag:$0x2] =	stream.indirect_vreg.gather [hbm4b:s6+s2], $0x80, v53, vm0, $0xb8;
	[tilespmem:$0x13100] =	vst v63  }
0x846: {  	s31 =	simm.s32 $0xF000  }
0x847: {  	[tilespmem:s31], [sflag:$0x2] =	stream.indirect_vreg.gather [hbm4b:s6+s2], $0x80, v55, vm0, $0xb8;
	[tilespmem:$0x13100] =	vst v63  }
0x848: {  	s31 =	simm.s32 $0xF080  }
0x849: {  	[tilespmem:s31], [sflag:$0x2] =	stream.indirect_vreg.gather [hbm4b:s6+s2], $0x80, v19, vm0, $0xb8;
	[tilespmem:$0x13100] =	vst v63  }
0x84a: {  	v19 =	vld [tilespmem:s26+$0xFFFFFFD0];
	_ =	sdelay $0x4  }
0x84b: {  	v20 =	vshll.u32 v19, $0x4  }
0x84c: {  	v19 =	vand.u32 $0x7, v19;
	v20 =	vand.u32 $0xFFFFFF80, v20  }
0x84d: {  	v19 =	vor.u32 v19, v20  }
0x84e: {  	v20 =	vperm.xlane v19, v15;
	_ =	sdelay $0x1  }
0x84f: {  	v56 =	vperm.xlane v19, v2;
	v20 =	vadd.s32 v17, v20;
	_ =	sdelay $0x1  }
0x850: {  	v57 =	vperm.xlane v19, v3;
	v21 =	vadd.s32 v17, v56;
	_ =	sdelay $0x1  }
0x851: {  	s31 =	simm.s32 $0xF100;
	v58 =	vperm.xlane v19, v4;
	v22 =	vadd.s32 v17, v57  }
0x852: {  	[tilespmem:s31], [sflag:$0x2] =	stream.indirect_vreg.gather [hbm4b:s6+s2], $0x80, v20, vm0, $0xb8;
	[tilespmem:$0x13100] =	vst v63  }
0x853: {  	v59 =	vperm.xlane v19, v5;
	v20 =	vadd.s32 v17, v58;
	s31 =	simm.s32 $0xF180  }
0x854: {  	[tilespmem:s31], [sflag:$0x2] =	stream.indirect_vreg.gather [hbm4b:s6+s2], $0x80, v21, vm0, $0xb8;
	[tilespmem:$0x13100] =	vst v63  }
0x855: {  	v61 =	vperm.xlane v19, v6;
	v60 =	vadd.s32 v17, v59;
	s31 =	simm.s32 $0xF200  }
0x856: {  	[tilespmem:s31], [sflag:$0x2] =	stream.indirect_vreg.gather [hbm4b:s6+s2], $0x80, v22, vm0, $0xb8;
	[tilespmem:$0x13100] =	vst v63  }
0x857: {  	v63 =	vperm.xlane v19, v1;
	v62 =	vadd.s32 v17, v61;
	s31 =	simm.s32 $0xF280  }
0x858: {  	[tilespmem:s31], [sflag:$0x2] =	stream.indirect_vreg.gather [hbm4b:s6+s2], $0x80, v20, vm0, $0xb8;
	[tilespmem:$0x13100] =	vst v63  }
0x859: {  	v24 =	vperm.xlane v19, v7;
	v20 =	vadd.s32 v17, v63;
	s31 =	simm.s32 $0xF300  }
0x85a: {  	[tilespmem:s31], [sflag:$0x2] =	stream.indirect_vreg.gather [hbm4b:s6+s2], $0x80, v60, vm0, $0xb8;
	[tilespmem:$0x13100] =	vst v63  }
0x85b: {  	v26 =	vperm.xlane v19, v18;
	v25 =	vadd.s32 v17, v24;
	s31 =	simm.s32 $0xF380  }
0x85c: {  	[tilespmem:s31], [sflag:$0x2] =	stream.indirect_vreg.gather [hbm4b:s6+s2], $0x80, v62, vm0, $0xb8;
	[tilespmem:$0x13100] =	vst v63  }
0x85d: {  	v28 =	vperm.xlane v19, v8;
	v27 =	vadd.s32 v17, v26;
	s31 =	simm.s32 $0xF400  }
0x85e: {  	[tilespmem:s31], [sflag:$0x2] =	stream.indirect_vreg.gather [hbm4b:s6+s2], $0x80, v20, vm0, $0xb8;
	[tilespmem:$0x13100] =	vst v63  }
0x85f: {  	v29 =	vperm.xlane v19, v9;
	v20 =	vadd.s32 v17, v28;
	s31 =	simm.s32 $0xF480  }
0x860: {  	[tilespmem:s31], [sflag:$0x2] =	stream.indirect_vreg.gather [hbm4b:s6+s2], $0x80, v25, vm0, $0xb8;
	[tilespmem:$0x13100] =	vst v63  }
0x861: {  	v31 =	vperm.xlane v19, v10;
	v30 =	vadd.s32 v17, v29;
	s31 =	simm.s32 $0xF500  }
0x862: {  	[tilespmem:s31], [sflag:$0x2] =	stream.indirect_vreg.gather [hbm4b:s6+s2], $0x80, v27, vm0, $0xb8;
	[tilespmem:$0x13100] =	vst v63  }
0x863: {  	v33 =	vperm.xlane v19, v11;
	v32 =	vadd.s32 v17, v31;
	s31 =	simm.s32 $0xF580  }
0x864: {  	[tilespmem:s31], [sflag:$0x2] =	stream.indirect_vreg.gather [hbm4b:s6+s2], $0x80, v20, vm0, $0xb8;
	[tilespmem:$0x13100] =	vst v63  }
0x865: {  	v34 =	vperm.xlane v19, v12;
	v20 =	vadd.s32 v17, v33;
	s31 =	simm.s32 $0xF600  }
0x866: {  	[tilespmem:s31], [sflag:$0x2] =	stream.indirect_vreg.gather [hbm4b:s6+s2], $0x80, v30, vm0, $0xb8;
	[tilespmem:$0x13100] =	vst v63  }
0x867: {  	v36 =	vperm.xlane v19, v13;
	v35 =	vadd.s32 v17, v34;
	s31 =	simm.s32 $0xF680  }
0x868: {  	[tilespmem:s31], [sflag:$0x2] =	stream.indirect_vreg.gather [hbm4b:s6+s2], $0x80, v32, vm0, $0xb8;
	[tilespmem:$0x13100] =	vst v63  }
0x869: {  	v19 =	vperm.xlane v19, v14;
	v37 =	vadd.s32 v17, v36;
	s31 =	simm.s32 $0xF700  }
0x86a: {  	[tilespmem:s31], [sflag:$0x2] =	stream.indirect_vreg.gather [hbm4b:s6+s2], $0x80, v20, vm0, $0xb8;
	[tilespmem:$0x13100] =	vst v63  }
0x86b: {  	v19 =	vadd.s32 v17, v19;
	s31 =	simm.s32 $0xF780  }
0x86c: {  	[tilespmem:s31], [sflag:$0x2] =	stream.indirect_vreg.gather [hbm4b:s6+s2], $0x80, v35, vm0, $0xb8;
	[tilespmem:$0x13100] =	vst v63  }
0x86d: {  	s31 =	simm.s32 $0xF800  }
0x86e: {  	[tilespmem:s31], [sflag:$0x2] =	stream.indirect_vreg.gather [hbm4b:s6+s2], $0x80, v37, vm0, $0xb8;
	[tilespmem:$0x13100] =	vst v63  }
0x86f: {  	s31 =	simm.s32 $0xF880  }
0x870: {  	[tilespmem:s31], [sflag:$0x2] =	stream.indirect_vreg.gather [hbm4b:s6+s2], $0x80, v19, vm0, $0xb8;
	[tilespmem:$0x13100] =	vst v63  }
0x871: {  	v19 =	vld [tilespmem:s26+$0xFFFFFFE0];
	_ =	sdelay $0x4  }
0x872: {  	v20 =	vshll.u32 v19, $0x4  }
0x873: {  	v19 =	vand.u32 $0x7, v19;
	v20 =	vand.u32 $0xFFFFFF80, v20  }
0x874: {  	v19 =	vor.u32 v19, v20  }
0x875: {  	v20 =	vperm.xlane v19, v15;
	_ =	sdelay $0x1  }
0x876: {  	v38 =	vperm.xlane v19, v2;
	v20 =	vadd.s32 v17, v20;
	_ =	sdelay $0x1  }
0x877: {  	v39 =	vperm.xlane v19, v3;
	v21 =	vadd.s32 v17, v38;
	_ =	sdelay $0x1  }
0x878: {  	s31 =	simm.s32 $0xF900;
	v40 =	vperm.xlane v19, v4;
	v22 =	vadd.s32 v17, v39  }
0x879: {  	[tilespmem:s31], [sflag:$0x2] =	stream.indirect_vreg.gather [hbm4b:s6+s2], $0x80, v20, vm0, $0xb8;
	[tilespmem:$0x13100] =	vst v63  }
0x87a: {  	v41 =	vperm.xlane v19, v5;
	v20 =	vadd.s32 v17, v40;
	s31 =	simm.s32 $0xF980  }
0x87b: {  	[tilespmem:s31], [sflag:$0x2] =	stream.indirect_vreg.gather [hbm4b:s6+s2], $0x80, v21, vm0, $0xb8;
	[tilespmem:$0x13100] =	vst v63  }
0x87c: {  	v43 =	vperm.xlane v19, v6;
	v42 =	vadd.s32 v17, v41;
	s31 =	simm.s32 $0xFA00  }
0x87d: {  	[tilespmem:s31], [sflag:$0x2] =	stream.indirect_vreg.gather [hbm4b:s6+s2], $0x80, v22, vm0, $0xb8;
	[tilespmem:$0x13100] =	vst v63  }
0x87e: {  	v45 =	vperm.xlane v19, v1;
	v44 =	vadd.s32 v17, v43;
	s31 =	simm.s32 $0xFA80  }
0x87f: {  	[tilespmem:s31], [sflag:$0x2] =	stream.indirect_vreg.gather [hbm4b:s6+s2], $0x80, v20, vm0, $0xb8;
	[tilespmem:$0x13100] =	vst v63  }
0x880: {  	v46 =	vperm.xlane v19, v7;
	v20 =	vadd.s32 v17, v45;
	s31 =	simm.s32 $0xFB00  }
0x881: {  	[tilespmem:s31], [sflag:$0x2] =	stream.indirect_vreg.gather [hbm4b:s6+s2], $0x80, v42, vm0, $0xb8;
	[tilespmem:$0x13100] =	vst v63  }
0x882: {  	v48 =	vperm.xlane v19, v18;
	v47 =	vadd.s32 v17, v46;
	s31 =	simm.s32 $0xFB80  }
0x883: {  	[tilespmem:s31], [sflag:$0x2] =	stream.indirect_vreg.gather [hbm4b:s6+s2], $0x80, v44, vm0, $0xb8;
	[tilespmem:$0x13100] =	vst v63  }
0x884: {  	v50 =	vperm.xlane v19, v8;
	v49 =	vadd.s32 v17, v48;
	s31 =	simm.s32 $0xFC00  }
0x885: {  	[tilespmem:s31], [sflag:$0x2] =	stream.indirect_vreg.gather [hbm4b:s6+s2], $0x80, v20, vm0, $0xb8;
	[tilespmem:$0x13100] =	vst v63  }
0x886: {  	v51 =	vperm.xlane v19, v9;
	v20 =	vadd.s32 v17, v50;
	s31 =	simm.s32 $0xFC80  }
0x887: {  	[tilespmem:s31], [sflag:$0x2] =	stream.indirect_vreg.gather [hbm4b:s6+s2], $0x80, v47, vm0, $0xb8;
	[tilespmem:$0x13100] =	vst v63  }
0x888: {  	v53 =	vperm.xlane v19, v10;
	v52 =	vadd.s32 v17, v51;
	s31 =	simm.s32 $0xFD00  }
0x889: {  	[tilespmem:s31], [sflag:$0x2] =	stream.indirect_vreg.gather [hbm4b:s6+s2], $0x80, v49, vm0, $0xb8;
	[tilespmem:$0x13100] =	vst v63  }
0x88a: {  	v55 =	vperm.xlane v19, v11;
	v54 =	vadd.s32 v17, v53;
	s31 =	simm.s32 $0xFD80  }
0x88b: {  	[tilespmem:s31], [sflag:$0x2] =	stream.indirect_vreg.gather [hbm4b:s6+s2], $0x80, v20, vm0, $0xb8;
	[tilespmem:$0x13100] =	vst v63  }
0x88c: {  	v56 =	vperm.xlane v19, v12;
	v20 =	vadd.s32 v17, v55;
	s31 =	simm.s32 $0xFE00  }
0x88d: {  	[tilespmem:s31], [sflag:$0x2] =	stream.indirect_vreg.gather [hbm4b:s6+s2], $0x80, v52, vm0, $0xb8;
	[tilespmem:$0x13100] =	vst v63  }
0x88e: {  	v58 =	vperm.xlane v19, v13;
	v57 =	vadd.s32 v17, v56;
	s31 =	simm.s32 $0xFE80  }
0x88f: {  	[tilespmem:s31], [sflag:$0x2] =	stream.indirect_vreg.gather [hbm4b:s6+s2], $0x80, v54, vm0, $0xb8;
	[tilespmem:$0x13100] =	vst v63  }
0x890: {  	v19 =	vperm.xlane v19, v14;
	v59 =	vadd.s32 v17, v58;
	s31 =	simm.s32 $0xFF00  }
0x891: {  	[tilespmem:s31], [sflag:$0x2] =	stream.indirect_vreg.gather [hbm4b:s6+s2], $0x80, v20, vm0, $0xb8;
	[tilespmem:$0x13100] =	vst v63  }
0x892: {  	v19 =	vadd.s32 v17, v19;
	s31 =	simm.s32 $0xFF80  }
0x893: {  	[tilespmem:s31], [sflag:$0x2] =	stream.indirect_vreg.gather [hbm4b:s6+s2], $0x80, v57, vm0, $0xb8;
	[tilespmem:$0x13100] =	vst v63  }
0x894: {  	s31 =	simm.s32 $0x10000  }
0x895: {  	[tilespmem:s31], [sflag:$0x2] =	stream.indirect_vreg.gather [hbm4b:s6+s2], $0x80, v59, vm0, $0xb8;
	[tilespmem:$0x13100] =	vst v63  }
0x896: {  	s31 =	simm.s32 $0x10080  }
0x897: {  	[tilespmem:s31], [sflag:$0x2] =	stream.indirect_vreg.gather [hbm4b:s6+s2], $0x80, v19, vm0, $0xb8;
	[tilespmem:$0x13100] =	vst v63  }
0x898: {  	v19 =	vld [tilespmem:s26+$0xFFFFFFF0];
	_ =	sdelay $0x4  }
0x899: {  	v20 =	vshll.u32 v19, $0x4  }
0x89a: {  	v19 =	vand.u32 $0x7, v19;
	v20 =	vand.u32 $0xFFFFFF80, v20  }
0x89b: {  	v19 =	vor.u32 v19, v20  }
0x89c: {  	v20 =	vperm.xlane v19, v15;
	_ =	sdelay $0x1  }
0x89d: {  	v60 =	vperm.xlane v19, v2;
	v20 =	vadd.s32 v17, v20;
	_ =	sdelay $0x1  }
0x89e: {  	v61 =	vperm.xlane v19, v3;
	v21 =	vadd.s32 v17, v60;
	_ =	sdelay $0x1  }
0x89f: {  	s31 =	simm.s32 $0x10100;
	v62 =	vperm.xlane v19, v4;
	v22 =	vadd.s32 v17, v61  }
0x8a0: {  	[tilespmem:s31], [sflag:$0x2] =	stream.indirect_vreg.gather [hbm4b:s6+s2], $0x80, v20, vm0, $0xb8;
	[tilespmem:$0x13100] =	vst v63  }
0x8a1: {  	v63 =	vperm.xlane v19, v5;
	v20 =	vadd.s32 v17, v62;
	s31 =	simm.s32 $0x10180  }
0x8a2: {  	[tilespmem:s31], [sflag:$0x2] =	stream.indirect_vreg.gather [hbm4b:s6+s2], $0x80, v21, vm0, $0xb8;
	[tilespmem:$0x13100] =	vst v63  }
0x8a3: {  	v25 =	vperm.xlane v19, v6;
	v24 =	vadd.s32 v17, v63;
	s31 =	simm.s32 $0x10200  }
0x8a4: {  	[tilespmem:s31], [sflag:$0x2] =	stream.indirect_vreg.gather [hbm4b:s6+s2], $0x80, v22, vm0, $0xb8;
	[tilespmem:$0x13100] =	vst v63  }
0x8a5: {  	v27 =	vperm.xlane v19, v1;
	v26 =	vadd.s32 v17, v25;
	s31 =	simm.s32 $0x10280  }
0x8a6: {  	[tilespmem:s31], [sflag:$0x2] =	stream.indirect_vreg.gather [hbm4b:s6+s2], $0x80, v20, vm0, $0xb8;
	[tilespmem:$0x13100] =	vst v63  }
0x8a7: {  	v28 =	vperm.xlane v19, v7;
	v20 =	vadd.s32 v17, v27;
	s31 =	simm.s32 $0x10300  }
0x8a8: {  	[tilespmem:s31], [sflag:$0x2] =	stream.indirect_vreg.gather [hbm4b:s6+s2], $0x80, v24, vm0, $0xb8;
	[tilespmem:$0x13100] =	vst v63  }
0x8a9: {  	v30 =	vperm.xlane v19, v18;
	v29 =	vadd.s32 v17, v28;
	s31 =	simm.s32 $0x10380  }
0x8aa: {  	[tilespmem:s31], [sflag:$0x2] =	stream.indirect_vreg.gather [hbm4b:s6+s2], $0x80, v26, vm0, $0xb8;
	[tilespmem:$0x13100] =	vst v63  }
0x8ab: {  	v32 =	vperm.xlane v19, v8;
	v31 =	vadd.s32 v17, v30;
	s31 =	simm.s32 $0x10400  }
0x8ac: {  	[tilespmem:s31], [sflag:$0x2] =	stream.indirect_vreg.gather [hbm4b:s6+s2], $0x80, v20, vm0, $0xb8;
	[tilespmem:$0x13100] =	vst v63  }
0x8ad: {  	v33 =	vperm.xlane v19, v9;
	v20 =	vadd.s32 v17, v32;
	s31 =	simm.s32 $0x10480  }
0x8ae: {  	[tilespmem:s31], [sflag:$0x2] =	stream.indirect_vreg.gather [hbm4b:s6+s2], $0x80, v29, vm0, $0xb8;
	[tilespmem:$0x13100] =	vst v63  }
0x8af: {  	v35 =	vperm.xlane v19, v10;
	v34 =	vadd.s32 v17, v33;
	s31 =	simm.s32 $0x10500  }
0x8b0: {  	[tilespmem:s31], [sflag:$0x2] =	stream.indirect_vreg.gather [hbm4b:s6+s2], $0x80, v31, vm0, $0xb8;
	[tilespmem:$0x13100] =	vst v63  }
0x8b1: {  	v37 =	vperm.xlane v19, v11;
	v36 =	vadd.s32 v17, v35;
	s31 =	simm.s32 $0x10580  }
0x8b2: {  	[tilespmem:s31], [sflag:$0x2] =	stream.indirect_vreg.gather [hbm4b:s6+s2], $0x80, v20, vm0, $0xb8;
	[tilespmem:$0x13100] =	vst v63  }
0x8b3: {  	v38 =	vperm.xlane v19, v12;
	v20 =	vadd.s32 v17, v37;
	s31 =	simm.s32 $0x10600  }
0x8b4: {  	[tilespmem:s31], [sflag:$0x2] =	stream.indirect_vreg.gather [hbm4b:s6+s2], $0x80, v34, vm0, $0xb8;
	[tilespmem:$0x13100] =	vst v63  }
0x8b5: {  	v40 =	vperm.xlane v19, v13;
	v39 =	vadd.s32 v17, v38;
	s31 =	simm.s32 $0x10680  }
0x8b6: {  	[tilespmem:s31], [sflag:$0x2] =	stream.indirect_vreg.gather [hbm4b:s6+s2], $0x80, v36, vm0, $0xb8;
	[tilespmem:$0x13100] =	vst v63  }
0x8b7: {  	v19 =	vperm.xlane v19, v14;
	v41 =	vadd.s32 v17, v40;
	s31 =	simm.s32 $0x10700  }
0x8b8: {  	[tilespmem:s31], [sflag:$0x2] =	stream.indirect_vreg.gather [hbm4b:s6+s2], $0x80, v20, vm0, $0xb8;
	[tilespmem:$0x13100] =	vst v63  }
0x8b9: {  	v19 =	vadd.s32 v17, v19;
	s31 =	simm.s32 $0x10780  }
0x8ba: {  	[tilespmem:s31], [sflag:$0x2] =	stream.indirect_vreg.gather [hbm4b:s6+s2], $0x80, v39, vm0, $0xb8;
	[tilespmem:$0x13100] =	vst v63  }
0x8bb: {  	s31 =	simm.s32 $0x10800  }
0x8bc: {  	[tilespmem:s31], [sflag:$0x2] =	stream.indirect_vreg.gather [hbm4b:s6+s2], $0x80, v41, vm0, $0xb8;
	[tilespmem:$0x13100] =	vst v63  }
0x8bd: {  	s31 =	simm.s32 $0x10880  }
0x8be: {  	[tilespmem:s31], [sflag:$0x2] =	stream.indirect_vreg.gather [hbm4b:s6+s2], $0x80, v19, vm0, $0xb8;
	[tilespmem:$0x13100] =	vst v63  }
0x8bf: {  	v19 =	vld [tilespmem:s26+$0x0];
	_ =	sdelay $0x4  }
0x8c0: {  	v20 =	vshll.u32 v19, $0x4  }
0x8c1: {  	v19 =	vand.u32 $0x7, v19;
	v20 =	vand.u32 $0xFFFFFF80, v20  }
0x8c2: {  	v19 =	vor.u32 v19, v20  }
0x8c3: {  	v20 =	vperm.xlane v19, v15;
	_ =	sdelay $0x1  }
0x8c4: {  	v42 =	vperm.xlane v19, v2;
	v20 =	vadd.s32 v17, v20;
	_ =	sdelay $0x1  }
0x8c5: {  	v43 =	vperm.xlane v19, v3;
	v21 =	vadd.s32 v17, v42;
	_ =	sdelay $0x1  }
0x8c6: {  	s31 =	simm.s32 $0x10900;
	v44 =	vperm.xlane v19, v4;
	v22 =	vadd.s32 v17, v43  }
0x8c7: {  	[tilespmem:s31], [sflag:$0x2] =	stream.indirect_vreg.gather [hbm4b:s6+s2], $0x80, v20, vm0, $0xb8;
	[tilespmem:$0x13100] =	vst v63  }
0x8c8: {  	v45 =	vperm.xlane v19, v5;
	v20 =	vadd.s32 v17, v44;
	s31 =	simm.s32 $0x10980  }
0x8c9: {  	[tilespmem:s31], [sflag:$0x2] =	stream.indirect_vreg.gather [hbm4b:s6+s2], $0x80, v21, vm0, $0xb8;
	[tilespmem:$0x13100] =	vst v63  }
0x8ca: {  	v47 =	vperm.xlane v19, v6;
	v46 =	vadd.s32 v17, v45;
	s31 =	simm.s32 $0x10A00  }
0x8cb: {  	[tilespmem:s31], [sflag:$0x2] =	stream.indirect_vreg.gather [hbm4b:s6+s2], $0x80, v22, vm0, $0xb8;
	[tilespmem:$0x13100] =	vst v63  }
0x8cc: {  	v49 =	vperm.xlane v19, v1;
	v48 =	vadd.s32 v17, v47;
	s31 =	simm.s32 $0x10A80  }
0x8cd: {  	[tilespmem:s31], [sflag:$0x2] =	stream.indirect_vreg.gather [hbm4b:s6+s2], $0x80, v20, vm0, $0xb8;
	[tilespmem:$0x13100] =	vst v63  }
0x8ce: {  	v50 =	vperm.xlane v19, v7;
	v20 =	vadd.s32 v17, v49;
	s31 =	simm.s32 $0x10B00  }
0x8cf: {  	[tilespmem:s31], [sflag:$0x2] =	stream.indirect_vreg.gather [hbm4b:s6+s2], $0x80, v46, vm0, $0xb8;
	[tilespmem:$0x13100] =	vst v63  }
0x8d0: {  	v52 =	vperm.xlane v19, v18;
	v51 =	vadd.s32 v17, v50;
	s31 =	simm.s32 $0x10B80  }
0x8d1: {  	[tilespmem:s31], [sflag:$0x2] =	stream.indirect_vreg.gather [hbm4b:s6+s2], $0x80, v48, vm0, $0xb8;
	[tilespmem:$0x13100] =	vst v63  }
0x8d2: {  	v54 =	vperm.xlane v19, v8;
	v53 =	vadd.s32 v17, v52;
	s31 =	simm.s32 $0x10C00  }
0x8d3: {  	[tilespmem:s31], [sflag:$0x2] =	stream.indirect_vreg.gather [hbm4b:s6+s2], $0x80, v20, vm0, $0xb8;
	[tilespmem:$0x13100] =	vst v63  }
0x8d4: {  	v55 =	vperm.xlane v19, v9;
	v20 =	vadd.s32 v17, v54;
	s31 =	simm.s32 $0x10C80  }
0x8d5: {  	[tilespmem:s31], [sflag:$0x2] =	stream.indirect_vreg.gather [hbm4b:s6+s2], $0x80, v51, vm0, $0xb8;
	[tilespmem:$0x13100] =	vst v63  }
0x8d6: {  	v57 =	vperm.xlane v19, v10;
	v56 =	vadd.s32 v17, v55;
	s31 =	simm.s32 $0x10D00  }
0x8d7: {  	[tilespmem:s31], [sflag:$0x2] =	stream.indirect_vreg.gather [hbm4b:s6+s2], $0x80, v53, vm0, $0xb8;
	[tilespmem:$0x13100] =	vst v63  }
0x8d8: {  	v59 =	vperm.xlane v19, v11;
	v58 =	vadd.s32 v17, v57;
	s31 =	simm.s32 $0x10D80  }
0x8d9: {  	[tilespmem:s31], [sflag:$0x2] =	stream.indirect_vreg.gather [hbm4b:s6+s2], $0x80, v20, vm0, $0xb8;
	[tilespmem:$0x13100] =	vst v63  }
0x8da: {  	v60 =	vperm.xlane v19, v12;
	v20 =	vadd.s32 v17, v59;
	s31 =	simm.s32 $0x10E00  }
0x8db: {  	[tilespmem:s31], [sflag:$0x2] =	stream.indirect_vreg.gather [hbm4b:s6+s2], $0x80, v56, vm0, $0xb8;
	[tilespmem:$0x13100] =	vst v63  }
0x8dc: {  	v61 =	vadd.s32 v17, v60;
	s31 =	simm.s32 $0x10E80  }
0x8dd: {  	v62 =	vperm.xlane v19, v13;
	[tilespmem:s31], [sflag:$0x2] =	stream.indirect_vreg.gather [hbm4b:s6+s2], $0x80, v58, vm0, $0xb8;
	[tilespmem:$0x13100] =	vst v63  }
0x8de: {  	s31 =	simm.s32 $0x10F00  }
0x8df: {  	v19 =	vperm.xlane v19, v14;
	v63 =	vadd.s32 v17, v62;
	[tilespmem:s31], [sflag:$0x2] =	stream.indirect_vreg.gather [hbm4b:s6+s2], $0x80, v20, vm0, $0xb8;
	[tilespmem:$0x13100] =	vst v63  }
0x8e0: {  	s31 =	simm.s32 $0x10F80  }
0x8e1: {  	v19 =	vadd.s32 v17, v19;
	[tilespmem:s31], [sflag:$0x2] =	stream.indirect_vreg.gather [hbm4b:s6+s2], $0x80, v61, vm0, $0xb8;
	[tilespmem:$0x13100] =	vst v63  }
.Ltmp6:
0x8e2: {  	_ = 	snop;
	(pc) =	sbr.rel .LBB2_6-.Ltmp6, $4  }
0x8e3: {  	s31 =	simm.s32 $0x11000  }
0x8e4: {  	[tilespmem:s31], [sflag:$0x2] =	stream.indirect_vreg.gather [hbm4b:s6+s2], $0x80, v63, vm0, $0xb8;
	[tilespmem:$0x13100] =	vst v63  }
0x8e5: {  	s31 =	simm.s32 $0x11080  }
0x8e6: {  	[tilespmem:s31], [sflag:$0x2] =	stream.indirect_vreg.gather [hbm4b:s6+s2], $0x80, v19, vm0, $0xb8;
	[tilespmem:$0x13100] =	vst v63  }
.LBB2_8:
0x8e7: {  	_ =	sfence.sel $0x180000  }
0x8e8: {  	[bflag:$0x0] =	sbarrier.arrive $0xFFFF  }
0x8e9: {  	_ =	strace $0x90000047  }
0x8ea: {  	s0 =	stileid.u32;
	[bflag:$0x2] =	sbarrier.arrive $0xFFFF  }
0x8eb: {  	p0 =	sne.s32 s0, $0x0;
	s0 =	rddreg [dreg:$0x5]  }
0x8ec: {  	s0 =	sadd.s32 @!p0 $0x100000, s0  }
0x8ed: {  	[sflag:s0] =	ssyncadd.tile.s32 @!p0 $0x1;
	_ =	shalt  }
.Lfunc_end2:
_tile_overlayer_lowered:
.L_overlay_start_2:
0x8ee: {  	(tag) =	ssettag $0x2  }
0x8ef: {  	s0 =	rddreg [dreg:$0x0];
	s2 =	stileid.u32  }
0x8f0: {  	s1 =	rddreg [dreg:$0x1];
	p0 =	sne.s32 s2, $0x0  }
0x8f1: {  	s3 =	rddreg [dreg:$0x2];
	[bflag:$0x3] =	sbarrier.arrive $0xFFFF;
	s2 =	simm.s32 @!p0 $0x1C03  }
0x8f2: {  	[timem:s3], [sflag:s2] =	dma.local @!p0 [hbm:s0], s1  }
0x8f3: {  	s0 =	simm.s32 @!p0 $0x3  }
0x8f4: {  	_ =	swait.ge @!p0 [sflag:s0], s1  }
0x8f5: {  	s1 =	ssub.s32 @!p0 $0x0, s1;
	[sflag:s0] =	ssyncset.done @!p0 $0x0  }
0x8f6: {  	[sflag:s0] =	ssyncadd.s32 @!p0 s1  }
0x8f7: {  	[bflag:$0x3] =	sbarrier.arrive $0xFFFF  }
0x8f8: {  	_ =	shalt  }

</sc_bundles>
